<compile_context>
chip_gen: v7x
topology: tpu7x:2x2x1
jax: 0.10.2.dev20260603
libtpu: 0.0.44.dev20260713+nightly
codegen_flags: <defaults>
</compile_context>

<pallas_src>
import functools

import jax
import jax.numpy as jnp
from jax import lax
from jax.experimental import pallas as pl
from jax.experimental.pallas import tpu as pltpu
from jax.experimental.pallas import tpu_sc as plsc

B, M, S = 1024, 50, 20
NWORDS, EMB = 100000, 32
N = B * M
NC, NS = 2, 16
NW = NC * NS
SEG_PER_W = N // NW
IDX_PER_W = SEG_PER_W * S
GRP = 128
NGRP = IDX_PER_W // GRP
GPI = 5
NIT = NGRP // GPI
ROWS_PER_IT = GPI * GRP
DSTP = 50
ZROWS = 160


def _sc_gather_sum(table, ctx, dst_all):
  mesh = plsc.VectorSubcoreMesh(core_axis_name="c", subcore_axis_name="s")

  @functools.partial(
      pl.kernel,
      out_type=jax.ShapeDtypeStruct((N, EMB), jnp.float32),
      mesh=mesh,
      compiler_params=pltpu.CompilerParams(use_tc_tiling_on_sc=False),
      scratch_types=[
          pltpu.VMEM((DSTP, GRP), jnp.int32),
          pltpu.VMEM((ROWS_PER_IT,), jnp.int32),
          pltpu.VMEM((ROWS_PER_IT,), jnp.int32),
          pltpu.VMEM((ROWS_PER_IT, EMB), jnp.float32),
          pltpu.VMEM((ROWS_PER_IT, EMB), jnp.float32),
          pltpu.VMEM((ZROWS, EMB), jnp.float32),
          pltpu.VMEM_SHARED((NS * SEG_PER_W, EMB), jnp.float32),
          pltpu.SemaphoreType.DMA,
      ],
  )
  def k(t_hbm, idx_hbm, dst_hbm, out_hbm,
        dst_v, idx_a, idx_b, rows_a, rows_b, zero_v, acc_sh, gsem):
    cid = lax.axis_index("c")
    sid = lax.axis_index("s")
    wid = cid * NS + sid

    pltpu.sync_copy(dst_hbm.at[sid], dst_v)

    idx_base = wid * IDX_PER_W

    def fire(it, idx_v, rows_v):
      pltpu.sync_copy(
          idx_hbm.at[pl.ds(idx_base + it * ROWS_PER_IT, ROWS_PER_IT)], idx_v)
      for j in range(GPI):
        pltpu.async_copy(t_hbm.at[idx_v.at[pl.ds(j * GRP, GRP)]],
                         rows_v.at[pl.ds(j * GRP, GRP)], gsem)

    def drain_g(rows_v):
      pltpu.make_async_copy(t_hbm.at[idx_a], rows_v, gsem).wait()

    def scatter(it, rows_v):
      for j in range(GPI):
        pltpu.sync_copy(rows_v.at[pl.ds(j * GRP, GRP)],
                        acc_sh.at[dst_v.at[lax.rem(it * GPI + j, DSTP)]],
                        add=True)

    fire(0, idx_a, rows_a)
    zvec = jnp.zeros((16,), jnp.float32)

    def zb(i, _):
      zero_v[i, pl.ds(0, 16)] = zvec
      zero_v[i, pl.ds(16, 16)] = zvec
      return 0

    lax.fori_loop(0, ZROWS, zb, 0)
    for z in range(SEG_PER_W // ZROWS):
      pltpu.sync_copy(zero_v, acc_sh.at[pl.ds(sid * SEG_PER_W + z * ZROWS,
                                              ZROWS)])

    def body2(k2, _):
      i0 = 2 * k2
      drain_g(rows_a)
      fire(i0 + 1, idx_b, rows_b)
      scatter(i0, rows_a)
      drain_g(rows_b)

      @pl.when(i0 + 2 < NIT)
      def _():
        fire(i0 + 2, idx_a, rows_a)

      scatter(i0 + 1, rows_b)
      return 0

    lax.fori_loop(0, NIT // 2, body2, 0)

    pltpu.sync_copy(acc_sh.at[pl.ds(sid * SEG_PER_W, SEG_PER_W)],
                    out_hbm.at[pl.ds(wid * SEG_PER_W, SEG_PER_W)])

  return k(table, ctx, dst_all)


def _combine_body(g1_ref, g2_ref, gc_ref, o_ref):
  g1 = g1_ref[...]
  g2 = g2_ref[...]
  gc = gc_ref[...]
  q1 = g1 * (1.0 / EMB)
  t1 = g1 * q1
  e1 = jnp.exp(t1 - jnp.max(t1, axis=-1, keepdims=True))
  a1 = e1 / jnp.sum(e1, axis=-1, keepdims=True)
  q2 = q1 + g2 * a1
  t2 = g2 * q2
  e2 = jnp.exp(t2 - jnp.max(t2, axis=-1, keepdims=True))
  a2 = e2 / jnp.sum(e2, axis=-1, keepdims=True)
  o_ref[...] = (gc * a2).reshape(o_ref.shape)


def _combine(g1, g2, gc):
  bb = 64
  blk = bb * M
  spec = pl.BlockSpec((blk, EMB), lambda i: (i, 0))
  return pl.pallas_call(
      _combine_body,
      grid=(N // blk,),
      in_specs=[spec, spec, spec],
      out_specs=pl.BlockSpec((bb, M, EMB), lambda i: (i, 0, 0)),
      out_shape=jax.ShapeDtypeStruct((B, M, EMB), jnp.float32),
  )(g1, g2, gc)


def kernel(context, A_tables, C_last):
  ctx = context.reshape(NW, SEG_PER_W, S).transpose(0, 2, 1).reshape(-1)
  r = jax.lax.iota(jnp.int32, DSTP * GRP) % SEG_PER_W
  dst_all = (jax.lax.iota(jnp.int32, NS)[:, None] * SEG_PER_W +
             r[None, :]).reshape(NS, DSTP, GRP)
  gc = _sc_gather_sum(C_last, ctx, dst_all)
  g1 = _sc_gather_sum(A_tables[1], ctx, dst_all)
  g2 = _sc_gather_sum(A_tables[2], ctx, dst_all)
  return _combine(g1, g2, gc)

# --- scband reference (transcript-rebuilt; emitter-appended) ---
"""Pipeline reference for scband-encoder-7962869366885 (READ-ONLY COPY).

The authoritative reference and input builder live on the scoring server;
editing this copy changes nothing except your own understanding.
"""

import jax, jax.numpy as jnp
import numpy as np


def setup_inputs(seed: int = 0) -> dict:
    key = jax.random.key(seed)
    k1, k2, k3 = jax.random.split(key, 3)
    B, M, S = 1024, 50, 20
    hops, nwords, emb = 3, 100000, 32
    context = jax.random.randint(k1, (B, M, S), 0, nwords, dtype=jnp.int64 if jax.config.jax_enable_x64 else jnp.int32).astype(jnp.int32)
    # Learned parameters: hops A-tables plus the last C-table (C[i] is tied to A[i+1]).
    A_tables = jax.random.normal(k2, (hops, nwords, emb), dtype=jnp.float32)
    C_last = jax.random.normal(k3, (nwords, emb), dtype=jnp.float32)
    return {"context": context, "A_tables": A_tables, "C_last": C_last}


def reference(context, A_tables, C_last):
    hops = A_tables.shape[0]
    B, M, S = context.shape
    emb = A_tables.shape[-1]
    q0 = jnp.zeros((B, M, emb), dtype=jnp.float32)
    ctx = context.reshape(B, -1)
    C_tables = jnp.concatenate([A_tables[1:], C_last[None]], axis=0)

    def body(q, tables):
        Aw, Cw = tables
        A = jnp.take(Aw, ctx, axis=0).reshape(B, M, S, emb)
        A = jnp.sum(A, axis=2)
        attn = jax.nn.softmax(A * q, axis=2)
        C = jnp.take(Cw, ctx, axis=0).reshape(B, M, S, emb)
        C = jnp.sum(C, axis=2)
        o = C * attn
        return q + o, o

    _, os_ = jax.lax.scan(body, q0, (A_tables, C_tables))
    return os_[-1]

if __name__ == "__main__":
    import jax
    _d = setup_inputs()
    print(jax.jit(kernel)(*tuple(_d.values())))

</pallas_src>

<mosaic_0001>
#map = affine_map<(d0, d1) -> (0, 0)>
#map1 = affine_map<(d0, d1) -> (0)>
#map2 = affine_map<(d0, d1) -> (0, 0, 0)>
module attributes {stable_mosaic.version = 14 : i64} {
  func.func @k(%arg0: i32, %arg1: i32, %arg2: memref<100000x32xf32, #tpu.memory_space<hbm>>, %arg3: memref<1024000xi32, #tpu.memory_space<hbm>>, %arg4: memref<16x50x128xi32, #tpu.memory_space<hbm>>, %arg5: memref<51200x32xf32, #tpu.memory_space<hbm>>, %arg6: memref<50x128xi32, #tpu.memory_space<vmem>>, %arg7: memref<640xi32, #tpu.memory_space<vmem>>, %arg8: memref<640xi32, #tpu.memory_space<vmem>>, %arg9: memref<640x32xf32, #tpu.memory_space<vmem>>, %arg10: memref<640x32xf32, #tpu.memory_space<vmem>>, %arg11: memref<160x32xf32, #tpu.memory_space<vmem>>, %arg12: memref<25600x32xf32, #tpu.memory_space<vmem_shared>>, %arg13: memref<!tpu.dma_semaphore, #tpu.memory_space<semaphore_mem>>) attributes {dimension_semantics = [#tpu.dimension_semantics<core_parallel>, #tpu.dimension_semantics<subcore_parallel>], iteration_bounds = array<i64: 2, 16>, scalar_prefetch = 0 : i64, scratch_operands = 8 : i64, tpu.core_type = #tpu.core_type<sc_vector_subcore>, window_params = [{transform_indices = #map}, {transform_indices = #map1}, {transform_indices = #map2}, {transform_indices = #map}]} {
    %mul3A = arith.constant 16 : i32
    %mul3A_0 = arith.muli %arg0, %mul3A : i32
    %add3A = arith.addi %mul3A_0, %arg1 : i32
    "tpu.region"() ({
      %run_scoped3A = tpu.sem_alloc : memref<!tpu.dma_semaphore, #tpu.memory_space<semaphore_mem>>
      %dma_start3A_102 = arith.constant 0 : i32
      %dma_start3A_103 = arith.constant 0 : i32
      %dma_start3A_104 = tpu.memref_slice %arg4[%arg1, %dma_start3A_102, %dma_start3A_103] : memref<16x50x128xi32, #tpu.memory_space<hbm>> -> memref<1x50x128xi32, #tpu.memory_space<hbm>>
      %dma_start3A_105 = tpu.memref_squeeze %dma_start3A_104 : memref<1x50x128xi32, #tpu.memory_space<hbm>> -> memref<50x128xi32, #tpu.memory_space<hbm>>
      %dma_start3A_106 = arith.constant 0 : i32
      %dma_start3A_107 = arith.constant 0 : i32
      %dma_start3A_108 = tpu.memref_slice %arg4[%arg1, %dma_start3A_106, %dma_start3A_107] : memref<16x50x128xi32, #tpu.memory_space<hbm>> -> memref<1x50x128xi32, #tpu.memory_space<hbm>>
      %dma_start3A_109 = tpu.memref_squeeze %dma_start3A_108 : memref<1x50x128xi32, #tpu.memory_space<hbm>> -> memref<50x128xi32, #tpu.memory_space<hbm>>
      tpu.enqueue_dma source(%dma_start3A_109 : memref<50x128xi32, #tpu.memory_space<hbm>>) target(%arg6 : memref<50x128xi32, #tpu.memory_space<vmem>>) target_semaphore(%run_scoped3A : memref<!tpu.dma_semaphore, #tpu.memory_space<semaphore_mem>>)
      %dma_wait3A = arith.constant 0 : i32
      %dma_wait3A_110 = arith.constant 0 : i32
      %dma_wait3A_111 = tpu.memref_slice %arg4[%arg1, %dma_wait3A, %dma_wait3A_110] : memref<16x50x128xi32, #tpu.memory_space<hbm>> -> memref<1x50x128xi32, #tpu.memory_space<hbm>>
      %dma_wait3A_112 = tpu.memref_squeeze %dma_wait3A_111 : memref<1x50x128xi32, #tpu.memory_space<hbm>> -> memref<50x128xi32, #tpu.memory_space<hbm>>
      %dma_wait3A_113 = arith.constant 0 : i32
      %dma_wait3A_114 = arith.constant 0 : i32
      %dma_wait3A_115 = tpu.memref_slice %arg4[%arg1, %dma_wait3A_113, %dma_wait3A_114] : memref<16x50x128xi32, #tpu.memory_space<hbm>> -> memref<1x50x128xi32, #tpu.memory_space<hbm>>
      %dma_wait3A_116 = tpu.memref_squeeze %dma_wait3A_115 : memref<1x50x128xi32, #tpu.memory_space<hbm>> -> memref<50x128xi32, #tpu.memory_space<hbm>>
      tpu.wait_dma2 semaphore(%run_scoped3A : memref<!tpu.dma_semaphore, #tpu.memory_space<semaphore_mem>>) src(%dma_wait3A_116 : memref<50x128xi32, #tpu.memory_space<hbm>>) dst(%arg6 : memref<50x128xi32, #tpu.memory_space<vmem>>)
      tpu.yield
    }) : () -> ()
    %mul3A_1 = arith.constant 32000 : i32
    %mul3A_2 = arith.muli %add3A, %mul3A_1 : i32
    %add3A_3 = arith.constant 0 : i32
    %add3A_4 = arith.addi %mul3A_2, %add3A_3 : i32
    "tpu.region"() ({
      %run_scoped3A = tpu.sem_alloc : memref<!tpu.dma_semaphore, #tpu.memory_space<semaphore_mem>>
      %dma_start3A_102 = tpu.memref_slice %arg3[%add3A_4] : memref<1024000xi32, #tpu.memory_space<hbm>> -> memref<640xi32, #tpu.memory_space<hbm>>
      %dma_start3A_103 = tpu.memref_slice %arg3[%add3A_4] : memref<1024000xi32, #tpu.memory_space<hbm>> -> memref<640xi32, #tpu.memory_space<hbm>>
      tpu.enqueue_dma source(%dma_start3A_103 : memref<640xi32, #tpu.memory_space<hbm>>) target(%arg7 : memref<640xi32, #tpu.memory_space<vmem>>) target_semaphore(%run_scoped3A : memref<!tpu.dma_semaphore, #tpu.memory_space<semaphore_mem>>)
      %dma_wait3A = tpu.memref_slice %arg3[%add3A_4] : memref<1024000xi32, #tpu.memory_space<hbm>> -> memref<640xi32, #tpu.memory_space<hbm>>
      %dma_wait3A_104 = tpu.memref_slice %arg3[%add3A_4] : memref<1024000xi32, #tpu.memory_space<hbm>> -> memref<640xi32, #tpu.memory_space<hbm>>
      tpu.wait_dma2 semaphore(%run_scoped3A : memref<!tpu.dma_semaphore, #tpu.memory_space<semaphore_mem>>) src(%dma_wait3A_104 : memref<640xi32, #tpu.memory_space<hbm>>) dst(%arg7 : memref<640xi32, #tpu.memory_space<vmem>>)
      tpu.yield
    }) : () -> ()
    %dma_start3A = arith.constant 0 : i32
    %dma_start3A_5 = arith.constant 0 : i32
    %dma_start3A_6 = tpu.memref_slice %arg9[%dma_start3A, %dma_start3A_5] : memref<640x32xf32, #tpu.memory_space<vmem>> -> memref<128x32xf32, #tpu.memory_space<vmem>>
    %dma_start3A_7 = arith.constant 0 : i32
    %dma_start3A_8 = tpu.memref_slice %arg7[%dma_start3A_7] : memref<640xi32, #tpu.memory_space<vmem>> -> memref<128xi32, #tpu.memory_space<vmem>>
    %dma_start3A_9 = arith.constant 0 : i32
    %dma_start3A_10 = arith.constant 0 : i32
    %dma_start3A_11 = tpu.memref_slice %arg2[%dma_start3A_9, %dma_start3A_10] : memref<100000x32xf32, #tpu.memory_space<hbm>> -> memref<100000x32xf32, #tpu.memory_space<hbm>>
    tpu.enqueue_indirect_dma source(%dma_start3A_11 : memref<100000x32xf32, #tpu.memory_space<hbm>>) target(%dma_start3A_6 : memref<128x32xf32, #tpu.memory_space<vmem>>) offsets(%dma_start3A_8 : memref<128xi32, #tpu.memory_space<vmem>>) semaphore(%arg13 : memref<!tpu.dma_semaphore, #tpu.memory_space<semaphore_mem>>)
    %dma_start3A_12 = arith.constant 128 : i32
    %dma_start3A_13 = arith.constant 0 : i32
    %dma_start3A_14 = tpu.memref_slice %arg9[%dma_start3A_12, %dma_start3A_13] : memref<640x32xf32, #tpu.memory_space<vmem>> -> memref<128x32xf32, #tpu.memory_space<vmem>>
    %dma_start3A_15 = arith.constant 128 : i32
    %dma_start3A_16 = tpu.memref_slice %arg7[%dma_start3A_15] : memref<640xi32, #tpu.memory_space<vmem>> -> memref<128xi32, #tpu.memory_space<vmem>>
    %dma_start3A_17 = arith.constant 0 : i32
    %dma_start3A_18 = arith.constant 0 : i32
    %dma_start3A_19 = tpu.memref_slice %arg2[%dma_start3A_17, %dma_start3A_18] : memref<100000x32xf32, #tpu.memory_space<hbm>> -> memref<100000x32xf32, #tpu.memory_space<hbm>>
    tpu.enqueue_indirect_dma source(%dma_start3A_19 : memref<100000x32xf32, #tpu.memory_space<hbm>>) target(%dma_start3A_14 : memref<128x32xf32, #tpu.memory_space<vmem>>) offsets(%dma_start3A_16 : memref<128xi32, #tpu.memory_space<vmem>>) semaphore(%arg13 : memref<!tpu.dma_semaphore, #tpu.memory_space<semaphore_mem>>)
    %dma_start3A_20 = arith.constant 256 : i32
    %dma_start3A_21 = arith.constant 0 : i32
    %dma_start3A_22 = tpu.memref_slice %arg9[%dma_start3A_20, %dma_start3A_21] : memref<640x32xf32, #tpu.memory_space<vmem>> -> memref<128x32xf32, #tpu.memory_space<vmem>>
    %dma_start3A_23 = arith.constant 256 : i32
    %dma_start3A_24 = tpu.memref_slice %arg7[%dma_start3A_23] : memref<640xi32, #tpu.memory_space<vmem>> -> memref<128xi32, #tpu.memory_space<vmem>>
    %dma_start3A_25 = arith.constant 0 : i32
    %dma_start3A_26 = arith.constant 0 : i32
    %dma_start3A_27 = tpu.memref_slice %arg2[%dma_start3A_25, %dma_start3A_26] : memref<100000x32xf32, #tpu.memory_space<hbm>> -> memref<100000x32xf32, #tpu.memory_space<hbm>>
    tpu.enqueue_indirect_dma source(%dma_start3A_27 : memref<100000x32xf32, #tpu.memory_space<hbm>>) target(%dma_start3A_22 : memref<128x32xf32, #tpu.memory_space<vmem>>) offsets(%dma_start3A_24 : memref<128xi32, #tpu.memory_space<vmem>>) semaphore(%arg13 : memref<!tpu.dma_semaphore, #tpu.memory_space<semaphore_mem>>)
    %dma_start3A_28 = arith.constant 384 : i32
    %dma_start3A_29 = arith.constant 0 : i32
    %dma_start3A_30 = tpu.memref_slice %arg9[%dma_start3A_28, %dma_start3A_29] : memref<640x32xf32, #tpu.memory_space<vmem>> -> memref<128x32xf32, #tpu.memory_space<vmem>>
    %dma_start3A_31 = arith.constant 384 : i32
    %dma_start3A_32 = tpu.memref_slice %arg7[%dma_start3A_31] : memref<640xi32, #tpu.memory_space<vmem>> -> memref<128xi32, #tpu.memory_space<vmem>>
    %dma_start3A_33 = arith.constant 0 : i32
    %dma_start3A_34 = arith.constant 0 : i32
    %dma_start3A_35 = tpu.memref_slice %arg2[%dma_start3A_33, %dma_start3A_34] : memref<100000x32xf32, #tpu.memory_space<hbm>> -> memref<100000x32xf32, #tpu.memory_space<hbm>>
    tpu.enqueue_indirect_dma source(%dma_start3A_35 : memref<100000x32xf32, #tpu.memory_space<hbm>>) target(%dma_start3A_30 : memref<128x32xf32, #tpu.memory_space<vmem>>) offsets(%dma_start3A_32 : memref<128xi32, #tpu.memory_space<vmem>>) semaphore(%arg13 : memref<!tpu.dma_semaphore, #tpu.memory_space<semaphore_mem>>)
    %dma_start3A_36 = arith.constant 512 : i32
    %dma_start3A_37 = arith.constant 0 : i32
    %dma_start3A_38 = tpu.memref_slice %arg9[%dma_start3A_36, %dma_start3A_37] : memref<640x32xf32, #tpu.memory_space<vmem>> -> memref<128x32xf32, #tpu.memory_space<vmem>>
    %dma_start3A_39 = arith.constant 512 : i32
    %dma_start3A_40 = tpu.memref_slice %arg7[%dma_start3A_39] : memref<640xi32, #tpu.memory_space<vmem>> -> memref<128xi32, #tpu.memory_space<vmem>>
    %dma_start3A_41 = arith.constant 0 : i32
    %dma_start3A_42 = arith.constant 0 : i32
    %dma_start3A_43 = tpu.memref_slice %arg2[%dma_start3A_41, %dma_start3A_42] : memref<100000x32xf32, #tpu.memory_space<hbm>> -> memref<100000x32xf32, #tpu.memory_space<hbm>>
    tpu.enqueue_indirect_dma source(%dma_start3A_43 : memref<100000x32xf32, #tpu.memory_space<hbm>>) target(%dma_start3A_38 : memref<128x32xf32, #tpu.memory_space<vmem>>) offsets(%dma_start3A_40 : memref<128xi32, #tpu.memory_space<vmem>>) semaphore(%arg13 : memref<!tpu.dma_semaphore, #tpu.memory_space<semaphore_mem>>)
    %broadcast_in_dim3A = arith.constant 0.000000e+00 : f32
    %broadcast_in_dim3A_44 = vector.broadcast %broadcast_in_dim3A : f32 to vector<16xf32>
    %scan3A = arith.constant 0 : i32
    %scan3A_45 = arith.constant 0 : i32
    %scan3A_46 = arith.constant 160 : i32
    %scan3A_47 = arith.addi %scan3A_45, %scan3A_46 : i32
    %scan3A_48 = arith.constant 1 : i32
    %scan3A_49 = scf.for %scan3A_102 = %scan3A_45 to %scan3A_47 step %scan3A_48 iter_args(%scan3A_103 = %scan3A) -> (i32)  : i32 {
      %swap3A = arith.index_cast %scan3A_102 : i32 to index
      %swap3A_104 = arith.constant 0 : index
      %swap3A_105 = tpu.vector_load %arg11[%swap3A, %swap3A_104] {strides = array<i32>} : memref<160x32xf32, #tpu.memory_space<vmem>>, vector<1x16xf32>,
      %swap3A_106 = vector.shape_cast %swap3A_105 : vector<1x16xf32> to vector<16xf32>
      %swap3A_107 = vector.shape_cast %broadcast_in_dim3A_44 : vector<16xf32> to vector<1x16xf32>
      tpu.vector_store %arg11[%swap3A, %swap3A_104], %swap3A_107 {strides = array<i32>} : memref<160x32xf32, #tpu.memory_space<vmem>>, vector<1x16xf32>,
      %swap3A_108 = arith.index_cast %scan3A_102 : i32 to index
      %swap3A_109 = arith.constant 16 : index
      %swap3A_110 = tpu.vector_load %arg11[%swap3A_108, %swap3A_109] {strides = array<i32>} : memref<160x32xf32, #tpu.memory_space<vmem>>, vector<1x16xf32>,
      %swap3A_111 = vector.shape_cast %swap3A_110 : vector<1x16xf32> to vector<16xf32>
      %swap3A_112 = vector.shape_cast %broadcast_in_dim3A_44 : vector<16xf32> to vector<1x16xf32>
      tpu.vector_store %arg11[%swap3A_108, %swap3A_109], %swap3A_112 {strides = array<i32>} : memref<160x32xf32, #tpu.memory_space<vmem>>, vector<1x16xf32>,
      %scan3A_113 = arith.constant 0 : i32
      scf.yield %scan3A_113 : i32
    }
    %scan3A_50 = arith.constant 160 : i32
    %mul3A_51 = arith.constant 1600 : i32
    %mul3A_52 = arith.muli %arg1, %mul3A_51 : i32
    %add3A_53 = arith.constant 0 : i32
    %add3A_54 = arith.addi %mul3A_52, %add3A_53 : i32
    "tpu.region"() ({
      %run_scoped3A = tpu.sem_alloc : memref<!tpu.dma_semaphore, #tpu.memory_space<semaphore_mem>>
      %dma_start3A_102 = arith.constant 0 : i32
      %dma_start3A_103 = tpu.memref_slice %arg12[%add3A_54, %dma_start3A_102] : memref<25600x32xf32, #tpu.memory_space<vmem_shared>> -> memref<160x32xf32, #tpu.memory_space<vmem_shared>>
      %dma_start3A_104 = arith.constant 0 : i32
      %dma_start3A_105 = tpu.memref_slice %arg12[%add3A_54, %dma_start3A_104] : memref<25600x32xf32, #tpu.memory_space<vmem_shared>> -> memref<160x32xf32, #tpu.memory_space<vmem_shared>>
      tpu.enqueue_dma source(%arg11 : memref<160x32xf32, #tpu.memory_space<vmem>>) target(%dma_start3A_105 : memref<160x32xf32, #tpu.memory_space<vmem_shared>>) target_semaphore(%run_scoped3A : memref<!tpu.dma_semaphore, #tpu.memory_space<semaphore_mem>>)
      %dma_wait3A = arith.constant 0 : i32
      %dma_wait3A_106 = tpu.memref_slice %arg12[%add3A_54, %dma_wait3A] : memref<25600x32xf32, #tpu.memory_space<vmem_shared>> -> memref<160x32xf32, #tpu.memory_space<vmem_shared>>
      %dma_wait3A_107 = arith.constant 0 : i32
      %dma_wait3A_108 = tpu.memref_slice %arg12[%add3A_54, %dma_wait3A_107] : memref<25600x32xf32, #tpu.memory_space<vmem_shared>> -> memref<160x32xf32, #tpu.memory_space<vmem_shared>>
      tpu.wait_dma2 semaphore(%run_scoped3A : memref<!tpu.dma_semaphore, #tpu.memory_space<semaphore_mem>>) src(%arg11 : memref<160x32xf32, #tpu.memory_space<vmem>>) dst(%dma_wait3A_108 : memref<160x32xf32, #tpu.memory_space<vmem_shared>>)
      tpu.yield
    }) : () -> ()
    %mul3A_55 = arith.constant 1600 : i32
    %mul3A_56 = arith.muli %arg1, %mul3A_55 : i32
    %add3A_57 = arith.constant 160 : i32
    %add3A_58 = arith.addi %mul3A_56, %add3A_57 : i32
    "tpu.region"() ({
      %run_scoped3A = tpu.sem_alloc : memref<!tpu.dma_semaphore, #tpu.memory_space<semaphore_mem>>
      %dma_start3A_102 = arith.constant 0 : i32
      %dma_start3A_103 = tpu.memref_slice %arg12[%add3A_58, %dma_start3A_102] : memref<25600x32xf32, #tpu.memory_space<vmem_shared>> -> memref<160x32xf32, #tpu.memory_space<vmem_shared>>
      %dma_start3A_104 = arith.constant 0 : i32
      %dma_start3A_105 = tpu.memref_slice %arg12[%add3A_58, %dma_start3A_104] : memref<25600x32xf32, #tpu.memory_space<vmem_shared>> -> memref<160x32xf32, #tpu.memory_space<vmem_shared>>
      tpu.enqueue_dma source(%arg11 : memref<160x32xf32, #tpu.memory_space<vmem>>) target(%dma_start3A_105 : memref<160x32xf32, #tpu.memory_space<vmem_shared>>) target_semaphore(%run_scoped3A : memref<!tpu.dma_semaphore, #tpu.memory_space<semaphore_mem>>)
      %dma_wait3A = arith.constant 0 : i32
      %dma_wait3A_106 = tpu.memref_slice %arg12[%add3A_58, %dma_wait3A] : memref<25600x32xf32, #tpu.memory_space<vmem_shared>> -> memref<160x32xf32, #tpu.memory_space<vmem_shared>>
      %dma_wait3A_107 = arith.constant 0 : i32
      %dma_wait3A_108 = tpu.memref_slice %arg12[%add3A_58, %dma_wait3A_107] : memref<25600x32xf32, #tpu.memory_space<vmem_shared>> -> memref<160x32xf32, #tpu.memory_space<vmem_shared>>
      tpu.wait_dma2 semaphore(%run_scoped3A : memref<!tpu.dma_semaphore, #tpu.memory_space<semaphore_mem>>) src(%arg11 : memref<160x32xf32, #tpu.memory_space<vmem>>) dst(%dma_wait3A_108 : memref<160x32xf32, #tpu.memory_space<vmem_shared>>)
      tpu.yield
    }) : () -> ()
    %mul3A_59 = arith.constant 1600 : i32
    %mul3A_60 = arith.muli %arg1, %mul3A_59 : i32
    %add3A_61 = arith.constant 320 : i32
    %add3A_62 = arith.addi %mul3A_60, %add3A_61 : i32
    "tpu.region"() ({
      %run_scoped3A = tpu.sem_alloc : memref<!tpu.dma_semaphore, #tpu.memory_space<semaphore_mem>>
      %dma_start3A_102 = arith.constant 0 : i32
      %dma_start3A_103 = tpu.memref_slice %arg12[%add3A_62, %dma_start3A_102] : memref<25600x32xf32, #tpu.memory_space<vmem_shared>> -> memref<160x32xf32, #tpu.memory_space<vmem_shared>>
      %dma_start3A_104 = arith.constant 0 : i32
      %dma_start3A_105 = tpu.memref_slice %arg12[%add3A_62, %dma_start3A_104] : memref<25600x32xf32, #tpu.memory_space<vmem_shared>> -> memref<160x32xf32, #tpu.memory_space<vmem_shared>>
      tpu.enqueue_dma source(%arg11 : memref<160x32xf32, #tpu.memory_space<vmem>>) target(%dma_start3A_105 : memref<160x32xf32, #tpu.memory_space<vmem_shared>>) target_semaphore(%run_scoped3A : memref<!tpu.dma_semaphore, #tpu.memory_space<semaphore_mem>>)
      %dma_wait3A = arith.constant 0 : i32
      %dma_wait3A_106 = tpu.memref_slice %arg12[%add3A_62, %dma_wait3A] : memref<25600x32xf32, #tpu.memory_space<vmem_shared>> -> memref<160x32xf32, #tpu.memory_space<vmem_shared>>
      %dma_wait3A_107 = arith.constant 0 : i32
      %dma_wait3A_108 = tpu.memref_slice %arg12[%add3A_62, %dma_wait3A_107] : memref<25600x32xf32, #tpu.memory_space<vmem_shared>> -> memref<160x32xf32, #tpu.memory_space<vmem_shared>>
      tpu.wait_dma2 semaphore(%run_scoped3A : memref<!tpu.dma_semaphore, #tpu.memory_space<semaphore_mem>>) src(%arg11 : memref<160x32xf32, #tpu.memory_space<vmem>>) dst(%dma_wait3A_108 : memref<160x32xf32, #tpu.memory_space<vmem_shared>>)
      tpu.yield
    }) : () -> ()
    %mul3A_63 = arith.constant 1600 : i32
    %mul3A_64 = arith.muli %arg1, %mul3A_63 : i32
    %add3A_65 = arith.constant 480 : i32
    %add3A_66 = arith.addi %mul3A_64, %add3A_65 : i32
    "tpu.region"() ({
      %run_scoped3A = tpu.sem_alloc : memref<!tpu.dma_semaphore, #tpu.memory_space<semaphore_mem>>
      %dma_start3A_102 = arith.constant 0 : i32
      %dma_start3A_103 = tpu.memref_slice %arg12[%add3A_66, %dma_start3A_102] : memref<25600x32xf32, #tpu.memory_space<vmem_shared>> -> memref<160x32xf32, #tpu.memory_space<vmem_shared>>
      %dma_start3A_104 = arith.constant 0 : i32
      %dma_start3A_105 = tpu.memref_slice %arg12[%add3A_66, %dma_start3A_104] : memref<25600x32xf32, #tpu.memory_space<vmem_shared>> -> memref<160x32xf32, #tpu.memory_space<vmem_shared>>
      tpu.enqueue_dma source(%arg11 : memref<160x32xf32, #tpu.memory_space<vmem>>) target(%dma_start3A_105 : memref<160x32xf32, #tpu.memory_space<vmem_shared>>) target_semaphore(%run_scoped3A : memref<!tpu.dma_semaphore, #tpu.memory_space<semaphore_mem>>)
      %dma_wait3A = arith.constant 0 : i32
      %dma_wait3A_106 = tpu.memref_slice %arg12[%add3A_66, %dma_wait3A] : memref<25600x32xf32, #tpu.memory_space<vmem_shared>> -> memref<160x32xf32, #tpu.memory_space<vmem_shared>>
      %dma_wait3A_107 = arith.constant 0 : i32
      %dma_wait3A_108 = tpu.memref_slice %arg12[%add3A_66, %dma_wait3A_107] : memref<25600x32xf32, #tpu.memory_space<vmem_shared>> -> memref<160x32xf32, #tpu.memory_space<vmem_shared>>
      tpu.wait_dma2 semaphore(%run_scoped3A : memref<!tpu.dma_semaphore, #tpu.memory_space<semaphore_mem>>) src(%arg11 : memref<160x32xf32, #tpu.memory_space<vmem>>) dst(%dma_wait3A_108 : memref<160x32xf32, #tpu.memory_space<vmem_shared>>)
      tpu.yield
    }) : () -> ()
    %mul3A_67 = arith.constant 1600 : i32
    %mul3A_68 = arith.muli %arg1, %mul3A_67 : i32
    %add3A_69 = arith.constant 640 : i32
    %add3A_70 = arith.addi %mul3A_68, %add3A_69 : i32
    "tpu.region"() ({
      %run_scoped3A = tpu.sem_alloc : memref<!tpu.dma_semaphore, #tpu.memory_space<semaphore_mem>>
      %dma_start3A_102 = arith.constant 0 : i32
      %dma_start3A_103 = tpu.memref_slice %arg12[%add3A_70, %dma_start3A_102] : memref<25600x32xf32, #tpu.memory_space<vmem_shared>> -> memref<160x32xf32, #tpu.memory_space<vmem_shared>>
      %dma_start3A_104 = arith.constant 0 : i32
      %dma_start3A_105 = tpu.memref_slice %arg12[%add3A_70, %dma_start3A_104] : memref<25600x32xf32, #tpu.memory_space<vmem_shared>> -> memref<160x32xf32, #tpu.memory_space<vmem_shared>>
      tpu.enqueue_dma source(%arg11 : memref<160x32xf32, #tpu.memory_space<vmem>>) target(%dma_start3A_105 : memref<160x32xf32, #tpu.memory_space<vmem_shared>>) target_semaphore(%run_scoped3A : memref<!tpu.dma_semaphore, #tpu.memory_space<semaphore_mem>>)
      %dma_wait3A = arith.constant 0 : i32
      %dma_wait3A_106 = tpu.memref_slice %arg12[%add3A_70, %dma_wait3A] : memref<25600x32xf32, #tpu.memory_space<vmem_shared>> -> memref<160x32xf32, #tpu.memory_space<vmem_shared>>
      %dma_wait3A_107 = arith.constant 0 : i32
      %dma_wait3A_108 = tpu.memref_slice %arg12[%add3A_70, %dma_wait3A_107] : memref<25600x32xf32, #tpu.memory_space<vmem_shared>> -> memref<160x32xf32, #tpu.memory_space<vmem_shared>>
      tpu.wait_dma2 semaphore(%run_scoped3A : memref<!tpu.dma_semaphore, #tpu.memory_space<semaphore_mem>>) src(%arg11 : memref<160x32xf32, #tpu.memory_space<vmem>>) dst(%dma_wait3A_108 : memref<160x32xf32, #tpu.memory_space<vmem_shared>>)
      tpu.yield
    }) : () -> ()
    %mul3A_71 = arith.constant 1600 : i32
    %mul3A_72 = arith.muli %arg1, %mul3A_71 : i32
    %add3A_73 = arith.constant 800 : i32
    %add3A_74 = arith.addi %mul3A_72, %add3A_73 : i32
    "tpu.region"() ({
      %run_scoped3A = tpu.sem_alloc : memref<!tpu.dma_semaphore, #tpu.memory_space<semaphore_mem>>
      %dma_start3A_102 = arith.constant 0 : i32
      %dma_start3A_103 = tpu.memref_slice %arg12[%add3A_74, %dma_start3A_102] : memref<25600x32xf32, #tpu.memory_space<vmem_shared>> -> memref<160x32xf32, #tpu.memory_space<vmem_shared>>
      %dma_start3A_104 = arith.constant 0 : i32
      %dma_start3A_105 = tpu.memref_slice %arg12[%add3A_74, %dma_start3A_104] : memref<25600x32xf32, #tpu.memory_space<vmem_shared>> -> memref<160x32xf32, #tpu.memory_space<vmem_shared>>
      tpu.enqueue_dma source(%arg11 : memref<160x32xf32, #tpu.memory_space<vmem>>) target(%dma_start3A_105 : memref<160x32xf32, #tpu.memory_space<vmem_shared>>) target_semaphore(%run_scoped3A : memref<!tpu.dma_semaphore, #tpu.memory_space<semaphore_mem>>)
      %dma_wait3A = arith.constant 0 : i32
      %dma_wait3A_106 = tpu.memref_slice %arg12[%add3A_74, %dma_wait3A] : memref<25600x32xf32, #tpu.memory_space<vmem_shared>> -> memref<160x32xf32, #tpu.memory_space<vmem_shared>>
      %dma_wait3A_107 = arith.constant 0 : i32
      %dma_wait3A_108 = tpu.memref_slice %arg12[%add3A_74, %dma_wait3A_107] : memref<25600x32xf32, #tpu.memory_space<vmem_shared>> -> memref<160x32xf32, #tpu.memory_space<vmem_shared>>
      tpu.wait_dma2 semaphore(%run_scoped3A : memref<!tpu.dma_semaphore, #tpu.memory_space<semaphore_mem>>) src(%arg11 : memref<160x32xf32, #tpu.memory_space<vmem>>) dst(%dma_wait3A_108 : memref<160x32xf32, #tpu.memory_space<vmem_shared>>)
      tpu.yield
    }) : () -> ()
    %mul3A_75 = arith.constant 1600 : i32
    %mul3A_76 = arith.muli %arg1, %mul3A_75 : i32
    %add3A_77 = arith.constant 960 : i32
    %add3A_78 = arith.addi %mul3A_76, %add3A_77 : i32
    "tpu.region"() ({
      %run_scoped3A = tpu.sem_alloc : memref<!tpu.dma_semaphore, #tpu.memory_space<semaphore_mem>>
      %dma_start3A_102 = arith.constant 0 : i32
      %dma_start3A_103 = tpu.memref_slice %arg12[%add3A_78, %dma_start3A_102] : memref<25600x32xf32, #tpu.memory_space<vmem_shared>> -> memref<160x32xf32, #tpu.memory_space<vmem_shared>>
      %dma_start3A_104 = arith.constant 0 : i32
      %dma_start3A_105 = tpu.memref_slice %arg12[%add3A_78, %dma_start3A_104] : memref<25600x32xf32, #tpu.memory_space<vmem_shared>> -> memref<160x32xf32, #tpu.memory_space<vmem_shared>>
      tpu.enqueue_dma source(%arg11 : memref<160x32xf32, #tpu.memory_space<vmem>>) target(%dma_start3A_105 : memref<160x32xf32, #tpu.memory_space<vmem_shared>>) target_semaphore(%run_scoped3A : memref<!tpu.dma_semaphore, #tpu.memory_space<semaphore_mem>>)
      %dma_wait3A = arith.constant 0 : i32
      %dma_wait3A_106 = tpu.memref_slice %arg12[%add3A_78, %dma_wait3A] : memref<25600x32xf32, #tpu.memory_space<vmem_shared>> -> memref<160x32xf32, #tpu.memory_space<vmem_shared>>
      %dma_wait3A_107 = arith.constant 0 : i32
      %dma_wait3A_108 = tpu.memref_slice %arg12[%add3A_78, %dma_wait3A_107] : memref<25600x32xf32, #tpu.memory_space<vmem_shared>> -> memref<160x32xf32, #tpu.memory_space<vmem_shared>>
      tpu.wait_dma2 semaphore(%run_scoped3A : memref<!tpu.dma_semaphore, #tpu.memory_space<semaphore_mem>>) src(%arg11 : memref<160x32xf32, #tpu.memory_space<vmem>>) dst(%dma_wait3A_108 : memref<160x32xf32, #tpu.memory_space<vmem_shared>>)
      tpu.yield
    }) : () -> ()
    %mul3A_79 = arith.constant 1600 : i32
    %mul3A_80 = arith.muli %arg1, %mul3A_79 : i32
    %add3A_81 = arith.constant 1120 : i32
    %add3A_82 = arith.addi %mul3A_80, %add3A_81 : i32
    "tpu.region"() ({
      %run_scoped3A = tpu.sem_alloc : memref<!tpu.dma_semaphore, #tpu.memory_space<semaphore_mem>>
      %dma_start3A_102 = arith.constant 0 : i32
      %dma_start3A_103 = tpu.memref_slice %arg12[%add3A_82, %dma_start3A_102] : memref<25600x32xf32, #tpu.memory_space<vmem_shared>> -> memref<160x32xf32, #tpu.memory_space<vmem_shared>>
      %dma_start3A_104 = arith.constant 0 : i32
      %dma_start3A_105 = tpu.memref_slice %arg12[%add3A_82, %dma_start3A_104] : memref<25600x32xf32, #tpu.memory_space<vmem_shared>> -> memref<160x32xf32, #tpu.memory_space<vmem_shared>>
      tpu.enqueue_dma source(%arg11 : memref<160x32xf32, #tpu.memory_space<vmem>>) target(%dma_start3A_105 : memref<160x32xf32, #tpu.memory_space<vmem_shared>>) target_semaphore(%run_scoped3A : memref<!tpu.dma_semaphore, #tpu.memory_space<semaphore_mem>>)
      %dma_wait3A = arith.constant 0 : i32
      %dma_wait3A_106 = tpu.memref_slice %arg12[%add3A_82, %dma_wait3A] : memref<25600x32xf32, #tpu.memory_space<vmem_shared>> -> memref<160x32xf32, #tpu.memory_space<vmem_shared>>
      %dma_wait3A_107 = arith.constant 0 : i32
      %dma_wait3A_108 = tpu.memref_slice %arg12[%add3A_82, %dma_wait3A_107] : memref<25600x32xf32, #tpu.memory_space<vmem_shared>> -> memref<160x32xf32, #tpu.memory_space<vmem_shared>>
      tpu.wait_dma2 semaphore(%run_scoped3A : memref<!tpu.dma_semaphore, #tpu.memory_space<semaphore_mem>>) src(%arg11 : memref<160x32xf32, #tpu.memory_space<vmem>>) dst(%dma_wait3A_108 : memref<160x32xf32, #tpu.memory_space<vmem_shared>>)
      tpu.yield
    }) : () -> ()
    %mul3A_83 = arith.constant 1600 : i32
    %mul3A_84 = arith.muli %arg1, %mul3A_83 : i32
    %add3A_85 = arith.constant 1280 : i32
    %add3A_86 = arith.addi %mul3A_84, %add3A_85 : i32
    "tpu.region"() ({
      %run_scoped3A = tpu.sem_alloc : memref<!tpu.dma_semaphore, #tpu.memory_space<semaphore_mem>>
      %dma_start3A_102 = arith.constant 0 : i32
      %dma_start3A_103 = tpu.memref_slice %arg12[%add3A_86, %dma_start3A_102] : memref<25600x32xf32, #tpu.memory_space<vmem_shared>> -> memref<160x32xf32, #tpu.memory_space<vmem_shared>>
      %dma_start3A_104 = arith.constant 0 : i32
      %dma_start3A_105 = tpu.memref_slice %arg12[%add3A_86, %dma_start3A_104] : memref<25600x32xf32, #tpu.memory_space<vmem_shared>> -> memref<160x32xf32, #tpu.memory_space<vmem_shared>>
      tpu.enqueue_dma source(%arg11 : memref<160x32xf32, #tpu.memory_space<vmem>>) target(%dma_start3A_105 : memref<160x32xf32, #tpu.memory_space<vmem_shared>>) target_semaphore(%run_scoped3A : memref<!tpu.dma_semaphore, #tpu.memory_space<semaphore_mem>>)
      %dma_wait3A = arith.constant 0 : i32
      %dma_wait3A_106 = tpu.memref_slice %arg12[%add3A_86, %dma_wait3A] : memref<25600x32xf32, #tpu.memory_space<vmem_shared>> -> memref<160x32xf32, #tpu.memory_space<vmem_shared>>
      %dma_wait3A_107 = arith.constant 0 : i32
      %dma_wait3A_108 = tpu.memref_slice %arg12[%add3A_86, %dma_wait3A_107] : memref<25600x32xf32, #tpu.memory_space<vmem_shared>> -> memref<160x32xf32, #tpu.memory_space<vmem_shared>>
      tpu.wait_dma2 semaphore(%run_scoped3A : memref<!tpu.dma_semaphore, #tpu.memory_space<semaphore_mem>>) src(%arg11 : memref<160x32xf32, #tpu.memory_space<vmem>>) dst(%dma_wait3A_108 : memref<160x32xf32, #tpu.memory_space<vmem_shared>>)
      tpu.yield
    }) : () -> ()
    %mul3A_87 = arith.constant 1600 : i32
    %mul3A_88 = arith.muli %arg1, %mul3A_87 : i32
    %add3A_89 = arith.constant 1440 : i32
    %add3A_90 = arith.addi %mul3A_88, %add3A_89 : i32
    "tpu.region"() ({
      %run_scoped3A = tpu.sem_alloc : memref<!tpu.dma_semaphore, #tpu.memory_space<semaphore_mem>>
      %dma_start3A_102 = arith.constant 0 : i32
      %dma_start3A_103 = tpu.memref_slice %arg12[%add3A_90, %dma_start3A_102] : memref<25600x32xf32, #tpu.memory_space<vmem_shared>> -> memref<160x32xf32, #tpu.memory_space<vmem_shared>>
      %dma_start3A_104 = arith.constant 0 : i32
      %dma_start3A_105 = tpu.memref_slice %arg12[%add3A_90, %dma_start3A_104] : memref<25600x32xf32, #tpu.memory_space<vmem_shared>> -> memref<160x32xf32, #tpu.memory_space<vmem_shared>>
      tpu.enqueue_dma source(%arg11 : memref<160x32xf32, #tpu.memory_space<vmem>>) target(%dma_start3A_105 : memref<160x32xf32, #tpu.memory_space<vmem_shared>>) target_semaphore(%run_scoped3A : memref<!tpu.dma_semaphore, #tpu.memory_space<semaphore_mem>>)
      %dma_wait3A = arith.constant 0 : i32
      %dma_wait3A_106 = tpu.memref_slice %arg12[%add3A_90, %dma_wait3A] : memref<25600x32xf32, #tpu.memory_space<vmem_shared>> -> memref<160x32xf32, #tpu.memory_space<vmem_shared>>
      %dma_wait3A_107 = arith.constant 0 : i32
      %dma_wait3A_108 = tpu.memref_slice %arg12[%add3A_90, %dma_wait3A_107] : memref<25600x32xf32, #tpu.memory_space<vmem_shared>> -> memref<160x32xf32, #tpu.memory_space<vmem_shared>>
      tpu.wait_dma2 semaphore(%run_scoped3A : memref<!tpu.dma_semaphore, #tpu.memory_space<semaphore_mem>>) src(%arg11 : memref<160x32xf32, #tpu.memory_space<vmem>>) dst(%dma_wait3A_108 : memref<160x32xf32, #tpu.memory_space<vmem_shared>>)
      tpu.yield
    }) : () -> ()
    %scan3A_91 = arith.constant 0 : i32
    %scan3A_92 = arith.constant 0 : i32
    %scan3A_93 = arith.constant 25 : i32
    %scan3A_94 = arith.addi %scan3A_92, %scan3A_93 : i32
    %scan3A_95 = arith.constant 1 : i32
    %scan3A_96 = scf.for %scan3A_102 = %scan3A_92 to %scan3A_94 step %scan3A_95 iter_args(%scan3A_103 = %scan3A_91) -> (i32)  : i32 {
      %mul3A_104 = arith.constant 2 : i32
      %mul3A_105 = arith.muli %mul3A_104, %scan3A_102 : i32
      %dma_wait3A = arith.constant 0 : i32
      %dma_wait3A_106 = arith.constant 0 : i32
      %dma_wait3A_107 = tpu.memref_slice %arg2[%dma_wait3A, %dma_wait3A_106] : memref<100000x32xf32, #tpu.memory_space<hbm>> -> memref<100000x32xf32, #tpu.memory_space<hbm>>
      tpu.wait_indirect_dma semaphore(%arg13 : memref<!tpu.dma_semaphore, #tpu.memory_space<semaphore_mem>>) src(%dma_wait3A_107 : memref<100000x32xf32, #tpu.memory_space<hbm>>) dst(%arg9 : memref<640x32xf32, #tpu.memory_space<vmem>>)
      %add3A_108 = arith.constant 1 : i32
      %add3A_109 = arith.addi %mul3A_105, %add3A_108 : i32
      %mul3A_110 = arith.constant 640 : i32
      %mul3A_111 = arith.muli %add3A_109, %mul3A_110 : i32
      %add3A_112 = arith.addi %mul3A_2, %mul3A_111 : i32
      "tpu.region"() ({
        %run_scoped3A = tpu.sem_alloc : memref<!tpu.dma_semaphore, #tpu.memory_space<semaphore_mem>>
        %dma_start3A_222 = tpu.memref_slice %arg3[%add3A_112] : memref<1024000xi32, #tpu.memory_space<hbm>> -> memref<640xi32, #tpu.memory_space<hbm>>
        %dma_start3A_223 = tpu.memref_slice %arg3[%add3A_112] : memref<1024000xi32, #tpu.memory_space<hbm>> -> memref<640xi32, #tpu.memory_space<hbm>>
        tpu.enqueue_dma source(%dma_start3A_223 : memref<640xi32, #tpu.memory_space<hbm>>) target(%arg8 : memref<640xi32, #tpu.memory_space<vmem>>) target_semaphore(%run_scoped3A : memref<!tpu.dma_semaphore, #tpu.memory_space<semaphore_mem>>)
        %dma_wait3A_224 = tpu.memref_slice %arg3[%add3A_112] : memref<1024000xi32, #tpu.memory_space<hbm>> -> memref<640xi32, #tpu.memory_space<hbm>>
        %dma_wait3A_225 = tpu.memref_slice %arg3[%add3A_112] : memref<1024000xi32, #tpu.memory_space<hbm>> -> memref<640xi32, #tpu.memory_space<hbm>>
        tpu.wait_dma2 semaphore(%run_scoped3A : memref<!tpu.dma_semaphore, #tpu.memory_space<semaphore_mem>>) src(%dma_wait3A_225 : memref<640xi32, #tpu.memory_space<hbm>>) dst(%arg8 : memref<640xi32, #tpu.memory_space<vmem>>)
        tpu.yield
      }) : () -> ()
      %dma_start3A_113 = arith.constant 0 : i32
      %dma_start3A_114 = arith.constant 0 : i32
      %dma_start3A_115 = tpu.memref_slice %arg10[%dma_start3A_113, %dma_start3A_114] : memref<640x32xf32, #tpu.memory_space<vmem>> -> memref<128x32xf32, #tpu.memory_space<vmem>>
      %dma_start3A_116 = arith.constant 0 : i32
      %dma_start3A_117 = tpu.memref_slice %arg8[%dma_start3A_116] : memref<640xi32, #tpu.memory_space<vmem>> -> memref<128xi32, #tpu.memory_space<vmem>>
      %dma_start3A_118 = arith.constant 0 : i32
      %dma_start3A_119 = arith.constant 0 : i32
      %dma_start3A_120 = tpu.memref_slice %arg2[%dma_start3A_118, %dma_start3A_119] : memref<100000x32xf32, #tpu.memory_space<hbm>> -> memref<100000x32xf32, #tpu.memory_space<hbm>>
      tpu.enqueue_indirect_dma source(%dma_start3A_120 : memref<100000x32xf32, #tpu.memory_space<hbm>>) target(%dma_start3A_115 : memref<128x32xf32, #tpu.memory_space<vmem>>) offsets(%dma_start3A_117 : memref<128xi32, #tpu.memory_space<vmem>>) semaphore(%arg13 : memref<!tpu.dma_semaphore, #tpu.memory_space<semaphore_mem>>)
      %dma_start3A_121 = arith.constant 128 : i32
      %dma_start3A_122 = arith.constant 0 : i32
      %dma_start3A_123 = tpu.memref_slice %arg10[%dma_start3A_121, %dma_start3A_122] : memref<640x32xf32, #tpu.memory_space<vmem>> -> memref<128x32xf32, #tpu.memory_space<vmem>>
      %dma_start3A_124 = arith.constant 128 : i32
      %dma_start3A_125 = tpu.memref_slice %arg8[%dma_start3A_124] : memref<640xi32, #tpu.memory_space<vmem>> -> memref<128xi32, #tpu.memory_space<vmem>>
      %dma_start3A_126 = arith.constant 0 : i32
      %dma_start3A_127 = arith.constant 0 : i32
      %dma_start3A_128 = tpu.memref_slice %arg2[%dma_start3A_126, %dma_start3A_127] : memref<100000x32xf32, #tpu.memory_space<hbm>> -> memref<100000x32xf32, #tpu.memory_space<hbm>>
      tpu.enqueue_indirect_dma source(%dma_start3A_128 : memref<100000x32xf32, #tpu.memory_space<hbm>>) target(%dma_start3A_123 : memref<128x32xf32, #tpu.memory_space<vmem>>) offsets(%dma_start3A_125 : memref<128xi32, #tpu.memory_space<vmem>>) semaphore(%arg13 : memref<!tpu.dma_semaphore, #tpu.memory_space<semaphore_mem>>)
      %dma_start3A_129 = arith.constant 256 : i32
      %dma_start3A_130 = arith.constant 0 : i32
      %dma_start3A_131 = tpu.memref_slice %arg10[%dma_start3A_129, %dma_start3A_130] : memref<640x32xf32, #tpu.memory_space<vmem>> -> memref<128x32xf32, #tpu.memory_space<vmem>>
      %dma_start3A_132 = arith.constant 256 : i32
      %dma_start3A_133 = tpu.memref_slice %arg8[%dma_start3A_132] : memref<640xi32, #tpu.memory_space<vmem>> -> memref<128xi32, #tpu.memory_space<vmem>>
      %dma_start3A_134 = arith.constant 0 : i32
      %dma_start3A_135 = arith.constant 0 : i32
      %dma_start3A_136 = tpu.memref_slice %arg2[%dma_start3A_134, %dma_start3A_135] : memref<100000x32xf32, #tpu.memory_space<hbm>> -> memref<100000x32xf32, #tpu.memory_space<hbm>>
      tpu.enqueue_indirect_dma source(%dma_start3A_136 : memref<100000x32xf32, #tpu.memory_space<hbm>>) target(%dma_start3A_131 : memref<128x32xf32, #tpu.memory_space<vmem>>) offsets(%dma_start3A_133 : memref<128xi32, #tpu.memory_space<vmem>>) semaphore(%arg13 : memref<!tpu.dma_semaphore, #tpu.memory_space<semaphore_mem>>)
      %dma_start3A_137 = arith.constant 384 : i32
      %dma_start3A_138 = arith.constant 0 : i32
      %dma_start3A_139 = tpu.memref_slice %arg10[%dma_start3A_137, %dma_start3A_138] : memref<640x32xf32, #tpu.memory_space<vmem>> -> memref<128x32xf32, #tpu.memory_space<vmem>>
      %dma_start3A_140 = arith.constant 384 : i32
      %dma_start3A_141 = tpu.memref_slice %arg8[%dma_start3A_140] : memref<640xi32, #tpu.memory_space<vmem>> -> memref<128xi32, #tpu.memory_space<vmem>>
      %dma_start3A_142 = arith.constant 0 : i32
      %dma_start3A_143 = arith.constant 0 : i32
      %dma_start3A_144 = tpu.memref_slice %arg2[%dma_start3A_142, %dma_start3A_143] : memref<100000x32xf32, #tpu.memory_space<hbm>> -> memref<100000x32xf32, #tpu.memory_space<hbm>>
      tpu.enqueue_indirect_dma source(%dma_start3A_144 : memref<100000x32xf32, #tpu.memory_space<hbm>>) target(%dma_start3A_139 : memref<128x32xf32, #tpu.memory_space<vmem>>) offsets(%dma_start3A_141 : memref<128xi32, #tpu.memory_space<vmem>>) semaphore(%arg13 : memref<!tpu.dma_semaphore, #tpu.memory_space<semaphore_mem>>)
      %dma_start3A_145 = arith.constant 512 : i32
      %dma_start3A_146 = arith.constant 0 : i32
      %dma_start3A_147 = tpu.memref_slice %arg10[%dma_start3A_145, %dma_start3A_146] : memref<640x32xf32, #tpu.memory_space<vmem>> -> memref<128x32xf32, #tpu.memory_space<vmem>>
      %dma_start3A_148 = arith.constant 512 : i32
      %dma_start3A_149 = tpu.memref_slice %arg8[%dma_start3A_148] : memref<640xi32, #tpu.memory_space<vmem>> -> memref<128xi32, #tpu.memory_space<vmem>>
      %dma_start3A_150 = arith.constant 0 : i32
      %dma_start3A_151 = arith.constant 0 : i32
      %dma_start3A_152 = tpu.memref_slice %arg2[%dma_start3A_150, %dma_start3A_151] : memref<100000x32xf32, #tpu.memory_space<hbm>> -> memref<100000x32xf32, #tpu.memory_space<hbm>>
      tpu.enqueue_indirect_dma source(%dma_start3A_152 : memref<100000x32xf32, #tpu.memory_space<hbm>>) target(%dma_start3A_147 : memref<128x32xf32, #tpu.memory_space<vmem>>) offsets(%dma_start3A_149 : memref<128xi32, #tpu.memory_space<vmem>>) semaphore(%arg13 : memref<!tpu.dma_semaphore, #tpu.memory_space<semaphore_mem>>)
      %mul3A_153 = arith.constant 5 : i32
      %mul3A_154 = arith.muli %mul3A_105, %mul3A_153 : i32
      %add3A_155 = arith.constant 0 : i32
      %add3A_156 = arith.addi %mul3A_154, %add3A_155 : i32
      %rem3A = arith.constant 50 : i32
      %rem3A_157 = arith.remsi %add3A_156, %rem3A : i32
      "tpu.region"() ({
        %run_scoped3A = tpu.sem_alloc : memref<!tpu.dma_semaphore, #tpu.memory_space<semaphore_mem>>
        %dma_start3A_222 = arith.constant 0 : i32
        %dma_start3A_223 = arith.constant 0 : i32
        %dma_start3A_224 = tpu.memref_slice %arg9[%dma_start3A_222, %dma_start3A_223] : memref<640x32xf32, #tpu.memory_space<vmem>> -> memref<128x32xf32, #tpu.memory_space<vmem>>
        %dma_start3A_225 = arith.constant 0 : i32
        %dma_start3A_226 = tpu.memref_slice %arg6[%rem3A_157, %dma_start3A_225] : memref<50x128xi32, #tpu.memory_space<vmem>> -> memref<1x128xi32, #tpu.memory_space<vmem>>
        %dma_start3A_227 = tpu.memref_squeeze %dma_start3A_226 : memref<1x128xi32, #tpu.memory_space<vmem>> -> memref<128xi32, #tpu.memory_space<vmem>>
        %dma_start3A_228 = arith.constant 0 : i32
        %dma_start3A_229 = arith.constant 0 : i32
        %dma_start3A_230 = tpu.memref_slice %arg12[%dma_start3A_228, %dma_start3A_229] : memref<25600x32xf32, #tpu.memory_space<vmem_shared>> -> memref<25600x32xf32, #tpu.memory_space<vmem_shared>>
        tpu.enqueue_indirect_dma source(%dma_start3A_224 : memref<128x32xf32, #tpu.memory_space<vmem>>) target(%dma_start3A_230 : memref<25600x32xf32, #tpu.memory_space<vmem_shared>>) offsets(%dma_start3A_227 : memref<128xi32, #tpu.memory_space<vmem>>) semaphore(%run_scoped3A : memref<!tpu.dma_semaphore, #tpu.memory_space<semaphore_mem>>) {add = true}
        %dma_wait3A_231 = arith.constant 0 : i32
        %dma_wait3A_232 = arith.constant 0 : i32
        %dma_wait3A_233 = tpu.memref_slice %arg9[%dma_wait3A_231, %dma_wait3A_232] : memref<640x32xf32, #tpu.memory_space<vmem>> -> memref<128x32xf32, #tpu.memory_space<vmem>>
        %dma_wait3A_234 = arith.constant 0 : i32
        %dma_wait3A_235 = tpu.memref_slice %arg6[%rem3A_157, %dma_wait3A_234] : memref<50x128xi32, #tpu.memory_space<vmem>> -> memref<1x128xi32, #tpu.memory_space<vmem>>
        %dma_wait3A_236 = tpu.memref_squeeze %dma_wait3A_235 : memref<1x128xi32, #tpu.memory_space<vmem>> -> memref<128xi32, #tpu.memory_space<vmem>>
        %dma_wait3A_237 = arith.constant 0 : i32
        %dma_wait3A_238 = arith.constant 0 : i32
        %dma_wait3A_239 = tpu.memref_slice %arg12[%dma_wait3A_237, %dma_wait3A_238] : memref<25600x32xf32, #tpu.memory_space<vmem_shared>> -> memref<25600x32xf32, #tpu.memory_space<vmem_shared>>
        tpu.wait_indirect_dma semaphore(%run_scoped3A : memref<!tpu.dma_semaphore, #tpu.memory_space<semaphore_mem>>) src(%dma_wait3A_233 : memref<128x32xf32, #tpu.memory_space<vmem>>) dst(%dma_wait3A_239 : memref<25600x32xf32, #tpu.memory_space<vmem_shared>>)
        tpu.yield
      }) : () -> ()
      %mul3A_158 = arith.constant 5 : i32
      %mul3A_159 = arith.muli %mul3A_105, %mul3A_158 : i32
      %add3A_160 = arith.constant 1 : i32
      %add3A_161 = arith.addi %mul3A_159, %add3A_160 : i32
      %rem3A_162 = arith.constant 50 : i32
      %rem3A_163 = arith.remsi %add3A_161, %rem3A_162 : i32
      "tpu.region"() ({
        %run_scoped3A = tpu.sem_alloc : memref<!tpu.dma_semaphore, #tpu.memory_space<semaphore_mem>>
        %dma_start3A_222 = arith.constant 128 : i32
        %dma_start3A_223 = arith.constant 0 : i32
        %dma_start3A_224 = tpu.memref_slice %arg9[%dma_start3A_222, %dma_start3A_223] : memref<640x32xf32, #tpu.memory_space<vmem>> -> memref<128x32xf32, #tpu.memory_space<vmem>>
        %dma_start3A_225 = arith.constant 0 : i32
        %dma_start3A_226 = tpu.memref_slice %arg6[%rem3A_163, %dma_start3A_225] : memref<50x128xi32, #tpu.memory_space<vmem>> -> memref<1x128xi32, #tpu.memory_space<vmem>>
        %dma_start3A_227 = tpu.memref_squeeze %dma_start3A_226 : memref<1x128xi32, #tpu.memory_space<vmem>> -> memref<128xi32, #tpu.memory_space<vmem>>
        %dma_start3A_228 = arith.constant 0 : i32
        %dma_start3A_229 = arith.constant 0 : i32
        %dma_start3A_230 = tpu.memref_slice %arg12[%dma_start3A_228, %dma_start3A_229] : memref<25600x32xf32, #tpu.memory_space<vmem_shared>> -> memref<25600x32xf32, #tpu.memory_space<vmem_shared>>
        tpu.enqueue_indirect_dma source(%dma_start3A_224 : memref<128x32xf32, #tpu.memory_space<vmem>>) target(%dma_start3A_230 : memref<25600x32xf32, #tpu.memory_space<vmem_shared>>) offsets(%dma_start3A_227 : memref<128xi32, #tpu.memory_space<vmem>>) semaphore(%run_scoped3A : memref<!tpu.dma_semaphore, #tpu.memory_space<semaphore_mem>>) {add = true}
        %dma_wait3A_231 = arith.constant 128 : i32
        %dma_wait3A_232 = arith.constant 0 : i32
        %dma_wait3A_233 = tpu.memref_slice %arg9[%dma_wait3A_231, %dma_wait3A_232] : memref<640x32xf32, #tpu.memory_space<vmem>> -> memref<128x32xf32, #tpu.memory_space<vmem>>
        %dma_wait3A_234 = arith.constant 0 : i32
        %dma_wait3A_235 = tpu.memref_slice %arg6[%rem3A_163, %dma_wait3A_234] : memref<50x128xi32, #tpu.memory_space<vmem>> -> memref<1x128xi32, #tpu.memory_space<vmem>>
        %dma_wait3A_236 = tpu.memref_squeeze %dma_wait3A_235 : memref<1x128xi32, #tpu.memory_space<vmem>> -> memref<128xi32, #tpu.memory_space<vmem>>
        %dma_wait3A_237 = arith.constant 0 : i32
        %dma_wait3A_238 = arith.constant 0 : i32
        %dma_wait3A_239 = tpu.memref_slice %arg12[%dma_wait3A_237, %dma_wait3A_238] : memref<25600x32xf32, #tpu.memory_space<vmem_shared>> -> memref<25600x32xf32, #tpu.memory_space<vmem_shared>>
        tpu.wait_indirect_dma semaphore(%run_scoped3A : memref<!tpu.dma_semaphore, #tpu.memory_space<semaphore_mem>>) src(%dma_wait3A_233 : memref<128x32xf32, #tpu.memory_space<vmem>>) dst(%dma_wait3A_239 : memref<25600x32xf32, #tpu.memory_space<vmem_shared>>)
        tpu.yield
      }) : () -> ()
      %mul3A_164 = arith.constant 5 : i32
      %mul3A_165 = arith.muli %mul3A_105, %mul3A_164 : i32
      %add3A_166 = arith.constant 2 : i32
      %add3A_167 = arith.addi %mul3A_165, %add3A_166 : i32
      %rem3A_168 = arith.constant 50 : i32
      %rem3A_169 = arith.remsi %add3A_167, %rem3A_168 : i32
      "tpu.region"() ({
        %run_scoped3A = tpu.sem_alloc : memref<!tpu.dma_semaphore, #tpu.memory_space<semaphore_mem>>
        %dma_start3A_222 = arith.constant 256 : i32
        %dma_start3A_223 = arith.constant 0 : i32
        %dma_start3A_224 = tpu.memref_slice %arg9[%dma_start3A_222, %dma_start3A_223] : memref<640x32xf32, #tpu.memory_space<vmem>> -> memref<128x32xf32, #tpu.memory_space<vmem>>
        %dma_start3A_225 = arith.constant 0 : i32
        %dma_start3A_226 = tpu.memref_slice %arg6[%rem3A_169, %dma_start3A_225] : memref<50x128xi32, #tpu.memory_space<vmem>> -> memref<1x128xi32, #tpu.memory_space<vmem>>
        %dma_start3A_227 = tpu.memref_squeeze %dma_start3A_226 : memref<1x128xi32, #tpu.memory_space<vmem>> -> memref<128xi32, #tpu.memory_space<vmem>>
        %dma_start3A_228 = arith.constant 0 : i32
        %dma_start3A_229 = arith.constant 0 : i32
        %dma_start3A_230 = tpu.memref_slice %arg12[%dma_start3A_228, %dma_start3A_229] : memref<25600x32xf32, #tpu.memory_space<vmem_shared>> -> memref<25600x32xf32, #tpu.memory_space<vmem_shared>>
        tpu.enqueue_indirect_dma source(%dma_start3A_224 : memref<128x32xf32, #tpu.memory_space<vmem>>) target(%dma_start3A_230 : memref<25600x32xf32, #tpu.memory_space<vmem_shared>>) offsets(%dma_start3A_227 : memref<128xi32, #tpu.memory_space<vmem>>) semaphore(%run_scoped3A : memref<!tpu.dma_semaphore, #tpu.memory_space<semaphore_mem>>) {add = true}
        %dma_wait3A_231 = arith.constant 256 : i32
        %dma_wait3A_232 = arith.constant 0 : i32
        %dma_wait3A_233 = tpu.memref_slice %arg9[%dma_wait3A_231, %dma_wait3A_232] : memref<640x32xf32, #tpu.memory_space<vmem>> -> memref<128x32xf32, #tpu.memory_space<vmem>>
        %dma_wait3A_234 = arith.constant 0 : i32
        %dma_wait3A_235 = tpu.memref_slice %arg6[%rem3A_169, %dma_wait3A_234] : memref<50x128xi32, #tpu.memory_space<vmem>> -> memref<1x128xi32, #tpu.memory_space<vmem>>
        %dma_wait3A_236 = tpu.memref_squeeze %dma_wait3A_235 : memref<1x128xi32, #tpu.memory_space<vmem>> -> memref<128xi32, #tpu.memory_space<vmem>>
        %dma_wait3A_237 = arith.constant 0 : i32
        %dma_wait3A_238 = arith.constant 0 : i32
        %dma_wait3A_239 = tpu.memref_slice %arg12[%dma_wait3A_237, %dma_wait3A_238] : memref<25600x32xf32, #tpu.memory_space<vmem_shared>> -> memref<25600x32xf32, #tpu.memory_space<vmem_shared>>
        tpu.wait_indirect_dma semaphore(%run_scoped3A : memref<!tpu.dma_semaphore, #tpu.memory_space<semaphore_mem>>) src(%dma_wait3A_233 : memref<128x32xf32, #tpu.memory_space<vmem>>) dst(%dma_wait3A_239 : memref<25600x32xf32, #tpu.memory_space<vmem_shared>>)
        tpu.yield
      }) : () -> ()
      %mul3A_170 = arith.constant 5 : i32
      %mul3A_171 = arith.muli %mul3A_105, %mul3A_170 : i32
      %add3A_172 = arith.constant 3 : i32
      %add3A_173 = arith.addi %mul3A_171, %add3A_172 : i32
      %rem3A_174 = arith.constant 50 : i32
      %rem3A_175 = arith.remsi %add3A_173, %rem3A_174 : i32
      "tpu.region"() ({
        %run_scoped3A = tpu.sem_alloc : memref<!tpu.dma_semaphore, #tpu.memory_space<semaphore_mem>>
        %dma_start3A_222 = arith.constant 384 : i32
        %dma_start3A_223 = arith.constant 0 : i32
        %dma_start3A_224 = tpu.memref_slice %arg9[%dma_start3A_222, %dma_start3A_223] : memref<640x32xf32, #tpu.memory_space<vmem>> -> memref<128x32xf32, #tpu.memory_space<vmem>>
        %dma_start3A_225 = arith.constant 0 : i32
        %dma_start3A_226 = tpu.memref_slice %arg6[%rem3A_175, %dma_start3A_225] : memref<50x128xi32, #tpu.memory_space<vmem>> -> memref<1x128xi32, #tpu.memory_space<vmem>>
        %dma_start3A_227 = tpu.memref_squeeze %dma_start3A_226 : memref<1x128xi32, #tpu.memory_space<vmem>> -> memref<128xi32, #tpu.memory_space<vmem>>
        %dma_start3A_228 = arith.constant 0 : i32
        %dma_start3A_229 = arith.constant 0 : i32
        %dma_start3A_230 = tpu.memref_slice %arg12[%dma_start3A_228, %dma_start3A_229] : memref<25600x32xf32, #tpu.memory_space<vmem_shared>> -> memref<25600x32xf32, #tpu.memory_space<vmem_shared>>
        tpu.enqueue_indirect_dma source(%dma_start3A_224 : memref<128x32xf32, #tpu.memory_space<vmem>>) target(%dma_start3A_230 : memref<25600x32xf32, #tpu.memory_space<vmem_shared>>) offsets(%dma_start3A_227 : memref<128xi32, #tpu.memory_space<vmem>>) semaphore(%run_scoped3A : memref<!tpu.dma_semaphore, #tpu.memory_space<semaphore_mem>>) {add = true}
        %dma_wait3A_231 = arith.constant 384 : i32
        %dma_wait3A_232 = arith.constant 0 : i32
        %dma_wait3A_233 = tpu.memref_slice %arg9[%dma_wait3A_231, %dma_wait3A_232] : memref<640x32xf32, #tpu.memory_space<vmem>> -> memref<128x32xf32, #tpu.memory_space<vmem>>
        %dma_wait3A_234 = arith.constant 0 : i32
        %dma_wait3A_235 = tpu.memref_slice %arg6[%rem3A_175, %dma_wait3A_234] : memref<50x128xi32, #tpu.memory_space<vmem>> -> memref<1x128xi32, #tpu.memory_space<vmem>>
        %dma_wait3A_236 = tpu.memref_squeeze %dma_wait3A_235 : memref<1x128xi32, #tpu.memory_space<vmem>> -> memref<128xi32, #tpu.memory_space<vmem>>
        %dma_wait3A_237 = arith.constant 0 : i32
        %dma_wait3A_238 = arith.constant 0 : i32
        %dma_wait3A_239 = tpu.memref_slice %arg12[%dma_wait3A_237, %dma_wait3A_238] : memref<25600x32xf32, #tpu.memory_space<vmem_shared>> -> memref<25600x32xf32, #tpu.memory_space<vmem_shared>>
        tpu.wait_indirect_dma semaphore(%run_scoped3A : memref<!tpu.dma_semaphore, #tpu.memory_space<semaphore_mem>>) src(%dma_wait3A_233 : memref<128x32xf32, #tpu.memory_space<vmem>>) dst(%dma_wait3A_239 : memref<25600x32xf32, #tpu.memory_space<vmem_shared>>)
        tpu.yield
      }) : () -> ()
      %mul3A_176 = arith.constant 5 : i32
      %mul3A_177 = arith.muli %mul3A_105, %mul3A_176 : i32
      %add3A_178 = arith.constant 4 : i32
      %add3A_179 = arith.addi %mul3A_177, %add3A_178 : i32
      %rem3A_180 = arith.constant 50 : i32
      %rem3A_181 = arith.remsi %add3A_179, %rem3A_180 : i32
      "tpu.region"() ({
        %run_scoped3A = tpu.sem_alloc : memref<!tpu.dma_semaphore, #tpu.memory_space<semaphore_mem>>
        %dma_start3A_222 = arith.constant 512 : i32
        %dma_start3A_223 = arith.constant 0 : i32
        %dma_start3A_224 = tpu.memref_slice %arg9[%dma_start3A_222, %dma_start3A_223] : memref<640x32xf32, #tpu.memory_space<vmem>> -> memref<128x32xf32, #tpu.memory_space<vmem>>
        %dma_start3A_225 = arith.constant 0 : i32
        %dma_start3A_226 = tpu.memref_slice %arg6[%rem3A_181, %dma_start3A_225] : memref<50x128xi32, #tpu.memory_space<vmem>> -> memref<1x128xi32, #tpu.memory_space<vmem>>
        %dma_start3A_227 = tpu.memref_squeeze %dma_start3A_226 : memref<1x128xi32, #tpu.memory_space<vmem>> -> memref<128xi32, #tpu.memory_space<vmem>>
        %dma_start3A_228 = arith.constant 0 : i32
        %dma_start3A_229 = arith.constant 0 : i32
        %dma_start3A_230 = tpu.memref_slice %arg12[%dma_start3A_228, %dma_start3A_229] : memref<25600x32xf32, #tpu.memory_space<vmem_shared>> -> memref<25600x32xf32, #tpu.memory_space<vmem_shared>>
        tpu.enqueue_indirect_dma source(%dma_start3A_224 : memref<128x32xf32, #tpu.memory_space<vmem>>) target(%dma_start3A_230 : memref<25600x32xf32, #tpu.memory_space<vmem_shared>>) offsets(%dma_start3A_227 : memref<128xi32, #tpu.memory_space<vmem>>) semaphore(%run_scoped3A : memref<!tpu.dma_semaphore, #tpu.memory_space<semaphore_mem>>) {add = true}
        %dma_wait3A_231 = arith.constant 512 : i32
        %dma_wait3A_232 = arith.constant 0 : i32
        %dma_wait3A_233 = tpu.memref_slice %arg9[%dma_wait3A_231, %dma_wait3A_232] : memref<640x32xf32, #tpu.memory_space<vmem>> -> memref<128x32xf32, #tpu.memory_space<vmem>>
        %dma_wait3A_234 = arith.constant 0 : i32
        %dma_wait3A_235 = tpu.memref_slice %arg6[%rem3A_181, %dma_wait3A_234] : memref<50x128xi32, #tpu.memory_space<vmem>> -> memref<1x128xi32, #tpu.memory_space<vmem>>
        %dma_wait3A_236 = tpu.memref_squeeze %dma_wait3A_235 : memref<1x128xi32, #tpu.memory_space<vmem>> -> memref<128xi32, #tpu.memory_space<vmem>>
        %dma_wait3A_237 = arith.constant 0 : i32
        %dma_wait3A_238 = arith.constant 0 : i32
        %dma_wait3A_239 = tpu.memref_slice %arg12[%dma_wait3A_237, %dma_wait3A_238] : memref<25600x32xf32, #tpu.memory_space<vmem_shared>> -> memref<25600x32xf32, #tpu.memory_space<vmem_shared>>
        tpu.wait_indirect_dma semaphore(%run_scoped3A : memref<!tpu.dma_semaphore, #tpu.memory_space<semaphore_mem>>) src(%dma_wait3A_233 : memref<128x32xf32, #tpu.memory_space<vmem>>) dst(%dma_wait3A_239 : memref<25600x32xf32, #tpu.memory_space<vmem_shared>>)
        tpu.yield
      }) : () -> ()
      %dma_wait3A_182 = arith.constant 0 : i32
      %dma_wait3A_183 = arith.constant 0 : i32
      %dma_wait3A_184 = tpu.memref_slice %arg2[%dma_wait3A_182, %dma_wait3A_183] : memref<100000x32xf32, #tpu.memory_space<hbm>> -> memref<100000x32xf32, #tpu.memory_space<hbm>>
      tpu.wait_indirect_dma semaphore(%arg13 : memref<!tpu.dma_semaphore, #tpu.memory_space<semaphore_mem>>) src(%dma_wait3A_184 : memref<100000x32xf32, #tpu.memory_space<hbm>>) dst(%arg10 : memref<640x32xf32, #tpu.memory_space<vmem>>)
      %add3A_185 = arith.constant 2 : i32
      %add3A_186 = arith.addi %mul3A_105, %add3A_185 : i32
      %lt3A = arith.constant 50 : i32
      %lt3A_187 = arith.cmpi slt, %add3A_186, %lt3A : i32
      %convert_element_type3A = arith.extui %lt3A_187 : i1 to i32
      %cond3A = arith.constant 0 : i32
      %cond3A_188 = arith.cmpi ne, %convert_element_type3A, %cond3A : i32
      scf.if %cond3A_188 {
        %add3A_222 = arith.constant 2 : i32
        %add3A_223 = arith.addi %mul3A_105, %add3A_222 : i32
        %mul3A_224 = arith.constant 640 : i32
        %mul3A_225 = arith.muli %add3A_223, %mul3A_224 : i32
        %add3A_226 = arith.addi %mul3A_2, %mul3A_225 : i32
        "tpu.region"() ({
          %run_scoped3A = tpu.sem_alloc : memref<!tpu.dma_semaphore, #tpu.memory_space<semaphore_mem>>
          %dma_start3A_267 = tpu.memref_slice %arg3[%add3A_226] : memref<1024000xi32, #tpu.memory_space<hbm>> -> memref<640xi32, #tpu.memory_space<hbm>>
          %dma_start3A_268 = tpu.memref_slice %arg3[%add3A_226] : memref<1024000xi32, #tpu.memory_space<hbm>> -> memref<640xi32, #tpu.memory_space<hbm>>
          tpu.enqueue_dma source(%dma_start3A_268 : memref<640xi32, #tpu.memory_space<hbm>>) target(%arg7 : memref<640xi32, #tpu.memory_space<vmem>>) target_semaphore(%run_scoped3A : memref<!tpu.dma_semaphore, #tpu.memory_space<semaphore_mem>>)
          %dma_wait3A_269 = tpu.memref_slice %arg3[%add3A_226] : memref<1024000xi32, #tpu.memory_space<hbm>> -> memref<640xi32, #tpu.memory_space<hbm>>
          %dma_wait3A_270 = tpu.memref_slice %arg3[%add3A_226] : memref<1024000xi32, #tpu.memory_space<hbm>> -> memref<640xi32, #tpu.memory_space<hbm>>
          tpu.wait_dma2 semaphore(%run_scoped3A : memref<!tpu.dma_semaphore, #tpu.memory_space<semaphore_mem>>) src(%dma_wait3A_270 : memref<640xi32, #tpu.memory_space<hbm>>) dst(%arg7 : memref<640xi32, #tpu.memory_space<vmem>>)
          tpu.yield
        }) : () -> ()
        %dma_start3A_227 = arith.constant 0 : i32
        %dma_start3A_228 = arith.constant 0 : i32
        %dma_start3A_229 = tpu.memref_slice %arg9[%dma_start3A_227, %dma_start3A_228] : memref<640x32xf32, #tpu.memory_space<vmem>> -> memref<128x32xf32, #tpu.memory_space<vmem>>
        %dma_start3A_230 = arith.constant 0 : i32
        %dma_start3A_231 = tpu.memref_slice %arg7[%dma_start3A_230] : memref<640xi32, #tpu.memory_space<vmem>> -> memref<128xi32, #tpu.memory_space<vmem>>
        %dma_start3A_232 = arith.constant 0 : i32
        %dma_start3A_233 = arith.constant 0 : i32
        %dma_start3A_234 = tpu.memref_slice %arg2[%dma_start3A_232, %dma_start3A_233] : memref<100000x32xf32, #tpu.memory_space<hbm>> -> memref<100000x32xf32, #tpu.memory_space<hbm>>
        tpu.enqueue_indirect_dma source(%dma_start3A_234 : memref<100000x32xf32, #tpu.memory_space<hbm>>) target(%dma_start3A_229 : memref<128x32xf32, #tpu.memory_space<vmem>>) offsets(%dma_start3A_231 : memref<128xi32, #tpu.memory_space<vmem>>) semaphore(%arg13 : memref<!tpu.dma_semaphore, #tpu.memory_space<semaphore_mem>>)
        %dma_start3A_235 = arith.constant 128 : i32
        %dma_start3A_236 = arith.constant 0 : i32
        %dma_start3A_237 = tpu.memref_slice %arg9[%dma_start3A_235, %dma_start3A_236] : memref<640x32xf32, #tpu.memory_space<vmem>> -> memref<128x32xf32, #tpu.memory_space<vmem>>
        %dma_start3A_238 = arith.constant 128 : i32
        %dma_start3A_239 = tpu.memref_slice %arg7[%dma_start3A_238] : memref<640xi32, #tpu.memory_space<vmem>> -> memref<128xi32, #tpu.memory_space<vmem>>
        %dma_start3A_240 = arith.constant 0 : i32
        %dma_start3A_241 = arith.constant 0 : i32
        %dma_start3A_242 = tpu.memref_slice %arg2[%dma_start3A_240, %dma_start3A_241] : memref<100000x32xf32, #tpu.memory_space<hbm>> -> memref<100000x32xf32, #tpu.memory_space<hbm>>
        tpu.enqueue_indirect_dma source(%dma_start3A_242 : memref<100000x32xf32, #tpu.memory_space<hbm>>) target(%dma_start3A_237 : memref<128x32xf32, #tpu.memory_space<vmem>>) offsets(%dma_start3A_239 : memref<128xi32, #tpu.memory_space<vmem>>) semaphore(%arg13 : memref<!tpu.dma_semaphore, #tpu.memory_space<semaphore_mem>>)
        %dma_start3A_243 = arith.constant 256 : i32
        %dma_start3A_244 = arith.constant 0 : i32
        %dma_start3A_245 = tpu.memref_slice %arg9[%dma_start3A_243, %dma_start3A_244] : memref<640x32xf32, #tpu.memory_space<vmem>> -> memref<128x32xf32, #tpu.memory_space<vmem>>
        %dma_start3A_246 = arith.constant 256 : i32
        %dma_start3A_247 = tpu.memref_slice %arg7[%dma_start3A_246] : memref<640xi32, #tpu.memory_space<vmem>> -> memref<128xi32, #tpu.memory_space<vmem>>
        %dma_start3A_248 = arith.constant 0 : i32
        %dma_start3A_249 = arith.constant 0 : i32
        %dma_start3A_250 = tpu.memref_slice %arg2[%dma_start3A_248, %dma_start3A_249] : memref<100000x32xf32, #tpu.memory_space<hbm>> -> memref<100000x32xf32, #tpu.memory_space<hbm>>
        tpu.enqueue_indirect_dma source(%dma_start3A_250 : memref<100000x32xf32, #tpu.memory_space<hbm>>) target(%dma_start3A_245 : memref<128x32xf32, #tpu.memory_space<vmem>>) offsets(%dma_start3A_247 : memref<128xi32, #tpu.memory_space<vmem>>) semaphore(%arg13 : memref<!tpu.dma_semaphore, #tpu.memory_space<semaphore_mem>>)
        %dma_start3A_251 = arith.constant 384 : i32
        %dma_start3A_252 = arith.constant 0 : i32
        %dma_start3A_253 = tpu.memref_slice %arg9[%dma_start3A_251, %dma_start3A_252] : memref<640x32xf32, #tpu.memory_space<vmem>> -> memref<128x32xf32, #tpu.memory_space<vmem>>
        %dma_start3A_254 = arith.constant 384 : i32
        %dma_start3A_255 = tpu.memref_slice %arg7[%dma_start3A_254] : memref<640xi32, #tpu.memory_space<vmem>> -> memref<128xi32, #tpu.memory_space<vmem>>
        %dma_start3A_256 = arith.constant 0 : i32
        %dma_start3A_257 = arith.constant 0 : i32
        %dma_start3A_258 = tpu.memref_slice %arg2[%dma_start3A_256, %dma_start3A_257] : memref<100000x32xf32, #tpu.memory_space<hbm>> -> memref<100000x32xf32, #tpu.memory_space<hbm>>
        tpu.enqueue_indirect_dma source(%dma_start3A_258 : memref<100000x32xf32, #tpu.memory_space<hbm>>) target(%dma_start3A_253 : memref<128x32xf32, #tpu.memory_space<vmem>>) offsets(%dma_start3A_255 : memref<128xi32, #tpu.memory_space<vmem>>) semaphore(%arg13 : memref<!tpu.dma_semaphore, #tpu.memory_space<semaphore_mem>>)
        %dma_start3A_259 = arith.constant 512 : i32
        %dma_start3A_260 = arith.constant 0 : i32
        %dma_start3A_261 = tpu.memref_slice %arg9[%dma_start3A_259, %dma_start3A_260] : memref<640x32xf32, #tpu.memory_space<vmem>> -> memref<128x32xf32, #tpu.memory_space<vmem>>
        %dma_start3A_262 = arith.constant 512 : i32
        %dma_start3A_263 = tpu.memref_slice %arg7[%dma_start3A_262] : memref<640xi32, #tpu.memory_space<vmem>> -> memref<128xi32, #tpu.memory_space<vmem>>
        %dma_start3A_264 = arith.constant 0 : i32
        %dma_start3A_265 = arith.constant 0 : i32
        %dma_start3A_266 = tpu.memref_slice %arg2[%dma_start3A_264, %dma_start3A_265] : memref<100000x32xf32, #tpu.memory_space<hbm>> -> memref<100000x32xf32, #tpu.memory_space<hbm>>
        tpu.enqueue_indirect_dma source(%dma_start3A_266 : memref<100000x32xf32, #tpu.memory_space<hbm>>) target(%dma_start3A_261 : memref<128x32xf32, #tpu.memory_space<vmem>>) offsets(%dma_start3A_263 : memref<128xi32, #tpu.memory_space<vmem>>) semaphore(%arg13 : memref<!tpu.dma_semaphore, #tpu.memory_space<semaphore_mem>>)
      } else {
      }
      %add3A_189 = arith.constant 1 : i32
      %add3A_190 = arith.addi %mul3A_105, %add3A_189 : i32
      %mul3A_191 = arith.constant 5 : i32
      %mul3A_192 = arith.muli %add3A_190, %mul3A_191 : i32
      %add3A_193 = arith.constant 0 : i32
      %add3A_194 = arith.addi %mul3A_192, %add3A_193 : i32
      %rem3A_195 = arith.constant 50 : i32
      %rem3A_196 = arith.remsi %add3A_194, %rem3A_195 : i32
      "tpu.region"() ({
        %run_scoped3A = tpu.sem_alloc : memref<!tpu.dma_semaphore, #tpu.memory_space<semaphore_mem>>
        %dma_start3A_222 = arith.constant 0 : i32
        %dma_start3A_223 = arith.constant 0 : i32
        %dma_start3A_224 = tpu.memref_slice %arg10[%dma_start3A_222, %dma_start3A_223] : memref<640x32xf32, #tpu.memory_space<vmem>> -> memref<128x32xf32, #tpu.memory_space<vmem>>
        %dma_start3A_225 = arith.constant 0 : i32
        %dma_start3A_226 = tpu.memref_slice %arg6[%rem3A_196, %dma_start3A_225] : memref<50x128xi32, #tpu.memory_space<vmem>> -> memref<1x128xi32, #tpu.memory_space<vmem>>
        %dma_start3A_227 = tpu.memref_squeeze %dma_start3A_226 : memref<1x128xi32, #tpu.memory_space<vmem>> -> memref<128xi32, #tpu.memory_space<vmem>>
        %dma_start3A_228 = arith.constant 0 : i32
        %dma_start3A_229 = arith.constant 0 : i32
        %dma_start3A_230 = tpu.memref_slice %arg12[%dma_start3A_228, %dma_start3A_229] : memref<25600x32xf32, #tpu.memory_space<vmem_shared>> -> memref<25600x32xf32, #tpu.memory_space<vmem_shared>>
        tpu.enqueue_indirect_dma source(%dma_start3A_224 : memref<128x32xf32, #tpu.memory_space<vmem>>) target(%dma_start3A_230 : memref<25600x32xf32, #tpu.memory_space<vmem_shared>>) offsets(%dma_start3A_227 : memref<128xi32, #tpu.memory_space<vmem>>) semaphore(%run_scoped3A : memref<!tpu.dma_semaphore, #tpu.memory_space<semaphore_mem>>) {add = true}
        %dma_wait3A_231 = arith.constant 0 : i32
        %dma_wait3A_232 = arith.constant 0 : i32
        %dma_wait3A_233 = tpu.memref_slice %arg10[%dma_wait3A_231, %dma_wait3A_232] : memref<640x32xf32, #tpu.memory_space<vmem>> -> memref<128x32xf32, #tpu.memory_space<vmem>>
        %dma_wait3A_234 = arith.constant 0 : i32
        %dma_wait3A_235 = tpu.memref_slice %arg6[%rem3A_196, %dma_wait3A_234] : memref<50x128xi32, #tpu.memory_space<vmem>> -> memref<1x128xi32, #tpu.memory_space<vmem>>
        %dma_wait3A_236 = tpu.memref_squeeze %dma_wait3A_235 : memref<1x128xi32, #tpu.memory_space<vmem>> -> memref<128xi32, #tpu.memory_space<vmem>>
        %dma_wait3A_237 = arith.constant 0 : i32
        %dma_wait3A_238 = arith.constant 0 : i32
        %dma_wait3A_239 = tpu.memref_slice %arg12[%dma_wait3A_237, %dma_wait3A_238] : memref<25600x32xf32, #tpu.memory_space<vmem_shared>> -> memref<25600x32xf32, #tpu.memory_space<vmem_shared>>
        tpu.wait_indirect_dma semaphore(%run_scoped3A : memref<!tpu.dma_semaphore, #tpu.memory_space<semaphore_mem>>) src(%dma_wait3A_233 : memref<128x32xf32, #tpu.memory_space<vmem>>) dst(%dma_wait3A_239 : memref<25600x32xf32, #tpu.memory_space<vmem_shared>>)
        tpu.yield
      }) : () -> ()
      %mul3A_197 = arith.constant 5 : i32
      %mul3A_198 = arith.muli %add3A_190, %mul3A_197 : i32
      %add3A_199 = arith.constant 1 : i32
      %add3A_200 = arith.addi %mul3A_198, %add3A_199 : i32
      %rem3A_201 = arith.constant 50 : i32
      %rem3A_202 = arith.remsi %add3A_200, %rem3A_201 : i32
      "tpu.region"() ({
        %run_scoped3A = tpu.sem_alloc : memref<!tpu.dma_semaphore, #tpu.memory_space<semaphore_mem>>
        %dma_start3A_222 = arith.constant 128 : i32
        %dma_start3A_223 = arith.constant 0 : i32
        %dma_start3A_224 = tpu.memref_slice %arg10[%dma_start3A_222, %dma_start3A_223] : memref<640x32xf32, #tpu.memory_space<vmem>> -> memref<128x32xf32, #tpu.memory_space<vmem>>
        %dma_start3A_225 = arith.constant 0 : i32
        %dma_start3A_226 = tpu.memref_slice %arg6[%rem3A_202, %dma_start3A_225] : memref<50x128xi32, #tpu.memory_space<vmem>> -> memref<1x128xi32, #tpu.memory_space<vmem>>
        %dma_start3A_227 = tpu.memref_squeeze %dma_start3A_226 : memref<1x128xi32, #tpu.memory_space<vmem>> -> memref<128xi32, #tpu.memory_space<vmem>>
        %dma_start3A_228 = arith.constant 0 : i32
        %dma_start3A_229 = arith.constant 0 : i32
        %dma_start3A_230 = tpu.memref_slice %arg12[%dma_start3A_228, %dma_start3A_229] : memref<25600x32xf32, #tpu.memory_space<vmem_shared>> -> memref<25600x32xf32, #tpu.memory_space<vmem_shared>>
        tpu.enqueue_indirect_dma source(%dma_start3A_224 : memref<128x32xf32, #tpu.memory_space<vmem>>) target(%dma_start3A_230 : memref<25600x32xf32, #tpu.memory_space<vmem_shared>>) offsets(%dma_start3A_227 : memref<128xi32, #tpu.memory_space<vmem>>) semaphore(%run_scoped3A : memref<!tpu.dma_semaphore, #tpu.memory_space<semaphore_mem>>) {add = true}
        %dma_wait3A_231 = arith.constant 128 : i32
        %dma_wait3A_232 = arith.constant 0 : i32
        %dma_wait3A_233 = tpu.memref_slice %arg10[%dma_wait3A_231, %dma_wait3A_232] : memref<640x32xf32, #tpu.memory_space<vmem>> -> memref<128x32xf32, #tpu.memory_space<vmem>>
        %dma_wait3A_234 = arith.constant 0 : i32
        %dma_wait3A_235 = tpu.memref_slice %arg6[%rem3A_202, %dma_wait3A_234] : memref<50x128xi32, #tpu.memory_space<vmem>> -> memref<1x128xi32, #tpu.memory_space<vmem>>
        %dma_wait3A_236 = tpu.memref_squeeze %dma_wait3A_235 : memref<1x128xi32, #tpu.memory_space<vmem>> -> memref<128xi32, #tpu.memory_space<vmem>>
        %dma_wait3A_237 = arith.constant 0 : i32
        %dma_wait3A_238 = arith.constant 0 : i32
        %dma_wait3A_239 = tpu.memref_slice %arg12[%dma_wait3A_237, %dma_wait3A_238] : memref<25600x32xf32, #tpu.memory_space<vmem_shared>> -> memref<25600x32xf32, #tpu.memory_space<vmem_shared>>
        tpu.wait_indirect_dma semaphore(%run_scoped3A : memref<!tpu.dma_semaphore, #tpu.memory_space<semaphore_mem>>) src(%dma_wait3A_233 : memref<128x32xf32, #tpu.memory_space<vmem>>) dst(%dma_wait3A_239 : memref<25600x32xf32, #tpu.memory_space<vmem_shared>>)
        tpu.yield
      }) : () -> ()
      %mul3A_203 = arith.constant 5 : i32
      %mul3A_204 = arith.muli %add3A_190, %mul3A_203 : i32
      %add3A_205 = arith.constant 2 : i32
      %add3A_206 = arith.addi %mul3A_204, %add3A_205 : i32
      %rem3A_207 = arith.constant 50 : i32
      %rem3A_208 = arith.remsi %add3A_206, %rem3A_207 : i32
      "tpu.region"() ({
        %run_scoped3A = tpu.sem_alloc : memref<!tpu.dma_semaphore, #tpu.memory_space<semaphore_mem>>
        %dma_start3A_222 = arith.constant 256 : i32
        %dma_start3A_223 = arith.constant 0 : i32
        %dma_start3A_224 = tpu.memref_slice %arg10[%dma_start3A_222, %dma_start3A_223] : memref<640x32xf32, #tpu.memory_space<vmem>> -> memref<128x32xf32, #tpu.memory_space<vmem>>
        %dma_start3A_225 = arith.constant 0 : i32
        %dma_start3A_226 = tpu.memref_slice %arg6[%rem3A_208, %dma_start3A_225] : memref<50x128xi32, #tpu.memory_space<vmem>> -> memref<1x128xi32, #tpu.memory_space<vmem>>
        %dma_start3A_227 = tpu.memref_squeeze %dma_start3A_226 : memref<1x128xi32, #tpu.memory_space<vmem>> -> memref<128xi32, #tpu.memory_space<vmem>>
        %dma_start3A_228 = arith.constant 0 : i32
        %dma_start3A_229 = arith.constant 0 : i32
        %dma_start3A_230 = tpu.memref_slice %arg12[%dma_start3A_228, %dma_start3A_229] : memref<25600x32xf32, #tpu.memory_space<vmem_shared>> -> memref<25600x32xf32, #tpu.memory_space<vmem_shared>>
        tpu.enqueue_indirect_dma source(%dma_start3A_224 : memref<128x32xf32, #tpu.memory_space<vmem>>) target(%dma_start3A_230 : memref<25600x32xf32, #tpu.memory_space<vmem_shared>>) offsets(%dma_start3A_227 : memref<128xi32, #tpu.memory_space<vmem>>) semaphore(%run_scoped3A : memref<!tpu.dma_semaphore, #tpu.memory_space<semaphore_mem>>) {add = true}
        %dma_wait3A_231 = arith.constant 256 : i32
        %dma_wait3A_232 = arith.constant 0 : i32
        %dma_wait3A_233 = tpu.memref_slice %arg10[%dma_wait3A_231, %dma_wait3A_232] : memref<640x32xf32, #tpu.memory_space<vmem>> -> memref<128x32xf32, #tpu.memory_space<vmem>>
        %dma_wait3A_234 = arith.constant 0 : i32
        %dma_wait3A_235 = tpu.memref_slice %arg6[%rem3A_208, %dma_wait3A_234] : memref<50x128xi32, #tpu.memory_space<vmem>> -> memref<1x128xi32, #tpu.memory_space<vmem>>
        %dma_wait3A_236 = tpu.memref_squeeze %dma_wait3A_235 : memref<1x128xi32, #tpu.memory_space<vmem>> -> memref<128xi32, #tpu.memory_space<vmem>>
        %dma_wait3A_237 = arith.constant 0 : i32
        %dma_wait3A_238 = arith.constant 0 : i32
        %dma_wait3A_239 = tpu.memref_slice %arg12[%dma_wait3A_237, %dma_wait3A_238] : memref<25600x32xf32, #tpu.memory_space<vmem_shared>> -> memref<25600x32xf32, #tpu.memory_space<vmem_shared>>
        tpu.wait_indirect_dma semaphore(%run_scoped3A : memref<!tpu.dma_semaphore, #tpu.memory_space<semaphore_mem>>) src(%dma_wait3A_233 : memref<128x32xf32, #tpu.memory_space<vmem>>) dst(%dma_wait3A_239 : memref<25600x32xf32, #tpu.memory_space<vmem_shared>>)
        tpu.yield
      }) : () -> ()
      %mul3A_209 = arith.constant 5 : i32
      %mul3A_210 = arith.muli %add3A_190, %mul3A_209 : i32
      %add3A_211 = arith.constant 3 : i32
      %add3A_212 = arith.addi %mul3A_210, %add3A_211 : i32
      %rem3A_213 = arith.constant 50 : i32
      %rem3A_214 = arith.remsi %add3A_212, %rem3A_213 : i32
      "tpu.region"() ({
        %run_scoped3A = tpu.sem_alloc : memref<!tpu.dma_semaphore, #tpu.memory_space<semaphore_mem>>
        %dma_start3A_222 = arith.constant 384 : i32
        %dma_start3A_223 = arith.constant 0 : i32
        %dma_start3A_224 = tpu.memref_slice %arg10[%dma_start3A_222, %dma_start3A_223] : memref<640x32xf32, #tpu.memory_space<vmem>> -> memref<128x32xf32, #tpu.memory_space<vmem>>
        %dma_start3A_225 = arith.constant 0 : i32
        %dma_start3A_226 = tpu.memref_slice %arg6[%rem3A_214, %dma_start3A_225] : memref<50x128xi32, #tpu.memory_space<vmem>> -> memref<1x128xi32, #tpu.memory_space<vmem>>
        %dma_start3A_227 = tpu.memref_squeeze %dma_start3A_226 : memref<1x128xi32, #tpu.memory_space<vmem>> -> memref<128xi32, #tpu.memory_space<vmem>>
        %dma_start3A_228 = arith.constant 0 : i32
        %dma_start3A_229 = arith.constant 0 : i32
        %dma_start3A_230 = tpu.memref_slice %arg12[%dma_start3A_228, %dma_start3A_229] : memref<25600x32xf32, #tpu.memory_space<vmem_shared>> -> memref<25600x32xf32, #tpu.memory_space<vmem_shared>>
        tpu.enqueue_indirect_dma source(%dma_start3A_224 : memref<128x32xf32, #tpu.memory_space<vmem>>) target(%dma_start3A_230 : memref<25600x32xf32, #tpu.memory_space<vmem_shared>>) offsets(%dma_start3A_227 : memref<128xi32, #tpu.memory_space<vmem>>) semaphore(%run_scoped3A : memref<!tpu.dma_semaphore, #tpu.memory_space<semaphore_mem>>) {add = true}
        %dma_wait3A_231 = arith.constant 384 : i32
        %dma_wait3A_232 = arith.constant 0 : i32
        %dma_wait3A_233 = tpu.memref_slice %arg10[%dma_wait3A_231, %dma_wait3A_232] : memref<640x32xf32, #tpu.memory_space<vmem>> -> memref<128x32xf32, #tpu.memory_space<vmem>>
        %dma_wait3A_234 = arith.constant 0 : i32
        %dma_wait3A_235 = tpu.memref_slice %arg6[%rem3A_214, %dma_wait3A_234] : memref<50x128xi32, #tpu.memory_space<vmem>> -> memref<1x128xi32, #tpu.memory_space<vmem>>
        %dma_wait3A_236 = tpu.memref_squeeze %dma_wait3A_235 : memref<1x128xi32, #tpu.memory_space<vmem>> -> memref<128xi32, #tpu.memory_space<vmem>>
        %dma_wait3A_237 = arith.constant 0 : i32
        %dma_wait3A_238 = arith.constant 0 : i32
        %dma_wait3A_239 = tpu.memref_slice %arg12[%dma_wait3A_237, %dma_wait3A_238] : memref<25600x32xf32, #tpu.memory_space<vmem_shared>> -> memref<25600x32xf32, #tpu.memory_space<vmem_shared>>
        tpu.wait_indirect_dma semaphore(%run_scoped3A : memref<!tpu.dma_semaphore, #tpu.memory_space<semaphore_mem>>) src(%dma_wait3A_233 : memref<128x32xf32, #tpu.memory_space<vmem>>) dst(%dma_wait3A_239 : memref<25600x32xf32, #tpu.memory_space<vmem_shared>>)
        tpu.yield
      }) : () -> ()
      %mul3A_215 = arith.constant 5 : i32
      %mul3A_216 = arith.muli %add3A_190, %mul3A_215 : i32
      %add3A_217 = arith.constant 4 : i32
      %add3A_218 = arith.addi %mul3A_216, %add3A_217 : i32
      %rem3A_219 = arith.constant 50 : i32
      %rem3A_220 = arith.remsi %add3A_218, %rem3A_219 : i32
      "tpu.region"() ({
        %run_scoped3A = tpu.sem_alloc : memref<!tpu.dma_semaphore, #tpu.memory_space<semaphore_mem>>
        %dma_start3A_222 = arith.constant 512 : i32
        %dma_start3A_223 = arith.constant 0 : i32
        %dma_start3A_224 = tpu.memref_slice %arg10[%dma_start3A_222, %dma_start3A_223] : memref<640x32xf32, #tpu.memory_space<vmem>> -> memref<128x32xf32, #tpu.memory_space<vmem>>
        %dma_start3A_225 = arith.constant 0 : i32
        %dma_start3A_226 = tpu.memref_slice %arg6[%rem3A_220, %dma_start3A_225] : memref<50x128xi32, #tpu.memory_space<vmem>> -> memref<1x128xi32, #tpu.memory_space<vmem>>
        %dma_start3A_227 = tpu.memref_squeeze %dma_start3A_226 : memref<1x128xi32, #tpu.memory_space<vmem>> -> memref<128xi32, #tpu.memory_space<vmem>>
        %dma_start3A_228 = arith.constant 0 : i32
        %dma_start3A_229 = arith.constant 0 : i32
        %dma_start3A_230 = tpu.memref_slice %arg12[%dma_start3A_228, %dma_start3A_229] : memref<25600x32xf32, #tpu.memory_space<vmem_shared>> -> memref<25600x32xf32, #tpu.memory_space<vmem_shared>>
        tpu.enqueue_indirect_dma source(%dma_start3A_224 : memref<128x32xf32, #tpu.memory_space<vmem>>) target(%dma_start3A_230 : memref<25600x32xf32, #tpu.memory_space<vmem_shared>>) offsets(%dma_start3A_227 : memref<128xi32, #tpu.memory_space<vmem>>) semaphore(%run_scoped3A : memref<!tpu.dma_semaphore, #tpu.memory_space<semaphore_mem>>) {add = true}
        %dma_wait3A_231 = arith.constant 512 : i32
        %dma_wait3A_232 = arith.constant 0 : i32
        %dma_wait3A_233 = tpu.memref_slice %arg10[%dma_wait3A_231, %dma_wait3A_232] : memref<640x32xf32, #tpu.memory_space<vmem>> -> memref<128x32xf32, #tpu.memory_space<vmem>>
        %dma_wait3A_234 = arith.constant 0 : i32
        %dma_wait3A_235 = tpu.memref_slice %arg6[%rem3A_220, %dma_wait3A_234] : memref<50x128xi32, #tpu.memory_space<vmem>> -> memref<1x128xi32, #tpu.memory_space<vmem>>
        %dma_wait3A_236 = tpu.memref_squeeze %dma_wait3A_235 : memref<1x128xi32, #tpu.memory_space<vmem>> -> memref<128xi32, #tpu.memory_space<vmem>>
        %dma_wait3A_237 = arith.constant 0 : i32
        %dma_wait3A_238 = arith.constant 0 : i32
        %dma_wait3A_239 = tpu.memref_slice %arg12[%dma_wait3A_237, %dma_wait3A_238] : memref<25600x32xf32, #tpu.memory_space<vmem_shared>> -> memref<25600x32xf32, #tpu.memory_space<vmem_shared>>
        tpu.wait_indirect_dma semaphore(%run_scoped3A : memref<!tpu.dma_semaphore, #tpu.memory_space<semaphore_mem>>) src(%dma_wait3A_233 : memref<128x32xf32, #tpu.memory_space<vmem>>) dst(%dma_wait3A_239 : memref<25600x32xf32, #tpu.memory_space<vmem_shared>>)
        tpu.yield
      }) : () -> ()
      %scan3A_221 = arith.constant 0 : i32
      scf.yield %scan3A_221 : i32
    }
    %scan3A_97 = arith.constant 25 : i32
    %mul3A_98 = arith.constant 1600 : i32
    %mul3A_99 = arith.muli %arg1, %mul3A_98 : i32
    %mul3A_100 = arith.constant 1600 : i32
    %mul3A_101 = arith.muli %add3A, %mul3A_100 : i32
    "tpu.region"() ({
      %run_scoped3A = tpu.sem_alloc : memref<!tpu.dma_semaphore, #tpu.memory_space<semaphore_mem>>
      %dma_start3A_102 = arith.constant 0 : i32
      %dma_start3A_103 = tpu.memref_slice %arg5[%mul3A_101, %dma_start3A_102] : memref<51200x32xf32, #tpu.memory_space<hbm>> -> memref<1600x32xf32, #tpu.memory_space<hbm>>
      %dma_start3A_104 = arith.constant 0 : i32
      %dma_start3A_105 = tpu.memref_slice %arg12[%mul3A_99, %dma_start3A_104] : memref<25600x32xf32, #tpu.memory_space<vmem_shared>> -> memref<1600x32xf32, #tpu.memory_space<vmem_shared>>
      tpu.enqueue_dma source(%dma_start3A_105 : memref<1600x32xf32, #tpu.memory_space<vmem_shared>>) target(%dma_start3A_103 : memref<1600x32xf32, #tpu.memory_space<hbm>>) target_semaphore(%run_scoped3A : memref<!tpu.dma_semaphore, #tpu.memory_space<semaphore_mem>>)
      %dma_wait3A = arith.constant 0 : i32
      %dma_wait3A_106 = tpu.memref_slice %arg5[%mul3A_101, %dma_wait3A] : memref<51200x32xf32, #tpu.memory_space<hbm>> -> memref<1600x32xf32, #tpu.memory_space<hbm>>
      %dma_wait3A_107 = arith.constant 0 : i32
      %dma_wait3A_108 = tpu.memref_slice %arg12[%mul3A_99, %dma_wait3A_107] : memref<25600x32xf32, #tpu.memory_space<vmem_shared>> -> memref<1600x32xf32, #tpu.memory_space<vmem_shared>>
      tpu.wait_dma2 semaphore(%run_scoped3A : memref<!tpu.dma_semaphore, #tpu.memory_space<semaphore_mem>>) src(%dma_wait3A_108 : memref<1600x32xf32, #tpu.memory_space<vmem_shared>>) dst(%dma_wait3A_106 : memref<1600x32xf32, #tpu.memory_space<hbm>>)
      tpu.yield
    }) : () -> ()
    return
  }
}

#map = affine_map<(d0, d1) -> (0, 0)>
#map1 = affine_map<(d0, d1) -> (0)>
#map2 = affine_map<(d0, d1) -> (0, 0, 0)>
module attributes {stable_mosaic.version = 14 : i64} {
  func.func @k(%arg0: i32, %arg1: i32, %arg2: memref<100000x32xf32, #tpu.memory_space<hbm>>, %arg3: memref<1024000xi32, #tpu.memory_space<hbm>>, %arg4: memref<16x50x128xi32, #tpu.memory_space<hbm>>, %arg5: memref<51200x32xf32, #tpu.memory_space<hbm>>, %arg6: memref<50x128xi32, #tpu.memory_space<vmem>>, %arg7: memref<640xi32, #tpu.memory_space<vmem>>, %arg8: memref<640xi32, #tpu.memory_space<vmem>>, %arg9: memref<640x32xf32, #tpu.memory_space<vmem>>, %arg10: memref<640x32xf32, #tpu.memory_space<vmem>>, %arg11: memref<160x32xf32, #tpu.memory_space<vmem>>, %arg12: memref<25600x32xf32, #tpu.memory_space<vmem_shared>>, %arg13: memref<!tpu.dma_semaphore, #tpu.memory_space<semaphore_mem>>) attributes {dimension_semantics = [#tpu.dimension_semantics<core_parallel>, #tpu.dimension_semantics<subcore_parallel>], iteration_bounds = array<i64: 2, 16>, scalar_prefetch = 0 : i64, scratch_operands = 8 : i64, tpu.core_type = #tpu.core_type<sc_vector_subcore>, window_params = [{transform_indices = #map}, {transform_indices = #map1}, {transform_indices = #map2}, {transform_indices = #map}]} {
    %mul3A = arith.constant 16 : i32
    %mul3A_0 = arith.muli %arg0, %mul3A : i32
    %add3A = arith.addi %mul3A_0, %arg1 : i32
    "tpu.region"() ({
      %run_scoped3A = tpu.sem_alloc : memref<!tpu.dma_semaphore, #tpu.memory_space<semaphore_mem>>
      %dma_start3A_102 = arith.constant 0 : i32
      %dma_start3A_103 = arith.constant 0 : i32
      %dma_start3A_104 = tpu.memref_slice %arg4[%arg1, %dma_start3A_102, %dma_start3A_103] : memref<16x50x128xi32, #tpu.memory_space<hbm>> -> memref<1x50x128xi32, #tpu.memory_space<hbm>>
      %dma_start3A_105 = tpu.memref_squeeze %dma_start3A_104 : memref<1x50x128xi32, #tpu.memory_space<hbm>> -> memref<50x128xi32, #tpu.memory_space<hbm>>
      %dma_start3A_106 = arith.constant 0 : i32
      %dma_start3A_107 = arith.constant 0 : i32
      %dma_start3A_108 = tpu.memref_slice %arg4[%arg1, %dma_start3A_106, %dma_start3A_107] : memref<16x50x128xi32, #tpu.memory_space<hbm>> -> memref<1x50x128xi32, #tpu.memory_space<hbm>>
      %dma_start3A_109 = tpu.memref_squeeze %dma_start3A_108 : memref<1x50x128xi32, #tpu.memory_space<hbm>> -> memref<50x128xi32, #tpu.memory_space<hbm>>
      tpu.enqueue_dma source(%dma_start3A_109 : memref<50x128xi32, #tpu.memory_space<hbm>>) target(%arg6 : memref<50x128xi32, #tpu.memory_space<vmem>>) target_semaphore(%run_scoped3A : memref<!tpu.dma_semaphore, #tpu.memory_space<semaphore_mem>>)
      %dma_wait3A = arith.constant 0 : i32
      %dma_wait3A_110 = arith.constant 0 : i32
      %dma_wait3A_111 = tpu.memref_slice %arg4[%arg1, %dma_wait3A, %dma_wait3A_110] : memref<16x50x128xi32, #tpu.memory_space<hbm>> -> memref<1x50x128xi32, #tpu.memory_space<hbm>>
      %dma_wait3A_112 = tpu.memref_squeeze %dma_wait3A_111 : memref<1x50x128xi32, #tpu.memory_space<hbm>> -> memref<50x128xi32, #tpu.memory_space<hbm>>
      %dma_wait3A_113 = arith.constant 0 : i32
      %dma_wait3A_114 = arith.constant 0 : i32
      %dma_wait3A_115 = tpu.memref_slice %arg4[%arg1, %dma_wait3A_113, %dma_wait3A_114] : memref<16x50x128xi32, #tpu.memory_space<hbm>> -> memref<1x50x128xi32, #tpu.memory_space<hbm>>
      %dma_wait3A_116 = tpu.memref_squeeze %dma_wait3A_115 : memref<1x50x128xi32, #tpu.memory_space<hbm>> -> memref<50x128xi32, #tpu.memory_space<hbm>>
      tpu.wait_dma2 semaphore(%run_scoped3A : memref<!tpu.dma_semaphore, #tpu.memory_space<semaphore_mem>>) src(%dma_wait3A_116 : memref<50x128xi32, #tpu.memory_space<hbm>>) dst(%arg6 : memref<50x128xi32, #tpu.memory_space<vmem>>)
      tpu.yield
    }) : () -> ()
    %mul3A_1 = arith.constant 32000 : i32
    %mul3A_2 = arith.muli %add3A, %mul3A_1 : i32
    %add3A_3 = arith.constant 0 : i32
    %add3A_4 = arith.addi %mul3A_2, %add3A_3 : i32
    "tpu.region"() ({
      %run_scoped3A = tpu.sem_alloc : memref<!tpu.dma_semaphore, #tpu.memory_space<semaphore_mem>>
      %dma_start3A_102 = tpu.memref_slice %arg3[%add3A_4] : memref<1024000xi32, #tpu.memory_space<hbm>> -> memref<640xi32, #tpu.memory_space<hbm>>
      %dma_start3A_103 = tpu.memref_slice %arg3[%add3A_4] : memref<1024000xi32, #tpu.memory_space<hbm>> -> memref<640xi32, #tpu.memory_space<hbm>>
      tpu.enqueue_dma source(%dma_start3A_103 : memref<640xi32, #tpu.memory_space<hbm>>) target(%arg7 : memref<640xi32, #tpu.memory_space<vmem>>) target_semaphore(%run_scoped3A : memref<!tpu.dma_semaphore, #tpu.memory_space<semaphore_mem>>)
      %dma_wait3A = tpu.memref_slice %arg3[%add3A_4] : memref<1024000xi32, #tpu.memory_space<hbm>> -> memref<640xi32, #tpu.memory_space<hbm>>
      %dma_wait3A_104 = tpu.memref_slice %arg3[%add3A_4] : memref<1024000xi32, #tpu.memory_space<hbm>> -> memref<640xi32, #tpu.memory_space<hbm>>
      tpu.wait_dma2 semaphore(%run_scoped3A : memref<!tpu.dma_semaphore, #tpu.memory_space<semaphore_mem>>) src(%dma_wait3A_104 : memref<640xi32, #tpu.memory_space<hbm>>) dst(%arg7 : memref<640xi32, #tpu.memory_space<vmem>>)
      tpu.yield
    }) : () -> ()
    %dma_start3A = arith.constant 0 : i32
    %dma_start3A_5 = arith.constant 0 : i32
    %dma_start3A_6 = tpu.memref_slice %arg9[%dma_start3A, %dma_start3A_5] : memref<640x32xf32, #tpu.memory_space<vmem>> -> memref<128x32xf32, #tpu.memory_space<vmem>>
    %dma_start3A_7 = arith.constant 0 : i32
    %dma_start3A_8 = tpu.memref_slice %arg7[%dma_start3A_7] : memref<640xi32, #tpu.memory_space<vmem>> -> memref<128xi32, #tpu.memory_space<vmem>>
    %dma_start3A_9 = arith.constant 0 : i32
    %dma_start3A_10 = arith.constant 0 : i32
    %dma_start3A_11 = tpu.memref_slice %arg2[%dma_start3A_9, %dma_start3A_10] : memref<100000x32xf32, #tpu.memory_space<hbm>> -> memref<100000x32xf32, #tpu.memory_space<hbm>>
    tpu.enqueue_indirect_dma source(%dma_start3A_11 : memref<100000x32xf32, #tpu.memory_space<hbm>>) target(%dma_start3A_6 : memref<128x32xf32, #tpu.memory_space<vmem>>) offsets(%dma_start3A_8 : memref<128xi32, #tpu.memory_space<vmem>>) semaphore(%arg13 : memref<!tpu.dma_semaphore, #tpu.memory_space<semaphore_mem>>)
    %dma_start3A_12 = arith.constant 128 : i32
    %dma_start3A_13 = arith.constant 0 : i32
    %dma_start3A_14 = tpu.memref_slice %arg9[%dma_start3A_12, %dma_start3A_13] : memref<640x32xf32, #tpu.memory_space<vmem>> -> memref<128x32xf32, #tpu.memory_space<vmem>>
    %dma_start3A_15 = arith.constant 128 : i32
    %dma_start3A_16 = tpu.memref_slice %arg7[%dma_start3A_15] : memref<640xi32, #tpu.memory_space<vmem>> -> memref<128xi32, #tpu.memory_space<vmem>>
    %dma_start3A_17 = arith.constant 0 : i32
    %dma_start3A_18 = arith.constant 0 : i32
    %dma_start3A_19 = tpu.memref_slice %arg2[%dma_start3A_17, %dma_start3A_18] : memref<100000x32xf32, #tpu.memory_space<hbm>> -> memref<100000x32xf32, #tpu.memory_space<hbm>>
    tpu.enqueue_indirect_dma source(%dma_start3A_19 : memref<100000x32xf32, #tpu.memory_space<hbm>>) target(%dma_start3A_14 : memref<128x32xf32, #tpu.memory_space<vmem>>) offsets(%dma_start3A_16 : memref<128xi32, #tpu.memory_space<vmem>>) semaphore(%arg13 : memref<!tpu.dma_semaphore, #tpu.memory_space<semaphore_mem>>)
    %dma_start3A_20 = arith.constant 256 : i32
    %dma_start3A_21 = arith.constant 0 : i32
    %dma_start3A_22 = tpu.memref_slice %arg9[%dma_start3A_20, %dma_start3A_21] : memref<640x32xf32, #tpu.memory_space<vmem>> -> memref<128x32xf32, #tpu.memory_space<vmem>>
    %dma_start3A_23 = arith.constant 256 : i32
    %dma_start3A_24 = tpu.memref_slice %arg7[%dma_start3A_23] : memref<640xi32, #tpu.memory_space<vmem>> -> memref<128xi32, #tpu.memory_space<vmem>>
    %dma_start3A_25 = arith.constant 0 : i32
    %dma_start3A_26 = arith.constant 0 : i32
    %dma_start3A_27 = tpu.memref_slice %arg2[%dma_start3A_25, %dma_start3A_26] : memref<100000x32xf32, #tpu.memory_space<hbm>> -> memref<100000x32xf32, #tpu.memory_space<hbm>>
    tpu.enqueue_indirect_dma source(%dma_start3A_27 : memref<100000x32xf32, #tpu.memory_space<hbm>>) target(%dma_start3A_22 : memref<128x32xf32, #tpu.memory_space<vmem>>) offsets(%dma_start3A_24 : memref<128xi32, #tpu.memory_space<vmem>>) semaphore(%arg13 : memref<!tpu.dma_semaphore, #tpu.memory_space<semaphore_mem>>)
    %dma_start3A_28 = arith.constant 384 : i32
    %dma_start3A_29 = arith.constant 0 : i32
    %dma_start3A_30 = tpu.memref_slice %arg9[%dma_start3A_28, %dma_start3A_29] : memref<640x32xf32, #tpu.memory_space<vmem>> -> memref<128x32xf32, #tpu.memory_space<vmem>>
    %dma_start3A_31 = arith.constant 384 : i32
    %dma_start3A_32 = tpu.memref_slice %arg7[%dma_start3A_31] : memref<640xi32, #tpu.memory_space<vmem>> -> memref<128xi32, #tpu.memory_space<vmem>>
    %dma_start3A_33 = arith.constant 0 : i32
    %dma_start3A_34 = arith.constant 0 : i32
    %dma_start3A_35 = tpu.memref_slice %arg2[%dma_start3A_33, %dma_start3A_34] : memref<100000x32xf32, #tpu.memory_space<hbm>> -> memref<100000x32xf32, #tpu.memory_space<hbm>>
    tpu.enqueue_indirect_dma source(%dma_start3A_35 : memref<100000x32xf32, #tpu.memory_space<hbm>>) target(%dma_start3A_30 : memref<128x32xf32, #tpu.memory_space<vmem>>) offsets(%dma_start3A_32 : memref<128xi32, #tpu.memory_space<vmem>>) semaphore(%arg13 : memref<!tpu.dma_semaphore, #tpu.memory_space<semaphore_mem>>)
    %dma_start3A_36 = arith.constant 512 : i32
    %dma_start3A_37 = arith.constant 0 : i32
    %dma_start3A_38 = tpu.memref_slice %arg9[%dma_start3A_36, %dma_start3A_37] : memref<640x32xf32, #tpu.memory_space<vmem>> -> memref<128x32xf32, #tpu.memory_space<vmem>>
    %dma_start3A_39 = arith.constant 512 : i32
    %dma_start3A_40 = tpu.memref_slice %arg7[%dma_start3A_39] : memref<640xi32, #tpu.memory_space<vmem>> -> memref<128xi32, #tpu.memory_space<vmem>>
    %dma_start3A_41 = arith.constant 0 : i32
    %dma_start3A_42 = arith.constant 0 : i32
    %dma_start3A_43 = tpu.memref_slice %arg2[%dma_start3A_41, %dma_start3A_42] : memref<100000x32xf32, #tpu.memory_space<hbm>> -> memref<100000x32xf32, #tpu.memory_space<hbm>>
    tpu.enqueue_indirect_dma source(%dma_start3A_43 : memref<100000x32xf32, #tpu.memory_space<hbm>>) target(%dma_start3A_38 : memref<128x32xf32, #tpu.memory_space<vmem>>) offsets(%dma_start3A_40 : memref<128xi32, #tpu.memory_space<vmem>>) semaphore(%arg13 : memref<!tpu.dma_semaphore, #tpu.memory_space<semaphore_mem>>)
    %broadcast_in_dim3A = arith.constant 0.000000e+00 : f32
    %broadcast_in_dim3A_44 = vector.broadcast %broadcast_in_dim3A : f32 to vector<16xf32>
    %scan3A = arith.constant 0 : i32
    %scan3A_45 = arith.constant 0 : i32
    %scan3A_46 = arith.constant 160 : i32
    %scan3A_47 = arith.addi %scan3A_45, %scan3A_46 : i32
    %scan3A_48 = arith.constant 1 : i32
    %scan3A_49 = scf.for %scan3A_102 = %scan3A_45 to %scan3A_47 step %scan3A_48 iter_args(%scan3A_103 = %scan3A) -> (i32)  : i32 {
      %swap3A = arith.index_cast %scan3A_102 : i32 to index
      %swap3A_104 = arith.constant 0 : index
      %swap3A_105 = tpu.vector_load %arg11[%swap3A, %swap3A_104] {strides = array<i32>} : memref<160x32xf32, #tpu.memory_space<vmem>>, vector<1x16xf32>,
      %swap3A_106 = vector.shape_cast %swap3A_105 : vector<1x16xf32> to vector<16xf32>
      %swap3A_107 = vector.shape_cast %broadcast_in_dim3A_44 : vector<16xf32> to vector<1x16xf32>
      tpu.vector_store %arg11[%swap3A, %swap3A_104], %swap3A_107 {strides = array<i32>} : memref<160x32xf32, #tpu.memory_space<vmem>>, vector<1x16xf32>,
      %swap3A_108 = arith.index_cast %scan3A_102 : i32 to index
      %swap3A_109 = arith.constant 16 : index
      %swap3A_110 = tpu.vector_load %arg11[%swap3A_108, %swap3A_109] {strides = array<i32>} : memref<160x32xf32, #tpu.memory_space<vmem>>, vector<1x16xf32>,
      %swap3A_111 = vector.shape_cast %swap3A_110 : vector<1x16xf32> to vector<16xf32>
      %swap3A_112 = vector.shape_cast %broadcast_in_dim3A_44 : vector<16xf32> to vector<1x16xf32>
      tpu.vector_store %arg11[%swap3A_108, %swap3A_109], %swap3A_112 {strides = array<i32>} : memref<160x32xf32, #tpu.memory_space<vmem>>, vector<1x16xf32>,
      %scan3A_113 = arith.constant 0 : i32
      scf.yield %scan3A_113 : i32
    }
    %scan3A_50 = arith.constant 160 : i32
    %mul3A_51 = arith.constant 1600 : i32
    %mul3A_52 = arith.muli %arg1, %mul3A_51 : i32
    %add3A_53 = arith.constant 0 : i32
    %add3A_54 = arith.addi %mul3A_52, %add3A_53 : i32
    "tpu.region"() ({
      %run_scoped3A = tpu.sem_alloc : memref<!tpu.dma_semaphore, #tpu.memory_space<semaphore_mem>>
      %dma_start3A_102 = arith.constant 0 : i32
      %dma_start3A_103 = tpu.memref_slice %arg12[%add3A_54, %dma_start3A_102] : memref<25600x32xf32, #tpu.memory_space<vmem_shared>> -> memref<160x32xf32, #tpu.memory_space<vmem_shared>>
      %dma_start3A_104 = arith.constant 0 : i32
      %dma_start3A_105 = tpu.memref_slice %arg12[%add3A_54, %dma_start3A_104] : memref<25600x32xf32, #tpu.memory_space<vmem_shared>> -> memref<160x32xf32, #tpu.memory_space<vmem_shared>>
      tpu.enqueue_dma source(%arg11 : memref<160x32xf32, #tpu.memory_space<vmem>>) target(%dma_start3A_105 : memref<160x32xf32, #tpu.memory_space<vmem_shared>>) target_semaphore(%run_scoped3A : memref<!tpu.dma_semaphore, #tpu.memory_space<semaphore_mem>>)
      %dma_wait3A = arith.constant 0 : i32
      %dma_wait3A_106 = tpu.memref_slice %arg12[%add3A_54, %dma_wait3A] : memref<25600x32xf32, #tpu.memory_space<vmem_shared>> -> memref<160x32xf32, #tpu.memory_space<vmem_shared>>
      %dma_wait3A_107 = arith.constant 0 : i32
      %dma_wait3A_108 = tpu.memref_slice %arg12[%add3A_54, %dma_wait3A_107] : memref<25600x32xf32, #tpu.memory_space<vmem_shared>> -> memref<160x32xf32, #tpu.memory_space<vmem_shared>>
      tpu.wait_dma2 semaphore(%run_scoped3A : memref<!tpu.dma_semaphore, #tpu.memory_space<semaphore_mem>>) src(%arg11 : memref<160x32xf32, #tpu.memory_space<vmem>>) dst(%dma_wait3A_108 : memref<160x32xf32, #tpu.memory_space<vmem_shared>>)
      tpu.yield
    }) : () -> ()
    %mul3A_55 = arith.constant 1600 : i32
    %mul3A_56 = arith.muli %arg1, %mul3A_55 : i32
    %add3A_57 = arith.constant 160 : i32
    %add3A_58 = arith.addi %mul3A_56, %add3A_57 : i32
    "tpu.region"() ({
      %run_scoped3A = tpu.sem_alloc : memref<!tpu.dma_semaphore, #tpu.memory_space<semaphore_mem>>
      %dma_start3A_102 = arith.constant 0 : i32
      %dma_start3A_103 = tpu.memref_slice %arg12[%add3A_58, %dma_start3A_102] : memref<25600x32xf32, #tpu.memory_space<vmem_shared>> -> memref<160x32xf32, #tpu.memory_space<vmem_shared>>
      %dma_start3A_104 = arith.constant 0 : i32
      %dma_start3A_105 = tpu.memref_slice %arg12[%add3A_58, %dma_start3A_104] : memref<25600x32xf32, #tpu.memory_space<vmem_shared>> -> memref<160x32xf32, #tpu.memory_space<vmem_shared>>
      tpu.enqueue_dma source(%arg11 : memref<160x32xf32, #tpu.memory_space<vmem>>) target(%dma_start3A_105 : memref<160x32xf32, #tpu.memory_space<vmem_shared>>) target_semaphore(%run_scoped3A : memref<!tpu.dma_semaphore, #tpu.memory_space<semaphore_mem>>)
      %dma_wait3A = arith.constant 0 : i32
      %dma_wait3A_106 = tpu.memref_slice %arg12[%add3A_58, %dma_wait3A] : memref<25600x32xf32, #tpu.memory_space<vmem_shared>> -> memref<160x32xf32, #tpu.memory_space<vmem_shared>>
      %dma_wait3A_107 = arith.constant 0 : i32
      %dma_wait3A_108 = tpu.memref_slice %arg12[%add3A_58, %dma_wait3A_107] : memref<25600x32xf32, #tpu.memory_space<vmem_shared>> -> memref<160x32xf32, #tpu.memory_space<vmem_shared>>
      tpu.wait_dma2 semaphore(%run_scoped3A : memref<!tpu.dma_semaphore, #tpu.memory_space<semaphore_mem>>) src(%arg11 : memref<160x32xf32, #tpu.memory_space<vmem>>) dst(%dma_wait3A_108 : memref<160x32xf32, #tpu.memory_space<vmem_shared>>)
      tpu.yield
    }) : () -> ()
    %mul3A_59 = arith.constant 1600 : i32
    %mul3A_60 = arith.muli %arg1, %mul3A_59 : i32
    %add3A_61 = arith.constant 320 : i32
    %add3A_62 = arith.addi %mul3A_60, %add3A_61 : i32
    "tpu.region"() ({
      %run_scoped3A = tpu.sem_alloc : memref<!tpu.dma_semaphore, #tpu.memory_space<semaphore_mem>>
      %dma_start3A_102 = arith.constant 0 : i32
      %dma_start3A_103 = tpu.memref_slice %arg12[%add3A_62, %dma_start3A_102] : memref<25600x32xf32, #tpu.memory_space<vmem_shared>> -> memref<160x32xf32, #tpu.memory_space<vmem_shared>>
      %dma_start3A_104 = arith.constant 0 : i32
      %dma_start3A_105 = tpu.memref_slice %arg12[%add3A_62, %dma_start3A_104] : memref<25600x32xf32, #tpu.memory_space<vmem_shared>> -> memref<160x32xf32, #tpu.memory_space<vmem_shared>>
      tpu.enqueue_dma source(%arg11 : memref<160x32xf32, #tpu.memory_space<vmem>>) target(%dma_start3A_105 : memref<160x32xf32, #tpu.memory_space<vmem_shared>>) target_semaphore(%run_scoped3A : memref<!tpu.dma_semaphore, #tpu.memory_space<semaphore_mem>>)
      %dma_wait3A = arith.constant 0 : i32
      %dma_wait3A_106 = tpu.memref_slice %arg12[%add3A_62, %dma_wait3A] : memref<25600x32xf32, #tpu.memory_space<vmem_shared>> -> memref<160x32xf32, #tpu.memory_space<vmem_shared>>
      %dma_wait3A_107 = arith.constant 0 : i32
      %dma_wait3A_108 = tpu.memref_slice %arg12[%add3A_62, %dma_wait3A_107] : memref<25600x32xf32, #tpu.memory_space<vmem_shared>> -> memref<160x32xf32, #tpu.memory_space<vmem_shared>>
      tpu.wait_dma2 semaphore(%run_scoped3A : memref<!tpu.dma_semaphore, #tpu.memory_space<semaphore_mem>>) src(%arg11 : memref<160x32xf32, #tpu.memory_space<vmem>>) dst(%dma_wait3A_108 : memref<160x32xf32, #tpu.memory_space<vmem_shared>>)
      tpu.yield
    }) : () -> ()
    %mul3A_63 = arith.constant 1600 : i32
    %mul3A_64 = arith.muli %arg1, %mul3A_63 : i32
    %add3A_65 = arith.constant 480 : i32
    %add3A_66 = arith.addi %mul3A_64, %add3A_65 : i32
    "tpu.region"() ({
      %run_scoped3A = tpu.sem_alloc : memref<!tpu.dma_semaphore, #tpu.memory_space<semaphore_mem>>
      %dma_start3A_102 = arith.constant 0 : i32
      %dma_start3A_103 = tpu.memref_slice %arg12[%add3A_66, %dma_start3A_102] : memref<25600x32xf32, #tpu.memory_space<vmem_shared>> -> memref<160x32xf32, #tpu.memory_space<vmem_shared>>
      %dma_start3A_104 = arith.constant 0 : i32
      %dma_start3A_105 = tpu.memref_slice %arg12[%add3A_66, %dma_start3A_104] : memref<25600x32xf32, #tpu.memory_space<vmem_shared>> -> memref<160x32xf32, #tpu.memory_space<vmem_shared>>
      tpu.enqueue_dma source(%arg11 : memref<160x32xf32, #tpu.memory_space<vmem>>) target(%dma_start3A_105 : memref<160x32xf32, #tpu.memory_space<vmem_shared>>) target_semaphore(%run_scoped3A : memref<!tpu.dma_semaphore, #tpu.memory_space<semaphore_mem>>)
      %dma_wait3A = arith.constant 0 : i32
      %dma_wait3A_106 = tpu.memref_slice %arg12[%add3A_66, %dma_wait3A] : memref<25600x32xf32, #tpu.memory_space<vmem_shared>> -> memref<160x32xf32, #tpu.memory_space<vmem_shared>>
      %dma_wait3A_107 = arith.constant 0 : i32
      %dma_wait3A_108 = tpu.memref_slice %arg12[%add3A_66, %dma_wait3A_107] : memref<25600x32xf32, #tpu.memory_space<vmem_shared>> -> memref<160x32xf32, #tpu.memory_space<vmem_shared>>
      tpu.wait_dma2 semaphore(%run_scoped3A : memref<!tpu.dma_semaphore, #tpu.memory_space<semaphore_mem>>) src(%arg11 : memref<160x32xf32, #tpu.memory_space<vmem>>) dst(%dma_wait3A_108 : memref<160x32xf32, #tpu.memory_space<vmem_shared>>)
      tpu.yield
    }) : () -> ()
    %mul3A_67 = arith.constant 1600 : i32
    %mul3A_68 = arith.muli %arg1, %mul3A_67 : i32
    %add3A_69 = arith.constant 640 : i32
    %add3A_70 = arith.addi %mul3A_68, %add3A_69 : i32
    "tpu.region"() ({
      %run_scoped3A = tpu.sem_alloc : memref<!tpu.dma_semaphore, #tpu.memory_space<semaphore_mem>>
      %dma_start3A_102 = arith.constant 0 : i32
      %dma_start3A_103 = tpu.memref_slice %arg12[%add3A_70, %dma_start3A_102] : memref<25600x32xf32, #tpu.memory_space<vmem_shared>> -> memref<160x32xf32, #tpu.memory_space<vmem_shared>>
      %dma_start3A_104 = arith.constant 0 : i32
      %dma_start3A_105 = tpu.memref_slice %arg12[%add3A_70, %dma_start3A_104] : memref<25600x32xf32, #tpu.memory_space<vmem_shared>> -> memref<160x32xf32, #tpu.memory_space<vmem_shared>>
      tpu.enqueue_dma source(%arg11 : memref<160x32xf32, #tpu.memory_space<vmem>>) target(%dma_start3A_105 : memref<160x32xf32, #tpu.memory_space<vmem_shared>>) target_semaphore(%run_scoped3A : memref<!tpu.dma_semaphore, #tpu.memory_space<semaphore_mem>>)
      %dma_wait3A = arith.constant 0 : i32
      %dma_wait3A_106 = tpu.memref_slice %arg12[%add3A_70, %dma_wait3A] : memref<25600x32xf32, #tpu.memory_space<vmem_shared>> -> memref<160x32xf32, #tpu.memory_space<vmem_shared>>
      %dma_wait3A_107 = arith.constant 0 : i32
      %dma_wait3A_108 = tpu.memref_slice %arg12[%add3A_70, %dma_wait3A_107] : memref<25600x32xf32, #tpu.memory_space<vmem_shared>> -> memref<160x32xf32, #tpu.memory_space<vmem_shared>>
      tpu.wait_dma2 semaphore(%run_scoped3A : memref<!tpu.dma_semaphore, #tpu.memory_space<semaphore_mem>>) src(%arg11 : memref<160x32xf32, #tpu.memory_space<vmem>>) dst(%dma_wait3A_108 : memref<160x32xf32, #tpu.memory_space<vmem_shared>>)
      tpu.yield
    }) : () -> ()
    %mul3A_71 = arith.constant 1600 : i32
    %mul3A_72 = arith.muli %arg1, %mul3A_71 : i32
    %add3A_73 = arith.constant 800 : i32
    %add3A_74 = arith.addi %mul3A_72, %add3A_73 : i32
    "tpu.region"() ({
      %run_scoped3A = tpu.sem_alloc : memref<!tpu.dma_semaphore, #tpu.memory_space<semaphore_mem>>
      %dma_start3A_102 = arith.constant 0 : i32
      %dma_start3A_103 = tpu.memref_slice %arg12[%add3A_74, %dma_start3A_102] : memref<25600x32xf32, #tpu.memory_space<vmem_shared>> -> memref<160x32xf32, #tpu.memory_space<vmem_shared>>
      %dma_start3A_104 = arith.constant 0 : i32
      %dma_start3A_105 = tpu.memref_slice %arg12[%add3A_74, %dma_start3A_104] : memref<25600x32xf32, #tpu.memory_space<vmem_shared>> -> memref<160x32xf32, #tpu.memory_space<vmem_shared>>
      tpu.enqueue_dma source(%arg11 : memref<160x32xf32, #tpu.memory_space<vmem>>) target(%dma_start3A_105 : memref<160x32xf32, #tpu.memory_space<vmem_shared>>) target_semaphore(%run_scoped3A : memref<!tpu.dma_semaphore, #tpu.memory_space<semaphore_mem>>)
      %dma_wait3A = arith.constant 0 : i32
      %dma_wait3A_106 = tpu.memref_slice %arg12[%add3A_74, %dma_wait3A] : memref<25600x32xf32, #tpu.memory_space<vmem_shared>> -> memref<160x32xf32, #tpu.memory_space<vmem_shared>>
      %dma_wait3A_107 = arith.constant 0 : i32
      %dma_wait3A_108 = tpu.memref_slice %arg12[%add3A_74, %dma_wait3A_107] : memref<25600x32xf32, #tpu.memory_space<vmem_shared>> -> memref<160x32xf32, #tpu.memory_space<vmem_shared>>
      tpu.wait_dma2 semaphore(%run_scoped3A : memref<!tpu.dma_semaphore, #tpu.memory_space<semaphore_mem>>) src(%arg11 : memref<160x32xf32, #tpu.memory_space<vmem>>) dst(%dma_wait3A_108 : memref<160x32xf32, #tpu.memory_space<vmem_shared>>)
      tpu.yield
    }) : () -> ()
    %mul3A_75 = arith.constant 1600 : i32
    %mul3A_76 = arith.muli %arg1, %mul3A_75 : i32
    %add3A_77 = arith.constant 960 : i32
    %add3A_78 = arith.addi %mul3A_76, %add3A_77 : i32
    "tpu.region"() ({
      %run_scoped3A = tpu.sem_alloc : memref<!tpu.dma_semaphore, #tpu.memory_space<semaphore_mem>>
      %dma_start3A_102 = arith.constant 0 : i32
      %dma_start3A_103 = tpu.memref_slice %arg12[%add3A_78, %dma_start3A_102] : memref<25600x32xf32, #tpu.memory_space<vmem_shared>> -> memref<160x32xf32, #tpu.memory_space<vmem_shared>>
      %dma_start3A_104 = arith.constant 0 : i32
      %dma_start3A_105 = tpu.memref_slice %arg12[%add3A_78, %dma_start3A_104] : memref<25600x32xf32, #tpu.memory_space<vmem_shared>> -> memref<160x32xf32, #tpu.memory_space<vmem_shared>>
      tpu.enqueue_dma source(%arg11 : memref<160x32xf32, #tpu.memory_space<vmem>>) target(%dma_start3A_105 : memref<160x32xf32, #tpu.memory_space<vmem_shared>>) target_semaphore(%run_scoped3A : memref<!tpu.dma_semaphore, #tpu.memory_space<semaphore_mem>>)
      %dma_wait3A = arith.constant 0 : i32
      %dma_wait3A_106 = tpu.memref_slice %arg12[%add3A_78, %dma_wait3A] : memref<25600x32xf32, #tpu.memory_space<vmem_shared>> -> memref<160x32xf32, #tpu.memory_space<vmem_shared>>
      %dma_wait3A_107 = arith.constant 0 : i32
      %dma_wait3A_108 = tpu.memref_slice %arg12[%add3A_78, %dma_wait3A_107] : memref<25600x32xf32, #tpu.memory_space<vmem_shared>> -> memref<160x32xf32, #tpu.memory_space<vmem_shared>>
      tpu.wait_dma2 semaphore(%run_scoped3A : memref<!tpu.dma_semaphore, #tpu.memory_space<semaphore_mem>>) src(%arg11 : memref<160x32xf32, #tpu.memory_space<vmem>>) dst(%dma_wait3A_108 : memref<160x32xf32, #tpu.memory_space<vmem_shared>>)
      tpu.yield
    }) : () -> ()
    %mul3A_79 = arith.constant 1600 : i32
    %mul3A_80 = arith.muli %arg1, %mul3A_79 : i32
    %add3A_81 = arith.constant 1120 : i32
    %add3A_82 = arith.addi %mul3A_80, %add3A_81 : i32
    "tpu.region"() ({
      %run_scoped3A = tpu.sem_alloc : memref<!tpu.dma_semaphore, #tpu.memory_space<semaphore_mem>>
      %dma_start3A_102 = arith.constant 0 : i32
      %dma_start3A_103 = tpu.memref_slice %arg12[%add3A_82, %dma_start3A_102] : memref<25600x32xf32, #tpu.memory_space<vmem_shared>> -> memref<160x32xf32, #tpu.memory_space<vmem_shared>>
      %dma_start3A_104 = arith.constant 0 : i32
      %dma_start3A_105 = tpu.memref_slice %arg12[%add3A_82, %dma_start3A_104] : memref<25600x32xf32, #tpu.memory_space<vmem_shared>> -> memref<160x32xf32, #tpu.memory_space<vmem_shared>>
      tpu.enqueue_dma source(%arg11 : memref<160x32xf32, #tpu.memory_space<vmem>>) target(%dma_start3A_105 : memref<160x32xf32, #tpu.memory_space<vmem_shared>>) target_semaphore(%run_scoped3A : memref<!tpu.dma_semaphore, #tpu.memory_space<semaphore_mem>>)
      %dma_wait3A = arith.constant 0 : i32
      %dma_wait3A_106 = tpu.memref_slice %arg12[%add3A_82, %dma_wait3A] : memref<25600x32xf32, #tpu.memory_space<vmem_shared>> -> memref<160x32xf32, #tpu.memory_space<vmem_shared>>
      %dma_wait3A_107 = arith.constant 0 : i32
      %dma_wait3A_108 = tpu.memref_slice %arg12[%add3A_82, %dma_wait3A_107] : memref<25600x32xf32, #tpu.memory_space<vmem_shared>> -> memref<160x32xf32, #tpu.memory_space<vmem_shared>>
      tpu.wait_dma2 semaphore(%run_scoped3A : memref<!tpu.dma_semaphore, #tpu.memory_space<semaphore_mem>>) src(%arg11 : memref<160x32xf32, #tpu.memory_space<vmem>>) dst(%dma_wait3A_108 : memref<160x32xf32, #tpu.memory_space<vmem_shared>>)
      tpu.yield
    }) : () -> ()
    %mul3A_83 = arith.constant 1600 : i32
    %mul3A_84 = arith.muli %arg1, %mul3A_83 : i32
    %add3A_85 = arith.constant 1280 : i32
    %add3A_86 = arith.addi %mul3A_84, %add3A_85 : i32
    "tpu.region"() ({
      %run_scoped3A = tpu.sem_alloc : memref<!tpu.dma_semaphore, #tpu.memory_space<semaphore_mem>>
      %dma_start3A_102 = arith.constant 0 : i32
      %dma_start3A_103 = tpu.memref_slice %arg12[%add3A_86, %dma_start3A_102] : memref<25600x32xf32, #tpu.memory_space<vmem_shared>> -> memref<160x32xf32, #tpu.memory_space<vmem_shared>>
      %dma_start3A_104 = arith.constant 0 : i32
      %dma_start3A_105 = tpu.memref_slice %arg12[%add3A_86, %dma_start3A_104] : memref<25600x32xf32, #tpu.memory_space<vmem_shared>> -> memref<160x32xf32, #tpu.memory_space<vmem_shared>>
      tpu.enqueue_dma source(%arg11 : memref<160x32xf32, #tpu.memory_space<vmem>>) target(%dma_start3A_105 : memref<160x32xf32, #tpu.memory_space<vmem_shared>>) target_semaphore(%run_scoped3A : memref<!tpu.dma_semaphore, #tpu.memory_space<semaphore_mem>>)
      %dma_wait3A = arith.constant 0 : i32
      %dma_wait3A_106 = tpu.memref_slice %arg12[%add3A_86, %dma_wait3A] : memref<25600x32xf32, #tpu.memory_space<vmem_shared>> -> memref<160x32xf32, #tpu.memory_space<vmem_shared>>
      %dma_wait3A_107 = arith.constant 0 : i32
      %dma_wait3A_108 = tpu.memref_slice %arg12[%add3A_86, %dma_wait3A_107] : memref<25600x32xf32, #tpu.memory_space<vmem_shared>> -> memref<160x32xf32, #tpu.memory_space<vmem_shared>>
      tpu.wait_dma2 semaphore(%run_scoped3A : memref<!tpu.dma_semaphore, #tpu.memory_space<semaphore_mem>>) src(%arg11 : memref<160x32xf32, #tpu.memory_space<vmem>>) dst(%dma_wait3A_108 : memref<160x32xf32, #tpu.memory_space<vmem_shared>>)
      tpu.yield
    }) : () -> ()
    %mul3A_87 = arith.constant 1600 : i32
    %mul3A_88 = arith.muli %arg1, %mul3A_87 : i32
    %add3A_89 = arith.constant 1440 : i32
    %add3A_90 = arith.addi %mul3A_88, %add3A_89 : i32
    "tpu.region"() ({
      %run_scoped3A = tpu.sem_alloc : memref<!tpu.dma_semaphore, #tpu.memory_space<semaphore_mem>>
      %dma_start3A_102 = arith.constant 0 : i32
      %dma_start3A_103 = tpu.memref_slice %arg12[%add3A_90, %dma_start3A_102] : memref<25600x32xf32, #tpu.memory_space<vmem_shared>> -> memref<160x32xf32, #tpu.memory_space<vmem_shared>>
      %dma_start3A_104 = arith.constant 0 : i32
      %dma_start3A_105 = tpu.memref_slice %arg12[%add3A_90, %dma_start3A_104] : memref<25600x32xf32, #tpu.memory_space<vmem_shared>> -> memref<160x32xf32, #tpu.memory_space<vmem_shared>>
      tpu.enqueue_dma source(%arg11 : memref<160x32xf32, #tpu.memory_space<vmem>>) target(%dma_start3A_105 : memref<160x32xf32, #tpu.memory_space<vmem_shared>>) target_semaphore(%run_scoped3A : memref<!tpu.dma_semaphore, #tpu.memory_space<semaphore_mem>>)
      %dma_wait3A = arith.constant 0 : i32
      %dma_wait3A_106 = tpu.memref_slice %arg12[%add3A_90, %dma_wait3A] : memref<25600x32xf32, #tpu.memory_space<vmem_shared>> -> memref<160x32xf32, #tpu.memory_space<vmem_shared>>
      %dma_wait3A_107 = arith.constant 0 : i32
      %dma_wait3A_108 = tpu.memref_slice %arg12[%add3A_90, %dma_wait3A_107] : memref<25600x32xf32, #tpu.memory_space<vmem_shared>> -> memref<160x32xf32, #tpu.memory_space<vmem_shared>>
      tpu.wait_dma2 semaphore(%run_scoped3A : memref<!tpu.dma_semaphore, #tpu.memory_space<semaphore_mem>>) src(%arg11 : memref<160x32xf32, #tpu.memory_space<vmem>>) dst(%dma_wait3A_108 : memref<160x32xf32, #tpu.memory_space<vmem_shared>>)
      tpu.yield
    }) : () -> ()
    %scan3A_91 = arith.constant 0 : i32
    %scan3A_92 = arith.constant 0 : i32
    %scan3A_93 = arith.constant 25 : i32
    %scan3A_94 = arith.addi %scan3A_92, %scan3A_93 : i32
    %scan3A_95 = arith.constant 1 : i32
    %scan3A_96 = scf.for %scan3A_102 = %scan3A_92 to %scan3A_94 step %scan3A_95 iter_args(%scan3A_103 = %scan3A_91) -> (i32)  : i32 {
      %mul3A_104 = arith.constant 2 : i32
      %mul3A_105 = arith.muli %mul3A_104, %scan3A_102 : i32
      %dma_wait3A = arith.constant 0 : i32
      %dma_wait3A_106 = arith.constant 0 : i32
      %dma_wait3A_107 = tpu.memref_slice %arg2[%dma_wait3A, %dma_wait3A_106] : memref<100000x32xf32, #tpu.memory_space<hbm>> -> memref<100000x32xf32, #tpu.memory_space<hbm>>
      tpu.wait_indirect_dma semaphore(%arg13 : memref<!tpu.dma_semaphore, #tpu.memory_space<semaphore_mem>>) src(%dma_wait3A_107 : memref<100000x32xf32, #tpu.memory_space<hbm>>) dst(%arg9 : memref<640x32xf32, #tpu.memory_space<vmem>>)
      %add3A_108 = arith.constant 1 : i32
      %add3A_109 = arith.addi %mul3A_105, %add3A_108 : i32
      %mul3A_110 = arith.constant 640 : i32
      %mul3A_111 = arith.muli %add3A_109, %mul3A_110 : i32
      %add3A_112 = arith.addi %mul3A_2, %mul3A_111 : i32
      "tpu.region"() ({
        %run_scoped3A = tpu.sem_alloc : memref<!tpu.dma_semaphore, #tpu.memory_space<semaphore_mem>>
        %dma_start3A_222 = tpu.memref_slice %arg3[%add3A_112] : memref<1024000xi32, #tpu.memory_space<hbm>> -> memref<640xi32, #tpu.memory_space<hbm>>
        %dma_start3A_223 = tpu.memref_slice %arg3[%add3A_112] : memref<1024000xi32, #tpu.memory_space<hbm>> -> memref<640xi32, #tpu.memory_space<hbm>>
        tpu.enqueue_dma source(%dma_start3A_223 : memref<640xi32, #tpu.memory_space<hbm>>) target(%arg8 : memref<640xi32, #tpu.memory_space<vmem>>) target_semaphore(%run_scoped3A : memref<!tpu.dma_semaphore, #tpu.memory_space<semaphore_mem>>)
        %dma_wait3A_224 = tpu.memref_slice %arg3[%add3A_112] : memref<1024000xi32, #tpu.memory_space<hbm>> -> memref<640xi32, #tpu.memory_space<hbm>>
        %dma_wait3A_225 = tpu.memref_slice %arg3[%add3A_112] : memref<1024000xi32, #tpu.memory_space<hbm>> -> memref<640xi32, #tpu.memory_space<hbm>>
        tpu.wait_dma2 semaphore(%run_scoped3A : memref<!tpu.dma_semaphore, #tpu.memory_space<semaphore_mem>>) src(%dma_wait3A_225 : memref<640xi32, #tpu.memory_space<hbm>>) dst(%arg8 : memref<640xi32, #tpu.memory_space<vmem>>)
        tpu.yield
      }) : () -> ()
      %dma_start3A_113 = arith.constant 0 : i32
      %dma_start3A_114 = arith.constant 0 : i32
      %dma_start3A_115 = tpu.memref_slice %arg10[%dma_start3A_113, %dma_start3A_114] : memref<640x32xf32, #tpu.memory_space<vmem>> -> memref<128x32xf32, #tpu.memory_space<vmem>>
      %dma_start3A_116 = arith.constant 0 : i32
      %dma_start3A_117 = tpu.memref_slice %arg8[%dma_start3A_116] : memref<640xi32, #tpu.memory_space<vmem>> -> memref<128xi32, #tpu.memory_space<vmem>>
      %dma_start3A_118 = arith.constant 0 : i32
      %dma_start3A_119 = arith.constant 0 : i32
      %dma_start3A_120 = tpu.memref_slice %arg2[%dma_start3A_118, %dma_start3A_119] : memref<100000x32xf32, #tpu.memory_space<hbm>> -> memref<100000x32xf32, #tpu.memory_space<hbm>>
      tpu.enqueue_indirect_dma source(%dma_start3A_120 : memref<100000x32xf32, #tpu.memory_space<hbm>>) target(%dma_start3A_115 : memref<128x32xf32, #tpu.memory_space<vmem>>) offsets(%dma_start3A_117 : memref<128xi32, #tpu.memory_space<vmem>>) semaphore(%arg13 : memref<!tpu.dma_semaphore, #tpu.memory_space<semaphore_mem>>)
      %dma_start3A_121 = arith.constant 128 : i32
      %dma_start3A_122 = arith.constant 0 : i32
      %dma_start3A_123 = tpu.memref_slice %arg10[%dma_start3A_121, %dma_start3A_122] : memref<640x32xf32, #tpu.memory_space<vmem>> -> memref<128x32xf32, #tpu.memory_space<vmem>>
      %dma_start3A_124 = arith.constant 128 : i32
      %dma_start3A_125 = tpu.memref_slice %arg8[%dma_start3A_124] : memref<640xi32, #tpu.memory_space<vmem>> -> memref<128xi32, #tpu.memory_space<vmem>>
      %dma_start3A_126 = arith.constant 0 : i32
      %dma_start3A_127 = arith.constant 0 : i32
      %dma_start3A_128 = tpu.memref_slice %arg2[%dma_start3A_126, %dma_start3A_127] : memref<100000x32xf32, #tpu.memory_space<hbm>> -> memref<100000x32xf32, #tpu.memory_space<hbm>>
      tpu.enqueue_indirect_dma source(%dma_start3A_128 : memref<100000x32xf32, #tpu.memory_space<hbm>>) target(%dma_start3A_123 : memref<128x32xf32, #tpu.memory_space<vmem>>) offsets(%dma_start3A_125 : memref<128xi32, #tpu.memory_space<vmem>>) semaphore(%arg13 : memref<!tpu.dma_semaphore, #tpu.memory_space<semaphore_mem>>)
      %dma_start3A_129 = arith.constant 256 : i32
      %dma_start3A_130 = arith.constant 0 : i32
      %dma_start3A_131 = tpu.memref_slice %arg10[%dma_start3A_129, %dma_start3A_130] : memref<640x32xf32, #tpu.memory_space<vmem>> -> memref<128x32xf32, #tpu.memory_space<vmem>>
      %dma_start3A_132 = arith.constant 256 : i32
      %dma_start3A_133 = tpu.memref_slice %arg8[%dma_start3A_132] : memref<640xi32, #tpu.memory_space<vmem>> -> memref<128xi32, #tpu.memory_space<vmem>>
      %dma_start3A_134 = arith.constant 0 : i32
      %dma_start3A_135 = arith.constant 0 : i32
      %dma_start3A_136 = tpu.memref_slice %arg2[%dma_start3A_134, %dma_start3A_135] : memref<100000x32xf32, #tpu.memory_space<hbm>> -> memref<100000x32xf32, #tpu.memory_space<hbm>>
      tpu.enqueue_indirect_dma source(%dma_start3A_136 : memref<100000x32xf32, #tpu.memory_space<hbm>>) target(%dma_start3A_131 : memref<128x32xf32, #tpu.memory_space<vmem>>) offsets(%dma_start3A_133 : memref<128xi32, #tpu.memory_space<vmem>>) semaphore(%arg13 : memref<!tpu.dma_semaphore, #tpu.memory_space<semaphore_mem>>)
      %dma_start3A_137 = arith.constant 384 : i32
      %dma_start3A_138 = arith.constant 0 : i32
      %dma_start3A_139 = tpu.memref_slice %arg10[%dma_start3A_137, %dma_start3A_138] : memref<640x32xf32, #tpu.memory_space<vmem>> -> memref<128x32xf32, #tpu.memory_space<vmem>>
      %dma_start3A_140 = arith.constant 384 : i32
      %dma_start3A_141 = tpu.memref_slice %arg8[%dma_start3A_140] : memref<640xi32, #tpu.memory_space<vmem>> -> memref<128xi32, #tpu.memory_space<vmem>>
      %dma_start3A_142 = arith.constant 0 : i32
      %dma_start3A_143 = arith.constant 0 : i32
      %dma_start3A_144 = tpu.memref_slice %arg2[%dma_start3A_142, %dma_start3A_143] : memref<100000x32xf32, #tpu.memory_space<hbm>> -> memref<100000x32xf32, #tpu.memory_space<hbm>>
      tpu.enqueue_indirect_dma source(%dma_start3A_144 : memref<100000x32xf32, #tpu.memory_space<hbm>>) target(%dma_start3A_139 : memref<128x32xf32, #tpu.memory_space<vmem>>) offsets(%dma_start3A_141 : memref<128xi32, #tpu.memory_space<vmem>>) semaphore(%arg13 : memref<!tpu.dma_semaphore, #tpu.memory_space<semaphore_mem>>)
      %dma_start3A_145 = arith.constant 512 : i32
      %dma_start3A_146 = arith.constant 0 : i32
      %dma_start3A_147 = tpu.memref_slice %arg10[%dma_start3A_145, %dma_start3A_146] : memref<640x32xf32, #tpu.memory_space<vmem>> -> memref<128x32xf32, #tpu.memory_space<vmem>>
      %dma_start3A_148 = arith.constant 512 : i32
      %dma_start3A_149 = tpu.memref_slice %arg8[%dma_start3A_148] : memref<640xi32, #tpu.memory_space<vmem>> -> memref<128xi32, #tpu.memory_space<vmem>>
      %dma_start3A_150 = arith.constant 0 : i32
      %dma_start3A_151 = arith.constant 0 : i32
      %dma_start3A_152 = tpu.memref_slice %arg2[%dma_start3A_150, %dma_start3A_151] : memref<100000x32xf32, #tpu.memory_space<hbm>> -> memref<100000x32xf32, #tpu.memory_space<hbm>>
      tpu.enqueue_indirect_dma source(%dma_start3A_152 : memref<100000x32xf32, #tpu.memory_space<hbm>>) target(%dma_start3A_147 : memref<128x32xf32, #tpu.memory_space<vmem>>) offsets(%dma_start3A_149 : memref<128xi32, #tpu.memory_space<vmem>>) semaphore(%arg13 : memref<!tpu.dma_semaphore, #tpu.memory_space<semaphore_mem>>)
      %mul3A_153 = arith.constant 5 : i32
      %mul3A_154 = arith.muli %mul3A_105, %mul3A_153 : i32
      %add3A_155 = arith.constant 0 : i32
      %add3A_156 = arith.addi %mul3A_154, %add3A_155 : i32
      %rem3A = arith.constant 50 : i32
      %rem3A_157 = arith.remsi %add3A_156, %rem3A : i32
      "tpu.region"() ({
        %run_scoped3A = tpu.sem_alloc : memref<!tpu.dma_semaphore, #tpu.memory_space<semaphore_mem>>
        %dma_start3A_222 = arith.constant 0 : i32
        %dma_start3A_223 = arith.constant 0 : i32
        %dma_start3A_224 = tpu.memref_slice %arg9[%dma_start3A_222, %dma_start3A_223] : memref<640x32xf32, #tpu.memory_space<vmem>> -> memref<128x32xf32, #tpu.memory_space<vmem>>
        %dma_start3A_225 = arith.constant 0 : i32
        %dma_start3A_226 = tpu.memref_slice %arg6[%rem3A_157, %dma_start3A_225] : memref<50x128xi32, #tpu.memory_space<vmem>> -> memref<1x128xi32, #tpu.memory_space<vmem>>
        %dma_start3A_227 = tpu.memref_squeeze %dma_start3A_226 : memref<1x128xi32, #tpu.memory_space<vmem>> -> memref<128xi32, #tpu.memory_space<vmem>>
        %dma_start3A_228 = arith.constant 0 : i32
        %dma_start3A_229 = arith.constant 0 : i32
        %dma_start3A_230 = tpu.memref_slice %arg12[%dma_start3A_228, %dma_start3A_229] : memref<25600x32xf32, #tpu.memory_space<vmem_shared>> -> memref<25600x32xf32, #tpu.memory_space<vmem_shared>>
        tpu.enqueue_indirect_dma source(%dma_start3A_224 : memref<128x32xf32, #tpu.memory_space<vmem>>) target(%dma_start3A_230 : memref<25600x32xf32, #tpu.memory_space<vmem_shared>>) offsets(%dma_start3A_227 : memref<128xi32, #tpu.memory_space<vmem>>) semaphore(%run_scoped3A : memref<!tpu.dma_semaphore, #tpu.memory_space<semaphore_mem>>) {add = true}
        %dma_wait3A_231 = arith.constant 0 : i32
        %dma_wait3A_232 = arith.constant 0 : i32
        %dma_wait3A_233 = tpu.memref_slice %arg9[%dma_wait3A_231, %dma_wait3A_232] : memref<640x32xf32, #tpu.memory_space<vmem>> -> memref<128x32xf32, #tpu.memory_space<vmem>>
        %dma_wait3A_234 = arith.constant 0 : i32
        %dma_wait3A_235 = tpu.memref_slice %arg6[%rem3A_157, %dma_wait3A_234] : memref<50x128xi32, #tpu.memory_space<vmem>> -> memref<1x128xi32, #tpu.memory_space<vmem>>
        %dma_wait3A_236 = tpu.memref_squeeze %dma_wait3A_235 : memref<1x128xi32, #tpu.memory_space<vmem>> -> memref<128xi32, #tpu.memory_space<vmem>>
        %dma_wait3A_237 = arith.constant 0 : i32
        %dma_wait3A_238 = arith.constant 0 : i32
        %dma_wait3A_239 = tpu.memref_slice %arg12[%dma_wait3A_237, %dma_wait3A_238] : memref<25600x32xf32, #tpu.memory_space<vmem_shared>> -> memref<25600x32xf32, #tpu.memory_space<vmem_shared>>
        tpu.wait_indirect_dma semaphore(%run_scoped3A : memref<!tpu.dma_semaphore, #tpu.memory_space<semaphore_mem>>) src(%dma_wait3A_233 : memref<128x32xf32, #tpu.memory_space<vmem>>) dst(%dma_wait3A_239 : memref<25600x32xf32, #tpu.memory_space<vmem_shared>>)
        tpu.yield
      }) : () -> ()
      %mul3A_158 = arith.constant 5 : i32
      %mul3A_159 = arith.muli %mul3A_105, %mul3A_158 : i32
      %add3A_160 = arith.constant 1 : i32
      %add3A_161 = arith.addi %mul3A_159, %add3A_160 : i32
      %rem3A_162 = arith.constant 50 : i32
      %rem3A_163 = arith.remsi %add3A_161, %rem3A_162 : i32
      "tpu.region"() ({
        %run_scoped3A = tpu.sem_alloc : memref<!tpu.dma_semaphore, #tpu.memory_space<semaphore_mem>>
        %dma_start3A_222 = arith.constant 128 : i32
        %dma_start3A_223 = arith.constant 0 : i32
        %dma_start3A_224 = tpu.memref_slice %arg9[%dma_start3A_222, %dma_start3A_223] : memref<640x32xf32, #tpu.memory_space<vmem>> -> memref<128x32xf32, #tpu.memory_space<vmem>>
        %dma_start3A_225 = arith.constant 0 : i32
        %dma_start3A_226 = tpu.memref_slice %arg6[%rem3A_163, %dma_start3A_225] : memref<50x128xi32, #tpu.memory_space<vmem>> -> memref<1x128xi32, #tpu.memory_space<vmem>>
        %dma_start3A_227 = tpu.memref_squeeze %dma_start3A_226 : memref<1x128xi32, #tpu.memory_space<vmem>> -> memref<128xi32, #tpu.memory_space<vmem>>
        %dma_start3A_228 = arith.constant 0 : i32
        %dma_start3A_229 = arith.constant 0 : i32
        %dma_start3A_230 = tpu.memref_slice %arg12[%dma_start3A_228, %dma_start3A_229] : memref<25600x32xf32, #tpu.memory_space<vmem_shared>> -> memref<25600x32xf32, #tpu.memory_space<vmem_shared>>
        tpu.enqueue_indirect_dma source(%dma_start3A_224 : memref<128x32xf32, #tpu.memory_space<vmem>>) target(%dma_start3A_230 : memref<25600x32xf32, #tpu.memory_space<vmem_shared>>) offsets(%dma_start3A_227 : memref<128xi32, #tpu.memory_space<vmem>>) semaphore(%run_scoped3A : memref<!tpu.dma_semaphore, #tpu.memory_space<semaphore_mem>>) {add = true}
        %dma_wait3A_231 = arith.constant 128 : i32
        %dma_wait3A_232 = arith.constant 0 : i32
        %dma_wait3A_233 = tpu.memref_slice %arg9[%dma_wait3A_231, %dma_wait3A_232] : memref<640x32xf32, #tpu.memory_space<vmem>> -> memref<128x32xf32, #tpu.memory_space<vmem>>
        %dma_wait3A_234 = arith.constant 0 : i32
        %dma_wait3A_235 = tpu.memref_slice %arg6[%rem3A_163, %dma_wait3A_234] : memref<50x128xi32, #tpu.memory_space<vmem>> -> memref<1x128xi32, #tpu.memory_space<vmem>>
        %dma_wait3A_236 = tpu.memref_squeeze %dma_wait3A_235 : memref<1x128xi32, #tpu.memory_space<vmem>> -> memref<128xi32, #tpu.memory_space<vmem>>
        %dma_wait3A_237 = arith.constant 0 : i32
        %dma_wait3A_238 = arith.constant 0 : i32
        %dma_wait3A_239 = tpu.memref_slice %arg12[%dma_wait3A_237, %dma_wait3A_238] : memref<25600x32xf32, #tpu.memory_space<vmem_shared>> -> memref<25600x32xf32, #tpu.memory_space<vmem_shared>>
        tpu.wait_indirect_dma semaphore(%run_scoped3A : memref<!tpu.dma_semaphore, #tpu.memory_space<semaphore_mem>>) src(%dma_wait3A_233 : memref<128x32xf32, #tpu.memory_space<vmem>>) dst(%dma_wait3A_239 : memref<25600x32xf32, #tpu.memory_space<vmem_shared>>)
        tpu.yield
      }) : () -> ()
      %mul3A_164 = arith.constant 5 : i32
      %mul3A_165 = arith.muli %mul3A_105, %mul3A_164 : i32
      %add3A_166 = arith.constant 2 : i32
      %add3A_167 = arith.addi %mul3A_165, %add3A_166 : i32
      %rem3A_168 = arith.constant 50 : i32
      %rem3A_169 = arith.remsi %add3A_167, %rem3A_168 : i32
      "tpu.region"() ({
        %run_scoped3A = tpu.sem_alloc : memref<!tpu.dma_semaphore, #tpu.memory_space<semaphore_mem>>
        %dma_start3A_222 = arith.constant 256 : i32
        %dma_start3A_223 = arith.constant 0 : i32
        %dma_start3A_224 = tpu.memref_slice %arg9[%dma_start3A_222, %dma_start3A_223] : memref<640x32xf32, #tpu.memory_space<vmem>> -> memref<128x32xf32, #tpu.memory_space<vmem>>
        %dma_start3A_225 = arith.constant 0 : i32
        %dma_start3A_226 = tpu.memref_slice %arg6[%rem3A_169, %dma_start3A_225] : memref<50x128xi32, #tpu.memory_space<vmem>> -> memref<1x128xi32, #tpu.memory_space<vmem>>
        %dma_start3A_227 = tpu.memref_squeeze %dma_start3A_226 : memref<1x128xi32, #tpu.memory_space<vmem>> -> memref<128xi32, #tpu.memory_space<vmem>>
        %dma_start3A_228 = arith.constant 0 : i32
        %dma_start3A_229 = arith.constant 0 : i32
        %dma_start3A_230 = tpu.memref_slice %arg12[%dma_start3A_228, %dma_start3A_229] : memref<25600x32xf32, #tpu.memory_space<vmem_shared>> -> memref<25600x32xf32, #tpu.memory_space<vmem_shared>>
        tpu.enqueue_indirect_dma source(%dma_start3A_224 : memref<128x32xf32, #tpu.memory_space<vmem>>) target(%dma_start3A_230 : memref<25600x32xf32, #tpu.memory_space<vmem_shared>>) offsets(%dma_start3A_227 : memref<128xi32, #tpu.memory_space<vmem>>) semaphore(%run_scoped3A : memref<!tpu.dma_semaphore, #tpu.memory_space<semaphore_mem>>) {add = true}
        %dma_wait3A_231 = arith.constant 256 : i32
        %dma_wait3A_232 = arith.constant 0 : i32
        %dma_wait3A_233 = tpu.memref_slice %arg9[%dma_wait3A_231, %dma_wait3A_232] : memref<640x32xf32, #tpu.memory_space<vmem>> -> memref<128x32xf32, #tpu.memory_space<vmem>>
        %dma_wait3A_234 = arith.constant 0 : i32
        %dma_wait3A_235 = tpu.memref_slice %arg6[%rem3A_169, %dma_wait3A_234] : memref<50x128xi32, #tpu.memory_space<vmem>> -> memref<1x128xi32, #tpu.memory_space<vmem>>
        %dma_wait3A_236 = tpu.memref_squeeze %dma_wait3A_235 : memref<1x128xi32, #tpu.memory_space<vmem>> -> memref<128xi32, #tpu.memory_space<vmem>>
        %dma_wait3A_237 = arith.constant 0 : i32
        %dma_wait3A_238 = arith.constant 0 : i32
        %dma_wait3A_239 = tpu.memref_slice %arg12[%dma_wait3A_237, %dma_wait3A_238] : memref<25600x32xf32, #tpu.memory_space<vmem_shared>> -> memref<25600x32xf32, #tpu.memory_space<vmem_shared>>
        tpu.wait_indirect_dma semaphore(%run_scoped3A : memref<!tpu.dma_semaphore, #tpu.memory_space<semaphore_mem>>) src(%dma_wait3A_233 : memref<128x32xf32, #tpu.memory_space<vmem>>) dst(%dma_wait3A_239 : memref<25600x32xf32, #tpu.memory_space<vmem_shared>>)
        tpu.yield
      }) : () -> ()
      %mul3A_170 = arith.constant 5 : i32
      %mul3A_171 = arith.muli %mul3A_105, %mul3A_170 : i32
      %add3A_172 = arith.constant 3 : i32
      %add3A_173 = arith.addi %mul3A_171, %add3A_172 : i32
      %rem3A_174 = arith.constant 50 : i32
      %rem3A_175 = arith.remsi %add3A_173, %rem3A_174 : i32
      "tpu.region"() ({
        %run_scoped3A = tpu.sem_alloc : memref<!tpu.dma_semaphore, #tpu.memory_space<semaphore_mem>>
        %dma_start3A_222 = arith.constant 384 : i32
        %dma_start3A_223 = arith.constant 0 : i32
        %dma_start3A_224 = tpu.memref_slice %arg9[%dma_start3A_222, %dma_start3A_223] : memref<640x32xf32, #tpu.memory_space<vmem>> -> memref<128x32xf32, #tpu.memory_space<vmem>>
        %dma_start3A_225 = arith.constant 0 : i32
        %dma_start3A_226 = tpu.memref_slice %arg6[%rem3A_175, %dma_start3A_225] : memref<50x128xi32, #tpu.memory_space<vmem>> -> memref<1x128xi32, #tpu.memory_space<vmem>>
        %dma_start3A_227 = tpu.memref_squeeze %dma_start3A_226 : memref<1x128xi32, #tpu.memory_space<vmem>> -> memref<128xi32, #tpu.memory_space<vmem>>
        %dma_start3A_228 = arith.constant 0 : i32
        %dma_start3A_229 = arith.constant 0 : i32
        %dma_start3A_230 = tpu.memref_slice %arg12[%dma_start3A_228, %dma_start3A_229] : memref<25600x32xf32, #tpu.memory_space<vmem_shared>> -> memref<25600x32xf32, #tpu.memory_space<vmem_shared>>
        tpu.enqueue_indirect_dma source(%dma_start3A_224 : memref<128x32xf32, #tpu.memory_space<vmem>>) target(%dma_start3A_230 : memref<25600x32xf32, #tpu.memory_space<vmem_shared>>) offsets(%dma_start3A_227 : memref<128xi32, #tpu.memory_space<vmem>>) semaphore(%run_scoped3A : memref<!tpu.dma_semaphore, #tpu.memory_space<semaphore_mem>>) {add = true}
        %dma_wait3A_231 = arith.constant 384 : i32
        %dma_wait3A_232 = arith.constant 0 : i32
        %dma_wait3A_233 = tpu.memref_slice %arg9[%dma_wait3A_231, %dma_wait3A_232] : memref<640x32xf32, #tpu.memory_space<vmem>> -> memref<128x32xf32, #tpu.memory_space<vmem>>
        %dma_wait3A_234 = arith.constant 0 : i32
        %dma_wait3A_235 = tpu.memref_slice %arg6[%rem3A_175, %dma_wait3A_234] : memref<50x128xi32, #tpu.memory_space<vmem>> -> memref<1x128xi32, #tpu.memory_space<vmem>>
        %dma_wait3A_236 = tpu.memref_squeeze %dma_wait3A_235 : memref<1x128xi32, #tpu.memory_space<vmem>> -> memref<128xi32, #tpu.memory_space<vmem>>
        %dma_wait3A_237 = arith.constant 0 : i32
        %dma_wait3A_238 = arith.constant 0 : i32
        %dma_wait3A_239 = tpu.memref_slice %arg12[%dma_wait3A_237, %dma_wait3A_238] : memref<25600x32xf32, #tpu.memory_space<vmem_shared>> -> memref<25600x32xf32, #tpu.memory_space<vmem_shared>>
        tpu.wait_indirect_dma semaphore(%run_scoped3A : memref<!tpu.dma_semaphore, #tpu.memory_space<semaphore_mem>>) src(%dma_wait3A_233 : memref<128x32xf32, #tpu.memory_space<vmem>>) dst(%dma_wait3A_239 : memref<25600x32xf32, #tpu.memory_space<vmem_shared>>)
        tpu.yield
      }) : () -> ()
      %mul3A_176 = arith.constant 5 : i32
      %mul3A_177 = arith.muli %mul3A_105, %mul3A_176 : i32
      %add3A_178 = arith.constant 4 : i32
      %add3A_179 = arith.addi %mul3A_177, %add3A_178 : i32
      %rem3A_180 = arith.constant 50 : i32
      %rem3A_181 = arith.remsi %add3A_179, %rem3A_180 : i32
      "tpu.region"() ({
        %run_scoped3A = tpu.sem_alloc : memref<!tpu.dma_semaphore, #tpu.memory_space<semaphore_mem>>
        %dma_start3A_222 = arith.constant 512 : i32
        %dma_start3A_223 = arith.constant 0 : i32
        %dma_start3A_224 = tpu.memref_slice %arg9[%dma_start3A_222, %dma_start3A_223] : memref<640x32xf32, #tpu.memory_space<vmem>> -> memref<128x32xf32, #tpu.memory_space<vmem>>
        %dma_start3A_225 = arith.constant 0 : i32
        %dma_start3A_226 = tpu.memref_slice %arg6[%rem3A_181, %dma_start3A_225] : memref<50x128xi32, #tpu.memory_space<vmem>> -> memref<1x128xi32, #tpu.memory_space<vmem>>
        %dma_start3A_227 = tpu.memref_squeeze %dma_start3A_226 : memref<1x128xi32, #tpu.memory_space<vmem>> -> memref<128xi32, #tpu.memory_space<vmem>>
        %dma_start3A_228 = arith.constant 0 : i32
        %dma_start3A_229 = arith.constant 0 : i32
        %dma_start3A_230 = tpu.memref_slice %arg12[%dma_start3A_228, %dma_start3A_229] : memref<25600x32xf32, #tpu.memory_space<vmem_shared>> -> memref<25600x32xf32, #tpu.memory_space<vmem_shared>>
        tpu.enqueue_indirect_dma source(%dma_start3A_224 : memref<128x32xf32, #tpu.memory_space<vmem>>) target(%dma_start3A_230 : memref<25600x32xf32, #tpu.memory_space<vmem_shared>>) offsets(%dma_start3A_227 : memref<128xi32, #tpu.memory_space<vmem>>) semaphore(%run_scoped3A : memref<!tpu.dma_semaphore, #tpu.memory_space<semaphore_mem>>) {add = true}
        %dma_wait3A_231 = arith.constant 512 : i32
        %dma_wait3A_232 = arith.constant 0 : i32
        %dma_wait3A_233 = tpu.memref_slice %arg9[%dma_wait3A_231, %dma_wait3A_232] : memref<640x32xf32, #tpu.memory_space<vmem>> -> memref<128x32xf32, #tpu.memory_space<vmem>>
        %dma_wait3A_234 = arith.constant 0 : i32
        %dma_wait3A_235 = tpu.memref_slice %arg6[%rem3A_181, %dma_wait3A_234] : memref<50x128xi32, #tpu.memory_space<vmem>> -> memref<1x128xi32, #tpu.memory_space<vmem>>
        %dma_wait3A_236 = tpu.memref_squeeze %dma_wait3A_235 : memref<1x128xi32, #tpu.memory_space<vmem>> -> memref<128xi32, #tpu.memory_space<vmem>>
        %dma_wait3A_237 = arith.constant 0 : i32
        %dma_wait3A_238 = arith.constant 0 : i32
        %dma_wait3A_239 = tpu.memref_slice %arg12[%dma_wait3A_237, %dma_wait3A_238] : memref<25600x32xf32, #tpu.memory_space<vmem_shared>> -> memref<25600x32xf32, #tpu.memory_space<vmem_shared>>
        tpu.wait_indirect_dma semaphore(%run_scoped3A : memref<!tpu.dma_semaphore, #tpu.memory_space<semaphore_mem>>) src(%dma_wait3A_233 : memref<128x32xf32, #tpu.memory_space<vmem>>) dst(%dma_wait3A_239 : memref<25600x32xf32, #tpu.memory_space<vmem_shared>>)
        tpu.yield
      }) : () -> ()
      %dma_wait3A_182 = arith.constant 0 : i32
      %dma_wait3A_183 = arith.constant 0 : i32
      %dma_wait3A_184 = tpu.memref_slice %arg2[%dma_wait3A_182, %dma_wait3A_183] : memref<100000x32xf32, #tpu.memory_space<hbm>> -> memref<100000x32xf32, #tpu.memory_space<hbm>>
      tpu.wait_indirect_dma semaphore(%arg13 : memref<!tpu.dma_semaphore, #tpu.memory_space<semaphore_mem>>) src(%dma_wait3A_184 : memref<100000x32xf32, #tpu.memory_space<hbm>>) dst(%arg10 : memref<640x32xf32, #tpu.memory_space<vmem>>)
      %add3A_185 = arith.constant 2 : i32
      %add3A_186 = arith.addi %mul3A_105, %add3A_185 : i32
      %lt3A = arith.constant 50 : i32
      %lt3A_187 = arith.cmpi slt, %add3A_186, %lt3A : i32
      %convert_element_type3A = arith.extui %lt3A_187 : i1 to i32
      %cond3A = arith.constant 0 : i32
      %cond3A_188 = arith.cmpi ne, %convert_element_type3A, %cond3A : i32
      scf.if %cond3A_188 {
        %add3A_222 = arith.constant 2 : i32
        %add3A_223 = arith.addi %mul3A_105, %add3A_222 : i32
        %mul3A_224 = arith.constant 640 : i32
        %mul3A_225 = arith.muli %add3A_223, %mul3A_224 : i32
        %add3A_226 = arith.addi %mul3A_2, %mul3A_225 : i32
        "tpu.region"() ({
          %run_scoped3A = tpu.sem_alloc : memref<!tpu.dma_semaphore, #tpu.memory_space<semaphore_mem>>
          %dma_start3A_267 = tpu.memref_slice %arg3[%add3A_226] : memref<1024000xi32, #tpu.memory_space<hbm>> -> memref<640xi32, #tpu.memory_space<hbm>>
          %dma_start3A_268 = tpu.memref_slice %arg3[%add3A_226] : memref<1024000xi32, #tpu.memory_space<hbm>> -> memref<640xi32, #tpu.memory_space<hbm>>
          tpu.enqueue_dma source(%dma_start3A_268 : memref<640xi32, #tpu.memory_space<hbm>>) target(%arg7 : memref<640xi32, #tpu.memory_space<vmem>>) target_semaphore(%run_scoped3A : memref<!tpu.dma_semaphore, #tpu.memory_space<semaphore_mem>>)
          %dma_wait3A_269 = tpu.memref_slice %arg3[%add3A_226] : memref<1024000xi32, #tpu.memory_space<hbm>> -> memref<640xi32, #tpu.memory_space<hbm>>
          %dma_wait3A_270 = tpu.memref_slice %arg3[%add3A_226] : memref<1024000xi32, #tpu.memory_space<hbm>> -> memref<640xi32, #tpu.memory_space<hbm>>
          tpu.wait_dma2 semaphore(%run_scoped3A : memref<!tpu.dma_semaphore, #tpu.memory_space<semaphore_mem>>) src(%dma_wait3A_270 : memref<640xi32, #tpu.memory_space<hbm>>) dst(%arg7 : memref<640xi32, #tpu.memory_space<vmem>>)
          tpu.yield
        }) : () -> ()
        %dma_start3A_227 = arith.constant 0 : i32
        %dma_start3A_228 = arith.constant 0 : i32
        %dma_start3A_229 = tpu.memref_slice %arg9[%dma_start3A_227, %dma_start3A_228] : memref<640x32xf32, #tpu.memory_space<vmem>> -> memref<128x32xf32, #tpu.memory_space<vmem>>
        %dma_start3A_230 = arith.constant 0 : i32
        %dma_start3A_231 = tpu.memref_slice %arg7[%dma_start3A_230] : memref<640xi32, #tpu.memory_space<vmem>> -> memref<128xi32, #tpu.memory_space<vmem>>
        %dma_start3A_232 = arith.constant 0 : i32
        %dma_start3A_233 = arith.constant 0 : i32
        %dma_start3A_234 = tpu.memref_slice %arg2[%dma_start3A_232, %dma_start3A_233] : memref<100000x32xf32, #tpu.memory_space<hbm>> -> memref<100000x32xf32, #tpu.memory_space<hbm>>
        tpu.enqueue_indirect_dma source(%dma_start3A_234 : memref<100000x32xf32, #tpu.memory_space<hbm>>) target(%dma_start3A_229 : memref<128x32xf32, #tpu.memory_space<vmem>>) offsets(%dma_start3A_231 : memref<128xi32, #tpu.memory_space<vmem>>) semaphore(%arg13 : memref<!tpu.dma_semaphore, #tpu.memory_space<semaphore_mem>>)
        %dma_start3A_235 = arith.constant 128 : i32
        %dma_start3A_236 = arith.constant 0 : i32
        %dma_start3A_237 = tpu.memref_slice %arg9[%dma_start3A_235, %dma_start3A_236] : memref<640x32xf32, #tpu.memory_space<vmem>> -> memref<128x32xf32, #tpu.memory_space<vmem>>
        %dma_start3A_238 = arith.constant 128 : i32
        %dma_start3A_239 = tpu.memref_slice %arg7[%dma_start3A_238] : memref<640xi32, #tpu.memory_space<vmem>> -> memref<128xi32, #tpu.memory_space<vmem>>
        %dma_start3A_240 = arith.constant 0 : i32
        %dma_start3A_241 = arith.constant 0 : i32
        %dma_start3A_242 = tpu.memref_slice %arg2[%dma_start3A_240, %dma_start3A_241] : memref<100000x32xf32, #tpu.memory_space<hbm>> -> memref<100000x32xf32, #tpu.memory_space<hbm>>
        tpu.enqueue_indirect_dma source(%dma_start3A_242 : memref<100000x32xf32, #tpu.memory_space<hbm>>) target(%dma_start3A_237 : memref<128x32xf32, #tpu.memory_space<vmem>>) offsets(%dma_start3A_239 : memref<128xi32, #tpu.memory_space<vmem>>) semaphore(%arg13 : memref<!tpu.dma_semaphore, #tpu.memory_space<semaphore_mem>>)
        %dma_start3A_243 = arith.constant 256 : i32
        %dma_start3A_244 = arith.constant 0 : i32
        %dma_start3A_245 = tpu.memref_slice %arg9[%dma_start3A_243, %dma_start3A_244] : memref<640x32xf32, #tpu.memory_space<vmem>> -> memref<128x32xf32, #tpu.memory_space<vmem>>
        %dma_start3A_246 = arith.constant 256 : i32
        %dma_start3A_247 = tpu.memref_slice %arg7[%dma_start3A_246] : memref<640xi32, #tpu.memory_space<vmem>> -> memref<128xi32, #tpu.memory_space<vmem>>
        %dma_start3A_248 = arith.constant 0 : i32
        %dma_start3A_249 = arith.constant 0 : i32
        %dma_start3A_250 = tpu.memref_slice %arg2[%dma_start3A_248, %dma_start3A_249] : memref<100000x32xf32, #tpu.memory_space<hbm>> -> memref<100000x32xf32, #tpu.memory_space<hbm>>
        tpu.enqueue_indirect_dma source(%dma_start3A_250 : memref<100000x32xf32, #tpu.memory_space<hbm>>) target(%dma_start3A_245 : memref<128x32xf32, #tpu.memory_space<vmem>>) offsets(%dma_start3A_247 : memref<128xi32, #tpu.memory_space<vmem>>) semaphore(%arg13 : memref<!tpu.dma_semaphore, #tpu.memory_space<semaphore_mem>>)
        %dma_start3A_251 = arith.constant 384 : i32
        %dma_start3A_252 = arith.constant 0 : i32
        %dma_start3A_253 = tpu.memref_slice %arg9[%dma_start3A_251, %dma_start3A_252] : memref<640x32xf32, #tpu.memory_space<vmem>> -> memref<128x32xf32, #tpu.memory_space<vmem>>
        %dma_start3A_254 = arith.constant 384 : i32
        %dma_start3A_255 = tpu.memref_slice %arg7[%dma_start3A_254] : memref<640xi32, #tpu.memory_space<vmem>> -> memref<128xi32, #tpu.memory_space<vmem>>
        %dma_start3A_256 = arith.constant 0 : i32
        %dma_start3A_257 = arith.constant 0 : i32
        %dma_start3A_258 = tpu.memref_slice %arg2[%dma_start3A_256, %dma_start3A_257] : memref<100000x32xf32, #tpu.memory_space<hbm>> -> memref<100000x32xf32, #tpu.memory_space<hbm>>
        tpu.enqueue_indirect_dma source(%dma_start3A_258 : memref<100000x32xf32, #tpu.memory_space<hbm>>) target(%dma_start3A_253 : memref<128x32xf32, #tpu.memory_space<vmem>>) offsets(%dma_start3A_255 : memref<128xi32, #tpu.memory_space<vmem>>) semaphore(%arg13 : memref<!tpu.dma_semaphore, #tpu.memory_space<semaphore_mem>>)
        %dma_start3A_259 = arith.constant 512 : i32
        %dma_start3A_260 = arith.constant 0 : i32
        %dma_start3A_261 = tpu.memref_slice %arg9[%dma_start3A_259, %dma_start3A_260] : memref<640x32xf32, #tpu.memory_space<vmem>> -> memref<128x32xf32, #tpu.memory_space<vmem>>
        %dma_start3A_262 = arith.constant 512 : i32
        %dma_start3A_263 = tpu.memref_slice %arg7[%dma_start3A_262] : memref<640xi32, #tpu.memory_space<vmem>> -> memref<128xi32, #tpu.memory_space<vmem>>
        %dma_start3A_264 = arith.constant 0 : i32
        %dma_start3A_265 = arith.constant 0 : i32
        %dma_start3A_266 = tpu.memref_slice %arg2[%dma_start3A_264, %dma_start3A_265] : memref<100000x32xf32, #tpu.memory_space<hbm>> -> memref<100000x32xf32, #tpu.memory_space<hbm>>
        tpu.enqueue_indirect_dma source(%dma_start3A_266 : memref<100000x32xf32, #tpu.memory_space<hbm>>) target(%dma_start3A_261 : memref<128x32xf32, #tpu.memory_space<vmem>>) offsets(%dma_start3A_263 : memref<128xi32, #tpu.memory_space<vmem>>) semaphore(%arg13 : memref<!tpu.dma_semaphore, #tpu.memory_space<semaphore_mem>>)
      } else {
      }
      %add3A_189 = arith.constant 1 : i32
      %add3A_190 = arith.addi %mul3A_105, %add3A_189 : i32
      %mul3A_191 = arith.constant 5 : i32
      %mul3A_192 = arith.muli %add3A_190, %mul3A_191 : i32
      %add3A_193 = arith.constant 0 : i32
      %add3A_194 = arith.addi %mul3A_192, %add3A_193 : i32
      %rem3A_195 = arith.constant 50 : i32
      %rem3A_196 = arith.remsi %add3A_194, %rem3A_195 : i32
      "tpu.region"() ({
        %run_scoped3A = tpu.sem_alloc : memref<!tpu.dma_semaphore, #tpu.memory_space<semaphore_mem>>
        %dma_start3A_222 = arith.constant 0 : i32
        %dma_start3A_223 = arith.constant 0 : i32
        %dma_start3A_224 = tpu.memref_slice %arg10[%dma_start3A_222, %dma_start3A_223] : memref<640x32xf32, #tpu.memory_space<vmem>> -> memref<128x32xf32, #tpu.memory_space<vmem>>
        %dma_start3A_225 = arith.constant 0 : i32
        %dma_start3A_226 = tpu.memref_slice %arg6[%rem3A_196, %dma_start3A_225] : memref<50x128xi32, #tpu.memory_space<vmem>> -> memref<1x128xi32, #tpu.memory_space<vmem>>
        %dma_start3A_227 = tpu.memref_squeeze %dma_start3A_226 : memref<1x128xi32, #tpu.memory_space<vmem>> -> memref<128xi32, #tpu.memory_space<vmem>>
        %dma_start3A_228 = arith.constant 0 : i32
        %dma_start3A_229 = arith.constant 0 : i32
        %dma_start3A_230 = tpu.memref_slice %arg12[%dma_start3A_228, %dma_start3A_229] : memref<25600x32xf32, #tpu.memory_space<vmem_shared>> -> memref<25600x32xf32, #tpu.memory_space<vmem_shared>>
        tpu.enqueue_indirect_dma source(%dma_start3A_224 : memref<128x32xf32, #tpu.memory_space<vmem>>) target(%dma_start3A_230 : memref<25600x32xf32, #tpu.memory_space<vmem_shared>>) offsets(%dma_start3A_227 : memref<128xi32, #tpu.memory_space<vmem>>) semaphore(%run_scoped3A : memref<!tpu.dma_semaphore, #tpu.memory_space<semaphore_mem>>) {add = true}
        %dma_wait3A_231 = arith.constant 0 : i32
        %dma_wait3A_232 = arith.constant 0 : i32
        %dma_wait3A_233 = tpu.memref_slice %arg10[%dma_wait3A_231, %dma_wait3A_232] : memref<640x32xf32, #tpu.memory_space<vmem>> -> memref<128x32xf32, #tpu.memory_space<vmem>>
        %dma_wait3A_234 = arith.constant 0 : i32
        %dma_wait3A_235 = tpu.memref_slice %arg6[%rem3A_196, %dma_wait3A_234] : memref<50x128xi32, #tpu.memory_space<vmem>> -> memref<1x128xi32, #tpu.memory_space<vmem>>
        %dma_wait3A_236 = tpu.memref_squeeze %dma_wait3A_235 : memref<1x128xi32, #tpu.memory_space<vmem>> -> memref<128xi32, #tpu.memory_space<vmem>>
        %dma_wait3A_237 = arith.constant 0 : i32
        %dma_wait3A_238 = arith.constant 0 : i32
        %dma_wait3A_239 = tpu.memref_slice %arg12[%dma_wait3A_237, %dma_wait3A_238] : memref<25600x32xf32, #tpu.memory_space<vmem_shared>> -> memref<25600x32xf32, #tpu.memory_space<vmem_shared>>
        tpu.wait_indirect_dma semaphore(%run_scoped3A : memref<!tpu.dma_semaphore, #tpu.memory_space<semaphore_mem>>) src(%dma_wait3A_233 : memref<128x32xf32, #tpu.memory_space<vmem>>) dst(%dma_wait3A_239 : memref<25600x32xf32, #tpu.memory_space<vmem_shared>>)
        tpu.yield
      }) : () -> ()
      %mul3A_197 = arith.constant 5 : i32
      %mul3A_198 = arith.muli %add3A_190, %mul3A_197 : i32
      %add3A_199 = arith.constant 1 : i32
      %add3A_200 = arith.addi %mul3A_198, %add3A_199 : i32
      %rem3A_201 = arith.constant 50 : i32
      %rem3A_202 = arith.remsi %add3A_200, %rem3A_201 : i32
      "tpu.region"() ({
        %run_scoped3A = tpu.sem_alloc : memref<!tpu.dma_semaphore, #tpu.memory_space<semaphore_mem>>
        %dma_start3A_222 = arith.constant 128 : i32
        %dma_start3A_223 = arith.constant 0 : i32
        %dma_start3A_224 = tpu.memref_slice %arg10[%dma_start3A_222, %dma_start3A_223] : memref<640x32xf32, #tpu.memory_space<vmem>> -> memref<128x32xf32, #tpu.memory_space<vmem>>
        %dma_start3A_225 = arith.constant 0 : i32
        %dma_start3A_226 = tpu.memref_slice %arg6[%rem3A_202, %dma_start3A_225] : memref<50x128xi32, #tpu.memory_space<vmem>> -> memref<1x128xi32, #tpu.memory_space<vmem>>
        %dma_start3A_227 = tpu.memref_squeeze %dma_start3A_226 : memref<1x128xi32, #tpu.memory_space<vmem>> -> memref<128xi32, #tpu.memory_space<vmem>>
        %dma_start3A_228 = arith.constant 0 : i32
        %dma_start3A_229 = arith.constant 0 : i32
        %dma_start3A_230 = tpu.memref_slice %arg12[%dma_start3A_228, %dma_start3A_229] : memref<25600x32xf32, #tpu.memory_space<vmem_shared>> -> memref<25600x32xf32, #tpu.memory_space<vmem_shared>>
        tpu.enqueue_indirect_dma source(%dma_start3A_224 : memref<128x32xf32, #tpu.memory_space<vmem>>) target(%dma_start3A_230 : memref<25600x32xf32, #tpu.memory_space<vmem_shared>>) offsets(%dma_start3A_227 : memref<128xi32, #tpu.memory_space<vmem>>) semaphore(%run_scoped3A : memref<!tpu.dma_semaphore, #tpu.memory_space<semaphore_mem>>) {add = true}
        %dma_wait3A_231 = arith.constant 128 : i32
        %dma_wait3A_232 = arith.constant 0 : i32
        %dma_wait3A_233 = tpu.memref_slice %arg10[%dma_wait3A_231, %dma_wait3A_232] : memref<640x32xf32, #tpu.memory_space<vmem>> -> memref<128x32xf32, #tpu.memory_space<vmem>>
        %dma_wait3A_234 = arith.constant 0 : i32
        %dma_wait3A_235 = tpu.memref_slice %arg6[%rem3A_202, %dma_wait3A_234] : memref<50x128xi32, #tpu.memory_space<vmem>> -> memref<1x128xi32, #tpu.memory_space<vmem>>
        %dma_wait3A_236 = tpu.memref_squeeze %dma_wait3A_235 : memref<1x128xi32, #tpu.memory_space<vmem>> -> memref<128xi32, #tpu.memory_space<vmem>>
        %dma_wait3A_237 = arith.constant 0 : i32
        %dma_wait3A_238 = arith.constant 0 : i32
        %dma_wait3A_239 = tpu.memref_slice %arg12[%dma_wait3A_237, %dma_wait3A_238] : memref<25600x32xf32, #tpu.memory_space<vmem_shared>> -> memref<25600x32xf32, #tpu.memory_space<vmem_shared>>
        tpu.wait_indirect_dma semaphore(%run_scoped3A : memref<!tpu.dma_semaphore, #tpu.memory_space<semaphore_mem>>) src(%dma_wait3A_233 : memref<128x32xf32, #tpu.memory_space<vmem>>) dst(%dma_wait3A_239 : memref<25600x32xf32, #tpu.memory_space<vmem_shared>>)
        tpu.yield
      }) : () -> ()
      %mul3A_203 = arith.constant 5 : i32
      %mul3A_204 = arith.muli %add3A_190, %mul3A_203 : i32
      %add3A_205 = arith.constant 2 : i32
      %add3A_206 = arith.addi %mul3A_204, %add3A_205 : i32
      %rem3A_207 = arith.constant 50 : i32
      %rem3A_208 = arith.remsi %add3A_206, %rem3A_207 : i32
      "tpu.region"() ({
        %run_scoped3A = tpu.sem_alloc : memref<!tpu.dma_semaphore, #tpu.memory_space<semaphore_mem>>
        %dma_start3A_222 = arith.constant 256 : i32
        %dma_start3A_223 = arith.constant 0 : i32
        %dma_start3A_224 = tpu.memref_slice %arg10[%dma_start3A_222, %dma_start3A_223] : memref<640x32xf32, #tpu.memory_space<vmem>> -> memref<128x32xf32, #tpu.memory_space<vmem>>
        %dma_start3A_225 = arith.constant 0 : i32
        %dma_start3A_226 = tpu.memref_slice %arg6[%rem3A_208, %dma_start3A_225] : memref<50x128xi32, #tpu.memory_space<vmem>> -> memref<1x128xi32, #tpu.memory_space<vmem>>
        %dma_start3A_227 = tpu.memref_squeeze %dma_start3A_226 : memref<1x128xi32, #tpu.memory_space<vmem>> -> memref<128xi32, #tpu.memory_space<vmem>>
        %dma_start3A_228 = arith.constant 0 : i32
        %dma_start3A_229 = arith.constant 0 : i32
        %dma_start3A_230 = tpu.memref_slice %arg12[%dma_start3A_228, %dma_start3A_229] : memref<25600x32xf32, #tpu.memory_space<vmem_shared>> -> memref<25600x32xf32, #tpu.memory_space<vmem_shared>>
        tpu.enqueue_indirect_dma source(%dma_start3A_224 : memref<128x32xf32, #tpu.memory_space<vmem>>) target(%dma_start3A_230 : memref<25600x32xf32, #tpu.memory_space<vmem_shared>>) offsets(%dma_start3A_227 : memref<128xi32, #tpu.memory_space<vmem>>) semaphore(%run_scoped3A : memref<!tpu.dma_semaphore, #tpu.memory_space<semaphore_mem>>) {add = true}
        %dma_wait3A_231 = arith.constant 256 : i32
        %dma_wait3A_232 = arith.constant 0 : i32
        %dma_wait3A_233 = tpu.memref_slice %arg10[%dma_wait3A_231, %dma_wait3A_232] : memref<640x32xf32, #tpu.memory_space<vmem>> -> memref<128x32xf32, #tpu.memory_space<vmem>>
        %dma_wait3A_234 = arith.constant 0 : i32
        %dma_wait3A_235 = tpu.memref_slice %arg6[%rem3A_208, %dma_wait3A_234] : memref<50x128xi32, #tpu.memory_space<vmem>> -> memref<1x128xi32, #tpu.memory_space<vmem>>
        %dma_wait3A_236 = tpu.memref_squeeze %dma_wait3A_235 : memref<1x128xi32, #tpu.memory_space<vmem>> -> memref<128xi32, #tpu.memory_space<vmem>>
        %dma_wait3A_237 = arith.constant 0 : i32
        %dma_wait3A_238 = arith.constant 0 : i32
        %dma_wait3A_239 = tpu.memref_slice %arg12[%dma_wait3A_237, %dma_wait3A_238] : memref<25600x32xf32, #tpu.memory_space<vmem_shared>> -> memref<25600x32xf32, #tpu.memory_space<vmem_shared>>
        tpu.wait_indirect_dma semaphore(%run_scoped3A : memref<!tpu.dma_semaphore, #tpu.memory_space<semaphore_mem>>) src(%dma_wait3A_233 : memref<128x32xf32, #tpu.memory_space<vmem>>) dst(%dma_wait3A_239 : memref<25600x32xf32, #tpu.memory_space<vmem_shared>>)
        tpu.yield
      }) : () -> ()
      %mul3A_209 = arith.constant 5 : i32
      %mul3A_210 = arith.muli %add3A_190, %mul3A_209 : i32
      %add3A_211 = arith.constant 3 : i32
      %add3A_212 = arith.addi %mul3A_210, %add3A_211 : i32
      %rem3A_213 = arith.constant 50 : i32
      %rem3A_214 = arith.remsi %add3A_212, %rem3A_213 : i32
      "tpu.region"() ({
        %run_scoped3A = tpu.sem_alloc : memref<!tpu.dma_semaphore, #tpu.memory_space<semaphore_mem>>
        %dma_start3A_222 = arith.constant 384 : i32
        %dma_start3A_223 = arith.constant 0 : i32
        %dma_start3A_224 = tpu.memref_slice %arg10[%dma_start3A_222, %dma_start3A_223] : memref<640x32xf32, #tpu.memory_space<vmem>> -> memref<128x32xf32, #tpu.memory_space<vmem>>
        %dma_start3A_225 = arith.constant 0 : i32
        %dma_start3A_226 = tpu.memref_slice %arg6[%rem3A_214, %dma_start3A_225] : memref<50x128xi32, #tpu.memory_space<vmem>> -> memref<1x128xi32, #tpu.memory_space<vmem>>
        %dma_start3A_227 = tpu.memref_squeeze %dma_start3A_226 : memref<1x128xi32, #tpu.memory_space<vmem>> -> memref<128xi32, #tpu.memory_space<vmem>>
        %dma_start3A_228 = arith.constant 0 : i32
        %dma_start3A_229 = arith.constant 0 : i32
        %dma_start3A_230 = tpu.memref_slice %arg12[%dma_start3A_228, %dma_start3A_229] : memref<25600x32xf32, #tpu.memory_space<vmem_shared>> -> memref<25600x32xf32, #tpu.memory_space<vmem_shared>>
        tpu.enqueue_indirect_dma source(%dma_start3A_224 : memref<128x32xf32, #tpu.memory_space<vmem>>) target(%dma_start3A_230 : memref<25600x32xf32, #tpu.memory_space<vmem_shared>>) offsets(%dma_start3A_227 : memref<128xi32, #tpu.memory_space<vmem>>) semaphore(%run_scoped3A : memref<!tpu.dma_semaphore, #tpu.memory_space<semaphore_mem>>) {add = true}
        %dma_wait3A_231 = arith.constant 384 : i32
        %dma_wait3A_232 = arith.constant 0 : i32
        %dma_wait3A_233 = tpu.memref_slice %arg10[%dma_wait3A_231, %dma_wait3A_232] : memref<640x32xf32, #tpu.memory_space<vmem>> -> memref<128x32xf32, #tpu.memory_space<vmem>>
        %dma_wait3A_234 = arith.constant 0 : i32
        %dma_wait3A_235 = tpu.memref_slice %arg6[%rem3A_214, %dma_wait3A_234] : memref<50x128xi32, #tpu.memory_space<vmem>> -> memref<1x128xi32, #tpu.memory_space<vmem>>
        %dma_wait3A_236 = tpu.memref_squeeze %dma_wait3A_235 : memref<1x128xi32, #tpu.memory_space<vmem>> -> memref<128xi32, #tpu.memory_space<vmem>>
        %dma_wait3A_237 = arith.constant 0 : i32
        %dma_wait3A_238 = arith.constant 0 : i32
        %dma_wait3A_239 = tpu.memref_slice %arg12[%dma_wait3A_237, %dma_wait3A_238] : memref<25600x32xf32, #tpu.memory_space<vmem_shared>> -> memref<25600x32xf32, #tpu.memory_space<vmem_shared>>
        tpu.wait_indirect_dma semaphore(%run_scoped3A : memref<!tpu.dma_semaphore, #tpu.memory_space<semaphore_mem>>) src(%dma_wait3A_233 : memref<128x32xf32, #tpu.memory_space<vmem>>) dst(%dma_wait3A_239 : memref<25600x32xf32, #tpu.memory_space<vmem_shared>>)
        tpu.yield
      }) : () -> ()
      %mul3A_215 = arith.constant 5 : i32
      %mul3A_216 = arith.muli %add3A_190, %mul3A_215 : i32
      %add3A_217 = arith.constant 4 : i32
      %add3A_218 = arith.addi %mul3A_216, %add3A_217 : i32
      %rem3A_219 = arith.constant 50 : i32
      %rem3A_220 = arith.remsi %add3A_218, %rem3A_219 : i32
      "tpu.region"() ({
        %run_scoped3A = tpu.sem_alloc : memref<!tpu.dma_semaphore, #tpu.memory_space<semaphore_mem>>
        %dma_start3A_222 = arith.constant 512 : i32
        %dma_start3A_223 = arith.constant 0 : i32
        %dma_start3A_224 = tpu.memref_slice %arg10[%dma_start3A_222, %dma_start3A_223] : memref<640x32xf32, #tpu.memory_space<vmem>> -> memref<128x32xf32, #tpu.memory_space<vmem>>
        %dma_start3A_225 = arith.constant 0 : i32
        %dma_start3A_226 = tpu.memref_slice %arg6[%rem3A_220, %dma_start3A_225] : memref<50x128xi32, #tpu.memory_space<vmem>> -> memref<1x128xi32, #tpu.memory_space<vmem>>
        %dma_start3A_227 = tpu.memref_squeeze %dma_start3A_226 : memref<1x128xi32, #tpu.memory_space<vmem>> -> memref<128xi32, #tpu.memory_space<vmem>>
        %dma_start3A_228 = arith.constant 0 : i32
        %dma_start3A_229 = arith.constant 0 : i32
        %dma_start3A_230 = tpu.memref_slice %arg12[%dma_start3A_228, %dma_start3A_229] : memref<25600x32xf32, #tpu.memory_space<vmem_shared>> -> memref<25600x32xf32, #tpu.memory_space<vmem_shared>>
        tpu.enqueue_indirect_dma source(%dma_start3A_224 : memref<128x32xf32, #tpu.memory_space<vmem>>) target(%dma_start3A_230 : memref<25600x32xf32, #tpu.memory_space<vmem_shared>>) offsets(%dma_start3A_227 : memref<128xi32, #tpu.memory_space<vmem>>) semaphore(%run_scoped3A : memref<!tpu.dma_semaphore, #tpu.memory_space<semaphore_mem>>) {add = true}
        %dma_wait3A_231 = arith.constant 512 : i32
        %dma_wait3A_232 = arith.constant 0 : i32
        %dma_wait3A_233 = tpu.memref_slice %arg10[%dma_wait3A_231, %dma_wait3A_232] : memref<640x32xf32, #tpu.memory_space<vmem>> -> memref<128x32xf32, #tpu.memory_space<vmem>>
        %dma_wait3A_234 = arith.constant 0 : i32
        %dma_wait3A_235 = tpu.memref_slice %arg6[%rem3A_220, %dma_wait3A_234] : memref<50x128xi32, #tpu.memory_space<vmem>> -> memref<1x128xi32, #tpu.memory_space<vmem>>
        %dma_wait3A_236 = tpu.memref_squeeze %dma_wait3A_235 : memref<1x128xi32, #tpu.memory_space<vmem>> -> memref<128xi32, #tpu.memory_space<vmem>>
        %dma_wait3A_237 = arith.constant 0 : i32
        %dma_wait3A_238 = arith.constant 0 : i32
        %dma_wait3A_239 = tpu.memref_slice %arg12[%dma_wait3A_237, %dma_wait3A_238] : memref<25600x32xf32, #tpu.memory_space<vmem_shared>> -> memref<25600x32xf32, #tpu.memory_space<vmem_shared>>
        tpu.wait_indirect_dma semaphore(%run_scoped3A : memref<!tpu.dma_semaphore, #tpu.memory_space<semaphore_mem>>) src(%dma_wait3A_233 : memref<128x32xf32, #tpu.memory_space<vmem>>) dst(%dma_wait3A_239 : memref<25600x32xf32, #tpu.memory_space<vmem_shared>>)
        tpu.yield
      }) : () -> ()
      %scan3A_221 = arith.constant 0 : i32
      scf.yield %scan3A_221 : i32
    }
    %scan3A_97 = arith.constant 25 : i32
    %mul3A_98 = arith.constant 1600 : i32
    %mul3A_99 = arith.muli %arg1, %mul3A_98 : i32
    %mul3A_100 = arith.constant 1600 : i32
    %mul3A_101 = arith.muli %add3A, %mul3A_100 : i32
    "tpu.region"() ({
      %run_scoped3A = tpu.sem_alloc : memref<!tpu.dma_semaphore, #tpu.memory_space<semaphore_mem>>
      %dma_start3A_102 = arith.constant 0 : i32
      %dma_start3A_103 = tpu.memref_slice %arg5[%mul3A_101, %dma_start3A_102] : memref<51200x32xf32, #tpu.memory_space<hbm>> -> memref<1600x32xf32, #tpu.memory_space<hbm>>
      %dma_start3A_104 = arith.constant 0 : i32
      %dma_start3A_105 = tpu.memref_slice %arg12[%mul3A_99, %dma_start3A_104] : memref<25600x32xf32, #tpu.memory_space<vmem_shared>> -> memref<1600x32xf32, #tpu.memory_space<vmem_shared>>
      tpu.enqueue_dma source(%dma_start3A_105 : memref<1600x32xf32, #tpu.memory_space<vmem_shared>>) target(%dma_start3A_103 : memref<1600x32xf32, #tpu.memory_space<hbm>>) target_semaphore(%run_scoped3A : memref<!tpu.dma_semaphore, #tpu.memory_space<semaphore_mem>>)
      %dma_wait3A = arith.constant 0 : i32
      %dma_wait3A_106 = tpu.memref_slice %arg5[%mul3A_101, %dma_wait3A] : memref<51200x32xf32, #tpu.memory_space<hbm>> -> memref<1600x32xf32, #tpu.memory_space<hbm>>
      %dma_wait3A_107 = arith.constant 0 : i32
      %dma_wait3A_108 = tpu.memref_slice %arg12[%mul3A_99, %dma_wait3A_107] : memref<25600x32xf32, #tpu.memory_space<vmem_shared>> -> memref<1600x32xf32, #tpu.memory_space<vmem_shared>>
      tpu.wait_dma2 semaphore(%run_scoped3A : memref<!tpu.dma_semaphore, #tpu.memory_space<semaphore_mem>>) src(%dma_wait3A_108 : memref<1600x32xf32, #tpu.memory_space<vmem_shared>>) dst(%dma_wait3A_106 : memref<1600x32xf32, #tpu.memory_space<hbm>>)
      tpu.yield
    }) : () -> ()
    return
  }
}

#map = affine_map<(d0, d1) -> (0, 0)>
#map1 = affine_map<(d0, d1) -> (0)>
#map2 = affine_map<(d0, d1) -> (0, 0, 0)>
module attributes {stable_mosaic.version = 14 : i64} {
  func.func @k(%arg0: i32, %arg1: i32, %arg2: memref<100000x32xf32, #tpu.memory_space<hbm>>, %arg3: memref<1024000xi32, #tpu.memory_space<hbm>>, %arg4: memref<16x50x128xi32, #tpu.memory_space<hbm>>, %arg5: memref<51200x32xf32, #tpu.memory_space<hbm>>, %arg6: memref<50x128xi32, #tpu.memory_space<vmem>>, %arg7: memref<640xi32, #tpu.memory_space<vmem>>, %arg8: memref<640xi32, #tpu.memory_space<vmem>>, %arg9: memref<640x32xf32, #tpu.memory_space<vmem>>, %arg10: memref<640x32xf32, #tpu.memory_space<vmem>>, %arg11: memref<160x32xf32, #tpu.memory_space<vmem>>, %arg12: memref<25600x32xf32, #tpu.memory_space<vmem_shared>>, %arg13: memref<!tpu.dma_semaphore, #tpu.memory_space<semaphore_mem>>) attributes {dimension_semantics = [#tpu.dimension_semantics<core_parallel>, #tpu.dimension_semantics<subcore_parallel>], iteration_bounds = array<i64: 2, 16>, scalar_prefetch = 0 : i64, scratch_operands = 8 : i64, tpu.core_type = #tpu.core_type<sc_vector_subcore>, window_params = [{transform_indices = #map}, {transform_indices = #map1}, {transform_indices = #map2}, {transform_indices = #map}]} {
    %mul3A = arith.constant 16 : i32
    %mul3A_0 = arith.muli %arg0, %mul3A : i32
    %add3A = arith.addi %mul3A_0, %arg1 : i32
    "tpu.region"() ({
      %run_scoped3A = tpu.sem_alloc : memref<!tpu.dma_semaphore, #tpu.memory_space<semaphore_mem>>
      %dma_start3A_102 = arith.constant 0 : i32
      %dma_start3A_103 = arith.constant 0 : i32
      %dma_start3A_104 = tpu.memref_slice %arg4[%arg1, %dma_start3A_102, %dma_start3A_103] : memref<16x50x128xi32, #tpu.memory_space<hbm>> -> memref<1x50x128xi32, #tpu.memory_space<hbm>>
      %dma_start3A_105 = tpu.memref_squeeze %dma_start3A_104 : memref<1x50x128xi32, #tpu.memory_space<hbm>> -> memref<50x128xi32, #tpu.memory_space<hbm>>
      %dma_start3A_106 = arith.constant 0 : i32
      %dma_start3A_107 = arith.constant 0 : i32
      %dma_start3A_108 = tpu.memref_slice %arg4[%arg1, %dma_start3A_106, %dma_start3A_107] : memref<16x50x128xi32, #tpu.memory_space<hbm>> -> memref<1x50x128xi32, #tpu.memory_space<hbm>>
      %dma_start3A_109 = tpu.memref_squeeze %dma_start3A_108 : memref<1x50x128xi32, #tpu.memory_space<hbm>> -> memref<50x128xi32, #tpu.memory_space<hbm>>
      tpu.enqueue_dma source(%dma_start3A_109 : memref<50x128xi32, #tpu.memory_space<hbm>>) target(%arg6 : memref<50x128xi32, #tpu.memory_space<vmem>>) target_semaphore(%run_scoped3A : memref<!tpu.dma_semaphore, #tpu.memory_space<semaphore_mem>>)
      %dma_wait3A = arith.constant 0 : i32
      %dma_wait3A_110 = arith.constant 0 : i32
      %dma_wait3A_111 = tpu.memref_slice %arg4[%arg1, %dma_wait3A, %dma_wait3A_110] : memref<16x50x128xi32, #tpu.memory_space<hbm>> -> memref<1x50x128xi32, #tpu.memory_space<hbm>>
      %dma_wait3A_112 = tpu.memref_squeeze %dma_wait3A_111 : memref<1x50x128xi32, #tpu.memory_space<hbm>> -> memref<50x128xi32, #tpu.memory_space<hbm>>
      %dma_wait3A_113 = arith.constant 0 : i32
      %dma_wait3A_114 = arith.constant 0 : i32
      %dma_wait3A_115 = tpu.memref_slice %arg4[%arg1, %dma_wait3A_113, %dma_wait3A_114] : memref<16x50x128xi32, #tpu.memory_space<hbm>> -> memref<1x50x128xi32, #tpu.memory_space<hbm>>
      %dma_wait3A_116 = tpu.memref_squeeze %dma_wait3A_115 : memref<1x50x128xi32, #tpu.memory_space<hbm>> -> memref<50x128xi32, #tpu.memory_space<hbm>>
      tpu.wait_dma2 semaphore(%run_scoped3A : memref<!tpu.dma_semaphore, #tpu.memory_space<semaphore_mem>>) src(%dma_wait3A_116 : memref<50x128xi32, #tpu.memory_space<hbm>>) dst(%arg6 : memref<50x128xi32, #tpu.memory_space<vmem>>)
      tpu.yield
    }) : () -> ()
    %mul3A_1 = arith.constant 32000 : i32
    %mul3A_2 = arith.muli %add3A, %mul3A_1 : i32
    %add3A_3 = arith.constant 0 : i32
    %add3A_4 = arith.addi %mul3A_2, %add3A_3 : i32
    "tpu.region"() ({
      %run_scoped3A = tpu.sem_alloc : memref<!tpu.dma_semaphore, #tpu.memory_space<semaphore_mem>>
      %dma_start3A_102 = tpu.memref_slice %arg3[%add3A_4] : memref<1024000xi32, #tpu.memory_space<hbm>> -> memref<640xi32, #tpu.memory_space<hbm>>
      %dma_start3A_103 = tpu.memref_slice %arg3[%add3A_4] : memref<1024000xi32, #tpu.memory_space<hbm>> -> memref<640xi32, #tpu.memory_space<hbm>>
      tpu.enqueue_dma source(%dma_start3A_103 : memref<640xi32, #tpu.memory_space<hbm>>) target(%arg7 : memref<640xi32, #tpu.memory_space<vmem>>) target_semaphore(%run_scoped3A : memref<!tpu.dma_semaphore, #tpu.memory_space<semaphore_mem>>)
      %dma_wait3A = tpu.memref_slice %arg3[%add3A_4] : memref<1024000xi32, #tpu.memory_space<hbm>> -> memref<640xi32, #tpu.memory_space<hbm>>
      %dma_wait3A_104 = tpu.memref_slice %arg3[%add3A_4] : memref<1024000xi32, #tpu.memory_space<hbm>> -> memref<640xi32, #tpu.memory_space<hbm>>
      tpu.wait_dma2 semaphore(%run_scoped3A : memref<!tpu.dma_semaphore, #tpu.memory_space<semaphore_mem>>) src(%dma_wait3A_104 : memref<640xi32, #tpu.memory_space<hbm>>) dst(%arg7 : memref<640xi32, #tpu.memory_space<vmem>>)
      tpu.yield
    }) : () -> ()
    %dma_start3A = arith.constant 0 : i32
    %dma_start3A_5 = arith.constant 0 : i32
    %dma_start3A_6 = tpu.memref_slice %arg9[%dma_start3A, %dma_start3A_5] : memref<640x32xf32, #tpu.memory_space<vmem>> -> memref<128x32xf32, #tpu.memory_space<vmem>>
    %dma_start3A_7 = arith.constant 0 : i32
    %dma_start3A_8 = tpu.memref_slice %arg7[%dma_start3A_7] : memref<640xi32, #tpu.memory_space<vmem>> -> memref<128xi32, #tpu.memory_space<vmem>>
    %dma_start3A_9 = arith.constant 0 : i32
    %dma_start3A_10 = arith.constant 0 : i32
    %dma_start3A_11 = tpu.memref_slice %arg2[%dma_start3A_9, %dma_start3A_10] : memref<100000x32xf32, #tpu.memory_space<hbm>> -> memref<100000x32xf32, #tpu.memory_space<hbm>>
    tpu.enqueue_indirect_dma source(%dma_start3A_11 : memref<100000x32xf32, #tpu.memory_space<hbm>>) target(%dma_start3A_6 : memref<128x32xf32, #tpu.memory_space<vmem>>) offsets(%dma_start3A_8 : memref<128xi32, #tpu.memory_space<vmem>>) semaphore(%arg13 : memref<!tpu.dma_semaphore, #tpu.memory_space<semaphore_mem>>)
    %dma_start3A_12 = arith.constant 128 : i32
    %dma_start3A_13 = arith.constant 0 : i32
    %dma_start3A_14 = tpu.memref_slice %arg9[%dma_start3A_12, %dma_start3A_13] : memref<640x32xf32, #tpu.memory_space<vmem>> -> memref<128x32xf32, #tpu.memory_space<vmem>>
    %dma_start3A_15 = arith.constant 128 : i32
    %dma_start3A_16 = tpu.memref_slice %arg7[%dma_start3A_15] : memref<640xi32, #tpu.memory_space<vmem>> -> memref<128xi32, #tpu.memory_space<vmem>>
    %dma_start3A_17 = arith.constant 0 : i32
    %dma_start3A_18 = arith.constant 0 : i32
    %dma_start3A_19 = tpu.memref_slice %arg2[%dma_start3A_17, %dma_start3A_18] : memref<100000x32xf32, #tpu.memory_space<hbm>> -> memref<100000x32xf32, #tpu.memory_space<hbm>>
    tpu.enqueue_indirect_dma source(%dma_start3A_19 : memref<100000x32xf32, #tpu.memory_space<hbm>>) target(%dma_start3A_14 : memref<128x32xf32, #tpu.memory_space<vmem>>) offsets(%dma_start3A_16 : memref<128xi32, #tpu.memory_space<vmem>>) semaphore(%arg13 : memref<!tpu.dma_semaphore, #tpu.memory_space<semaphore_mem>>)
    %dma_start3A_20 = arith.constant 256 : i32
    %dma_start3A_21 = arith.constant 0 : i32
    %dma_start3A_22 = tpu.memref_slice %arg9[%dma_start3A_20, %dma_start3A_21] : memref<640x32xf32, #tpu.memory_space<vmem>> -> memref<128x32xf32, #tpu.memory_space<vmem>>
    %dma_start3A_23 = arith.constant 256 : i32
    %dma_start3A_24 = tpu.memref_slice %arg7[%dma_start3A_23] : memref<640xi32, #tpu.memory_space<vmem>> -> memref<128xi32, #tpu.memory_space<vmem>>
    %dma_start3A_25 = arith.constant 0 : i32
    %dma_start3A_26 = arith.constant 0 : i32
    %dma_start3A_27 = tpu.memref_slice %arg2[%dma_start3A_25, %dma_start3A_26] : memref<100000x32xf32, #tpu.memory_space<hbm>> -> memref<100000x32xf32, #tpu.memory_space<hbm>>
    tpu.enqueue_indirect_dma source(%dma_start3A_27 : memref<100000x32xf32, #tpu.memory_space<hbm>>) target(%dma_start3A_22 : memref<128x32xf32, #tpu.memory_space<vmem>>) offsets(%dma_start3A_24 : memref<128xi32, #tpu.memory_space<vmem>>) semaphore(%arg13 : memref<!tpu.dma_semaphore, #tpu.memory_space<semaphore_mem>>)
    %dma_start3A_28 = arith.constant 384 : i32
    %dma_start3A_29 = arith.constant 0 : i32
    %dma_start3A_30 = tpu.memref_slice %arg9[%dma_start3A_28, %dma_start3A_29] : memref<640x32xf32, #tpu.memory_space<vmem>> -> memref<128x32xf32, #tpu.memory_space<vmem>>
    %dma_start3A_31 = arith.constant 384 : i32
    %dma_start3A_32 = tpu.memref_slice %arg7[%dma_start3A_31] : memref<640xi32, #tpu.memory_space<vmem>> -> memref<128xi32, #tpu.memory_space<vmem>>
    %dma_start3A_33 = arith.constant 0 : i32
    %dma_start3A_34 = arith.constant 0 : i32
    %dma_start3A_35 = tpu.memref_slice %arg2[%dma_start3A_33, %dma_start3A_34] : memref<100000x32xf32, #tpu.memory_space<hbm>> -> memref<100000x32xf32, #tpu.memory_space<hbm>>
    tpu.enqueue_indirect_dma source(%dma_start3A_35 : memref<100000x32xf32, #tpu.memory_space<hbm>>) target(%dma_start3A_30 : memref<128x32xf32, #tpu.memory_space<vmem>>) offsets(%dma_start3A_32 : memref<128xi32, #tpu.memory_space<vmem>>) semaphore(%arg13 : memref<!tpu.dma_semaphore, #tpu.memory_space<semaphore_mem>>)
    %dma_start3A_36 = arith.constant 512 : i32
    %dma_start3A_37 = arith.constant 0 : i32
    %dma_start3A_38 = tpu.memref_slice %arg9[%dma_start3A_36, %dma_start3A_37] : memref<640x32xf32, #tpu.memory_space<vmem>> -> memref<128x32xf32, #tpu.memory_space<vmem>>
    %dma_start3A_39 = arith.constant 512 : i32
    %dma_start3A_40 = tpu.memref_slice %arg7[%dma_start3A_39] : memref<640xi32, #tpu.memory_space<vmem>> -> memref<128xi32, #tpu.memory_space<vmem>>
    %dma_start3A_41 = arith.constant 0 : i32
    %dma_start3A_42 = arith.constant 0 : i32
    %dma_start3A_43 = tpu.memref_slice %arg2[%dma_start3A_41, %dma_start3A_42] : memref<100000x32xf32, #tpu.memory_space<hbm>> -> memref<100000x32xf32, #tpu.memory_space<hbm>>
    tpu.enqueue_indirect_dma source(%dma_start3A_43 : memref<100000x32xf32, #tpu.memory_space<hbm>>) target(%dma_start3A_38 : memref<128x32xf32, #tpu.memory_space<vmem>>) offsets(%dma_start3A_40 : memref<128xi32, #tpu.memory_space<vmem>>) semaphore(%arg13 : memref<!tpu.dma_semaphore, #tpu.memory_space<semaphore_mem>>)
    %broadcast_in_dim3A = arith.constant 0.000000e+00 : f32
    %broadcast_in_dim3A_44 = vector.broadcast %broadcast_in_dim3A : f32 to vector<16xf32>
    %scan3A = arith.constant 0 : i32
    %scan3A_45 = arith.constant 0 : i32
    %scan3A_46 = arith.constant 160 : i32
    %scan3A_47 = arith.addi %scan3A_45, %scan3A_46 : i32
    %scan3A_48 = arith.constant 1 : i32
    %scan3A_49 = scf.for %scan3A_102 = %scan3A_45 to %scan3A_47 step %scan3A_48 iter_args(%scan3A_103 = %scan3A) -> (i32)  : i32 {
      %swap3A = arith.index_cast %scan3A_102 : i32 to index
      %swap3A_104 = arith.constant 0 : index
      %swap3A_105 = tpu.vector_load %arg11[%swap3A, %swap3A_104] {strides = array<i32>} : memref<160x32xf32, #tpu.memory_space<vmem>>, vector<1x16xf32>,
      %swap3A_106 = vector.shape_cast %swap3A_105 : vector<1x16xf32> to vector<16xf32>
      %swap3A_107 = vector.shape_cast %broadcast_in_dim3A_44 : vector<16xf32> to vector<1x16xf32>
      tpu.vector_store %arg11[%swap3A, %swap3A_104], %swap3A_107 {strides = array<i32>} : memref<160x32xf32, #tpu.memory_space<vmem>>, vector<1x16xf32>,
      %swap3A_108 = arith.index_cast %scan3A_102 : i32 to index
      %swap3A_109 = arith.constant 16 : index
      %swap3A_110 = tpu.vector_load %arg11[%swap3A_108, %swap3A_109] {strides = array<i32>} : memref<160x32xf32, #tpu.memory_space<vmem>>, vector<1x16xf32>,
      %swap3A_111 = vector.shape_cast %swap3A_110 : vector<1x16xf32> to vector<16xf32>
      %swap3A_112 = vector.shape_cast %broadcast_in_dim3A_44 : vector<16xf32> to vector<1x16xf32>
      tpu.vector_store %arg11[%swap3A_108, %swap3A_109], %swap3A_112 {strides = array<i32>} : memref<160x32xf32, #tpu.memory_space<vmem>>, vector<1x16xf32>,
      %scan3A_113 = arith.constant 0 : i32
      scf.yield %scan3A_113 : i32
    }
    %scan3A_50 = arith.constant 160 : i32
    %mul3A_51 = arith.constant 1600 : i32
    %mul3A_52 = arith.muli %arg1, %mul3A_51 : i32
    %add3A_53 = arith.constant 0 : i32
    %add3A_54 = arith.addi %mul3A_52, %add3A_53 : i32
    "tpu.region"() ({
      %run_scoped3A = tpu.sem_alloc : memref<!tpu.dma_semaphore, #tpu.memory_space<semaphore_mem>>
      %dma_start3A_102 = arith.constant 0 : i32
      %dma_start3A_103 = tpu.memref_slice %arg12[%add3A_54, %dma_start3A_102] : memref<25600x32xf32, #tpu.memory_space<vmem_shared>> -> memref<160x32xf32, #tpu.memory_space<vmem_shared>>
      %dma_start3A_104 = arith.constant 0 : i32
      %dma_start3A_105 = tpu.memref_slice %arg12[%add3A_54, %dma_start3A_104] : memref<25600x32xf32, #tpu.memory_space<vmem_shared>> -> memref<160x32xf32, #tpu.memory_space<vmem_shared>>
      tpu.enqueue_dma source(%arg11 : memref<160x32xf32, #tpu.memory_space<vmem>>) target(%dma_start3A_105 : memref<160x32xf32, #tpu.memory_space<vmem_shared>>) target_semaphore(%run_scoped3A : memref<!tpu.dma_semaphore, #tpu.memory_space<semaphore_mem>>)
      %dma_wait3A = arith.constant 0 : i32
      %dma_wait3A_106 = tpu.memref_slice %arg12[%add3A_54, %dma_wait3A] : memref<25600x32xf32, #tpu.memory_space<vmem_shared>> -> memref<160x32xf32, #tpu.memory_space<vmem_shared>>
      %dma_wait3A_107 = arith.constant 0 : i32
      %dma_wait3A_108 = tpu.memref_slice %arg12[%add3A_54, %dma_wait3A_107] : memref<25600x32xf32, #tpu.memory_space<vmem_shared>> -> memref<160x32xf32, #tpu.memory_space<vmem_shared>>
      tpu.wait_dma2 semaphore(%run_scoped3A : memref<!tpu.dma_semaphore, #tpu.memory_space<semaphore_mem>>) src(%arg11 : memref<160x32xf32, #tpu.memory_space<vmem>>) dst(%dma_wait3A_108 : memref<160x32xf32, #tpu.memory_space<vmem_shared>>)
      tpu.yield
    }) : () -> ()
    %mul3A_55 = arith.constant 1600 : i32
    %mul3A_56 = arith.muli %arg1, %mul3A_55 : i32
    %add3A_57 = arith.constant 160 : i32
    %add3A_58 = arith.addi %mul3A_56, %add3A_57 : i32
    "tpu.region"() ({
      %run_scoped3A = tpu.sem_alloc : memref<!tpu.dma_semaphore, #tpu.memory_space<semaphore_mem>>
      %dma_start3A_102 = arith.constant 0 : i32
      %dma_start3A_103 = tpu.memref_slice %arg12[%add3A_58, %dma_start3A_102] : memref<25600x32xf32, #tpu.memory_space<vmem_shared>> -> memref<160x32xf32, #tpu.memory_space<vmem_shared>>
      %dma_start3A_104 = arith.constant 0 : i32
      %dma_start3A_105 = tpu.memref_slice %arg12[%add3A_58, %dma_start3A_104] : memref<25600x32xf32, #tpu.memory_space<vmem_shared>> -> memref<160x32xf32, #tpu.memory_space<vmem_shared>>
      tpu.enqueue_dma source(%arg11 : memref<160x32xf32, #tpu.memory_space<vmem>>) target(%dma_start3A_105 : memref<160x32xf32, #tpu.memory_space<vmem_shared>>) target_semaphore(%run_scoped3A : memref<!tpu.dma_semaphore, #tpu.memory_space<semaphore_mem>>)
      %dma_wait3A = arith.constant 0 : i32
      %dma_wait3A_106 = tpu.memref_slice %arg12[%add3A_58, %dma_wait3A] : memref<25600x32xf32, #tpu.memory_space<vmem_shared>> -> memref<160x32xf32, #tpu.memory_space<vmem_shared>>
      %dma_wait3A_107 = arith.constant 0 : i32
      %dma_wait3A_108 = tpu.memref_slice %arg12[%add3A_58, %dma_wait3A_107] : memref<25600x32xf32, #tpu.memory_space<vmem_shared>> -> memref<160x32xf32, #tpu.memory_space<vmem_shared>>
      tpu.wait_dma2 semaphore(%run_scoped3A : memref<!tpu.dma_semaphore, #tpu.memory_space<semaphore_mem>>) src(%arg11 : memref<160x32xf32, #tpu.memory_space<vmem>>) dst(%dma_wait3A_108 : memref<160x32xf32, #tpu.memory_space<vmem_shared>>)
      tpu.yield
    }) : () -> ()
    %mul3A_59 = arith.constant 1600 : i32
    %mul3A_60 = arith.muli %arg1, %mul3A_59 : i32
    %add3A_61 = arith.constant 320 : i32
    %add3A_62 = arith.addi %mul3A_60, %add3A_61 : i32
    "tpu.region"() ({
      %run_scoped3A = tpu.sem_alloc : memref<!tpu.dma_semaphore, #tpu.memory_space<semaphore_mem>>
      %dma_start3A_102 = arith.constant 0 : i32
      %dma_start3A_103 = tpu.memref_slice %arg12[%add3A_62, %dma_start3A_102] : memref<25600x32xf32, #tpu.memory_space<vmem_shared>> -> memref<160x32xf32, #tpu.memory_space<vmem_shared>>
      %dma_start3A_104 = arith.constant 0 : i32
      %dma_start3A_105 = tpu.memref_slice %arg12[%add3A_62, %dma_start3A_104] : memref<25600x32xf32, #tpu.memory_space<vmem_shared>> -> memref<160x32xf32, #tpu.memory_space<vmem_shared>>
      tpu.enqueue_dma source(%arg11 : memref<160x32xf32, #tpu.memory_space<vmem>>) target(%dma_start3A_105 : memref<160x32xf32, #tpu.memory_space<vmem_shared>>) target_semaphore(%run_scoped3A : memref<!tpu.dma_semaphore, #tpu.memory_space<semaphore_mem>>)
      %dma_wait3A = arith.constant 0 : i32
      %dma_wait3A_106 = tpu.memref_slice %arg12[%add3A_62, %dma_wait3A] : memref<25600x32xf32, #tpu.memory_space<vmem_shared>> -> memref<160x32xf32, #tpu.memory_space<vmem_shared>>
      %dma_wait3A_107 = arith.constant 0 : i32
      %dma_wait3A_108 = tpu.memref_slice %arg12[%add3A_62, %dma_wait3A_107] : memref<25600x32xf32, #tpu.memory_space<vmem_shared>> -> memref<160x32xf32, #tpu.memory_space<vmem_shared>>
      tpu.wait_dma2 semaphore(%run_scoped3A : memref<!tpu.dma_semaphore, #tpu.memory_space<semaphore_mem>>) src(%arg11 : memref<160x32xf32, #tpu.memory_space<vmem>>) dst(%dma_wait3A_108 : memref<160x32xf32, #tpu.memory_space<vmem_shared>>)
      tpu.yield
    }) : () -> ()
    %mul3A_63 = arith.constant 1600 : i32
    %mul3A_64 = arith.muli %arg1, %mul3A_63 : i32
    %add3A_65 = arith.constant 480 : i32
    %add3A_66 = arith.addi %mul3A_64, %add3A_65 : i32
    "tpu.region"() ({
      %run_scoped3A = tpu.sem_alloc : memref<!tpu.dma_semaphore, #tpu.memory_space<semaphore_mem>>
      %dma_start3A_102 = arith.constant 0 : i32
      %dma_start3A_103 = tpu.memref_slice %arg12[%add3A_66, %dma_start3A_102] : memref<25600x32xf32, #tpu.memory_space<vmem_shared>> -> memref<160x32xf32, #tpu.memory_space<vmem_shared>>
      %dma_start3A_104 = arith.constant 0 : i32
      %dma_start3A_105 = tpu.memref_slice %arg12[%add3A_66, %dma_start3A_104] : memref<25600x32xf32, #tpu.memory_space<vmem_shared>> -> memref<160x32xf32, #tpu.memory_space<vmem_shared>>
      tpu.enqueue_dma source(%arg11 : memref<160x32xf32, #tpu.memory_space<vmem>>) target(%dma_start3A_105 : memref<160x32xf32, #tpu.memory_space<vmem_shared>>) target_semaphore(%run_scoped3A : memref<!tpu.dma_semaphore, #tpu.memory_space<semaphore_mem>>)
      %dma_wait3A = arith.constant 0 : i32
      %dma_wait3A_106 = tpu.memref_slice %arg12[%add3A_66, %dma_wait3A] : memref<25600x32xf32, #tpu.memory_space<vmem_shared>> -> memref<160x32xf32, #tpu.memory_space<vmem_shared>>
      %dma_wait3A_107 = arith.constant 0 : i32
      %dma_wait3A_108 = tpu.memref_slice %arg12[%add3A_66, %dma_wait3A_107] : memref<25600x32xf32, #tpu.memory_space<vmem_shared>> -> memref<160x32xf32, #tpu.memory_space<vmem_shared>>
      tpu.wait_dma2 semaphore(%run_scoped3A : memref<!tpu.dma_semaphore, #tpu.memory_space<semaphore_mem>>) src(%arg11 : memref<160x32xf32, #tpu.memory_space<vmem>>) dst(%dma_wait3A_108 : memref<160x32xf32, #tpu.memory_space<vmem_shared>>)
      tpu.yield
    }) : () -> ()
    %mul3A_67 = arith.constant 1600 : i32
    %mul3A_68 = arith.muli %arg1, %mul3A_67 : i32
    %add3A_69 = arith.constant 640 : i32
    %add3A_70 = arith.addi %mul3A_68, %add3A_69 : i32
    "tpu.region"() ({
      %run_scoped3A = tpu.sem_alloc : memref<!tpu.dma_semaphore, #tpu.memory_space<semaphore_mem>>
      %dma_start3A_102 = arith.constant 0 : i32
      %dma_start3A_103 = tpu.memref_slice %arg12[%add3A_70, %dma_start3A_102] : memref<25600x32xf32, #tpu.memory_space<vmem_shared>> -> memref<160x32xf32, #tpu.memory_space<vmem_shared>>
      %dma_start3A_104 = arith.constant 0 : i32
      %dma_start3A_105 = tpu.memref_slice %arg12[%add3A_70, %dma_start3A_104] : memref<25600x32xf32, #tpu.memory_space<vmem_shared>> -> memref<160x32xf32, #tpu.memory_space<vmem_shared>>
      tpu.enqueue_dma source(%arg11 : memref<160x32xf32, #tpu.memory_space<vmem>>) target(%dma_start3A_105 : memref<160x32xf32, #tpu.memory_space<vmem_shared>>) target_semaphore(%run_scoped3A : memref<!tpu.dma_semaphore, #tpu.memory_space<semaphore_mem>>)
      %dma_wait3A = arith.constant 0 : i32
      %dma_wait3A_106 = tpu.memref_slice %arg12[%add3A_70, %dma_wait3A] : memref<25600x32xf32, #tpu.memory_space<vmem_shared>> -> memref<160x32xf32, #tpu.memory_space<vmem_shared>>
      %dma_wait3A_107 = arith.constant 0 : i32
      %dma_wait3A_108 = tpu.memref_slice %arg12[%add3A_70, %dma_wait3A_107] : memref<25600x32xf32, #tpu.memory_space<vmem_shared>> -> memref<160x32xf32, #tpu.memory_space<vmem_shared>>
      tpu.wait_dma2 semaphore(%run_scoped3A : memref<!tpu.dma_semaphore, #tpu.memory_space<semaphore_mem>>) src(%arg11 : memref<160x32xf32, #tpu.memory_space<vmem>>) dst(%dma_wait3A_108 : memref<160x32xf32, #tpu.memory_space<vmem_shared>>)
      tpu.yield
    }) : () -> ()
    %mul3A_71 = arith.constant 1600 : i32
    %mul3A_72 = arith.muli %arg1, %mul3A_71 : i32
    %add3A_73 = arith.constant 800 : i32
    %add3A_74 = arith.addi %mul3A_72, %add3A_73 : i32
    "tpu.region"() ({
      %run_scoped3A = tpu.sem_alloc : memref<!tpu.dma_semaphore, #tpu.memory_space<semaphore_mem>>
      %dma_start3A_102 = arith.constant 0 : i32
      %dma_start3A_103 = tpu.memref_slice %arg12[%add3A_74, %dma_start3A_102] : memref<25600x32xf32, #tpu.memory_space<vmem_shared>> -> memref<160x32xf32, #tpu.memory_space<vmem_shared>>
      %dma_start3A_104 = arith.constant 0 : i32
      %dma_start3A_105 = tpu.memref_slice %arg12[%add3A_74, %dma_start3A_104] : memref<25600x32xf32, #tpu.memory_space<vmem_shared>> -> memref<160x32xf32, #tpu.memory_space<vmem_shared>>
      tpu.enqueue_dma source(%arg11 : memref<160x32xf32, #tpu.memory_space<vmem>>) target(%dma_start3A_105 : memref<160x32xf32, #tpu.memory_space<vmem_shared>>) target_semaphore(%run_scoped3A : memref<!tpu.dma_semaphore, #tpu.memory_space<semaphore_mem>>)
      %dma_wait3A = arith.constant 0 : i32
      %dma_wait3A_106 = tpu.memref_slice %arg12[%add3A_74, %dma_wait3A] : memref<25600x32xf32, #tpu.memory_space<vmem_shared>> -> memref<160x32xf32, #tpu.memory_space<vmem_shared>>
      %dma_wait3A_107 = arith.constant 0 : i32
      %dma_wait3A_108 = tpu.memref_slice %arg12[%add3A_74, %dma_wait3A_107] : memref<25600x32xf32, #tpu.memory_space<vmem_shared>> -> memref<160x32xf32, #tpu.memory_space<vmem_shared>>
      tpu.wait_dma2 semaphore(%run_scoped3A : memref<!tpu.dma_semaphore, #tpu.memory_space<semaphore_mem>>) src(%arg11 : memref<160x32xf32, #tpu.memory_space<vmem>>) dst(%dma_wait3A_108 : memref<160x32xf32, #tpu.memory_space<vmem_shared>>)
      tpu.yield
    }) : () -> ()
    %mul3A_75 = arith.constant 1600 : i32
    %mul3A_76 = arith.muli %arg1, %mul3A_75 : i32
    %add3A_77 = arith.constant 960 : i32
    %add3A_78 = arith.addi %mul3A_76, %add3A_77 : i32
    "tpu.region"() ({
      %run_scoped3A = tpu.sem_alloc : memref<!tpu.dma_semaphore, #tpu.memory_space<semaphore_mem>>
      %dma_start3A_102 = arith.constant 0 : i32
      %dma_start3A_103 = tpu.memref_slice %arg12[%add3A_78, %dma_start3A_102] : memref<25600x32xf32, #tpu.memory_space<vmem_shared>> -> memref<160x32xf32, #tpu.memory_space<vmem_shared>>
      %dma_start3A_104 = arith.constant 0 : i32
      %dma_start3A_105 = tpu.memref_slice %arg12[%add3A_78, %dma_start3A_104] : memref<25600x32xf32, #tpu.memory_space<vmem_shared>> -> memref<160x32xf32, #tpu.memory_space<vmem_shared>>
      tpu.enqueue_dma source(%arg11 : memref<160x32xf32, #tpu.memory_space<vmem>>) target(%dma_start3A_105 : memref<160x32xf32, #tpu.memory_space<vmem_shared>>) target_semaphore(%run_scoped3A : memref<!tpu.dma_semaphore, #tpu.memory_space<semaphore_mem>>)
      %dma_wait3A = arith.constant 0 : i32
      %dma_wait3A_106 = tpu.memref_slice %arg12[%add3A_78, %dma_wait3A] : memref<25600x32xf32, #tpu.memory_space<vmem_shared>> -> memref<160x32xf32, #tpu.memory_space<vmem_shared>>
      %dma_wait3A_107 = arith.constant 0 : i32
      %dma_wait3A_108 = tpu.memref_slice %arg12[%add3A_78, %dma_wait3A_107] : memref<25600x32xf32, #tpu.memory_space<vmem_shared>> -> memref<160x32xf32, #tpu.memory_space<vmem_shared>>
      tpu.wait_dma2 semaphore(%run_scoped3A : memref<!tpu.dma_semaphore, #tpu.memory_space<semaphore_mem>>) src(%arg11 : memref<160x32xf32, #tpu.memory_space<vmem>>) dst(%dma_wait3A_108 : memref<160x32xf32, #tpu.memory_space<vmem_shared>>)
      tpu.yield
    }) : () -> ()
    %mul3A_79 = arith.constant 1600 : i32
    %mul3A_80 = arith.muli %arg1, %mul3A_79 : i32
    %add3A_81 = arith.constant 1120 : i32
    %add3A_82 = arith.addi %mul3A_80, %add3A_81 : i32
    "tpu.region"() ({
      %run_scoped3A = tpu.sem_alloc : memref<!tpu.dma_semaphore, #tpu.memory_space<semaphore_mem>>
      %dma_start3A_102 = arith.constant 0 : i32
      %dma_start3A_103 = tpu.memref_slice %arg12[%add3A_82, %dma_start3A_102] : memref<25600x32xf32, #tpu.memory_space<vmem_shared>> -> memref<160x32xf32, #tpu.memory_space<vmem_shared>>
      %dma_start3A_104 = arith.constant 0 : i32
      %dma_start3A_105 = tpu.memref_slice %arg12[%add3A_82, %dma_start3A_104] : memref<25600x32xf32, #tpu.memory_space<vmem_shared>> -> memref<160x32xf32, #tpu.memory_space<vmem_shared>>
      tpu.enqueue_dma source(%arg11 : memref<160x32xf32, #tpu.memory_space<vmem>>) target(%dma_start3A_105 : memref<160x32xf32, #tpu.memory_space<vmem_shared>>) target_semaphore(%run_scoped3A : memref<!tpu.dma_semaphore, #tpu.memory_space<semaphore_mem>>)
      %dma_wait3A = arith.constant 0 : i32
      %dma_wait3A_106 = tpu.memref_slice %arg12[%add3A_82, %dma_wait3A] : memref<25600x32xf32, #tpu.memory_space<vmem_shared>> -> memref<160x32xf32, #tpu.memory_space<vmem_shared>>
      %dma_wait3A_107 = arith.constant 0 : i32
      %dma_wait3A_108 = tpu.memref_slice %arg12[%add3A_82, %dma_wait3A_107] : memref<25600x32xf32, #tpu.memory_space<vmem_shared>> -> memref<160x32xf32, #tpu.memory_space<vmem_shared>>
      tpu.wait_dma2 semaphore(%run_scoped3A : memref<!tpu.dma_semaphore, #tpu.memory_space<semaphore_mem>>) src(%arg11 : memref<160x32xf32, #tpu.memory_space<vmem>>) dst(%dma_wait3A_108 : memref<160x32xf32, #tpu.memory_space<vmem_shared>>)
      tpu.yield
    }) : () -> ()
    %mul3A_83 = arith.constant 1600 : i32
    %mul3A_84 = arith.muli %arg1, %mul3A_83 : i32
    %add3A_85 = arith.constant 1280 : i32
    %add3A_86 = arith.addi %mul3A_84, %add3A_85 : i32
    "tpu.region"() ({
      %run_scoped3A = tpu.sem_alloc : memref<!tpu.dma_semaphore, #tpu.memory_space<semaphore_mem>>
      %dma_start3A_102 = arith.constant 0 : i32
      %dma_start3A_103 = tpu.memref_slice %arg12[%add3A_86, %dma_start3A_102] : memref<25600x32xf32, #tpu.memory_space<vmem_shared>> -> memref<160x32xf32, #tpu.memory_space<vmem_shared>>
      %dma_start3A_104 = arith.constant 0 : i32
      %dma_start3A_105 = tpu.memref_slice %arg12[%add3A_86, %dma_start3A_104] : memref<25600x32xf32, #tpu.memory_space<vmem_shared>> -> memref<160x32xf32, #tpu.memory_space<vmem_shared>>
      tpu.enqueue_dma source(%arg11 : memref<160x32xf32, #tpu.memory_space<vmem>>) target(%dma_start3A_105 : memref<160x32xf32, #tpu.memory_space<vmem_shared>>) target_semaphore(%run_scoped3A : memref<!tpu.dma_semaphore, #tpu.memory_space<semaphore_mem>>)
      %dma_wait3A = arith.constant 0 : i32
      %dma_wait3A_106 = tpu.memref_slice %arg12[%add3A_86, %dma_wait3A] : memref<25600x32xf32, #tpu.memory_space<vmem_shared>> -> memref<160x32xf32, #tpu.memory_space<vmem_shared>>
      %dma_wait3A_107 = arith.constant 0 : i32
      %dma_wait3A_108 = tpu.memref_slice %arg12[%add3A_86, %dma_wait3A_107] : memref<25600x32xf32, #tpu.memory_space<vmem_shared>> -> memref<160x32xf32, #tpu.memory_space<vmem_shared>>
      tpu.wait_dma2 semaphore(%run_scoped3A : memref<!tpu.dma_semaphore, #tpu.memory_space<semaphore_mem>>) src(%arg11 : memref<160x32xf32, #tpu.memory_space<vmem>>) dst(%dma_wait3A_108 : memref<160x32xf32, #tpu.memory_space<vmem_shared>>)
      tpu.yield
    }) : () -> ()
    %mul3A_87 = arith.constant 1600 : i32
    %mul3A_88 = arith.muli %arg1, %mul3A_87 : i32
    %add3A_89 = arith.constant 1440 : i32
    %add3A_90 = arith.addi %mul3A_88, %add3A_89 : i32
    "tpu.region"() ({
      %run_scoped3A = tpu.sem_alloc : memref<!tpu.dma_semaphore, #tpu.memory_space<semaphore_mem>>
      %dma_start3A_102 = arith.constant 0 : i32
      %dma_start3A_103 = tpu.memref_slice %arg12[%add3A_90, %dma_start3A_102] : memref<25600x32xf32, #tpu.memory_space<vmem_shared>> -> memref<160x32xf32, #tpu.memory_space<vmem_shared>>
      %dma_start3A_104 = arith.constant 0 : i32
      %dma_start3A_105 = tpu.memref_slice %arg12[%add3A_90, %dma_start3A_104] : memref<25600x32xf32, #tpu.memory_space<vmem_shared>> -> memref<160x32xf32, #tpu.memory_space<vmem_shared>>
      tpu.enqueue_dma source(%arg11 : memref<160x32xf32, #tpu.memory_space<vmem>>) target(%dma_start3A_105 : memref<160x32xf32, #tpu.memory_space<vmem_shared>>) target_semaphore(%run_scoped3A : memref<!tpu.dma_semaphore, #tpu.memory_space<semaphore_mem>>)
      %dma_wait3A = arith.constant 0 : i32
      %dma_wait3A_106 = tpu.memref_slice %arg12[%add3A_90, %dma_wait3A] : memref<25600x32xf32, #tpu.memory_space<vmem_shared>> -> memref<160x32xf32, #tpu.memory_space<vmem_shared>>
      %dma_wait3A_107 = arith.constant 0 : i32
      %dma_wait3A_108 = tpu.memref_slice %arg12[%add3A_90, %dma_wait3A_107] : memref<25600x32xf32, #tpu.memory_space<vmem_shared>> -> memref<160x32xf32, #tpu.memory_space<vmem_shared>>
      tpu.wait_dma2 semaphore(%run_scoped3A : memref<!tpu.dma_semaphore, #tpu.memory_space<semaphore_mem>>) src(%arg11 : memref<160x32xf32, #tpu.memory_space<vmem>>) dst(%dma_wait3A_108 : memref<160x32xf32, #tpu.memory_space<vmem_shared>>)
      tpu.yield
    }) : () -> ()
    %scan3A_91 = arith.constant 0 : i32
    %scan3A_92 = arith.constant 0 : i32
    %scan3A_93 = arith.constant 25 : i32
    %scan3A_94 = arith.addi %scan3A_92, %scan3A_93 : i32
    %scan3A_95 = arith.constant 1 : i32
    %scan3A_96 = scf.for %scan3A_102 = %scan3A_92 to %scan3A_94 step %scan3A_95 iter_args(%scan3A_103 = %scan3A_91) -> (i32)  : i32 {
      %mul3A_104 = arith.constant 2 : i32
      %mul3A_105 = arith.muli %mul3A_104, %scan3A_102 : i32
      %dma_wait3A = arith.constant 0 : i32
      %dma_wait3A_106 = arith.constant 0 : i32
      %dma_wait3A_107 = tpu.memref_slice %arg2[%dma_wait3A, %dma_wait3A_106] : memref<100000x32xf32, #tpu.memory_space<hbm>> -> memref<100000x32xf32, #tpu.memory_space<hbm>>
      tpu.wait_indirect_dma semaphore(%arg13 : memref<!tpu.dma_semaphore, #tpu.memory_space<semaphore_mem>>) src(%dma_wait3A_107 : memref<100000x32xf32, #tpu.memory_space<hbm>>) dst(%arg9 : memref<640x32xf32, #tpu.memory_space<vmem>>)
      %add3A_108 = arith.constant 1 : i32
      %add3A_109 = arith.addi %mul3A_105, %add3A_108 : i32
      %mul3A_110 = arith.constant 640 : i32
      %mul3A_111 = arith.muli %add3A_109, %mul3A_110 : i32
      %add3A_112 = arith.addi %mul3A_2, %mul3A_111 : i32
      "tpu.region"() ({
        %run_scoped3A = tpu.sem_alloc : memref<!tpu.dma_semaphore, #tpu.memory_space<semaphore_mem>>
        %dma_start3A_222 = tpu.memref_slice %arg3[%add3A_112] : memref<1024000xi32, #tpu.memory_space<hbm>> -> memref<640xi32, #tpu.memory_space<hbm>>
        %dma_start3A_223 = tpu.memref_slice %arg3[%add3A_112] : memref<1024000xi32, #tpu.memory_space<hbm>> -> memref<640xi32, #tpu.memory_space<hbm>>
        tpu.enqueue_dma source(%dma_start3A_223 : memref<640xi32, #tpu.memory_space<hbm>>) target(%arg8 : memref<640xi32, #tpu.memory_space<vmem>>) target_semaphore(%run_scoped3A : memref<!tpu.dma_semaphore, #tpu.memory_space<semaphore_mem>>)
        %dma_wait3A_224 = tpu.memref_slice %arg3[%add3A_112] : memref<1024000xi32, #tpu.memory_space<hbm>> -> memref<640xi32, #tpu.memory_space<hbm>>
        %dma_wait3A_225 = tpu.memref_slice %arg3[%add3A_112] : memref<1024000xi32, #tpu.memory_space<hbm>> -> memref<640xi32, #tpu.memory_space<hbm>>
        tpu.wait_dma2 semaphore(%run_scoped3A : memref<!tpu.dma_semaphore, #tpu.memory_space<semaphore_mem>>) src(%dma_wait3A_225 : memref<640xi32, #tpu.memory_space<hbm>>) dst(%arg8 : memref<640xi32, #tpu.memory_space<vmem>>)
        tpu.yield
      }) : () -> ()
      %dma_start3A_113 = arith.constant 0 : i32
      %dma_start3A_114 = arith.constant 0 : i32
      %dma_start3A_115 = tpu.memref_slice %arg10[%dma_start3A_113, %dma_start3A_114] : memref<640x32xf32, #tpu.memory_space<vmem>> -> memref<128x32xf32, #tpu.memory_space<vmem>>
      %dma_start3A_116 = arith.constant 0 : i32
      %dma_start3A_117 = tpu.memref_slice %arg8[%dma_start3A_116] : memref<640xi32, #tpu.memory_space<vmem>> -> memref<128xi32, #tpu.memory_space<vmem>>
      %dma_start3A_118 = arith.constant 0 : i32
      %dma_start3A_119 = arith.constant 0 : i32
      %dma_start3A_120 = tpu.memref_slice %arg2[%dma_start3A_118, %dma_start3A_119] : memref<100000x32xf32, #tpu.memory_space<hbm>> -> memref<100000x32xf32, #tpu.memory_space<hbm>>
      tpu.enqueue_indirect_dma source(%dma_start3A_120 : memref<100000x32xf32, #tpu.memory_space<hbm>>) target(%dma_start3A_115 : memref<128x32xf32, #tpu.memory_space<vmem>>) offsets(%dma_start3A_117 : memref<128xi32, #tpu.memory_space<vmem>>) semaphore(%arg13 : memref<!tpu.dma_semaphore, #tpu.memory_space<semaphore_mem>>)
      %dma_start3A_121 = arith.constant 128 : i32
      %dma_start3A_122 = arith.constant 0 : i32
      %dma_start3A_123 = tpu.memref_slice %arg10[%dma_start3A_121, %dma_start3A_122] : memref<640x32xf32, #tpu.memory_space<vmem>> -> memref<128x32xf32, #tpu.memory_space<vmem>>
      %dma_start3A_124 = arith.constant 128 : i32
      %dma_start3A_125 = tpu.memref_slice %arg8[%dma_start3A_124] : memref<640xi32, #tpu.memory_space<vmem>> -> memref<128xi32, #tpu.memory_space<vmem>>
      %dma_start3A_126 = arith.constant 0 : i32
      %dma_start3A_127 = arith.constant 0 : i32
      %dma_start3A_128 = tpu.memref_slice %arg2[%dma_start3A_126, %dma_start3A_127] : memref<100000x32xf32, #tpu.memory_space<hbm>> -> memref<100000x32xf32, #tpu.memory_space<hbm>>
      tpu.enqueue_indirect_dma source(%dma_start3A_128 : memref<100000x32xf32, #tpu.memory_space<hbm>>) target(%dma_start3A_123 : memref<128x32xf32, #tpu.memory_space<vmem>>) offsets(%dma_start3A_125 : memref<128xi32, #tpu.memory_space<vmem>>) semaphore(%arg13 : memref<!tpu.dma_semaphore, #tpu.memory_space<semaphore_mem>>)
      %dma_start3A_129 = arith.constant 256 : i32
      %dma_start3A_130 = arith.constant 0 : i32
      %dma_start3A_131 = tpu.memref_slice %arg10[%dma_start3A_129, %dma_start3A_130] : memref<640x32xf32, #tpu.memory_space<vmem>> -> memref<128x32xf32, #tpu.memory_space<vmem>>
      %dma_start3A_132 = arith.constant 256 : i32
      %dma_start3A_133 = tpu.memref_slice %arg8[%dma_start3A_132] : memref<640xi32, #tpu.memory_space<vmem>> -> memref<128xi32, #tpu.memory_space<vmem>>
      %dma_start3A_134 = arith.constant 0 : i32
      %dma_start3A_135 = arith.constant 0 : i32
      %dma_start3A_136 = tpu.memref_slice %arg2[%dma_start3A_134, %dma_start3A_135] : memref<100000x32xf32, #tpu.memory_space<hbm>> -> memref<100000x32xf32, #tpu.memory_space<hbm>>
      tpu.enqueue_indirect_dma source(%dma_start3A_136 : memref<100000x32xf32, #tpu.memory_space<hbm>>) target(%dma_start3A_131 : memref<128x32xf32, #tpu.memory_space<vmem>>) offsets(%dma_start3A_133 : memref<128xi32, #tpu.memory_space<vmem>>) semaphore(%arg13 : memref<!tpu.dma_semaphore, #tpu.memory_space<semaphore_mem>>)
      %dma_start3A_137 = arith.constant 384 : i32
      %dma_start3A_138 = arith.constant 0 : i32
      %dma_start3A_139 = tpu.memref_slice %arg10[%dma_start3A_137, %dma_start3A_138] : memref<640x32xf32, #tpu.memory_space<vmem>> -> memref<128x32xf32, #tpu.memory_space<vmem>>
      %dma_start3A_140 = arith.constant 384 : i32
      %dma_start3A_141 = tpu.memref_slice %arg8[%dma_start3A_140] : memref<640xi32, #tpu.memory_space<vmem>> -> memref<128xi32, #tpu.memory_space<vmem>>
      %dma_start3A_142 = arith.constant 0 : i32
      %dma_start3A_143 = arith.constant 0 : i32
      %dma_start3A_144 = tpu.memref_slice %arg2[%dma_start3A_142, %dma_start3A_143] : memref<100000x32xf32, #tpu.memory_space<hbm>> -> memref<100000x32xf32, #tpu.memory_space<hbm>>
      tpu.enqueue_indirect_dma source(%dma_start3A_144 : memref<100000x32xf32, #tpu.memory_space<hbm>>) target(%dma_start3A_139 : memref<128x32xf32, #tpu.memory_space<vmem>>) offsets(%dma_start3A_141 : memref<128xi32, #tpu.memory_space<vmem>>) semaphore(%arg13 : memref<!tpu.dma_semaphore, #tpu.memory_space<semaphore_mem>>)
      %dma_start3A_145 = arith.constant 512 : i32
      %dma_start3A_146 = arith.constant 0 : i32
      %dma_start3A_147 = tpu.memref_slice %arg10[%dma_start3A_145, %dma_start3A_146] : memref<640x32xf32, #tpu.memory_space<vmem>> -> memref<128x32xf32, #tpu.memory_space<vmem>>
      %dma_start3A_148 = arith.constant 512 : i32
      %dma_start3A_149 = tpu.memref_slice %arg8[%dma_start3A_148] : memref<640xi32, #tpu.memory_space<vmem>> -> memref<128xi32, #tpu.memory_space<vmem>>
      %dma_start3A_150 = arith.constant 0 : i32
      %dma_start3A_151 = arith.constant 0 : i32
      %dma_start3A_152 = tpu.memref_slice %arg2[%dma_start3A_150, %dma_start3A_151] : memref<100000x32xf32, #tpu.memory_space<hbm>> -> memref<100000x32xf32, #tpu.memory_space<hbm>>
      tpu.enqueue_indirect_dma source(%dma_start3A_152 : memref<100000x32xf32, #tpu.memory_space<hbm>>) target(%dma_start3A_147 : memref<128x32xf32, #tpu.memory_space<vmem>>) offsets(%dma_start3A_149 : memref<128xi32, #tpu.memory_space<vmem>>) semaphore(%arg13 : memref<!tpu.dma_semaphore, #tpu.memory_space<semaphore_mem>>)
      %mul3A_153 = arith.constant 5 : i32
      %mul3A_154 = arith.muli %mul3A_105, %mul3A_153 : i32
      %add3A_155 = arith.constant 0 : i32
      %add3A_156 = arith.addi %mul3A_154, %add3A_155 : i32
      %rem3A = arith.constant 50 : i32
      %rem3A_157 = arith.remsi %add3A_156, %rem3A : i32
      "tpu.region"() ({
        %run_scoped3A = tpu.sem_alloc : memref<!tpu.dma_semaphore, #tpu.memory_space<semaphore_mem>>
        %dma_start3A_222 = arith.constant 0 : i32
        %dma_start3A_223 = arith.constant 0 : i32
        %dma_start3A_224 = tpu.memref_slice %arg9[%dma_start3A_222, %dma_start3A_223] : memref<640x32xf32, #tpu.memory_space<vmem>> -> memref<128x32xf32, #tpu.memory_space<vmem>>
        %dma_start3A_225 = arith.constant 0 : i32
        %dma_start3A_226 = tpu.memref_slice %arg6[%rem3A_157, %dma_start3A_225] : memref<50x128xi32, #tpu.memory_space<vmem>> -> memref<1x128xi32, #tpu.memory_space<vmem>>
        %dma_start3A_227 = tpu.memref_squeeze %dma_start3A_226 : memref<1x128xi32, #tpu.memory_space<vmem>> -> memref<128xi32, #tpu.memory_space<vmem>>
        %dma_start3A_228 = arith.constant 0 : i32
        %dma_start3A_229 = arith.constant 0 : i32
        %dma_start3A_230 = tpu.memref_slice %arg12[%dma_start3A_228, %dma_start3A_229] : memref<25600x32xf32, #tpu.memory_space<vmem_shared>> -> memref<25600x32xf32, #tpu.memory_space<vmem_shared>>
        tpu.enqueue_indirect_dma source(%dma_start3A_224 : memref<128x32xf32, #tpu.memory_space<vmem>>) target(%dma_start3A_230 : memref<25600x32xf32, #tpu.memory_space<vmem_shared>>) offsets(%dma_start3A_227 : memref<128xi32, #tpu.memory_space<vmem>>) semaphore(%run_scoped3A : memref<!tpu.dma_semaphore, #tpu.memory_space<semaphore_mem>>) {add = true}
        %dma_wait3A_231 = arith.constant 0 : i32
        %dma_wait3A_232 = arith.constant 0 : i32
        %dma_wait3A_233 = tpu.memref_slice %arg9[%dma_wait3A_231, %dma_wait3A_232] : memref<640x32xf32, #tpu.memory_space<vmem>> -> memref<128x32xf32, #tpu.memory_space<vmem>>
        %dma_wait3A_234 = arith.constant 0 : i32
        %dma_wait3A_235 = tpu.memref_slice %arg6[%rem3A_157, %dma_wait3A_234] : memref<50x128xi32, #tpu.memory_space<vmem>> -> memref<1x128xi32, #tpu.memory_space<vmem>>
        %dma_wait3A_236 = tpu.memref_squeeze %dma_wait3A_235 : memref<1x128xi32, #tpu.memory_space<vmem>> -> memref<128xi32, #tpu.memory_space<vmem>>
        %dma_wait3A_237 = arith.constant 0 : i32
        %dma_wait3A_238 = arith.constant 0 : i32
        %dma_wait3A_239 = tpu.memref_slice %arg12[%dma_wait3A_237, %dma_wait3A_238] : memref<25600x32xf32, #tpu.memory_space<vmem_shared>> -> memref<25600x32xf32, #tpu.memory_space<vmem_shared>>
        tpu.wait_indirect_dma semaphore(%run_scoped3A : memref<!tpu.dma_semaphore, #tpu.memory_space<semaphore_mem>>) src(%dma_wait3A_233 : memref<128x32xf32, #tpu.memory_space<vmem>>) dst(%dma_wait3A_239 : memref<25600x32xf32, #tpu.memory_space<vmem_shared>>)
        tpu.yield
      }) : () -> ()
      %mul3A_158 = arith.constant 5 : i32
      %mul3A_159 = arith.muli %mul3A_105, %mul3A_158 : i32
      %add3A_160 = arith.constant 1 : i32
      %add3A_161 = arith.addi %mul3A_159, %add3A_160 : i32
      %rem3A_162 = arith.constant 50 : i32
      %rem3A_163 = arith.remsi %add3A_161, %rem3A_162 : i32
      "tpu.region"() ({
        %run_scoped3A = tpu.sem_alloc : memref<!tpu.dma_semaphore, #tpu.memory_space<semaphore_mem>>
        %dma_start3A_222 = arith.constant 128 : i32
        %dma_start3A_223 = arith.constant 0 : i32
        %dma_start3A_224 = tpu.memref_slice %arg9[%dma_start3A_222, %dma_start3A_223] : memref<640x32xf32, #tpu.memory_space<vmem>> -> memref<128x32xf32, #tpu.memory_space<vmem>>
        %dma_start3A_225 = arith.constant 0 : i32
        %dma_start3A_226 = tpu.memref_slice %arg6[%rem3A_163, %dma_start3A_225] : memref<50x128xi32, #tpu.memory_space<vmem>> -> memref<1x128xi32, #tpu.memory_space<vmem>>
        %dma_start3A_227 = tpu.memref_squeeze %dma_start3A_226 : memref<1x128xi32, #tpu.memory_space<vmem>> -> memref<128xi32, #tpu.memory_space<vmem>>
        %dma_start3A_228 = arith.constant 0 : i32
        %dma_start3A_229 = arith.constant 0 : i32
        %dma_start3A_230 = tpu.memref_slice %arg12[%dma_start3A_228, %dma_start3A_229] : memref<25600x32xf32, #tpu.memory_space<vmem_shared>> -> memref<25600x32xf32, #tpu.memory_space<vmem_shared>>
        tpu.enqueue_indirect_dma source(%dma_start3A_224 : memref<128x32xf32, #tpu.memory_space<vmem>>) target(%dma_start3A_230 : memref<25600x32xf32, #tpu.memory_space<vmem_shared>>) offsets(%dma_start3A_227 : memref<128xi32, #tpu.memory_space<vmem>>) semaphore(%run_scoped3A : memref<!tpu.dma_semaphore, #tpu.memory_space<semaphore_mem>>) {add = true}
        %dma_wait3A_231 = arith.constant 128 : i32
        %dma_wait3A_232 = arith.constant 0 : i32
        %dma_wait3A_233 = tpu.memref_slice %arg9[%dma_wait3A_231, %dma_wait3A_232] : memref<640x32xf32, #tpu.memory_space<vmem>> -> memref<128x32xf32, #tpu.memory_space<vmem>>
        %dma_wait3A_234 = arith.constant 0 : i32
        %dma_wait3A_235 = tpu.memref_slice %arg6[%rem3A_163, %dma_wait3A_234] : memref<50x128xi32, #tpu.memory_space<vmem>> -> memref<1x128xi32, #tpu.memory_space<vmem>>
        %dma_wait3A_236 = tpu.memref_squeeze %dma_wait3A_235 : memref<1x128xi32, #tpu.memory_space<vmem>> -> memref<128xi32, #tpu.memory_space<vmem>>
        %dma_wait3A_237 = arith.constant 0 : i32
        %dma_wait3A_238 = arith.constant 0 : i32
        %dma_wait3A_239 = tpu.memref_slice %arg12[%dma_wait3A_237, %dma_wait3A_238] : memref<25600x32xf32, #tpu.memory_space<vmem_shared>> -> memref<25600x32xf32, #tpu.memory_space<vmem_shared>>
        tpu.wait_indirect_dma semaphore(%run_scoped3A : memref<!tpu.dma_semaphore, #tpu.memory_space<semaphore_mem>>) src(%dma_wait3A_233 : memref<128x32xf32, #tpu.memory_space<vmem>>) dst(%dma_wait3A_239 : memref<25600x32xf32, #tpu.memory_space<vmem_shared>>)
        tpu.yield
      }) : () -> ()
      %mul3A_164 = arith.constant 5 : i32
      %mul3A_165 = arith.muli %mul3A_105, %mul3A_164 : i32
      %add3A_166 = arith.constant 2 : i32
      %add3A_167 = arith.addi %mul3A_165, %add3A_166 : i32
      %rem3A_168 = arith.constant 50 : i32
      %rem3A_169 = arith.remsi %add3A_167, %rem3A_168 : i32
      "tpu.region"() ({
        %run_scoped3A = tpu.sem_alloc : memref<!tpu.dma_semaphore, #tpu.memory_space<semaphore_mem>>
        %dma_start3A_222 = arith.constant 256 : i32
        %dma_start3A_223 = arith.constant 0 : i32
        %dma_start3A_224 = tpu.memref_slice %arg9[%dma_start3A_222, %dma_start3A_223] : memref<640x32xf32, #tpu.memory_space<vmem>> -> memref<128x32xf32, #tpu.memory_space<vmem>>
        %dma_start3A_225 = arith.constant 0 : i32
        %dma_start3A_226 = tpu.memref_slice %arg6[%rem3A_169, %dma_start3A_225] : memref<50x128xi32, #tpu.memory_space<vmem>> -> memref<1x128xi32, #tpu.memory_space<vmem>>
        %dma_start3A_227 = tpu.memref_squeeze %dma_start3A_226 : memref<1x128xi32, #tpu.memory_space<vmem>> -> memref<128xi32, #tpu.memory_space<vmem>>
        %dma_start3A_228 = arith.constant 0 : i32
        %dma_start3A_229 = arith.constant 0 : i32
        %dma_start3A_230 = tpu.memref_slice %arg12[%dma_start3A_228, %dma_start3A_229] : memref<25600x32xf32, #tpu.memory_space<vmem_shared>> -> memref<25600x32xf32, #tpu.memory_space<vmem_shared>>
        tpu.enqueue_indirect_dma source(%dma_start3A_224 : memref<128x32xf32, #tpu.memory_space<vmem>>) target(%dma_start3A_230 : memref<25600x32xf32, #tpu.memory_space<vmem_shared>>) offsets(%dma_start3A_227 : memref<128xi32, #tpu.memory_space<vmem>>) semaphore(%run_scoped3A : memref<!tpu.dma_semaphore, #tpu.memory_space<semaphore_mem>>) {add = true}
        %dma_wait3A_231 = arith.constant 256 : i32
        %dma_wait3A_232 = arith.constant 0 : i32
        %dma_wait3A_233 = tpu.memref_slice %arg9[%dma_wait3A_231, %dma_wait3A_232] : memref<640x32xf32, #tpu.memory_space<vmem>> -> memref<128x32xf32, #tpu.memory_space<vmem>>
        %dma_wait3A_234 = arith.constant 0 : i32
        %dma_wait3A_235 = tpu.memref_slice %arg6[%rem3A_169, %dma_wait3A_234] : memref<50x128xi32, #tpu.memory_space<vmem>> -> memref<1x128xi32, #tpu.memory_space<vmem>>
        %dma_wait3A_236 = tpu.memref_squeeze %dma_wait3A_235 : memref<1x128xi32, #tpu.memory_space<vmem>> -> memref<128xi32, #tpu.memory_space<vmem>>
        %dma_wait3A_237 = arith.constant 0 : i32
        %dma_wait3A_238 = arith.constant 0 : i32
        %dma_wait3A_239 = tpu.memref_slice %arg12[%dma_wait3A_237, %dma_wait3A_238] : memref<25600x32xf32, #tpu.memory_space<vmem_shared>> -> memref<25600x32xf32, #tpu.memory_space<vmem_shared>>
        tpu.wait_indirect_dma semaphore(%run_scoped3A : memref<!tpu.dma_semaphore, #tpu.memory_space<semaphore_mem>>) src(%dma_wait3A_233 : memref<128x32xf32, #tpu.memory_space<vmem>>) dst(%dma_wait3A_239 : memref<25600x32xf32, #tpu.memory_space<vmem_shared>>)
        tpu.yield
      }) : () -> ()
      %mul3A_170 = arith.constant 5 : i32
      %mul3A_171 = arith.muli %mul3A_105, %mul3A_170 : i32
      %add3A_172 = arith.constant 3 : i32
      %add3A_173 = arith.addi %mul3A_171, %add3A_172 : i32
      %rem3A_174 = arith.constant 50 : i32
      %rem3A_175 = arith.remsi %add3A_173, %rem3A_174 : i32
      "tpu.region"() ({
        %run_scoped3A = tpu.sem_alloc : memref<!tpu.dma_semaphore, #tpu.memory_space<semaphore_mem>>
        %dma_start3A_222 = arith.constant 384 : i32
        %dma_start3A_223 = arith.constant 0 : i32
        %dma_start3A_224 = tpu.memref_slice %arg9[%dma_start3A_222, %dma_start3A_223] : memref<640x32xf32, #tpu.memory_space<vmem>> -> memref<128x32xf32, #tpu.memory_space<vmem>>
        %dma_start3A_225 = arith.constant 0 : i32
        %dma_start3A_226 = tpu.memref_slice %arg6[%rem3A_175, %dma_start3A_225] : memref<50x128xi32, #tpu.memory_space<vmem>> -> memref<1x128xi32, #tpu.memory_space<vmem>>
        %dma_start3A_227 = tpu.memref_squeeze %dma_start3A_226 : memref<1x128xi32, #tpu.memory_space<vmem>> -> memref<128xi32, #tpu.memory_space<vmem>>
        %dma_start3A_228 = arith.constant 0 : i32
        %dma_start3A_229 = arith.constant 0 : i32
        %dma_start3A_230 = tpu.memref_slice %arg12[%dma_start3A_228, %dma_start3A_229] : memref<25600x32xf32, #tpu.memory_space<vmem_shared>> -> memref<25600x32xf32, #tpu.memory_space<vmem_shared>>
        tpu.enqueue_indirect_dma source(%dma_start3A_224 : memref<128x32xf32, #tpu.memory_space<vmem>>) target(%dma_start3A_230 : memref<25600x32xf32, #tpu.memory_space<vmem_shared>>) offsets(%dma_start3A_227 : memref<128xi32, #tpu.memory_space<vmem>>) semaphore(%run_scoped3A : memref<!tpu.dma_semaphore, #tpu.memory_space<semaphore_mem>>) {add = true}
        %dma_wait3A_231 = arith.constant 384 : i32
        %dma_wait3A_232 = arith.constant 0 : i32
        %dma_wait3A_233 = tpu.memref_slice %arg9[%dma_wait3A_231, %dma_wait3A_232] : memref<640x32xf32, #tpu.memory_space<vmem>> -> memref<128x32xf32, #tpu.memory_space<vmem>>
        %dma_wait3A_234 = arith.constant 0 : i32
        %dma_wait3A_235 = tpu.memref_slice %arg6[%rem3A_175, %dma_wait3A_234] : memref<50x128xi32, #tpu.memory_space<vmem>> -> memref<1x128xi32, #tpu.memory_space<vmem>>
        %dma_wait3A_236 = tpu.memref_squeeze %dma_wait3A_235 : memref<1x128xi32, #tpu.memory_space<vmem>> -> memref<128xi32, #tpu.memory_space<vmem>>
        %dma_wait3A_237 = arith.constant 0 : i32
        %dma_wait3A_238 = arith.constant 0 : i32
        %dma_wait3A_239 = tpu.memref_slice %arg12[%dma_wait3A_237, %dma_wait3A_238] : memref<25600x32xf32, #tpu.memory_space<vmem_shared>> -> memref<25600x32xf32, #tpu.memory_space<vmem_shared>>
        tpu.wait_indirect_dma semaphore(%run_scoped3A : memref<!tpu.dma_semaphore, #tpu.memory_space<semaphore_mem>>) src(%dma_wait3A_233 : memref<128x32xf32, #tpu.memory_space<vmem>>) dst(%dma_wait3A_239 : memref<25600x32xf32, #tpu.memory_space<vmem_shared>>)
        tpu.yield
      }) : () -> ()
      %mul3A_176 = arith.constant 5 : i32
      %mul3A_177 = arith.muli %mul3A_105, %mul3A_176 : i32
      %add3A_178 = arith.constant 4 : i32
      %add3A_179 = arith.addi %mul3A_177, %add3A_178 : i32
      %rem3A_180 = arith.constant 50 : i32
      %rem3A_181 = arith.remsi %add3A_179, %rem3A_180 : i32
      "tpu.region"() ({
        %run_scoped3A = tpu.sem_alloc : memref<!tpu.dma_semaphore, #tpu.memory_space<semaphore_mem>>
        %dma_start3A_222 = arith.constant 512 : i32
        %dma_start3A_223 = arith.constant 0 : i32
        %dma_start3A_224 = tpu.memref_slice %arg9[%dma_start3A_222, %dma_start3A_223] : memref<640x32xf32, #tpu.memory_space<vmem>> -> memref<128x32xf32, #tpu.memory_space<vmem>>
        %dma_start3A_225 = arith.constant 0 : i32
        %dma_start3A_226 = tpu.memref_slice %arg6[%rem3A_181, %dma_start3A_225] : memref<50x128xi32, #tpu.memory_space<vmem>> -> memref<1x128xi32, #tpu.memory_space<vmem>>
        %dma_start3A_227 = tpu.memref_squeeze %dma_start3A_226 : memref<1x128xi32, #tpu.memory_space<vmem>> -> memref<128xi32, #tpu.memory_space<vmem>>
        %dma_start3A_228 = arith.constant 0 : i32
        %dma_start3A_229 = arith.constant 0 : i32
        %dma_start3A_230 = tpu.memref_slice %arg12[%dma_start3A_228, %dma_start3A_229] : memref<25600x32xf32, #tpu.memory_space<vmem_shared>> -> memref<25600x32xf32, #tpu.memory_space<vmem_shared>>
        tpu.enqueue_indirect_dma source(%dma_start3A_224 : memref<128x32xf32, #tpu.memory_space<vmem>>) target(%dma_start3A_230 : memref<25600x32xf32, #tpu.memory_space<vmem_shared>>) offsets(%dma_start3A_227 : memref<128xi32, #tpu.memory_space<vmem>>) semaphore(%run_scoped3A : memref<!tpu.dma_semaphore, #tpu.memory_space<semaphore_mem>>) {add = true}
        %dma_wait3A_231 = arith.constant 512 : i32
        %dma_wait3A_232 = arith.constant 0 : i32
        %dma_wait3A_233 = tpu.memref_slice %arg9[%dma_wait3A_231, %dma_wait3A_232] : memref<640x32xf32, #tpu.memory_space<vmem>> -> memref<128x32xf32, #tpu.memory_space<vmem>>
        %dma_wait3A_234 = arith.constant 0 : i32
        %dma_wait3A_235 = tpu.memref_slice %arg6[%rem3A_181, %dma_wait3A_234] : memref<50x128xi32, #tpu.memory_space<vmem>> -> memref<1x128xi32, #tpu.memory_space<vmem>>
        %dma_wait3A_236 = tpu.memref_squeeze %dma_wait3A_235 : memref<1x128xi32, #tpu.memory_space<vmem>> -> memref<128xi32, #tpu.memory_space<vmem>>
        %dma_wait3A_237 = arith.constant 0 : i32
        %dma_wait3A_238 = arith.constant 0 : i32
        %dma_wait3A_239 = tpu.memref_slice %arg12[%dma_wait3A_237, %dma_wait3A_238] : memref<25600x32xf32, #tpu.memory_space<vmem_shared>> -> memref<25600x32xf32, #tpu.memory_space<vmem_shared>>
        tpu.wait_indirect_dma semaphore(%run_scoped3A : memref<!tpu.dma_semaphore, #tpu.memory_space<semaphore_mem>>) src(%dma_wait3A_233 : memref<128x32xf32, #tpu.memory_space<vmem>>) dst(%dma_wait3A_239 : memref<25600x32xf32, #tpu.memory_space<vmem_shared>>)
        tpu.yield
      }) : () -> ()
      %dma_wait3A_182 = arith.constant 0 : i32
      %dma_wait3A_183 = arith.constant 0 : i32
      %dma_wait3A_184 = tpu.memref_slice %arg2[%dma_wait3A_182, %dma_wait3A_183] : memref<100000x32xf32, #tpu.memory_space<hbm>> -> memref<100000x32xf32, #tpu.memory_space<hbm>>
      tpu.wait_indirect_dma semaphore(%arg13 : memref<!tpu.dma_semaphore, #tpu.memory_space<semaphore_mem>>) src(%dma_wait3A_184 : memref<100000x32xf32, #tpu.memory_space<hbm>>) dst(%arg10 : memref<640x32xf32, #tpu.memory_space<vmem>>)
      %add3A_185 = arith.constant 2 : i32
      %add3A_186 = arith.addi %mul3A_105, %add3A_185 : i32
      %lt3A = arith.constant 50 : i32
      %lt3A_187 = arith.cmpi slt, %add3A_186, %lt3A : i32
      %convert_element_type3A = arith.extui %lt3A_187 : i1 to i32
      %cond3A = arith.constant 0 : i32
      %cond3A_188 = arith.cmpi ne, %convert_element_type3A, %cond3A : i32
      scf.if %cond3A_188 {
        %add3A_222 = arith.constant 2 : i32
        %add3A_223 = arith.addi %mul3A_105, %add3A_222 : i32
        %mul3A_224 = arith.constant 640 : i32
        %mul3A_225 = arith.muli %add3A_223, %mul3A_224 : i32
        %add3A_226 = arith.addi %mul3A_2, %mul3A_225 : i32
        "tpu.region"() ({
          %run_scoped3A = tpu.sem_alloc : memref<!tpu.dma_semaphore, #tpu.memory_space<semaphore_mem>>
          %dma_start3A_267 = tpu.memref_slice %arg3[%add3A_226] : memref<1024000xi32, #tpu.memory_space<hbm>> -> memref<640xi32, #tpu.memory_space<hbm>>
          %dma_start3A_268 = tpu.memref_slice %arg3[%add3A_226] : memref<1024000xi32, #tpu.memory_space<hbm>> -> memref<640xi32, #tpu.memory_space<hbm>>
          tpu.enqueue_dma source(%dma_start3A_268 : memref<640xi32, #tpu.memory_space<hbm>>) target(%arg7 : memref<640xi32, #tpu.memory_space<vmem>>) target_semaphore(%run_scoped3A : memref<!tpu.dma_semaphore, #tpu.memory_space<semaphore_mem>>)
          %dma_wait3A_269 = tpu.memref_slice %arg3[%add3A_226] : memref<1024000xi32, #tpu.memory_space<hbm>> -> memref<640xi32, #tpu.memory_space<hbm>>
          %dma_wait3A_270 = tpu.memref_slice %arg3[%add3A_226] : memref<1024000xi32, #tpu.memory_space<hbm>> -> memref<640xi32, #tpu.memory_space<hbm>>
          tpu.wait_dma2 semaphore(%run_scoped3A : memref<!tpu.dma_semaphore, #tpu.memory_space<semaphore_mem>>) src(%dma_wait3A_270 : memref<640xi32, #tpu.memory_space<hbm>>) dst(%arg7 : memref<640xi32, #tpu.memory_space<vmem>>)
          tpu.yield
        }) : () -> ()
        %dma_start3A_227 = arith.constant 0 : i32
        %dma_start3A_228 = arith.constant 0 : i32
        %dma_start3A_229 = tpu.memref_slice %arg9[%dma_start3A_227, %dma_start3A_228] : memref<640x32xf32, #tpu.memory_space<vmem>> -> memref<128x32xf32, #tpu.memory_space<vmem>>
        %dma_start3A_230 = arith.constant 0 : i32
        %dma_start3A_231 = tpu.memref_slice %arg7[%dma_start3A_230] : memref<640xi32, #tpu.memory_space<vmem>> -> memref<128xi32, #tpu.memory_space<vmem>>
        %dma_start3A_232 = arith.constant 0 : i32
        %dma_start3A_233 = arith.constant 0 : i32
        %dma_start3A_234 = tpu.memref_slice %arg2[%dma_start3A_232, %dma_start3A_233] : memref<100000x32xf32, #tpu.memory_space<hbm>> -> memref<100000x32xf32, #tpu.memory_space<hbm>>
        tpu.enqueue_indirect_dma source(%dma_start3A_234 : memref<100000x32xf32, #tpu.memory_space<hbm>>) target(%dma_start3A_229 : memref<128x32xf32, #tpu.memory_space<vmem>>) offsets(%dma_start3A_231 : memref<128xi32, #tpu.memory_space<vmem>>) semaphore(%arg13 : memref<!tpu.dma_semaphore, #tpu.memory_space<semaphore_mem>>)
        %dma_start3A_235 = arith.constant 128 : i32
        %dma_start3A_236 = arith.constant 0 : i32
        %dma_start3A_237 = tpu.memref_slice %arg9[%dma_start3A_235, %dma_start3A_236] : memref<640x32xf32, #tpu.memory_space<vmem>> -> memref<128x32xf32, #tpu.memory_space<vmem>>
        %dma_start3A_238 = arith.constant 128 : i32
        %dma_start3A_239 = tpu.memref_slice %arg7[%dma_start3A_238] : memref<640xi32, #tpu.memory_space<vmem>> -> memref<128xi32, #tpu.memory_space<vmem>>
        %dma_start3A_240 = arith.constant 0 : i32
        %dma_start3A_241 = arith.constant 0 : i32
        %dma_start3A_242 = tpu.memref_slice %arg2[%dma_start3A_240, %dma_start3A_241] : memref<100000x32xf32, #tpu.memory_space<hbm>> -> memref<100000x32xf32, #tpu.memory_space<hbm>>
        tpu.enqueue_indirect_dma source(%dma_start3A_242 : memref<100000x32xf32, #tpu.memory_space<hbm>>) target(%dma_start3A_237 : memref<128x32xf32, #tpu.memory_space<vmem>>) offsets(%dma_start3A_239 : memref<128xi32, #tpu.memory_space<vmem>>) semaphore(%arg13 : memref<!tpu.dma_semaphore, #tpu.memory_space<semaphore_mem>>)
        %dma_start3A_243 = arith.constant 256 : i32
        %dma_start3A_244 = arith.constant 0 : i32
        %dma_start3A_245 = tpu.memref_slice %arg9[%dma_start3A_243, %dma_start3A_244] : memref<640x32xf32, #tpu.memory_space<vmem>> -> memref<128x32xf32, #tpu.memory_space<vmem>>
        %dma_start3A_246 = arith.constant 256 : i32
        %dma_start3A_247 = tpu.memref_slice %arg7[%dma_start3A_246] : memref<640xi32, #tpu.memory_space<vmem>> -> memref<128xi32, #tpu.memory_space<vmem>>
        %dma_start3A_248 = arith.constant 0 : i32
        %dma_start3A_249 = arith.constant 0 : i32
        %dma_start3A_250 = tpu.memref_slice %arg2[%dma_start3A_248, %dma_start3A_249] : memref<100000x32xf32, #tpu.memory_space<hbm>> -> memref<100000x32xf32, #tpu.memory_space<hbm>>
        tpu.enqueue_indirect_dma source(%dma_start3A_250 : memref<100000x32xf32, #tpu.memory_space<hbm>>) target(%dma_start3A_245 : memref<128x32xf32, #tpu.memory_space<vmem>>) offsets(%dma_start3A_247 : memref<128xi32, #tpu.memory_space<vmem>>) semaphore(%arg13 : memref<!tpu.dma_semaphore, #tpu.memory_space<semaphore_mem>>)
        %dma_start3A_251 = arith.constant 384 : i32
        %dma_start3A_252 = arith.constant 0 : i32
        %dma_start3A_253 = tpu.memref_slice %arg9[%dma_start3A_251, %dma_start3A_252] : memref<640x32xf32, #tpu.memory_space<vmem>> -> memref<128x32xf32, #tpu.memory_space<vmem>>
        %dma_start3A_254 = arith.constant 384 : i32
        %dma_start3A_255 = tpu.memref_slice %arg7[%dma_start3A_254] : memref<640xi32, #tpu.memory_space<vmem>> -> memref<128xi32, #tpu.memory_space<vmem>>
        %dma_start3A_256 = arith.constant 0 : i32
        %dma_start3A_257 = arith.constant 0 : i32
        %dma_start3A_258 = tpu.memref_slice %arg2[%dma_start3A_256, %dma_start3A_257] : memref<100000x32xf32, #tpu.memory_space<hbm>> -> memref<100000x32xf32, #tpu.memory_space<hbm>>
        tpu.enqueue_indirect_dma source(%dma_start3A_258 : memref<100000x32xf32, #tpu.memory_space<hbm>>) target(%dma_start3A_253 : memref<128x32xf32, #tpu.memory_space<vmem>>) offsets(%dma_start3A_255 : memref<128xi32, #tpu.memory_space<vmem>>) semaphore(%arg13 : memref<!tpu.dma_semaphore, #tpu.memory_space<semaphore_mem>>)
        %dma_start3A_259 = arith.constant 512 : i32
        %dma_start3A_260 = arith.constant 0 : i32
        %dma_start3A_261 = tpu.memref_slice %arg9[%dma_start3A_259, %dma_start3A_260] : memref<640x32xf32, #tpu.memory_space<vmem>> -> memref<128x32xf32, #tpu.memory_space<vmem>>
        %dma_start3A_262 = arith.constant 512 : i32
        %dma_start3A_263 = tpu.memref_slice %arg7[%dma_start3A_262] : memref<640xi32, #tpu.memory_space<vmem>> -> memref<128xi32, #tpu.memory_space<vmem>>
        %dma_start3A_264 = arith.constant 0 : i32
        %dma_start3A_265 = arith.constant 0 : i32
        %dma_start3A_266 = tpu.memref_slice %arg2[%dma_start3A_264, %dma_start3A_265] : memref<100000x32xf32, #tpu.memory_space<hbm>> -> memref<100000x32xf32, #tpu.memory_space<hbm>>
        tpu.enqueue_indirect_dma source(%dma_start3A_266 : memref<100000x32xf32, #tpu.memory_space<hbm>>) target(%dma_start3A_261 : memref<128x32xf32, #tpu.memory_space<vmem>>) offsets(%dma_start3A_263 : memref<128xi32, #tpu.memory_space<vmem>>) semaphore(%arg13 : memref<!tpu.dma_semaphore, #tpu.memory_space<semaphore_mem>>)
      } else {
      }
      %add3A_189 = arith.constant 1 : i32
      %add3A_190 = arith.addi %mul3A_105, %add3A_189 : i32
      %mul3A_191 = arith.constant 5 : i32
      %mul3A_192 = arith.muli %add3A_190, %mul3A_191 : i32
      %add3A_193 = arith.constant 0 : i32
      %add3A_194 = arith.addi %mul3A_192, %add3A_193 : i32
      %rem3A_195 = arith.constant 50 : i32
      %rem3A_196 = arith.remsi %add3A_194, %rem3A_195 : i32
      "tpu.region"() ({
        %run_scoped3A = tpu.sem_alloc : memref<!tpu.dma_semaphore, #tpu.memory_space<semaphore_mem>>
        %dma_start3A_222 = arith.constant 0 : i32
        %dma_start3A_223 = arith.constant 0 : i32
        %dma_start3A_224 = tpu.memref_slice %arg10[%dma_start3A_222, %dma_start3A_223] : memref<640x32xf32, #tpu.memory_space<vmem>> -> memref<128x32xf32, #tpu.memory_space<vmem>>
        %dma_start3A_225 = arith.constant 0 : i32
        %dma_start3A_226 = tpu.memref_slice %arg6[%rem3A_196, %dma_start3A_225] : memref<50x128xi32, #tpu.memory_space<vmem>> -> memref<1x128xi32, #tpu.memory_space<vmem>>
        %dma_start3A_227 = tpu.memref_squeeze %dma_start3A_226 : memref<1x128xi32, #tpu.memory_space<vmem>> -> memref<128xi32, #tpu.memory_space<vmem>>
        %dma_start3A_228 = arith.constant 0 : i32
        %dma_start3A_229 = arith.constant 0 : i32
        %dma_start3A_230 = tpu.memref_slice %arg12[%dma_start3A_228, %dma_start3A_229] : memref<25600x32xf32, #tpu.memory_space<vmem_shared>> -> memref<25600x32xf32, #tpu.memory_space<vmem_shared>>
        tpu.enqueue_indirect_dma source(%dma_start3A_224 : memref<128x32xf32, #tpu.memory_space<vmem>>) target(%dma_start3A_230 : memref<25600x32xf32, #tpu.memory_space<vmem_shared>>) offsets(%dma_start3A_227 : memref<128xi32, #tpu.memory_space<vmem>>) semaphore(%run_scoped3A : memref<!tpu.dma_semaphore, #tpu.memory_space<semaphore_mem>>) {add = true}
        %dma_wait3A_231 = arith.constant 0 : i32
        %dma_wait3A_232 = arith.constant 0 : i32
        %dma_wait3A_233 = tpu.memref_slice %arg10[%dma_wait3A_231, %dma_wait3A_232] : memref<640x32xf32, #tpu.memory_space<vmem>> -> memref<128x32xf32, #tpu.memory_space<vmem>>
        %dma_wait3A_234 = arith.constant 0 : i32
        %dma_wait3A_235 = tpu.memref_slice %arg6[%rem3A_196, %dma_wait3A_234] : memref<50x128xi32, #tpu.memory_space<vmem>> -> memref<1x128xi32, #tpu.memory_space<vmem>>
        %dma_wait3A_236 = tpu.memref_squeeze %dma_wait3A_235 : memref<1x128xi32, #tpu.memory_space<vmem>> -> memref<128xi32, #tpu.memory_space<vmem>>
        %dma_wait3A_237 = arith.constant 0 : i32
        %dma_wait3A_238 = arith.constant 0 : i32
        %dma_wait3A_239 = tpu.memref_slice %arg12[%dma_wait3A_237, %dma_wait3A_238] : memref<25600x32xf32, #tpu.memory_space<vmem_shared>> -> memref<25600x32xf32, #tpu.memory_space<vmem_shared>>
        tpu.wait_indirect_dma semaphore(%run_scoped3A : memref<!tpu.dma_semaphore, #tpu.memory_space<semaphore_mem>>) src(%dma_wait3A_233 : memref<128x32xf32, #tpu.memory_space<vmem>>) dst(%dma_wait3A_239 : memref<25600x32xf32, #tpu.memory_space<vmem_shared>>)
        tpu.yield
      }) : () -> ()
      %mul3A_197 = arith.constant 5 : i32
      %mul3A_198 = arith.muli %add3A_190, %mul3A_197 : i32
      %add3A_199 = arith.constant 1 : i32
      %add3A_200 = arith.addi %mul3A_198, %add3A_199 : i32
      %rem3A_201 = arith.constant 50 : i32
      %rem3A_202 = arith.remsi %add3A_200, %rem3A_201 : i32
      "tpu.region"() ({
        %run_scoped3A = tpu.sem_alloc : memref<!tpu.dma_semaphore, #tpu.memory_space<semaphore_mem>>
        %dma_start3A_222 = arith.constant 128 : i32
        %dma_start3A_223 = arith.constant 0 : i32
        %dma_start3A_224 = tpu.memref_slice %arg10[%dma_start3A_222, %dma_start3A_223] : memref<640x32xf32, #tpu.memory_space<vmem>> -> memref<128x32xf32, #tpu.memory_space<vmem>>
        %dma_start3A_225 = arith.constant 0 : i32
        %dma_start3A_226 = tpu.memref_slice %arg6[%rem3A_202, %dma_start3A_225] : memref<50x128xi32, #tpu.memory_space<vmem>> -> memref<1x128xi32, #tpu.memory_space<vmem>>
        %dma_start3A_227 = tpu.memref_squeeze %dma_start3A_226 : memref<1x128xi32, #tpu.memory_space<vmem>> -> memref<128xi32, #tpu.memory_space<vmem>>
        %dma_start3A_228 = arith.constant 0 : i32
        %dma_start3A_229 = arith.constant 0 : i32
        %dma_start3A_230 = tpu.memref_slice %arg12[%dma_start3A_228, %dma_start3A_229] : memref<25600x32xf32, #tpu.memory_space<vmem_shared>> -> memref<25600x32xf32, #tpu.memory_space<vmem_shared>>
        tpu.enqueue_indirect_dma source(%dma_start3A_224 : memref<128x32xf32, #tpu.memory_space<vmem>>) target(%dma_start3A_230 : memref<25600x32xf32, #tpu.memory_space<vmem_shared>>) offsets(%dma_start3A_227 : memref<128xi32, #tpu.memory_space<vmem>>) semaphore(%run_scoped3A : memref<!tpu.dma_semaphore, #tpu.memory_space<semaphore_mem>>) {add = true}
        %dma_wait3A_231 = arith.constant 128 : i32
        %dma_wait3A_232 = arith.constant 0 : i32
        %dma_wait3A_233 = tpu.memref_slice %arg10[%dma_wait3A_231, %dma_wait3A_232] : memref<640x32xf32, #tpu.memory_space<vmem>> -> memref<128x32xf32, #tpu.memory_space<vmem>>
        %dma_wait3A_234 = arith.constant 0 : i32
        %dma_wait3A_235 = tpu.memref_slice %arg6[%rem3A_202, %dma_wait3A_234] : memref<50x128xi32, #tpu.memory_space<vmem>> -> memref<1x128xi32, #tpu.memory_space<vmem>>
        %dma_wait3A_236 = tpu.memref_squeeze %dma_wait3A_235 : memref<1x128xi32, #tpu.memory_space<vmem>> -> memref<128xi32, #tpu.memory_space<vmem>>
        %dma_wait3A_237 = arith.constant 0 : i32
        %dma_wait3A_238 = arith.constant 0 : i32
        %dma_wait3A_239 = tpu.memref_slice %arg12[%dma_wait3A_237, %dma_wait3A_238] : memref<25600x32xf32, #tpu.memory_space<vmem_shared>> -> memref<25600x32xf32, #tpu.memory_space<vmem_shared>>
        tpu.wait_indirect_dma semaphore(%run_scoped3A : memref<!tpu.dma_semaphore, #tpu.memory_space<semaphore_mem>>) src(%dma_wait3A_233 : memref<128x32xf32, #tpu.memory_space<vmem>>) dst(%dma_wait3A_239 : memref<25600x32xf32, #tpu.memory_space<vmem_shared>>)
        tpu.yield
      }) : () -> ()
      %mul3A_203 = arith.constant 5 : i32
      %mul3A_204 = arith.muli %add3A_190, %mul3A_203 : i32
      %add3A_205 = arith.constant 2 : i32
      %add3A_206 = arith.addi %mul3A_204, %add3A_205 : i32
      %rem3A_207 = arith.constant 50 : i32
      %rem3A_208 = arith.remsi %add3A_206, %rem3A_207 : i32
      "tpu.region"() ({
        %run_scoped3A = tpu.sem_alloc : memref<!tpu.dma_semaphore, #tpu.memory_space<semaphore_mem>>
        %dma_start3A_222 = arith.constant 256 : i32
        %dma_start3A_223 = arith.constant 0 : i32
        %dma_start3A_224 = tpu.memref_slice %arg10[%dma_start3A_222, %dma_start3A_223] : memref<640x32xf32, #tpu.memory_space<vmem>> -> memref<128x32xf32, #tpu.memory_space<vmem>>
        %dma_start3A_225 = arith.constant 0 : i32
        %dma_start3A_226 = tpu.memref_slice %arg6[%rem3A_208, %dma_start3A_225] : memref<50x128xi32, #tpu.memory_space<vmem>> -> memref<1x128xi32, #tpu.memory_space<vmem>>
        %dma_start3A_227 = tpu.memref_squeeze %dma_start3A_226 : memref<1x128xi32, #tpu.memory_space<vmem>> -> memref<128xi32, #tpu.memory_space<vmem>>
        %dma_start3A_228 = arith.constant 0 : i32
        %dma_start3A_229 = arith.constant 0 : i32
        %dma_start3A_230 = tpu.memref_slice %arg12[%dma_start3A_228, %dma_start3A_229] : memref<25600x32xf32, #tpu.memory_space<vmem_shared>> -> memref<25600x32xf32, #tpu.memory_space<vmem_shared>>
        tpu.enqueue_indirect_dma source(%dma_start3A_224 : memref<128x32xf32, #tpu.memory_space<vmem>>) target(%dma_start3A_230 : memref<25600x32xf32, #tpu.memory_space<vmem_shared>>) offsets(%dma_start3A_227 : memref<128xi32, #tpu.memory_space<vmem>>) semaphore(%run_scoped3A : memref<!tpu.dma_semaphore, #tpu.memory_space<semaphore_mem>>) {add = true}
        %dma_wait3A_231 = arith.constant 256 : i32
        %dma_wait3A_232 = arith.constant 0 : i32
        %dma_wait3A_233 = tpu.memref_slice %arg10[%dma_wait3A_231, %dma_wait3A_232] : memref<640x32xf32, #tpu.memory_space<vmem>> -> memref<128x32xf32, #tpu.memory_space<vmem>>
        %dma_wait3A_234 = arith.constant 0 : i32
        %dma_wait3A_235 = tpu.memref_slice %arg6[%rem3A_208, %dma_wait3A_234] : memref<50x128xi32, #tpu.memory_space<vmem>> -> memref<1x128xi32, #tpu.memory_space<vmem>>
        %dma_wait3A_236 = tpu.memref_squeeze %dma_wait3A_235 : memref<1x128xi32, #tpu.memory_space<vmem>> -> memref<128xi32, #tpu.memory_space<vmem>>
        %dma_wait3A_237 = arith.constant 0 : i32
        %dma_wait3A_238 = arith.constant 0 : i32
        %dma_wait3A_239 = tpu.memref_slice %arg12[%dma_wait3A_237, %dma_wait3A_238] : memref<25600x32xf32, #tpu.memory_space<vmem_shared>> -> memref<25600x32xf32, #tpu.memory_space<vmem_shared>>
        tpu.wait_indirect_dma semaphore(%run_scoped3A : memref<!tpu.dma_semaphore, #tpu.memory_space<semaphore_mem>>) src(%dma_wait3A_233 : memref<128x32xf32, #tpu.memory_space<vmem>>) dst(%dma_wait3A_239 : memref<25600x32xf32, #tpu.memory_space<vmem_shared>>)
        tpu.yield
      }) : () -> ()
      %mul3A_209 = arith.constant 5 : i32
      %mul3A_210 = arith.muli %add3A_190, %mul3A_209 : i32
      %add3A_211 = arith.constant 3 : i32
      %add3A_212 = arith.addi %mul3A_210, %add3A_211 : i32
      %rem3A_213 = arith.constant 50 : i32
      %rem3A_214 = arith.remsi %add3A_212, %rem3A_213 : i32
      "tpu.region"() ({
        %run_scoped3A = tpu.sem_alloc : memref<!tpu.dma_semaphore, #tpu.memory_space<semaphore_mem>>
        %dma_start3A_222 = arith.constant 384 : i32
        %dma_start3A_223 = arith.constant 0 : i32
        %dma_start3A_224 = tpu.memref_slice %arg10[%dma_start3A_222, %dma_start3A_223] : memref<640x32xf32, #tpu.memory_space<vmem>> -> memref<128x32xf32, #tpu.memory_space<vmem>>
        %dma_start3A_225 = arith.constant 0 : i32
        %dma_start3A_226 = tpu.memref_slice %arg6[%rem3A_214, %dma_start3A_225] : memref<50x128xi32, #tpu.memory_space<vmem>> -> memref<1x128xi32, #tpu.memory_space<vmem>>
        %dma_start3A_227 = tpu.memref_squeeze %dma_start3A_226 : memref<1x128xi32, #tpu.memory_space<vmem>> -> memref<128xi32, #tpu.memory_space<vmem>>
        %dma_start3A_228 = arith.constant 0 : i32
        %dma_start3A_229 = arith.constant 0 : i32
        %dma_start3A_230 = tpu.memref_slice %arg12[%dma_start3A_228, %dma_start3A_229] : memref<25600x32xf32, #tpu.memory_space<vmem_shared>> -> memref<25600x32xf32, #tpu.memory_space<vmem_shared>>
        tpu.enqueue_indirect_dma source(%dma_start3A_224 : memref<128x32xf32, #tpu.memory_space<vmem>>) target(%dma_start3A_230 : memref<25600x32xf32, #tpu.memory_space<vmem_shared>>) offsets(%dma_start3A_227 : memref<128xi32, #tpu.memory_space<vmem>>) semaphore(%run_scoped3A : memref<!tpu.dma_semaphore, #tpu.memory_space<semaphore_mem>>) {add = true}
        %dma_wait3A_231 = arith.constant 384 : i32
        %dma_wait3A_232 = arith.constant 0 : i32
        %dma_wait3A_233 = tpu.memref_slice %arg10[%dma_wait3A_231, %dma_wait3A_232] : memref<640x32xf32, #tpu.memory_space<vmem>> -> memref<128x32xf32, #tpu.memory_space<vmem>>
        %dma_wait3A_234 = arith.constant 0 : i32
        %dma_wait3A_235 = tpu.memref_slice %arg6[%rem3A_214, %dma_wait3A_234] : memref<50x128xi32, #tpu.memory_space<vmem>> -> memref<1x128xi32, #tpu.memory_space<vmem>>
        %dma_wait3A_236 = tpu.memref_squeeze %dma_wait3A_235 : memref<1x128xi32, #tpu.memory_space<vmem>> -> memref<128xi32, #tpu.memory_space<vmem>>
        %dma_wait3A_237 = arith.constant 0 : i32
        %dma_wait3A_238 = arith.constant 0 : i32
        %dma_wait3A_239 = tpu.memref_slice %arg12[%dma_wait3A_237, %dma_wait3A_238] : memref<25600x32xf32, #tpu.memory_space<vmem_shared>> -> memref<25600x32xf32, #tpu.memory_space<vmem_shared>>
        tpu.wait_indirect_dma semaphore(%run_scoped3A : memref<!tpu.dma_semaphore, #tpu.memory_space<semaphore_mem>>) src(%dma_wait3A_233 : memref<128x32xf32, #tpu.memory_space<vmem>>) dst(%dma_wait3A_239 : memref<25600x32xf32, #tpu.memory_space<vmem_shared>>)
        tpu.yield
      }) : () -> ()
      %mul3A_215 = arith.constant 5 : i32
      %mul3A_216 = arith.muli %add3A_190, %mul3A_215 : i32
      %add3A_217 = arith.constant 4 : i32
      %add3A_218 = arith.addi %mul3A_216, %add3A_217 : i32
      %rem3A_219 = arith.constant 50 : i32
      %rem3A_220 = arith.remsi %add3A_218, %rem3A_219 : i32
      "tpu.region"() ({
        %run_scoped3A = tpu.sem_alloc : memref<!tpu.dma_semaphore, #tpu.memory_space<semaphore_mem>>
        %dma_start3A_222 = arith.constant 512 : i32
        %dma_start3A_223 = arith.constant 0 : i32
        %dma_start3A_224 = tpu.memref_slice %arg10[%dma_start3A_222, %dma_start3A_223] : memref<640x32xf32, #tpu.memory_space<vmem>> -> memref<128x32xf32, #tpu.memory_space<vmem>>
        %dma_start3A_225 = arith.constant 0 : i32
        %dma_start3A_226 = tpu.memref_slice %arg6[%rem3A_220, %dma_start3A_225] : memref<50x128xi32, #tpu.memory_space<vmem>> -> memref<1x128xi32, #tpu.memory_space<vmem>>
        %dma_start3A_227 = tpu.memref_squeeze %dma_start3A_226 : memref<1x128xi32, #tpu.memory_space<vmem>> -> memref<128xi32, #tpu.memory_space<vmem>>
        %dma_start3A_228 = arith.constant 0 : i32
        %dma_start3A_229 = arith.constant 0 : i32
        %dma_start3A_230 = tpu.memref_slice %arg12[%dma_start3A_228, %dma_start3A_229] : memref<25600x32xf32, #tpu.memory_space<vmem_shared>> -> memref<25600x32xf32, #tpu.memory_space<vmem_shared>>
        tpu.enqueue_indirect_dma source(%dma_start3A_224 : memref<128x32xf32, #tpu.memory_space<vmem>>) target(%dma_start3A_230 : memref<25600x32xf32, #tpu.memory_space<vmem_shared>>) offsets(%dma_start3A_227 : memref<128xi32, #tpu.memory_space<vmem>>) semaphore(%run_scoped3A : memref<!tpu.dma_semaphore, #tpu.memory_space<semaphore_mem>>) {add = true}
        %dma_wait3A_231 = arith.constant 512 : i32
        %dma_wait3A_232 = arith.constant 0 : i32
        %dma_wait3A_233 = tpu.memref_slice %arg10[%dma_wait3A_231, %dma_wait3A_232] : memref<640x32xf32, #tpu.memory_space<vmem>> -> memref<128x32xf32, #tpu.memory_space<vmem>>
        %dma_wait3A_234 = arith.constant 0 : i32
        %dma_wait3A_235 = tpu.memref_slice %arg6[%rem3A_220, %dma_wait3A_234] : memref<50x128xi32, #tpu.memory_space<vmem>> -> memref<1x128xi32, #tpu.memory_space<vmem>>
        %dma_wait3A_236 = tpu.memref_squeeze %dma_wait3A_235 : memref<1x128xi32, #tpu.memory_space<vmem>> -> memref<128xi32, #tpu.memory_space<vmem>>
        %dma_wait3A_237 = arith.constant 0 : i32
        %dma_wait3A_238 = arith.constant 0 : i32
        %dma_wait3A_239 = tpu.memref_slice %arg12[%dma_wait3A_237, %dma_wait3A_238] : memref<25600x32xf32, #tpu.memory_space<vmem_shared>> -> memref<25600x32xf32, #tpu.memory_space<vmem_shared>>
        tpu.wait_indirect_dma semaphore(%run_scoped3A : memref<!tpu.dma_semaphore, #tpu.memory_space<semaphore_mem>>) src(%dma_wait3A_233 : memref<128x32xf32, #tpu.memory_space<vmem>>) dst(%dma_wait3A_239 : memref<25600x32xf32, #tpu.memory_space<vmem_shared>>)
        tpu.yield
      }) : () -> ()
      %scan3A_221 = arith.constant 0 : i32
      scf.yield %scan3A_221 : i32
    }
    %scan3A_97 = arith.constant 25 : i32
    %mul3A_98 = arith.constant 1600 : i32
    %mul3A_99 = arith.muli %arg1, %mul3A_98 : i32
    %mul3A_100 = arith.constant 1600 : i32
    %mul3A_101 = arith.muli %add3A, %mul3A_100 : i32
    "tpu.region"() ({
      %run_scoped3A = tpu.sem_alloc : memref<!tpu.dma_semaphore, #tpu.memory_space<semaphore_mem>>
      %dma_start3A_102 = arith.constant 0 : i32
      %dma_start3A_103 = tpu.memref_slice %arg5[%mul3A_101, %dma_start3A_102] : memref<51200x32xf32, #tpu.memory_space<hbm>> -> memref<1600x32xf32, #tpu.memory_space<hbm>>
      %dma_start3A_104 = arith.constant 0 : i32
      %dma_start3A_105 = tpu.memref_slice %arg12[%mul3A_99, %dma_start3A_104] : memref<25600x32xf32, #tpu.memory_space<vmem_shared>> -> memref<1600x32xf32, #tpu.memory_space<vmem_shared>>
      tpu.enqueue_dma source(%dma_start3A_105 : memref<1600x32xf32, #tpu.memory_space<vmem_shared>>) target(%dma_start3A_103 : memref<1600x32xf32, #tpu.memory_space<hbm>>) target_semaphore(%run_scoped3A : memref<!tpu.dma_semaphore, #tpu.memory_space<semaphore_mem>>)
      %dma_wait3A = arith.constant 0 : i32
      %dma_wait3A_106 = tpu.memref_slice %arg5[%mul3A_101, %dma_wait3A] : memref<51200x32xf32, #tpu.memory_space<hbm>> -> memref<1600x32xf32, #tpu.memory_space<hbm>>
      %dma_wait3A_107 = arith.constant 0 : i32
      %dma_wait3A_108 = tpu.memref_slice %arg12[%mul3A_99, %dma_wait3A_107] : memref<25600x32xf32, #tpu.memory_space<vmem_shared>> -> memref<1600x32xf32, #tpu.memory_space<vmem_shared>>
      tpu.wait_dma2 semaphore(%run_scoped3A : memref<!tpu.dma_semaphore, #tpu.memory_space<semaphore_mem>>) src(%dma_wait3A_108 : memref<1600x32xf32, #tpu.memory_space<vmem_shared>>) dst(%dma_wait3A_106 : memref<1600x32xf32, #tpu.memory_space<hbm>>)
      tpu.yield
    }) : () -> ()
    return
  }
}

module attributes {stable_mosaic.version = 14 : i64} {
  func.func @_combine_body(%arg0: i32, %arg1: memref<3200x32xf32, #tpu.memory_space<vmem>>, %arg2: memref<3200x32xf32, #tpu.memory_space<vmem>>, %arg3: memref<3200x32xf32, #tpu.memory_space<vmem>>, %arg4: memref<64x50x32xf32, #tpu.memory_space<vmem>>) attributes {dimension_semantics = [#tpu.dimension_semantics<arbitrary>], iteration_bounds = array<i64: 16>, scalar_prefetch = 0 : i64, scratch_operands = 0 : i64, tpu.core_type = #tpu.core_type<tc>, window_params = [{transform_indices = @transform_0, window_bounds = array<i64: 3200, 32>}, {transform_indices = @transform_1, window_bounds = array<i64: 3200, 32>}, {transform_indices = @transform_2, window_bounds = array<i64: 3200, 32>}, {transform_indices = @transform_3, window_bounds = array<i64: 64, 50, 32>}]} {
    %get3A = arith.constant 0 : index
    %get3A_0 = arith.constant 0 : index
    %get3A_1 = vector.load %arg1[%get3A, %get3A_0] : memref<3200x32xf32, #tpu.memory_space<vmem>>, vector<3200x32xf32>
    %get3A_2 = arith.constant 0 : index
    %get3A_3 = arith.constant 0 : index
    %get3A_4 = vector.load %arg2[%get3A_2, %get3A_3] : memref<3200x32xf32, #tpu.memory_space<vmem>>, vector<3200x32xf32>
    %get3A_5 = arith.constant 0 : index
    %get3A_6 = arith.constant 0 : index
    %get3A_7 = vector.load %arg3[%get3A_5, %get3A_6] : memref<3200x32xf32, #tpu.memory_space<vmem>>, vector<3200x32xf32>
    %mul3A = arith.constant 3.125000e-02 : f32
    %mul3A_8 = vector.broadcast %mul3A : f32 to vector<3200x32xf32>
    %mul3A_9 = arith.mulf %get3A_1, %mul3A_8 : vector<3200x32xf32>
    %mul3A_10 = arith.mulf %get3A_1, %mul3A_9 : vector<3200x32xf32>
    %reduce_max3A = arith.constant dense<0xFF800000> : vector<3200xf32>
    %reduce_max3A_11 = vector.multi_reduction <maximumf>, %mul3A_10, %reduce_max3A [1] : vector<3200x32xf32> to vector<3200xf32>
    %broadcast_in_dim3A = vector.shape_cast %reduce_max3A_11 : vector<3200xf32> to vector<3200x1xf32>
    %sub3A = vector.broadcast %broadcast_in_dim3A : vector<3200x1xf32> to vector<3200x32xf32>
    %sub3A_12 = arith.subf %mul3A_10, %sub3A : vector<3200x32xf32>
    %exp3A = math.exp %sub3A_12 : vector<3200x32xf32>
    %reduce_sum3A = arith.constant dense<0.000000e+00> : vector<3200xf32>
    %reduce_sum3A_13 = vector.multi_reduction <add>, %exp3A, %reduce_sum3A [1] : vector<3200x32xf32> to vector<3200xf32>
    %broadcast_in_dim3A_14 = vector.shape_cast %reduce_sum3A_13 : vector<3200xf32> to vector<3200x1xf32>
    %div3A = vector.broadcast %broadcast_in_dim3A_14 : vector<3200x1xf32> to vector<3200x32xf32>
    %div3A_15 = arith.divf %exp3A, %div3A : vector<3200x32xf32>
    %mul3A_16 = arith.mulf %get3A_4, %div3A_15 : vector<3200x32xf32>
    %add3A = arith.addf %mul3A_9, %mul3A_16 : vector<3200x32xf32>
    %mul3A_17 = arith.mulf %get3A_4, %add3A : vector<3200x32xf32>
    %reduce_max3A_18 = arith.constant dense<0xFF800000> : vector<3200xf32>
    %reduce_max3A_19 = vector.multi_reduction <maximumf>, %mul3A_17, %reduce_max3A_18 [1] : vector<3200x32xf32> to vector<3200xf32>
    %broadcast_in_dim3A_20 = vector.shape_cast %reduce_max3A_19 : vector<3200xf32> to vector<3200x1xf32>
    %sub3A_21 = vector.broadcast %broadcast_in_dim3A_20 : vector<3200x1xf32> to vector<3200x32xf32>
    %sub3A_22 = arith.subf %mul3A_17, %sub3A_21 : vector<3200x32xf32>
    %exp3A_23 = math.exp %sub3A_22 : vector<3200x32xf32>
    %reduce_sum3A_24 = arith.constant dense<0.000000e+00> : vector<3200xf32>
    %reduce_sum3A_25 = vector.multi_reduction <add>, %exp3A_23, %reduce_sum3A_24 [1] : vector<3200x32xf32> to vector<3200xf32>
    %broadcast_in_dim3A_26 = vector.shape_cast %reduce_sum3A_25 : vector<3200xf32> to vector<3200x1xf32>
    %div3A_27 = vector.broadcast %broadcast_in_dim3A_26 : vector<3200x1xf32> to vector<3200x32xf32>
    %div3A_28 = arith.divf %exp3A_23, %div3A_27 : vector<3200x32xf32>
    %mul3A_29 = arith.mulf %get3A_7, %div3A_28 : vector<3200x32xf32>
    %reshape3A = vector.shape_cast %mul3A_29 : vector<3200x32xf32> to vector<64x50x32xf32>
    %swap3A = arith.constant 0 : index
    %swap3A_30 = arith.constant 0 : index
    %swap3A_31 = arith.constant 0 : index
    %swap3A_32 = vector.load %arg4[%swap3A, %swap3A_30, %swap3A_31] : memref<64x50x32xf32, #tpu.memory_space<vmem>>, vector<64x50x32xf32>
    tpu.vector_store %arg4[%swap3A, %swap3A_30, %swap3A_31], %reshape3A {strides = array<i32>} : memref<64x50x32xf32, #tpu.memory_space<vmem>>, vector<64x50x32xf32>,
    return
  }
  func.func @transform_0(%arg0: i32) -> (i32, i32) {
    %c0_i32 = arith.constant 0 : i32
    %c0_i32_0 = arith.constant 0 : i32
    return %arg0, %c0_i32 : i32, i32
  }
  func.func @transform_1(%arg0: i32) -> (i32, i32) {
    %c0_i32 = arith.constant 0 : i32
    %c0_i32_0 = arith.constant 0 : i32
    return %arg0, %c0_i32 : i32, i32
  }
  func.func @transform_2(%arg0: i32) -> (i32, i32) {
    %c0_i32 = arith.constant 0 : i32
    %c0_i32_0 = arith.constant 0 : i32
    return %arg0, %c0_i32 : i32, i32
  }
  func.func @transform_3(%arg0: i32) -> (i32, i32, i32) {
    %c0_i32 = arith.constant 0 : i32
    %c0_i32_0 = arith.constant 0 : i32
    %c0_i32_1 = arith.constant 0 : i32
    return %arg0, %c0_i32, %c0_i32_0 : i32, i32, i32
  }
}

</mosaic_0001>

<sc_bundles>
// kernel: kernel.12.cloned.1.call-start
scs
__scs_entry_jumppad:
0x0: {  	(pc) =	sbr.rel $0x88, $3  }
0x1: {  	(tag) =	ssettag $0x0;
	lr =	simm.s32 $0x1  }
0x2: {  	[smem:$0x3F9E] =	sst lr;
	_ =	strace $0xD0000000  }
0x3: {  	_ = 	snop  }
0x4: {  	_ = 	snop  }
0x5: {  	_ = 	snop  }
0x6: {  	_ = 	snop  }
0x7: {  	_ = 	snop  }
__scs_overlays_trampoline_lowered:
0x8: {  	[smem:$0x3FAD] =	sst s0  }
0x9: {  	[smem:$0x3FAE] =	sst s1  }
0xa: {  	[smem:$0x3FAF] =	sst s2  }
0xb: {  	[smem:$0x3FB0] =	sst s3  }
0xc: {  	[smem:$0x3FB1] =	sst s4  }
0xd: {  	[smem:$0x3FB2] =	sst s5  }
0xe: {  	[smem:$0x3FB3] =	sst s6  }
0xf: {  	[smem:$0x3FB4] =	sst s7  }
0x10: {  	[smem:$0x3FB5] =	sst s8  }
0x11: {  	[smem:$0x3FB6] =	sst s9;
	s0 =	simm.s32 @!p0 $0x0  }
0x12: {  	s1 =	sld [smem:$0x3F9C];
	s0 =	simm.s32 @p0 $0x1  }
0x13: {  	[smem:$0x3FB7] =	sst s0;
	s0 =	simm.s32 @!p1 $0x0  }
0x14: {  	s2 =	sld [smem:$0x3F9B];
	s0 =	simm.s32 @p1 $0x1  }
0x15: {  	[smem:$0x3FB8] =	sst s0;
	s0 =	simm.s32 @!p2 $0x0  }
0x16: {  	s3 =	sld [smem:$0x3FDB];
	s0 =	simm.s32 @p2 $0x1  }
0x17: {  	s4 =	simm.s32 $0x1BF5;
	[smem:$0x3FBA] =	sst s0  }
0x18: {  	s0 =	sld [smem:$0x3F9D];
	_ =	swait.ge [sflag:s4], $0x0  }
0x19: {  	s7 =	sld [smem:$0x3F9E]  }
0x1a: {  	s8 =	sadd.s32 $0xFFFFE003, lr  }
0x1b: {  	s9 =	sadd.s32 $0xFFFFFEF7, lr;
	s5 =	simm.s32 $0xFFFFFFFF;
	p2 =	slt.u32 s8, $0xFFFFF086  }
0x1c: {  	p1 =	slt.u32 s9, $0xF7A;
	s5 =	simm.s32 @!p2 $0x0  }
0x1d: {  	s5 =	simm.s32 @p1 $0x1;
	p0 =	seq.s32 s7, s2  }
0x1e: {  	s7 =	smul.u32 @!p0 $0xF7A, s2;
	p2 =	seq.s32 @!p0 s5, $0x0  }
0x1f: {  	s9 =	smul.u32 $0xF7A, s1;
	s8 =	simm.s32 @!p0 $0x1BF5;
	p2 =	por !p2, p0  }
0x20: {  	[sflag:s8] =	ssyncset.s32 @!p0 $0xFFFFF086;
	s6 =	sadd.s32 @!p0 s3, s7;
	s7 =	simm.s32 @!p0 $0x108  }
0x21: {  	s3 =	sadd.s32 s3, s9;
	s6 =	sadd.s32 @!p0 $0x88, s6;
	s7 =	simm.s32 @p2 $0x1082  }
0x22: {  	[simem:s7], [sflag:s8] =	dma.local @!p0 [hbm:s6], $0xF7A  }
0x23: {  	s9 =	sor.u32 $0xD0000000, s2;
	s6 =	simm.s32 $0x108;
	_ =	swait.ge @!p0 [sflag:s8], $0x0  }
0x24: {  	s3 =	sadd.s32 $0x88, s3;
	s6 =	simm.s32 @!p1 $0x1082;
	[sflag:s4] =	ssyncset.s32 $0xFFFFF086  }
0x25: {  	[simem:s6], [sflag:s4] =	dma.local [hbm:s3], $0xF7A  }
0x26: {  	[smem:$0x3F9E] =	sst s1;
	(tag) =	ssettag s2;
	_ =	strace s9  }
0x27: {  	s1 =	sld [smem:$0x3FAE]  }
0x28: {  	s2 =	sld [smem:$0x3FAF]  }
0x29: {  	s4 =	sld [smem:$0x3FB1]  }
0x2a: {  	p0 =	seq.s32 s5, $0x0;
	s5 =	sld [smem:$0x3FB2]  }
0x2b: {  	s6 =	sld [smem:$0x3FB3]  }
0x2c: {  	s7 =	sld [smem:$0x3FB4]  }
0x2d: {  	s3 =	simm.s32 $0x108;
	s8 =	sld [smem:$0x3FB5]  }
0x2e: {  	s3 =	simm.s32 @!p0 $0x1082;
	s9 =	sld [smem:$0x3FB6]  }
0x2f: {  	lr =	sadd.s32 s0, s3;
	s0 =	sld [smem:$0x3FAD]  }
0x30: {  	s3 =	sld [smem:$0x3FB0]  }
0x31: {  	[smem:$0x3FB9] =	sst s10  }
0x32: {  	s10 =	sld [smem:$0x3FB7];
	_ =	sdelay $0x3  }
0x33: {  	p0 =	seq.s32 s10, $0x1;
	s10 =	sld [smem:$0x3FB9];
	_ =	sdelay $0x3  }
0x34: {  	[smem:$0x3FB9] =	sst s10  }
0x35: {  	s10 =	sld [smem:$0x3FB8];
	_ =	sdelay $0x3  }
0x36: {  	p1 =	seq.s32 s10, $0x1;
	s10 =	sld [smem:$0x3FB9];
	_ =	sdelay $0x3  }
0x37: {  	[smem:$0x3FB9] =	sst s10  }
0x38: {  	s10 =	sld [smem:$0x3FBA]  }
0x39: {  	_ = 	snop;
	(pc) =	sbr.ind lr, $3  }
0x3a: {  	_ = 	snop  }
0x3b: {  	_ = 	snop  }
0x3c: {  	p2 =	seq.s32 s10, $0x1;
	s10 =	sld [smem:$0x3FB9]  }
0x3d: {  	_ =	shalt  }
0x3e: {  	_ =	shalt  }
0x3f: {  	_ =	shalt  }
0x40: {  	_ =	shalt  }
0x41: {  	_ =	shalt  }
0x42: {  	_ =	shalt  }
0x43: {  	_ =	shalt  }
0x44: {  	_ =	shalt  }
0x45: {  	_ =	shalt  }
0x46: {  	_ =	shalt  }
0x47: {  	_ =	shalt  }
0x48: {  	_ =	shalt  }
0x49: {  	_ =	shalt  }
0x4a: {  	_ =	shalt  }
0x4b: {  	_ =	shalt  }
0x4c: {  	_ =	shalt  }
0x4d: {  	_ =	shalt  }
0x4e: {  	_ =	shalt  }
0x4f: {  	_ =	shalt  }
0x50: {  	_ =	shalt  }
0x51: {  	_ =	shalt  }
0x52: {  	_ =	shalt  }
0x53: {  	_ =	shalt  }
0x54: {  	_ =	shalt  }
0x55: {  	_ =	shalt  }
0x56: {  	_ =	shalt  }
0x57: {  	_ =	shalt  }
0x58: {  	_ =	shalt  }
0x59: {  	_ =	shalt  }
0x5a: {  	_ =	shalt  }
0x5b: {  	_ =	shalt  }
0x5c: {  	_ =	shalt  }
0x5d: {  	_ =	shalt  }
0x5e: {  	_ =	shalt  }
0x5f: {  	_ =	shalt  }
0x60: {  	_ =	shalt  }
0x61: {  	_ =	shalt  }
0x62: {  	_ =	shalt  }
0x63: {  	_ =	shalt  }
0x64: {  	_ =	shalt  }
0x65: {  	_ =	shalt  }
0x66: {  	_ =	shalt  }
0x67: {  	_ =	shalt  }
0x68: {  	_ =	shalt  }
0x69: {  	_ =	shalt  }
0x6a: {  	_ =	shalt  }
0x6b: {  	_ =	shalt  }
0x6c: {  	_ =	shalt  }
0x6d: {  	_ =	shalt  }
0x6e: {  	_ =	shalt  }
0x6f: {  	_ =	shalt  }
0x70: {  	_ =	shalt  }
0x71: {  	_ =	shalt  }
0x72: {  	_ =	shalt  }
0x73: {  	_ =	shalt  }
0x74: {  	_ =	shalt  }
0x75: {  	_ =	shalt  }
0x76: {  	_ =	shalt  }
0x77: {  	_ =	shalt  }
0x78: {  	_ =	shalt  }
0x79: {  	_ =	shalt  }
0x7a: {  	_ =	shalt  }
0x7b: {  	_ =	shalt  }
0x7c: {  	_ =	shalt  }
0x7d: {  	_ =	shalt  }
0x7e: {  	_ =	shalt  }
0x7f: {  	_ =	shalt  }
0x80: {  	_ =	shalt  }
0x81: {  	_ =	shalt  }
0x82: {  	_ =	shalt  }
0x83: {  	_ =	shalt  }
0x84: {  	_ =	shalt  }
0x85: {  	_ =	shalt  }
0x86: {  	_ =	shalt  }
0x87: {  	_ =	shalt  }
.Lfunc_end0:
.L_simem_size_0:
called_computation.2_lowered:
.L_overlay_start_0:
0x88: {  	s2 =	sld [smem:$0x3FD9]  }
0x89: {  	s3 =	sld [smem:$0x3FFE];
	_ =	sdelay $0x1  }
0x8a: {  	s1 =	srdreg.scid  }
0x8b: {  	s0 =	sand.u32 $0x1, s1  }
0x8c: {  	s16 =	sshll.u32 s0, $0xA;
	s2 =	sadd.s32 s3, s2  }
0x8d: {  	s2 =	sadd.s32 s2, s16  }
0x8e: {  	[smem:$0x3FC5] =	sst s2  }
0x8f: {  	_ = 	snop  }
0x90: {  	(tm) =	ssettm $0x1  }
0x91: {  	s17 =	sld [smem:$0x3FFB];
	_ =	sdelay $0x3  }
0x92: {  	_ =	strace s17  }
0x93: {  	s2 =	sld [smem:$0x3FFC];
	_ =	sdelay $0x3  }
0x94: {  	_ =	strace s2  }
0x95: {  	s2 =	sld [smem:$0x3FFD];
	_ =	sdelay $0x3  }
0x96: {  	_ =	strace s2  }
0x97: {  	_ =	strace $0x8FFFFFFF  }
0x98: {  	s18 =	sld [smem:$0x3FDB];
	_ =	sdelay $0x1  }
0x99: {  	s19 =	simm.s32 $_scs_section_size  }
0x9a: {  	s4 =	simm.s32 $_size__tile_overlayer_lowered;
	s5 =	simm.s32 $_tile_overlayer_lowered  }
0x9b: {  	s22 =	simm.s32 $0x1BFF;
	s21 =	sshll.u32 s5, $0x1;
	s2 =	sadd.s32 s19, s18  }
0x9c: {  	s6 =	simm.s32 $0x0;
	s20 =	sshll.u32 s4, $0x1;
	s4 =	sadd.s32 s21, s2  }
0x9d: {  	[timem:s6], [sflag:s22] =	dma.local [hbm:s4], s20  }
0x9e: {  	_ =	swait.ge [sflag:s22], s20  }
0x9f: {  	s3 =	ssub.s32 $0x0, s20;
	[sflag:s22] =	ssyncset.done $0x0  }
0xa0: {  	[sflag:s22] =	ssyncadd.s32 s3;
	_ =	sdelay $0x1  }
0xa1: {  	s23 =	simm.s32 $0x1B8B  }
0xa2: {  	_ =	swait.ge [sflag:s23], $0x1  }
0xa3: {  	[sflag:s23] =	ssyncset.done $0x0  }
0xa4: {  	s25 =	simm.s32 $0x1B8E;
	s24 =	sld [smem:$0x3FFE];
	[sflag:s23] =	ssyncadd.s32 $0xFFFFFFFF  }
0xa5: {  	s26 =	simm.s32 $execute0_lowered;
	[smem:$0x3FD2] =	sst s25  }
0xa6: {  	s4 =	sshll.u32 s26, $0x1;
	_ =	strace $0x80000046;
	[dreg:$0x1] =	wrdreg $0xFFFFFFFF  }
0xa7: {  	s28 =	simm.s32 $_size_execute0_lowered;
	s2 =	sadd.s32 s2, s4;
	[dreg:$0x0] =	wrdreg $0x0  }
0xa8: {  	s4 =	sshll.u32 s28, $0x1;
	[dreg:$0x2] =	wrdreg s2  }
0xa9: {  	[dreg:$0x3] =	wrdreg s4  }
0xaa: {  	[dreg:$0x4] =	wrdreg $0xC0  }
0xab: {  	_ =	task [dreg:s6], $0x5FFFF  }
0xac: {  	[dreg:$0x1] =	wrdreg $0xFFFFFFFF  }
0xad: {  	[dreg:$0x0] =	wrdreg $0x60  }
0xae: {  	[dreg:$0x2] =	wrdreg s24  }
0xaf: {  	[dreg:$0x3] =	wrdreg $0xD2000  }
0xb0: {  	[dreg:$0x4] =	wrdreg $0xB  }
0xb1: {  	_ =	task.clear_ibuf [dreg:s6], $0x5FFFF;
	_ =	strace $0x90000046  }
0xb2: {  	s29 =	simm.s32 $0xB;
	_ =	strace $0x80000048  }
0xb3: {  	_ =	swait.ge [sflag:s29], $0x1  }
0xb4: {  	[sflag:s29] =	ssyncadd.s32 $0xFFFFFFFF  }
0xb5: {  	_ =	strace $0x90000048  }
0xb6: {  	_ =	sfence  }
0xb7: {  	s30 =	sld [smem:$0x0];
	_ =	sdelay $0x2  }
0xb8: {  	s31 =	sshll.u32 s1, $0xD;
	s1 =	sshrl.u32 s1, $0x2  }
0xb9: {  	s3 =	sand.u32 $0x4000, s31;
	s1 =	sadd.s32 s1, s30  }
0xba: {  	s0 =	sor.u32 s3, s0;
	s1 =	sshll.u32 s1, $0x11  }
0xbb: {  	s0 =	sor.u32 s1, s0  }
0xbc: {  	s0 =	sadd.s32 $0x8F2B, s0  }
0xbd: {  	[sflag:s0] =	ssyncadd.remote.s32 $0x1  }
0xbe: {  	_ =	sfence.sel $0xFFFF  }
0xbf: {  	[dreg:$0x0] =	wrdreg $0xFFFFFFFF;
	(pc) =	sbr.abs _section_cstart, $3  }
0xc0: {  	[dreg:$0x1] =	wrdreg $0xFFFFFFFF  }
0xc1: {  	_ =	task.clear_ibuf [dreg:s6], $0x2FFFF;
	_ =	strace $0x9FFFFFFF  }
0xc2: {  	(tm) =	ssettm $0x7FFFFFFF  }
0xc3: {  	_ =	shalt  }
tec
execute0_lowered:
.L_overlay_start_1:
0x0: {  	(tag) =	ssettag $0x1  }
0x1: {  	s0 =	rddreg [dreg:$0x0]  }
0x2: {  	s26 =	rddreg [dreg:$0x1];
	s2 =	srdreg.scid;
	s3 =	simm.s32 $0x0  }
0x3: {  	s5 =	stileid.u32;
	s22 =	simm.s32 $0x1C00;
	s28 =	simm.s32 $0x7E00  }
0x4: {  	s29 =	simm.s32 $0x8E00;
	s30 =	simm.s32 $0x9E00;
	s31 =	simm.s32 $0xAE00  }
0x5: {  	s2 =	sand.u32 $0x1, s2;
	[smem:$0x7FF] =	sst s3;
	s6 =	smul.u32 $0x320, s5  }
0x6: {  	s4 =	sadd.s32 $0x1AAE00, s0;
	s11 =	sadd.s32 $0x5000, s0;
	s9 =	smul.u32 $0x32000, s5  }
0x7: {  	s16 =	smul.u32 $0x7D00, s5;
	s23 =	sshll.u32 s2, $0x4;
	_ =	strace $0x80000047  }
0x8: {  	s8 =	ssub.s32 $0x2, s2;
	s2 =	smul.u32 $0x7D000, s2;
	[dreg:$0x3] =	wrdreg s22  }
0x9: {  	s22 =	simm.s32 $0x2;
	s3 =	sor.u32 s5, s23;
	s6 =	sadd.s32 s6, s0  }
0xa: {  	s10 =	sshrl.u32 s8, $0x1;
	s25 =	sshrl.u32 s9, $0x2;
	s23 =	simm.s32 $0x1C80  }
0xb: {  	s24 =	ssub.s32 s8, s10;
	s6 =	sadd.s32 $0x1E00, s6;
	[dreg:$0x4] =	wrdreg s23  }
0xc: {  	s21 =	sadd.s32 s16, s2;
	[dreg:$0x7] =	wrdreg s6;
	s20 =	smax.u32 s24, $0x1  }
0xd: {  	s9 =	smov.u32 s11;
	s2 =	sadd.s32 $0x500, s21;
	[dreg:$0x14] =	wrdreg s20  }
0xe: {  	s7 =	smul.u32 $0x1900, s3;
	s24 =	simm.s32 $0x1D00;
	[dreg:$0x15] =	wrdreg s2  }
0xf: {  	s6 =	sadd.s32 s25, s26;
	s25 =	simm.s32 $0x1D80;
	[dreg:$0x5] =	wrdreg s24  }
0x10: {  	s5 =	simm.s32 $0x3E00;
	s3 =	smul.u32 $0x7D00, s3;
	[dreg:$0x6] =	wrdreg s25  }
0x11: {  	s8 =	simm.s32 $0x0;
	s1 =	sadd.s32 $0x1400, s6;
	[dreg:$0x8] =	wrdreg s6  }
0x12: {  	s23 =	simm.s32 $0x4E00;
	s10 =	sadd.s32 $0x2800, s6;
	[dreg:$0xa] =	wrdreg s1  }
0x13: {  	s0 =	sadd.s32 s7, s0;
	s12 =	sadd.s32 $0x3C00, s6;
	[dreg:$0xb] =	wrdreg s10  }
0x14: {  	s3 =	sshrl.u32 s3, $0x3;
	s13 =	sadd.s32 $0x5000, s6;
	[dreg:$0xc] =	wrdreg s12  }
0x15: {  	s14 =	sadd.s32 $0x6400, s6;
	s15 =	sadd.s32 $0x7800, s6;
	[dreg:$0xd] =	wrdreg s13  }
0x16: {  	s17 =	sadd.s32 $0x8C00, s6;
	s18 =	sadd.s32 $0xA000, s6;
	[dreg:$0xe] =	wrdreg s14  }
0x17: {  	s19 =	sadd.s32 $0xB400, s6;
	s24 =	simm.s32 $0x80;
	[dreg:$0xf] =	wrdreg s15  }
0x18: {  	s25 =	simm.s32 $0x5E00;
	s20 =	simm.s32 $0x1B80;
	[dreg:$0x10] =	wrdreg s17  }
0x19: {  	s2 =	simm.s32 $0x0;
	[dreg:$0x11] =	wrdreg s18;
	s0 =	sadd.s32 $0x24400, s0  }
0x1a: {  	s3 =	sadd.s32 s11, s3;
	[dreg:$0x13] =	wrdreg s0;
	s0 =	sadd.s32 $0x280, s21  }
0x1b: {  	[dreg:$0x12] =	wrdreg s19;
	s10 =	simm.s32 $0x1E00;
	s0 =	sshrl.u32 s0, $0x3  }
0x1c: {  	s13 =	simm.s32 $0x1;
	[dreg:$0x9] =	wrdreg s3;
	s0 =	sadd.s32 s0, s11  }
0x1d: {  	v0 =	vimm.f32 $0.0e+00;
	s21 =	simm.s32 $0x6E00;
	s11 =	simm.s32 $0x2E00;
	[dreg:$0x16] =	wrdreg s0  }
.LBB2_1:
0x1e: {  	[dreg:$0x17] =	wrdreg s2  }
0x1f: {  	s0 =	rddreg [dreg:$0x7]  }
0x20: {  	[tilespmem:s8], [sflag:$0x2] =	stream.linear.gather [hbm4b:s0+s8], $0x1900, $0x38;
	[tilespmem:$0x19A00] =	vst v63  }
0x21: {  	_ =	swait.ge [sflag:s22], $0x1900  }
0x22: {  	[sflag:s22] =	ssyncset.done $0x0  }
0x23: {  	s15 =	simm.s32 $0x1900;
	s14 =	rddreg [dreg:$0x9];
	[sflag:s22] =	ssyncadd.s32 $0xFFFFE700  }
0x24: {  	[tilespmem:s15], [sflag:$0x2] =	stream.linear.gather [hbm4b:s14+s8], $0x280, $0x38;
	[tilespmem:$0x19A00] =	vst v63  }
0x25: {  	_ =	swait.ge [sflag:s22], $0x280  }
0x26: {  	[sflag:s22] =	ssyncset.done $0x0  }
0x27: {  	[sflag:s22] =	ssyncadd.s32 $0xFFFFFD80  }
0x28: {  	[tilespmem:s10], [sflag:$0x1] =	stream.indirect.gather [hbm4b:s4+s24], $0x20, s15, s24, $0xb8;
	[tilespmem:$0x19A00] =	vst v63  }
0x29: {  	s16 =	simm.s32 $0x1980  }
0x2a: {  	[tilespmem:s11], [sflag:$0x1] =	stream.indirect.gather [hbm4b:s4+s24], $0x20, s16, s24, $0xb8;
	[tilespmem:$0x19A00] =	vst v63  }
0x2b: {  	s17 =	simm.s32 $0x1A00  }
0x2c: {  	[tilespmem:s5], [sflag:$0x1] =	stream.indirect.gather [hbm4b:s4+s24], $0x20, s17, s24, $0xb8;
	[tilespmem:$0x19A00] =	vst v63  }
0x2d: {  	s18 =	simm.s32 $0x1A80  }
0x2e: {  	[tilespmem:s23], [sflag:$0x1] =	stream.indirect.gather [hbm4b:s4+s24], $0x20, s18, s24, $0xb8;
	[tilespmem:$0x19A00] =	vst v63  }
0x2f: {  	s19 =	simm.s32 $0x1B00;
	s3 =	simm.s32 $0x0;
	s0 =	simm.s32 $0x80  }
0x30: {  	[tilespmem:s25], [sflag:$0x1] =	stream.indirect.gather [hbm4b:s4+s24], $0x20, s19, s24, $0xb8;
	[tilespmem:$0x19A00] =	vst v63  }
.LBB2_2:
0x31: {  	p0 =	sne.s32 s0, $0x4F80;
	[tilespmem:s3+$0xBE00] =	vst v0;
	s7 =	smov.u32 s0;
	s0 =	sadd.s32 $0x80, s0  }
.Ltmp0:
0x32: {  	[tilespmem:s3+$0xBE10] =	vst v0;
	(pc) =	sbr.rel @p0 .LBB2_2-.Ltmp0, $2  }
0x33: {  	_ =	sdelay $0x2  }
0x34: {  	s3 =	sshra.s32 s7, $0x2  }
0x35: {  	[tilespmem:s3+$0xBE00] =	vst v0  }
0x36: {  	[tilespmem:s3+$0xBE10] =	vst v0;
	s2 =	simm.s32 $0xBE00  }
0x37: {  	[spmem:s6] =	stream.linear.scatter [tilespmem:s2], [sflag:$0x2], $0x1400, $0x38;
	[tilespmem:$0x19A00] =	vst v63  }
0x38: {  	_ =	swait.ge [sflag:s22], $0x1400  }
0x39: {  	[sflag:s22] =	ssyncset.done $0x0  }
0x3a: {  	s0 =	rddreg [dreg:$0xa];
	[sflag:s22] =	ssyncadd.s32 $0xFFFFEC00  }
0x3b: {  	[spmem:s0] =	stream.linear.scatter [tilespmem:s2], [sflag:$0x2], $0x1400, $0x38;
	[tilespmem:$0x19A00] =	vst v63  }
0x3c: {  	_ =	swait.ge [sflag:s22], $0x1400  }
0x3d: {  	[sflag:s22] =	ssyncset.done $0x0  }
0x3e: {  	s6 =	rddreg [dreg:$0xb];
	[sflag:s22] =	ssyncadd.s32 $0xFFFFEC00  }
0x3f: {  	[spmem:s6] =	stream.linear.scatter [tilespmem:s2], [sflag:$0x2], $0x1400, $0x38;
	[tilespmem:$0x19A00] =	vst v63  }
0x40: {  	_ =	swait.ge [sflag:s22], $0x1400  }
0x41: {  	[sflag:s22] =	ssyncset.done $0x0  }
0x42: {  	s7 =	rddreg [dreg:$0xc];
	[sflag:s22] =	ssyncadd.s32 $0xFFFFEC00  }
0x43: {  	[spmem:s7] =	stream.linear.scatter [tilespmem:s2], [sflag:$0x2], $0x1400, $0x38;
	[tilespmem:$0x19A00] =	vst v63  }
0x44: {  	_ =	swait.ge [sflag:s22], $0x1400  }
0x45: {  	[sflag:s22] =	ssyncset.done $0x0  }
0x46: {  	s12 =	rddreg [dreg:$0xd];
	[sflag:s22] =	ssyncadd.s32 $0xFFFFEC00  }
0x47: {  	[spmem:s12] =	stream.linear.scatter [tilespmem:s2], [sflag:$0x2], $0x1400, $0x38;
	[tilespmem:$0x19A00] =	vst v63  }
0x48: {  	_ =	swait.ge [sflag:s22], $0x1400  }
0x49: {  	[sflag:s22] =	ssyncset.done $0x0  }
0x4a: {  	s14 =	rddreg [dreg:$0xe];
	[sflag:s22] =	ssyncadd.s32 $0xFFFFEC00  }
0x4b: {  	[spmem:s14] =	stream.linear.scatter [tilespmem:s2], [sflag:$0x2], $0x1400, $0x38;
	[tilespmem:$0x19A00] =	vst v63  }
0x4c: {  	_ =	swait.ge [sflag:s22], $0x1400  }
0x4d: {  	[sflag:s22] =	ssyncset.done $0x0  }
0x4e: {  	s15 =	rddreg [dreg:$0xf];
	[sflag:s22] =	ssyncadd.s32 $0xFFFFEC00  }
0x4f: {  	[spmem:s15] =	stream.linear.scatter [tilespmem:s2], [sflag:$0x2], $0x1400, $0x38;
	[tilespmem:$0x19A00] =	vst v63  }
0x50: {  	_ =	swait.ge [sflag:s22], $0x1400  }
0x51: {  	[sflag:s22] =	ssyncset.done $0x0  }
0x52: {  	s16 =	rddreg [dreg:$0x10];
	[sflag:s22] =	ssyncadd.s32 $0xFFFFEC00  }
0x53: {  	[spmem:s16] =	stream.linear.scatter [tilespmem:s2], [sflag:$0x2], $0x1400, $0x38;
	[tilespmem:$0x19A00] =	vst v63  }
0x54: {  	_ =	swait.ge [sflag:s22], $0x1400  }
0x55: {  	[sflag:s22] =	ssyncset.done $0x0  }
0x56: {  	s17 =	rddreg [dreg:$0x11];
	[sflag:s22] =	ssyncadd.s32 $0xFFFFEC00  }
0x57: {  	[spmem:s17] =	stream.linear.scatter [tilespmem:s2], [sflag:$0x2], $0x1400, $0x38;
	[tilespmem:$0x19A00] =	vst v63  }
0x58: {  	_ =	swait.ge [sflag:s22], $0x1400  }
0x59: {  	s19 =	simm.s32 $0x0;
	s3 =	simm.s32 $0x1;
	[sflag:s22] =	ssyncset.done $0x0  }
0x5a: {  	s0 =	smul.u32 $0xA, s19;
	s18 =	rddreg [dreg:$0x12];
	[sflag:s22] =	ssyncadd.s32 $0xFFFFEC00  }
0x5b: {  	[spmem:s18] =	stream.linear.scatter [tilespmem:s2], [sflag:$0x2], $0x1400, $0x38;
	[tilespmem:$0x19A00] =	vst v63  }
0x5c: {  	s1 =	simm.s32 $0x1;
	s12 =	sadd.s32 $0x2, s0;
	_ =	swait.ge [sflag:s22], $0x1400  }
0x5d: {  	p1 =	por $0x0, $0x0;
	s15 =	sand.u32 $0xFE, s12;
	[sflag:s22] =	ssyncset.done $0x0  }
0x5e: {  	s7 =	sand.u32 $0xFE, s0;
	s15 =	smul.u32 $0x29, s15;
	[sflag:s22] =	ssyncadd.s32 $0xFFFFEC00  }
0x5f: {  	s7 =	smul.u32 $0x29, s7;
	s14 =	sor.u32 $0x1, s0;
	_ =	swait.ge [sflag:s13], $0x5000  }
0x60: {  	s15 =	sshrl.u32 s15, $0xB;
	s16 =	sand.u32 $0xFF, s14;
	[sflag:s1] =	ssyncset.done $0x0  }
0x61: {  	s15 =	smul.u32 $0x32, s15;
	s2 =	rddreg [dreg:$0x16];
	[sflag:s1] =	ssyncadd.s32 $0xFFFFB000  }
0x62: {  	[tilespmem:s20], [sflag:$0x2] =	stream.linear.gather [hbm4b:s2+s8], $0x280, $0x38;
	[tilespmem:$0x19A00] =	vst v63  }
0x63: {  	s7 =	sshrl.u32 s7, $0xB;
	s16 =	smul.u32 $0x29, s16;
	_ =	swait.ge [sflag:s22], $0x280  }
0x64: {  	s7 =	smul.u32 $0x32, s7;
	s12 =	ssub.s32 s12, s15;
	[sflag:s22] =	ssyncset.done $0x0  }
0x65: {  	s15 =	simm.s32 $0x3;
	s16 =	sshrl.u32 s16, $0xB;
	[sflag:s22] =	ssyncadd.s32 $0xFFFFFD80  }
0x66: {  	[tilespmem:s21], [sflag:$0x1] =	stream.indirect.gather [hbm4b:s4+s24], $0x20, s20, s24, $0xb8;
	[tilespmem:$0x19A00] =	vst v63  }
0x67: {  	s12 =	sand.u32 $0xFE, s12;
	s17 =	sadd.s32 $0x4, s0;
	s19 =	rddreg [dreg:$0x3]  }
0x68: {  	[tilespmem:s28], [sflag:$0x1] =	stream.indirect.gather [hbm4b:s4+s24], $0x20, s19, s24, $0xb8;
	[tilespmem:$0x19A00] =	vst v63  }
0x69: {  	s16 =	smul.u32 $0x32, s16;
	s12 =	sshll.u32 s12, $0x7;
	s6 =	rddreg [dreg:$0x4]  }
0x6a: {  	[tilespmem:s29], [sflag:$0x1] =	stream.indirect.gather [hbm4b:s4+s24], $0x20, s6, s24, $0xb8;
	[tilespmem:$0x19A00] =	vst v63  }
0x6b: {  	s18 =	sadd.s32 $0x3, s0;
	s0 =	ssub.s32 s0, s7;
	s20 =	rddreg [dreg:$0x5]  }
0x6c: {  	[tilespmem:s30], [sflag:$0x1] =	stream.indirect.gather [hbm4b:s4+s24], $0x20, s20, s24, $0xb8;
	[tilespmem:$0x19A00] =	vst v63  }
0x6d: {  	s0 =	sand.u32 $0xFE, s0;
	s21 =	sand.u32 $0xFF, s18;
	s6 =	rddreg [dreg:$0x6]  }
0x6e: {  	[tilespmem:s31], [sflag:$0x1] =	stream.indirect.gather [hbm4b:s4+s24], $0x20, s6, s24, $0xb8;
	[tilespmem:$0x19A00] =	vst v63  }
0x6f: {  	s14 =	ssub.s32 s14, s16;
	s0 =	sshll.u32 s0, $0x7;
	s7 =	smul.u32 $0x29, s21  }
0x70: {  	[spmem:s26] =	stream.indirect.scatter.add.f32 [tilespmem:s10], [sflag:$0x2], $0x20, s0, s24, $0xb8;
	[tilespmem:$0x19A00] =	vst v63  }
0x71: {  	s14 =	sand.u32 $0xFF, s14;
	s7 =	sshrl.u32 s7, $0xB;
	_ =	swait.ge [sflag:s22], $0x1000  }
0x72: {  	s21 =	sand.u32 $0xFE, s17;
	s7 =	smul.u32 $0x32, s7;
	[sflag:s22] =	ssyncset.done $0x0  }
0x73: {  	s14 =	sshll.u32 s14, $0x7;
	s6 =	smul.u32 $0x29, s21;
	[sflag:s22] =	ssyncadd.s32 $0xFFFFF000  }
0x74: {  	[spmem:s26] =	stream.indirect.scatter.add.f32 [tilespmem:s11], [sflag:$0x2], $0x20, s14, s24, $0xb8;
	[tilespmem:$0x19A00] =	vst v63  }
0x75: {  	s13 =	simm.s32 $0x1;
	s7 =	ssub.s32 s18, s7;
	_ =	swait.ge [sflag:s22], $0x1000  }
0x76: {  	s20 =	simm.s32 @!p1 $0x3E00;
	s0 =	sshrl.u32 s6, $0xB;
	[sflag:s22] =	ssyncset.done $0x0  }
0x77: {  	s7 =	sand.u32 $0xFF, s7;
	s0 =	smul.u32 $0x32, s0;
	[sflag:s22] =	ssyncadd.s32 $0xFFFFF000  }
0x78: {  	[spmem:s26] =	stream.indirect.scatter.add.f32 [tilespmem:s5], [sflag:$0x2], $0x20, s12, s24, $0xb8;
	[tilespmem:$0x19A00] =	vst v63  }
0x79: {  	s18 =	simm.s32 @!p1 $0x2;
	s7 =	sshll.u32 s7, $0x7;
	_ =	swait.ge [sflag:s22], $0x1000  }
0x7a: {  	s21 =	simm.s32 @!p1 $0x2E00;
	s0 =	ssub.s32 s17, s0;
	[sflag:s22] =	ssyncset.done $0x0  }
0x7b: {  	s31 =	simm.s32 @!p1 $0x1980;
	s0 =	sand.u32 $0xFE, s0;
	[sflag:s22] =	ssyncadd.s32 $0xFFFFF000  }
0x7c: {  	[spmem:s26] =	stream.indirect.scatter.add.f32 [tilespmem:s23], [sflag:$0x2], $0x20, s7, s24, $0xb8;
	[tilespmem:$0x19A00] =	vst v63  }
0x7d: {  	s14 =	sadd.s32 $0xA0, s2;
	s2 =	rddreg [dreg:$0x15];
	_ =	swait.ge [sflag:s22], $0x1000  }
0x7e: {  	s6 =	simm.s32 @!p1 $0x1E00;
	s0 =	sshll.u32 s0, $0x7;
	[sflag:s22] =	ssyncset.done $0x0  }
0x7f: {  	s5 =	simm.s32 @!p1 $0x1900;
	s12 =	simm.s32 @!p1 $0x0;
	[sflag:s22] =	ssyncadd.s32 $0xFFFFF000  }
0x80: {  	[spmem:s26] =	stream.indirect.scatter.add.f32 [tilespmem:s25], [sflag:$0x2], $0x20, s0, s24, $0xb8;
	[tilespmem:$0x19A00] =	vst v63  }
0x81: {  	s16 =	sadd.s32 $0x500, s2;
	s25 =	smul.u32 $0x5, s3;
	_ =	swait.ge [sflag:s22], $0x1000  }
0x82: {  	s7 =	simm.s32 @!p1 $0x1A00;
	s23 =	simm.s32 @!p1 $0x1B00;
	[sflag:s22] =	ssyncset.done $0x0  }
0x83: {  	s19 =	sand.u32 $0xFF, s25;
	s17 =	sadd.s32 $0x1, s25;
	[sflag:s22] =	ssyncadd.s32 $0xFFFFF000  }
0x84: {  	s28 =	smul.u32 $0x29, s19;
	s29 =	sand.u32 $0xFF, s17;
	_ =	swait.ge [sflag:s1], $0x5000  }
0x85: {  	s3 =	sshrl.u32 @!p1 s2, $0x3;
	s0 =	smul.u32 $0x29, s29;
	[sflag:s1] =	ssyncset.done $0x0  }
0x86: {  	s3 =	sadd.s32 @!p1 s9, s3;
	s28 =	sshrl.u32 s28, $0xB;
	[sflag:s1] =	ssyncadd.s32 $0xFFFFB000  }
0x87: {  	s1 =	smul.u32 $0x32, s28;
	s28 =	simm.s32 @!p1 $0x4E00;
	s19 =	sshrl.u32 s0, $0xB  }
0x88: {  	[tilespmem:s5], [sflag:$0x2] =	stream.linear.gather @!p1 [hbm4b:s3+s12], $0x280, $0x38;
	[tilespmem:$0x19A00] =	vst v63  }
0x89: {  	s3 =	sadd.s32 $0x2, s25;
	s12 =	sadd.s32 $0x3, s25;
	_ =	swait.ge @!p1 [sflag:s18], $0x280  }
0x8a: {  	s19 =	smul.u32 $0x32, s19;
	s30 =	sand.u32 $0xFF, s3;
	[sflag:s18] =	ssyncset.done @!p1 $0x0  }
0x8b: {  	s2 =	smul.u32 $0x29, s30;
	s30 =	simm.s32 @!p1 $0x80;
	[sflag:s18] =	ssyncadd.s32 @!p1 $0xFFFFFD80  }
0x8c: {  	[tilespmem:s6], [sflag:$0x1] =	stream.indirect.gather @!p1 [hbm4b:s4+s30], $0x20, s5, s30, $0xb8;
	[tilespmem:$0x19A00] =	vst v63  }
0x8d: {  	s29 =	ssub.s32 s25, s1;
	s25 =	sadd.s32 $0x4, s25;
	s6 =	sshrl.u32 s2, $0xB  }
0x8e: {  	s29 =	sand.u32 $0xFF, s29;
	s18 =	sand.u32 $0xFF, s12;
	s0 =	smul.u32 $0x32, s6  }
.LBB2_4:
0x8f: {  	s2 =	smul.u32 $0x29, s18  }
0x90: {  	[tilespmem:s21], [sflag:$0x1] =	stream.indirect.gather @!p1 [hbm4b:s4+s30], $0x20, s31, s30, $0xb8;
	[tilespmem:$0x19A00] =	vst v63  }
0x91: {  	s6 =	sand.u32 $0xFF, s25;
	s18 =	smov.u32 s15;
	s31 =	simm.s32 $0x7E00  }
0x92: {  	s15 =	sadd.s32 $0x2, s15;
	s5 =	ssub.s32 s17, s19;
	s19 =	smov.u32 s13  }
0x93: {  	s6 =	smul.u32 $0x29, s6;
	s0 =	ssub.s32 s3, s0;
	s5 =	sand.u32 $0xFF, s5  }
0x94: {  	[tilespmem:s20], [sflag:$0x1] =	stream.indirect.gather @!p1 [hbm4b:s4+s30], $0x20, s7, s30, $0xb8;
	[tilespmem:$0x19A00] =	vst v63  }
0x95: {  	s2 =	sshrl.u32 s2, $0xB;
	s7 =	simm.s32 @!p1 $0x1A80;
	s6 =	sshrl.u32 s6, $0xB  }
0x96: {  	[tilespmem:s28], [sflag:$0x1] =	stream.indirect.gather @!p1 [hbm4b:s4+s30], $0x20, s7, s30, $0xb8;
	[tilespmem:$0x19A00] =	vst v63  }
0x97: {  	s20 =	sshll.u32 s29, $0x7;
	s7 =	simm.s32 @!p1 $0x5E00;
	s6 =	smul.u32 $0x32, s6  }
0x98: {  	[tilespmem:s7], [sflag:$0x1] =	stream.indirect.gather @!p1 [hbm4b:s4+s30], $0x20, s23, s30, $0xb8;
	[tilespmem:$0x19A00] =	vst v63  }
0x99: {  	s0 =	sand.u32 $0xFF, s0;
	s6 =	ssub.s32 s25, s6;
	s25 =	simm.s32 $0x6E00  }
0x9a: {  	[spmem:s26] =	stream.indirect.scatter.add.f32 [tilespmem:s25], [sflag:$0x2], $0x20, s20, s24, $0xb8;
	[tilespmem:$0x19A00] =	vst v63  }
0x9b: {  	s29 =	simm.s32 $0x9E00;
	s2 =	smul.u32 $0x32, s2;
	_ =	swait.ge [sflag:s22], $0x1000  }
0x9c: {  	s5 =	sshll.u32 s5, $0x7;
	s0 =	sshll.u32 s0, $0x7;
	[sflag:s22] =	ssyncset.done $0x0  }
0x9d: {  	s2 =	ssub.s32 s12, s2;
	s12 =	smul.u32 $0xA, s13;
	[sflag:s22] =	ssyncadd.s32 $0xFFFFF000  }
0x9e: {  	[spmem:s26] =	stream.indirect.scatter.add.f32 [tilespmem:s31], [sflag:$0x2], $0x20, s5, s24, $0xb8;
	[tilespmem:$0x19A00] =	vst v63  }
0x9f: {  	s28 =	simm.s32 $0xAE00;
	s2 =	sand.u32 $0xFF, s2;
	_ =	swait.ge [sflag:s22], $0x1000  }
0xa0: {  	s30 =	simm.s32 $0x8E00;
	s21 =	sand.u32 $0xFE, s12;
	[sflag:s22] =	ssyncset.done $0x0  }
0xa1: {  	s3 =	sor.u32 $0x1, s12;
	s23 =	smul.u32 $0x29, s21;
	[sflag:s22] =	ssyncadd.s32 $0xFFFFF000  }
0xa2: {  	[spmem:s26] =	stream.indirect.scatter.add.f32 [tilespmem:s30], [sflag:$0x2], $0x20, s0, s24, $0xb8;
	[tilespmem:$0x19A00] =	vst v63  }
0xa3: {  	s6 =	sand.u32 $0xFF, s6;
	s2 =	sshll.u32 s2, $0x7;
	_ =	swait.ge [sflag:s22], $0x1000  }
0xa4: {  	s20 =	sadd.s32 $0x2, s12;
	s7 =	sshrl.u32 s23, $0xB;
	[sflag:s22] =	ssyncset.done $0x0  }
0xa5: {  	s21 =	sand.u32 $0xFF, s3;
	s7 =	smul.u32 $0x32, s7;
	[sflag:s22] =	ssyncadd.s32 $0xFFFFF000  }
0xa6: {  	[spmem:s26] =	stream.indirect.scatter.add.f32 [tilespmem:s29], [sflag:$0x2], $0x20, s2, s24, $0xb8;
	[tilespmem:$0x19A00] =	vst v63  }
0xa7: {  	s6 =	sshll.u32 s6, $0x7;
	s1 =	sand.u32 $0xFE, s20;
	_ =	swait.ge [sflag:s22], $0x1000  }
0xa8: {  	s5 =	smul.u32 $0x29, s1;
	s0 =	ssub.s32 s12, s7;
	[sflag:s22] =	ssyncset.done $0x0  }
0xa9: {  	s7 =	sand.u32 $0xFE, s0;
	s0 =	sadd.s32 $0x3, s12;
	[sflag:s22] =	ssyncadd.s32 $0xFFFFF000  }
0xaa: {  	[spmem:s26] =	stream.indirect.scatter.add.f32 [tilespmem:s28], [sflag:$0x2], $0x20, s6, s24, $0xb8;
	[tilespmem:$0x19A00] =	vst v63  }
0xab: {  	s23 =	sadd.s32 $0x4, s12;
	s1 =	sand.u32 $0xFF, s0;
	_ =	swait.ge [sflag:s22], $0x1000  }
0xac: {  	s12 =	sshrl.u32 s5, $0xB;
	s5 =	smul.u32 $0x29, s1;
	[sflag:s22] =	ssyncset.done $0x0  }
0xad: {  	s1 =	simm.s32 $0x1;
	s2 =	smul.u32 $0x32, s12;
	[sflag:s22] =	ssyncadd.s32 $0xFFFFF000  }
0xae: {  	s17 =	smov.u32 s16;
	s21 =	smul.u32 $0x29, s21;
	_ =	swait.ge [sflag:s1], $0x5000  }
0xaf: {  	s16 =	sadd.s32 $0x500, s16;
	s2 =	ssub.s32 s20, s2;
	[sflag:s1] =	ssyncset.done $0x0  }
0xb0: {  	s20 =	sshrl.u32 s21, $0xB;
	s21 =	simm.s32 $0x1B80;
	[sflag:s1] =	ssyncadd.s32 $0xFFFFB000  }
0xb1: {  	[tilespmem:s21], [sflag:$0x2] =	stream.linear.gather [hbm4b:s14+s8], $0x280, $0x38;
	[tilespmem:$0x19A00] =	vst v63  }
0xb2: {  	s13 =	sadd.s32 $0x1, s13;
	p1 =	seq.s32 s19, $0x18;
	_ =	swait.ge [sflag:s22], $0x280  }
0xb3: {  	s19 =	smul.u32 $0x5, s18;
	s12 =	sand.u32 $0xFE, s23;
	[sflag:s22] =	ssyncset.done $0x0  }
0xb4: {  	p0 =	sne.s32 s13, $0x19;
	s6 =	smul.u32 $0x29, s12;
	[sflag:s22] =	ssyncadd.s32 $0xFFFFFD80  }
0xb5: {  	[tilespmem:s25], [sflag:$0x1] =	stream.indirect.gather [hbm4b:s4+s24], $0x20, s21, s24, $0xb8;
	[tilespmem:$0x19A00] =	vst v63  }
0xb6: {  	s18 =	sand.u32 $0xFF, s19;
	s6 =	sshrl.u32 s6, $0xB;
	s8 =	rddreg [dreg:$0x3]  }
0xb7: {  	[tilespmem:s31], [sflag:$0x1] =	stream.indirect.gather [hbm4b:s4+s24], $0x20, s8, s24, $0xb8;
	[tilespmem:$0x19A00] =	vst v63  }
0xb8: {  	s5 =	sshrl.u32 s5, $0xB;
	s6 =	smul.u32 $0x32, s6;
	s21 =	rddreg [dreg:$0x4]  }
0xb9: {  	[tilespmem:s30], [sflag:$0x1] =	stream.indirect.gather [hbm4b:s4+s24], $0x20, s21, s24, $0xb8;
	[tilespmem:$0x19A00] =	vst v63  }
0xba: {  	s5 =	smul.u32 $0x32, s5;
	s6 =	ssub.s32 s23, s6;
	s23 =	rddreg [dreg:$0x5]  }
0xbb: {  	[tilespmem:s29], [sflag:$0x1] =	stream.indirect.gather [hbm4b:s4+s24], $0x20, s23, s24, $0xb8;
	[tilespmem:$0x19A00] =	vst v63  }
0xbc: {  	s2 =	sand.u32 $0xFE, s2;
	s0 =	ssub.s32 s0, s5;
	s25 =	rddreg [dreg:$0x6]  }
0xbd: {  	[tilespmem:s28], [sflag:$0x1] =	stream.indirect.gather [hbm4b:s4+s24], $0x20, s25, s24, $0xb8;
	[tilespmem:$0x19A00] =	vst v63  }
0xbe: {  	s5 =	smul.u32 $0x32, s20;
	s2 =	sshll.u32 s2, $0x7;
	s8 =	sshll.u32 s7, $0x7  }
0xbf: {  	[spmem:s26] =	stream.indirect.scatter.add.f32 [tilespmem:s10], [sflag:$0x2], $0x20, s8, s24, $0xb8;
	[tilespmem:$0x19A00] =	vst v63  }
0xc0: {  	s20 =	simm.s32 @!p1 $0x3E00;
	s3 =	ssub.s32 s3, s5;
	_ =	swait.ge [sflag:s22], $0x1000  }
0xc1: {  	s12 =	simm.s32 $0x4E00;
	s3 =	sand.u32 $0xFF, s3;
	[sflag:s22] =	ssyncset.done $0x0  }
0xc2: {  	s0 =	sand.u32 $0xFF, s0;
	s3 =	sshll.u32 s3, $0x7;
	[sflag:s22] =	ssyncadd.s32 $0xFFFFF000  }
0xc3: {  	[spmem:s26] =	stream.indirect.scatter.add.f32 [tilespmem:s11], [sflag:$0x2], $0x20, s3, s24, $0xb8;
	[tilespmem:$0x19A00] =	vst v63  }
0xc4: {  	s0 =	sshll.u32 s0, $0x7;
	s5 =	simm.s32 @!p1 $0x1900;
	_ =	swait.ge [sflag:s22], $0x1000  }
0xc5: {  	s6 =	sand.u32 $0xFE, s6;
	s14 =	sadd.s32 $0xA0, s14;
	[sflag:s22] =	ssyncset.done $0x0  }
0xc6: {  	s7 =	simm.s32 @!p1 $0x1A00;
	s10 =	simm.s32 $0x3E00;
	[sflag:s22] =	ssyncadd.s32 $0xFFFFF000  }
0xc7: {  	[spmem:s26] =	stream.indirect.scatter.add.f32 [tilespmem:s10], [sflag:$0x2], $0x20, s2, s24, $0xb8;
	[tilespmem:$0x19A00] =	vst v63  }
0xc8: {  	s31 =	simm.s32 @!p1 $0x1980;
	s21 =	simm.s32 @!p1 $0x2E00;
	_ =	swait.ge [sflag:s22], $0x1000  }
0xc9: {  	s23 =	simm.s32 @!p1 $0x1B00;
	s29 =	simm.s32 @!p1 $0x0;
	[sflag:s22] =	ssyncset.done $0x0  }
0xca: {  	s28 =	simm.s32 @!p1 $0x4E00;
	s25 =	smul.u32 $0x29, s18;
	[sflag:s22] =	ssyncadd.s32 $0xFFFFF000  }
0xcb: {  	[spmem:s26] =	stream.indirect.scatter.add.f32 [tilespmem:s12], [sflag:$0x2], $0x20, s0, s24, $0xb8;
	[tilespmem:$0x19A00] =	vst v63  }
0xcc: {  	s18 =	sshrl.u32 s25, $0xB;
	s11 =	sshll.u32 s6, $0x7;
	_ =	swait.ge [sflag:s22], $0x1000  }
0xcd: {  	s3 =	sshrl.u32 @!p1 s17, $0x3;
	s17 =	simm.s32 $0x5E00;
	[sflag:s22] =	ssyncset.done $0x0  }
0xce: {  	s2 =	sadd.s32 @!p1 s9, s3;
	s3 =	sadd.s32 $0x2, s19;
	[sflag:s22] =	ssyncadd.s32 $0xFFFFF000  }
0xcf: {  	[spmem:s26] =	stream.indirect.scatter.add.f32 [tilespmem:s17], [sflag:$0x2], $0x20, s11, s24, $0xb8;
	[tilespmem:$0x19A00] =	vst v63  }
0xd0: {  	s6 =	simm.s32 @!p1 $0x1E00;
	s30 =	sand.u32 $0xFF, s3;
	s17 =	sadd.s32 $0x1, s19  }
0xd1: {  	s0 =	simm.s32 @!p1 $0x2;
	_ =	swait.ge [sflag:s22], $0x1000;
	s8 =	sand.u32 $0xFF, s17  }
0xd2: {  	s12 =	sadd.s32 $0x3, s19;
	[sflag:s22] =	ssyncset.done $0x0;
	s25 =	smul.u32 $0x29, s8  }
0xd3: {  	s11 =	smov.u32 s9;
	s8 =	smul.u32 $0x32, s18;
	[sflag:s22] =	ssyncadd.s32 $0xFFFFF000  }
0xd4: {  	_ =	swait.ge [sflag:s1], $0x5000;
	s10 =	sshrl.u32 s25, $0xB;
	s25 =	sadd.s32 $0x4, s19  }
0xd5: {  	s8 =	ssub.s32 s19, s8;
	[sflag:s1] =	ssyncset.done $0x0;
	s19 =	smul.u32 $0x32, s10  }
0xd6: {  	s9 =	smov.u32 s11;
	[sflag:s1] =	ssyncadd.s32 $0xFFFFB000;
	s1 =	smul.u32 $0x29, s30  }
0xd7: {  	[tilespmem:s5], [sflag:$0x2] =	stream.linear.gather @!p1 [hbm4b:s2+s29], $0x280, $0x38;
	[tilespmem:$0x19A00] =	vst v63  }
.Ltmp1:
0xd8: {  	s11 =	simm.s32 $0x2E00;
	s18 =	sand.u32 $0xFF, s12;
	(pc) =	sbr.rel @p0 .LBB2_4-.Ltmp1, $4  }
0xd9: {  	s10 =	simm.s32 $0x1E00;
	s30 =	simm.s32 @!p1 $0x80;
	_ =	swait.ge @!p1 [sflag:s0], $0x280  }
0xda: {  	s29 =	sand.u32 $0xFF, s8;
	s1 =	sshrl.u32 s1, $0xB;
	[sflag:s0] =	ssyncset.done @!p1 $0x0  }
0xdb: {  	s8 =	simm.s32 $0x0;
	[sflag:s0] =	ssyncadd.s32 @!p1 $0xFFFFFD80;
	s0 =	smul.u32 $0x32, s1  }
0xdc: {  	[tilespmem:s6], [sflag:$0x1] =	stream.indirect.gather @!p1 [hbm4b:s4+s30], $0x20, s5, s30, $0xb8;
	[tilespmem:$0x19A00] =	vst v63  }
0xdd: {  	[tilespmem:s21], [sflag:$0x1] =	stream.indirect.gather @!p1 [hbm4b:s4+s30], $0x20, s31, s30, $0xb8;
	[tilespmem:$0x19A00] =	vst v63  }
0xde: {  	_ = 	snop  }
0xdf: {  	[tilespmem:s20], [sflag:$0x1] =	stream.indirect.gather @!p1 [hbm4b:s4+s30], $0x20, s7, s30, $0xb8;
	[tilespmem:$0x19A00] =	vst v63  }
0xe0: {  	s2 =	simm.s32 @!p1 $0x1A80  }
0xe1: {  	[tilespmem:s28], [sflag:$0x1] =	stream.indirect.gather @!p1 [hbm4b:s4+s30], $0x20, s2, s30, $0xb8;
	[tilespmem:$0x19A00] =	vst v63  }
0xe2: {  	s2 =	simm.s32 @!p1 $0x5E00  }
0xe3: {  	[tilespmem:s2], [sflag:$0x1] =	stream.indirect.gather @!p1 [hbm4b:s4+s30], $0x20, s23, s30, $0xb8;
	[tilespmem:$0x19A00] =	vst v63  }
0xe4: {  	s6 =	sshll.u32 s29, $0x7;
	s1 =	simm.s32 $0x6E00  }
0xe5: {  	[spmem:s26] =	stream.indirect.scatter.add.f32 [tilespmem:s1], [sflag:$0x2], $0x20, s6, s24, $0xb8;
	[tilespmem:$0x19A00] =	vst v63  }
0xe6: {  	s13 =	simm.s32 $0x7E00;
	s7 =	ssub.s32 s17, s19;
	_ =	swait.ge [sflag:s22], $0x1000  }
0xe7: {  	s0 =	ssub.s32 s3, s0;
	s2 =	sand.u32 $0xFF, s7;
	[sflag:s22] =	ssyncset.done $0x0  }
0xe8: {  	s14 =	smul.u32 $0x29, s18;
	s2 =	sshll.u32 s2, $0x7;
	[sflag:s22] =	ssyncadd.s32 $0xFFFFF000  }
0xe9: {  	[spmem:s26] =	stream.indirect.scatter.add.f32 [tilespmem:s13], [sflag:$0x2], $0x20, s2, s24, $0xb8;
	[tilespmem:$0x19A00] =	vst v63  }
0xea: {  	s15 =	simm.s32 $0x8E00;
	s16 =	sand.u32 $0xFF, s25;
	_ =	swait.ge [sflag:s22], $0x1000  }
0xeb: {  	s0 =	sand.u32 $0xFF, s0;
	s2 =	sshrl.u32 s14, $0xB;
	[sflag:s22] =	ssyncset.done $0x0  }
0xec: {  	s0 =	sshll.u32 s0, $0x7;
	s2 =	smul.u32 $0x32, s2;
	[sflag:s22] =	ssyncadd.s32 $0xFFFFF000  }
0xed: {  	[spmem:s26] =	stream.indirect.scatter.add.f32 [tilespmem:s15], [sflag:$0x2], $0x20, s0, s24, $0xb8;
	[tilespmem:$0x19A00] =	vst v63  }
0xee: {  	s0 =	smul.u32 $0x29, s16  }
0xef: {  	s17 =	simm.s32 $0x9E00;
	s2 =	ssub.s32 s12, s2;
	_ =	swait.ge [sflag:s22], $0x1000  }
0xf0: {  	s2 =	sand.u32 $0xFF, s2;
	s0 =	sshrl.u32 s0, $0xB;
	[sflag:s22] =	ssyncset.done $0x0  }
0xf1: {  	s2 =	sshll.u32 s2, $0x7;
	s0 =	smul.u32 $0x32, s0;
	[sflag:s22] =	ssyncadd.s32 $0xFFFFF000  }
0xf2: {  	[spmem:s26] =	stream.indirect.scatter.add.f32 [tilespmem:s17], [sflag:$0x2], $0x20, s2, s24, $0xb8;
	[tilespmem:$0x19A00] =	vst v63  }
0xf3: {  	s0 =	ssub.s32 s25, s0;
	_ =	swait.ge [sflag:s22], $0x1000  }
0xf4: {  	s18 =	simm.s32 $0xAE00;
	s0 =	sand.u32 $0xFF, s0;
	[sflag:s22] =	ssyncset.done $0x0  }
0xf5: {  	s19 =	stileid.u32;
	[sflag:s22] =	ssyncadd.s32 $0xFFFFF000;
	s0 =	sshll.u32 s0, $0x7  }
0xf6: {  	[spmem:s26] =	stream.indirect.scatter.add.f32 [tilespmem:s18], [sflag:$0x2], $0x20, s0, s24, $0xb8;
	[tilespmem:$0x19A00] =	vst v63  }
0xf7: {  	s0 =	sshll.u32 s19, $0x6;
	_ =	swait.ge [sflag:s22], $0x1000  }
0xf8: {  	s0 =	sor.u32 $0x1C02, s0;
	[sflag:s22] =	ssyncset.done $0x0;
	s6 =	rddreg [dreg:$0x8]  }
0xf9: {  	s21 =	rddreg [dreg:$0x13];
	[sflag:s22] =	ssyncadd.s32 $0xFFFFF000;
	s20 =	sshrl.u32 s6, $0x3  }
0xfa: {  	[hbm:s21], [sflag:s0] =	dma.local [spmem:s20], $0x1900  }
0xfb: {  	_ =	swait.ge [sflag:s22], $0x1900  }
0xfc: {  	s23 =	rddreg [dreg:$0x17]  }
0xfd: {  	s25 =	rddreg [dreg:$0x14];
	s2 =	sadd.s32 $0x1, s23  }
0xfe: {  	p0 =	sne.s32 s2, s25  }
.Ltmp2:
0xff: {  	_ = 	snop;
	(pc) =	sbr.rel @p0 .LBB2_1-.Ltmp2, $4  }
0x100: {  	s5 =	simm.s32 $0x3E00;
	s29 =	simm.s32 $0x8E00;
	s31 =	simm.s32 $0xAE00  }
0x101: {  	s28 =	simm.s32 $0x7E00;
	s30 =	simm.s32 $0x9E00;
	s13 =	simm.s32 $0x1  }
0x102: {  	s20 =	simm.s32 $0x1B80;
	s21 =	simm.s32 $0x6E00;
	[sflag:s22] =	ssyncset.done $0x0  }
0x103: {  	[sflag:s22] =	ssyncadd.s32 $0xFFFFE700;
	s23 =	simm.s32 $0x4E00;
	s25 =	simm.s32 $0x5E00  }
0x104: {  	_ =	sfence.sel $0x180000  }
0x105: {  	[bflag:$0x0] =	sbarrier.arrive $0xFFFF  }
0x106: {  	_ =	strace $0x90000047  }
0x107: {  	s0 =	stileid.u32;
	[bflag:$0x2] =	sbarrier.arrive $0xFFFF  }
0x108: {  	p0 =	sne.s32 s0, $0x0;
	s0 =	rddreg [dreg:$0x2]  }
0x109: {  	s0 =	sadd.s32 @!p0 $0x100000, s0  }
0x10a: {  	[sflag:s0] =	ssyncadd.tile.s32 @!p0 $0x1;
	_ =	shalt  }
.Lfunc_end2:
_tile_overlayer_lowered:
.L_overlay_start_2:
0x10b: {  	(tag) =	ssettag $0x2  }
0x10c: {  	s0 =	rddreg [dreg:$0x0];
	s2 =	stileid.u32  }
0x10d: {  	s1 =	rddreg [dreg:$0x1];
	p0 =	sne.s32 s2, $0x0  }
0x10e: {  	s3 =	rddreg [dreg:$0x2];
	[bflag:$0x3] =	sbarrier.arrive $0xFFFF;
	s2 =	simm.s32 @!p0 $0x1C02  }
0x10f: {  	[timem:s3], [sflag:s2] =	dma.local @!p0 [hbm:s0], s1  }
0x110: {  	s0 =	simm.s32 @!p0 $0x2  }
0x111: {  	_ =	swait.ge @!p0 [sflag:s0], s1  }
0x112: {  	s1 =	ssub.s32 @!p0 $0x0, s1;
	[sflag:s0] =	ssyncset.done @!p0 $0x0  }
0x113: {  	[sflag:s0] =	ssyncadd.s32 @!p0 s1  }
0x114: {  	[bflag:$0x3] =	sbarrier.arrive $0xFFFF  }
0x115: {  	_ =	shalt  }

// kernel: kernel.6.cloned.1.call-start
scs
__scs_entry_jumppad:
0x0: {  	(pc) =	sbr.rel $0x88, $3  }
0x1: {  	(tag) =	ssettag $0x0;
	lr =	simm.s32 $0x1  }
0x2: {  	[smem:$0x3F9E] =	sst lr;
	_ =	strace $0xD0000000  }
0x3: {  	_ = 	snop  }
0x4: {  	_ = 	snop  }
0x5: {  	_ = 	snop  }
0x6: {  	_ = 	snop  }
0x7: {  	_ = 	snop  }
__scs_overlays_trampoline_lowered:
0x8: {  	[smem:$0x3FAD] =	sst s0  }
0x9: {  	[smem:$0x3FAE] =	sst s1  }
0xa: {  	[smem:$0x3FAF] =	sst s2  }
0xb: {  	[smem:$0x3FB0] =	sst s3  }
0xc: {  	[smem:$0x3FB1] =	sst s4  }
0xd: {  	[smem:$0x3FB2] =	sst s5  }
0xe: {  	[smem:$0x3FB3] =	sst s6  }
0xf: {  	[smem:$0x3FB4] =	sst s7  }
0x10: {  	[smem:$0x3FB5] =	sst s8  }
0x11: {  	[smem:$0x3FB6] =	sst s9;
	s0 =	simm.s32 @!p0 $0x0  }
0x12: {  	s1 =	sld [smem:$0x3F9C];
	s0 =	simm.s32 @p0 $0x1  }
0x13: {  	[smem:$0x3FB7] =	sst s0;
	s0 =	simm.s32 @!p1 $0x0  }
0x14: {  	s2 =	sld [smem:$0x3F9B];
	s0 =	simm.s32 @p1 $0x1  }
0x15: {  	[smem:$0x3FB8] =	sst s0;
	s0 =	simm.s32 @!p2 $0x0  }
0x16: {  	s3 =	sld [smem:$0x3FDB];
	s0 =	simm.s32 @p2 $0x1  }
0x17: {  	s4 =	simm.s32 $0x1BF5;
	[smem:$0x3FBA] =	sst s0  }
0x18: {  	s0 =	sld [smem:$0x3F9D];
	_ =	swait.ge [sflag:s4], $0x0  }
0x19: {  	s7 =	sld [smem:$0x3F9E]  }
0x1a: {  	s8 =	sadd.s32 $0xFFFFE003, lr  }
0x1b: {  	s9 =	sadd.s32 $0xFFFFFEF7, lr;
	s5 =	simm.s32 $0xFFFFFFFF;
	p2 =	slt.u32 s8, $0xFFFFF086  }
0x1c: {  	p1 =	slt.u32 s9, $0xF7A;
	s5 =	simm.s32 @!p2 $0x0  }
0x1d: {  	s5 =	simm.s32 @p1 $0x1;
	p0 =	seq.s32 s7, s2  }
0x1e: {  	s7 =	smul.u32 @!p0 $0xF7A, s2;
	p2 =	seq.s32 @!p0 s5, $0x0  }
0x1f: {  	s9 =	smul.u32 $0xF7A, s1;
	s8 =	simm.s32 @!p0 $0x1BF5;
	p2 =	por !p2, p0  }
0x20: {  	[sflag:s8] =	ssyncset.s32 @!p0 $0xFFFFF086;
	s6 =	sadd.s32 @!p0 s3, s7;
	s7 =	simm.s32 @!p0 $0x108  }
0x21: {  	s3 =	sadd.s32 s3, s9;
	s6 =	sadd.s32 @!p0 $0x88, s6;
	s7 =	simm.s32 @p2 $0x1082  }
0x22: {  	[simem:s7], [sflag:s8] =	dma.local @!p0 [hbm:s6], $0xF7A  }
0x23: {  	s9 =	sor.u32 $0xD0000000, s2;
	s6 =	simm.s32 $0x108;
	_ =	swait.ge @!p0 [sflag:s8], $0x0  }
0x24: {  	s3 =	sadd.s32 $0x88, s3;
	s6 =	simm.s32 @!p1 $0x1082;
	[sflag:s4] =	ssyncset.s32 $0xFFFFF086  }
0x25: {  	[simem:s6], [sflag:s4] =	dma.local [hbm:s3], $0xF7A  }
0x26: {  	[smem:$0x3F9E] =	sst s1;
	(tag) =	ssettag s2;
	_ =	strace s9  }
0x27: {  	s1 =	sld [smem:$0x3FAE]  }
0x28: {  	s2 =	sld [smem:$0x3FAF]  }
0x29: {  	s4 =	sld [smem:$0x3FB1]  }
0x2a: {  	p0 =	seq.s32 s5, $0x0;
	s5 =	sld [smem:$0x3FB2]  }
0x2b: {  	s6 =	sld [smem:$0x3FB3]  }
0x2c: {  	s7 =	sld [smem:$0x3FB4]  }
0x2d: {  	s3 =	simm.s32 $0x108;
	s8 =	sld [smem:$0x3FB5]  }
0x2e: {  	s3 =	simm.s32 @!p0 $0x1082;
	s9 =	sld [smem:$0x3FB6]  }
0x2f: {  	lr =	sadd.s32 s0, s3;
	s0 =	sld [smem:$0x3FAD]  }
0x30: {  	s3 =	sld [smem:$0x3FB0]  }
0x31: {  	[smem:$0x3FB9] =	sst s10  }
0x32: {  	s10 =	sld [smem:$0x3FB7];
	_ =	sdelay $0x3  }
0x33: {  	p0 =	seq.s32 s10, $0x1;
	s10 =	sld [smem:$0x3FB9];
	_ =	sdelay $0x3  }
0x34: {  	[smem:$0x3FB9] =	sst s10  }
0x35: {  	s10 =	sld [smem:$0x3FB8];
	_ =	sdelay $0x3  }
0x36: {  	p1 =	seq.s32 s10, $0x1;
	s10 =	sld [smem:$0x3FB9];
	_ =	sdelay $0x3  }
0x37: {  	[smem:$0x3FB9] =	sst s10  }
0x38: {  	s10 =	sld [smem:$0x3FBA]  }
0x39: {  	_ = 	snop;
	(pc) =	sbr.ind lr, $3  }
0x3a: {  	_ = 	snop  }
0x3b: {  	_ = 	snop  }
0x3c: {  	p2 =	seq.s32 s10, $0x1;
	s10 =	sld [smem:$0x3FB9]  }
0x3d: {  	_ =	shalt  }
0x3e: {  	_ =	shalt  }
0x3f: {  	_ =	shalt  }
0x40: {  	_ =	shalt  }
0x41: {  	_ =	shalt  }
0x42: {  	_ =	shalt  }
0x43: {  	_ =	shalt  }
0x44: {  	_ =	shalt  }
0x45: {  	_ =	shalt  }
0x46: {  	_ =	shalt  }
0x47: {  	_ =	shalt  }
0x48: {  	_ =	shalt  }
0x49: {  	_ =	shalt  }
0x4a: {  	_ =	shalt  }
0x4b: {  	_ =	shalt  }
0x4c: {  	_ =	shalt  }
0x4d: {  	_ =	shalt  }
0x4e: {  	_ =	shalt  }
0x4f: {  	_ =	shalt  }
0x50: {  	_ =	shalt  }
0x51: {  	_ =	shalt  }
0x52: {  	_ =	shalt  }
0x53: {  	_ =	shalt  }
0x54: {  	_ =	shalt  }
0x55: {  	_ =	shalt  }
0x56: {  	_ =	shalt  }
0x57: {  	_ =	shalt  }
0x58: {  	_ =	shalt  }
0x59: {  	_ =	shalt  }
0x5a: {  	_ =	shalt  }
0x5b: {  	_ =	shalt  }
0x5c: {  	_ =	shalt  }
0x5d: {  	_ =	shalt  }
0x5e: {  	_ =	shalt  }
0x5f: {  	_ =	shalt  }
0x60: {  	_ =	shalt  }
0x61: {  	_ =	shalt  }
0x62: {  	_ =	shalt  }
0x63: {  	_ =	shalt  }
0x64: {  	_ =	shalt  }
0x65: {  	_ =	shalt  }
0x66: {  	_ =	shalt  }
0x67: {  	_ =	shalt  }
0x68: {  	_ =	shalt  }
0x69: {  	_ =	shalt  }
0x6a: {  	_ =	shalt  }
0x6b: {  	_ =	shalt  }
0x6c: {  	_ =	shalt  }
0x6d: {  	_ =	shalt  }
0x6e: {  	_ =	shalt  }
0x6f: {  	_ =	shalt  }
0x70: {  	_ =	shalt  }
0x71: {  	_ =	shalt  }
0x72: {  	_ =	shalt  }
0x73: {  	_ =	shalt  }
0x74: {  	_ =	shalt  }
0x75: {  	_ =	shalt  }
0x76: {  	_ =	shalt  }
0x77: {  	_ =	shalt  }
0x78: {  	_ =	shalt  }
0x79: {  	_ =	shalt  }
0x7a: {  	_ =	shalt  }
0x7b: {  	_ =	shalt  }
0x7c: {  	_ =	shalt  }
0x7d: {  	_ =	shalt  }
0x7e: {  	_ =	shalt  }
0x7f: {  	_ =	shalt  }
0x80: {  	_ =	shalt  }
0x81: {  	_ =	shalt  }
0x82: {  	_ =	shalt  }
0x83: {  	_ =	shalt  }
0x84: {  	_ =	shalt  }
0x85: {  	_ =	shalt  }
0x86: {  	_ =	shalt  }
0x87: {  	_ =	shalt  }
.Lfunc_end0:
.L_simem_size_0:
called_computation_lowered:
.L_overlay_start_0:
0x88: {  	s2 =	sld [smem:$0x3FD9]  }
0x89: {  	s3 =	sld [smem:$0x3FFE];
	_ =	sdelay $0x1  }
0x8a: {  	s1 =	srdreg.scid  }
0x8b: {  	s0 =	sand.u32 $0x1, s1  }
0x8c: {  	s17 =	sshll.u32 s0, $0xA;
	s2 =	sadd.s32 s3, s2  }
0x8d: {  	s2 =	sadd.s32 s2, s17  }
0x8e: {  	[smem:$0x3FC5] =	sst s2  }
0x8f: {  	_ = 	snop  }
0x90: {  	s18 =	sld [smem:$0x3FD0];
	(tm) =	ssettm $0x1  }
0x91: {  	s19 =	sld [smem:$0x3FFB];
	_ =	sdelay $0x3  }
0x92: {  	_ =	strace s19  }
0x93: {  	s2 =	sld [smem:$0x3FFC];
	_ =	sdelay $0x3  }
0x94: {  	_ =	strace s2  }
0x95: {  	s2 =	sld [smem:$0x3FFD];
	_ =	sdelay $0x3  }
0x96: {  	_ =	strace s2  }
0x97: {  	_ =	strace $0x8FFFFFFF  }
0x98: {  	s20 =	sld [smem:$0x3FDB];
	_ =	sdelay $0x1  }
0x99: {  	s4 =	simm.s32 $_scs_section_size  }
0x9a: {  	s5 =	simm.s32 $_size__tile_overlayer_lowered;
	s6 =	simm.s32 $_tile_overlayer_lowered  }
0x9b: {  	s7 =	simm.s32 $0x1BFF;
	s21 =	sshll.u32 s6, $0x1;
	s4 =	sadd.s32 s4, s20  }
0x9c: {  	s22 =	simm.s32 $0x0;
	s5 =	sshll.u32 s5, $0x1;
	s6 =	sadd.s32 s21, s4  }
0x9d: {  	[timem:s22], [sflag:s7] =	dma.local [hbm:s6], s5  }
0x9e: {  	_ =	swait.ge [sflag:s7], s5  }
0x9f: {  	s5 =	ssub.s32 $0x0, s5;
	[sflag:s7] =	ssyncset.done $0x0  }
0xa0: {  	[sflag:s7] =	ssyncadd.s32 s5;
	_ =	sdelay $0x1  }
0xa1: {  	s23 =	simm.s32 $0x1B8B  }
0xa2: {  	_ =	swait.ge [sflag:s23], $0x1  }
0xa3: {  	[sflag:s23] =	ssyncset.done $0x0  }
0xa4: {  	[sflag:s23] =	ssyncadd.s32 $0xFFFFFFFF  }
0xa5: {  	s5 =	sld [smem:$0x0]  }
0xa6: {  	s6 =	sand.u32 $0xFFFFFFFE, s1  }
0xa7: {  	p0 =	sne.s32 s1, s6  }
0xa8: {  	s6 =	sshll.u32 @p0 s6, $0xE  }
0xa9: {  	s6 =	sadd.s32 @p0 $0x11B8D, s6;
	s7 =	sshll.u32 @p0 s5, $0x11  }
0xaa: {  	s6 =	sor.u32 @p0 s7, s6  }
0xab: {  	[sflag:s6] =	ssyncadd.remote.s32 @p0 $0x1;
	_ =	sdelay $0x1  }
0xac: {  	s6 =	simm.s32 @p0 $0x1B8D  }
0xad: {  	_ =	swait.eq @p0 [sflag:s6], $0x1  }
0xae: {  	[sflag:s6] =	ssyncadd.s32 @p0 $0xFFFFFFFF  }
0xaf: {  	s7 =	sshll.u32 @!p0 s1, $0xE  }
0xb0: {  	s7 =	sor.u32 @!p0 $0x4000, s7;
	s6 =	simm.s32 @!p0 $0x1B8D  }
0xb1: {  	s5 =	sshll.u32 @!p0 s5, $0x11;
	s7 =	sadd.s32 @!p0 $0x11B8D, s7;
	_ =	swait.eq @!p0 [sflag:s6], $0x1  }
0xb2: {  	s5 =	sor.u32 @!p0 s5, s7;
	[sflag:s6] =	ssyncadd.s32 @!p0 $0xFFFFFFFF  }
0xb3: {  	s25 =	simm.s32 $0x1B8E;
	s24 =	sld [smem:$0x3FFE];
	[sflag:s5] =	ssyncadd.remote.s32 @!p0 $0x1  }
0xb4: {  	s26 =	simm.s32 $execute0_lowered;
	[smem:$0x3FD2] =	sst s25  }
0xb5: {  	s6 =	sshll.u32 s26, $0x1;
	_ =	strace $0x8000004C;
	[dreg:$0x1] =	wrdreg $0xFFFFFFFF  }
0xb6: {  	s28 =	simm.s32 $_size_execute0_lowered;
	s4 =	sadd.s32 s4, s6;
	[dreg:$0x0] =	wrdreg $0x0  }
0xb7: {  	s6 =	sshll.u32 s28, $0x1;
	[dreg:$0x2] =	wrdreg s4  }
0xb8: {  	[dreg:$0x3] =	wrdreg s6  }
0xb9: {  	[dreg:$0x4] =	wrdreg $0xC0  }
0xba: {  	_ =	task [dreg:s22], $0x5FFFF  }
0xbb: {  	[dreg:$0x1] =	wrdreg $0xFFFFFFFF  }
0xbc: {  	[dreg:$0x0] =	wrdreg $0x60  }
0xbd: {  	[dreg:$0x2] =	wrdreg s24  }
0xbe: {  	[dreg:$0x3] =	wrdreg s18  }
0xbf: {  	[dreg:$0x4] =	wrdreg $0xD2000  }
0xc0: {  	[dreg:$0x5] =	wrdreg $0x9  }
0xc1: {  	_ =	task.clear_ibuf [dreg:s22], $0x6FFFF;
	_ =	strace $0x9000004C  }
0xc2: {  	s29 =	simm.s32 $0x9;
	_ =	strace $0x8000004E  }
0xc3: {  	_ =	swait.ge [sflag:s29], $0x1  }
0xc4: {  	[sflag:s29] =	ssyncadd.s32 $0xFFFFFFFF  }
0xc5: {  	_ =	strace $0x9000004E  }
0xc6: {  	_ =	sfence  }
0xc7: {  	s30 =	sld [smem:$0x0];
	_ =	sdelay $0x2  }
0xc8: {  	s31 =	sshll.u32 s1, $0xD;
	s1 =	sshrl.u32 s1, $0x2  }
0xc9: {  	s4 =	sand.u32 $0x4000, s31;
	s1 =	sadd.s32 s1, s30  }
0xca: {  	s0 =	sor.u32 s4, s0;
	s1 =	sshll.u32 s1, $0x11  }
0xcb: {  	s0 =	sor.u32 s1, s0  }
0xcc: {  	s0 =	sadd.s32 $0x8F2B, s0  }
0xcd: {  	[sflag:s0] =	ssyncadd.remote.s32 $0x1  }
0xce: {  	_ =	sfence.sel $0xFFFF  }
0xcf: {  	[dreg:$0x0] =	wrdreg $0xFFFFFFFF;
	(pc) =	sbr.abs _section_cstart, $3  }
0xd0: {  	[dreg:$0x1] =	wrdreg $0xFFFFFFFF  }
0xd1: {  	_ =	task.clear_ibuf [dreg:s22], $0x2FFFF;
	_ =	strace $0x9FFFFFFF  }
0xd2: {  	(tm) =	ssettm $0x7FFFFFFF  }
0xd3: {  	_ =	shalt  }
tec
execute0_lowered:
.L_overlay_start_1:
0x0: {  	(tag) =	ssettag $0x1  }
0x1: {  	s0 =	rddreg [dreg:$0x0]  }
0x2: {  	s2 =	rddreg [dreg:$0x1]  }
0x3: {  	s26 =	rddreg [dreg:$0x2];
	s3 =	srdreg.scid  }
0x4: {  	s6 =	simm.s32 $0x0;
	s5 =	stileid.u32;
	s28 =	simm.s32 $0x7E00  }
0x5: {  	s29 =	simm.s32 $0x8E00;
	s30 =	simm.s32 $0x9E00;
	s20 =	smul.u32 $0x320, s5  }
0x6: {  	s31 =	simm.s32 $0xAE00;
	s3 =	sand.u32 $0x1, s3;
	s10 =	smul.u32 $0x32000, s5  }
0x7: {  	[smem:$0x7FF] =	sst s6;
	s11 =	sadd.s32 $0x5000, s0;
	s15 =	smul.u32 $0x7D00, s5  }
0x8: {  	s4 =	sshll.u32 s3, $0x4;
	_ =	strace $0x8000004D;
	s9 =	ssub.s32 $0x2, s3  }
0x9: {  	s7 =	sor.u32 s5, s4;
	s4 =	sadd.s32 $0xEA000, s0;
	s0 =	sadd.s32 s20, s0  }
0xa: {  	s3 =	smul.u32 $0x7D000, s3;
	s22 =	sshrl.u32 s10, $0x2;
	s0 =	sadd.s32 $0x1E00, s0  }
0xb: {  	s10 =	sadd.s32 s22, s26;
	s22 =	simm.s32 $0x1C00;
	[dreg:$0x8] =	wrdreg s0  }
0xc: {  	s21 =	sshrl.u32 s9, $0x1;
	s5 =	simm.s32 $0x2E00;
	[dreg:$0x4] =	wrdreg s22  }
0xd: {  	s8 =	smul.u32 $0x7D00, s7;
	s24 =	sadd.s32 $0x1400, s10;
	[dreg:$0xa] =	wrdreg s10  }
0xe: {  	s6 =	ssub.s32 s9, s21;
	s25 =	sadd.s32 $0x2800, s10;
	[dreg:$0xb] =	wrdreg s24  }
0xf: {  	s9 =	smov.u32 s11;
	s12 =	sadd.s32 $0x5000, s10;
	[dreg:$0xc] =	wrdreg s25  }
0x10: {  	s1 =	smul.u32 $0x1900, s7;
	s13 =	sadd.s32 $0x6400, s10;
	[dreg:$0xe] =	wrdreg s12  }
0x11: {  	s20 =	sadd.s32 s15, s3;
	s14 =	sadd.s32 $0x7800, s10;
	[dreg:$0xf] =	wrdreg s13  }
0x12: {  	s7 =	simm.s32 $0x0;
	s16 =	sadd.s32 $0x8C00, s10;
	[dreg:$0x10] =	wrdreg s14  }
0x13: {  	s17 =	sadd.s32 $0xA000, s10;
	s18 =	sadd.s32 $0xB400, s10;
	[dreg:$0x11] =	wrdreg s16  }
0x14: {  	s19 =	smax.u32 s6, $0x1;
	s21 =	sadd.s32 $0x500, s20;
	[dreg:$0x12] =	wrdreg s17  }
0x15: {  	s22 =	simm.s32 $0x2;
	s6 =	simm.s32 $0x3E00;
	[dreg:$0x13] =	wrdreg s18  }
0x16: {  	s8 =	sshrl.u32 s8, $0x3;
	s0 =	sadd.s32 s2, s1;
	[dreg:$0x15] =	wrdreg s19  }
0x17: {  	[dreg:$0x16] =	wrdreg s21;
	s24 =	simm.s32 $0x1D00;
	s25 =	simm.s32 $0x1D80  }
0x18: {  	s13 =	simm.s32 $0x1;
	s21 =	simm.s32 $0x6E00;
	[dreg:$0x14] =	wrdreg s0  }
0x19: {  	s2 =	simm.s32 $0x0;
	s23 =	sadd.s32 s11, s8;
	[dreg:$0x6] =	wrdreg s24  }
0x1a: {  	s8 =	sadd.s32 $0x3C00, s10;
	s0 =	sadd.s32 $0x280, s20;
	[dreg:$0x7] =	wrdreg s25  }
0x1b: {  	s24 =	simm.s32 $0x80;
	s25 =	simm.s32 $0x5E00;
	[dreg:$0x9] =	wrdreg s23  }
0x1c: {  	[dreg:$0xd] =	wrdreg s8;
	s0 =	sshrl.u32 s0, $0x3;
	s23 =	simm.s32 $0x1C80  }
0x1d: {  	s20 =	simm.s32 $0x1B80;
	s0 =	sadd.s32 s0, s11;
	[dreg:$0x5] =	wrdreg s23  }
0x1e: {  	v0 =	vimm.f32 $0.0e+00;
	s11 =	simm.s32 $0x1E00;
	s23 =	simm.s32 $0x4E00;
	[dreg:$0x17] =	wrdreg s0  }
.LBB2_1:
0x1f: {  	[dreg:$0x18] =	wrdreg s2  }
0x20: {  	s0 =	rddreg [dreg:$0x8]  }
0x21: {  	[tilespmem:s7], [sflag:$0x2] =	stream.linear.gather [hbm4b:s0+s7], $0x1900, $0x38;
	[tilespmem:$0x19A00] =	vst v63  }
0x22: {  	_ =	swait.ge [sflag:s22], $0x1900  }
0x23: {  	[sflag:s22] =	ssyncset.done $0x0  }
0x24: {  	s15 =	simm.s32 $0x1900;
	s14 =	rddreg [dreg:$0x9];
	[sflag:s22] =	ssyncadd.s32 $0xFFFFE700  }
0x25: {  	[tilespmem:s15], [sflag:$0x2] =	stream.linear.gather [hbm4b:s14+s7], $0x280, $0x38;
	[tilespmem:$0x19A00] =	vst v63  }
0x26: {  	_ =	swait.ge [sflag:s22], $0x280  }
0x27: {  	[sflag:s22] =	ssyncset.done $0x0  }
0x28: {  	[sflag:s22] =	ssyncadd.s32 $0xFFFFFD80  }
0x29: {  	[tilespmem:s11], [sflag:$0x1] =	stream.indirect.gather [hbm4b:s4+s24], $0x20, s15, s24, $0xb8;
	[tilespmem:$0x19A00] =	vst v63  }
0x2a: {  	s16 =	simm.s32 $0x1980  }
0x2b: {  	[tilespmem:s5], [sflag:$0x1] =	stream.indirect.gather [hbm4b:s4+s24], $0x20, s16, s24, $0xb8;
	[tilespmem:$0x19A00] =	vst v63  }
0x2c: {  	s17 =	simm.s32 $0x1A00  }
0x2d: {  	[tilespmem:s6], [sflag:$0x1] =	stream.indirect.gather [hbm4b:s4+s24], $0x20, s17, s24, $0xb8;
	[tilespmem:$0x19A00] =	vst v63  }
0x2e: {  	s18 =	simm.s32 $0x1A80  }
0x2f: {  	[tilespmem:s23], [sflag:$0x1] =	stream.indirect.gather [hbm4b:s4+s24], $0x20, s18, s24, $0xb8;
	[tilespmem:$0x19A00] =	vst v63  }
0x30: {  	s19 =	simm.s32 $0x1B00;
	s3 =	simm.s32 $0x0;
	s0 =	simm.s32 $0x80  }
0x31: {  	[tilespmem:s25], [sflag:$0x1] =	stream.indirect.gather [hbm4b:s4+s24], $0x20, s19, s24, $0xb8;
	[tilespmem:$0x19A00] =	vst v63  }
.LBB2_2:
0x32: {  	p0 =	sne.s32 s0, $0x4F80;
	[tilespmem:s3+$0xBE00] =	vst v0;
	s8 =	smov.u32 s0;
	s0 =	sadd.s32 $0x80, s0  }
.Ltmp0:
0x33: {  	[tilespmem:s3+$0xBE10] =	vst v0;
	(pc) =	sbr.rel @p0 .LBB2_2-.Ltmp0, $2  }
0x34: {  	_ =	sdelay $0x2  }
0x35: {  	s3 =	sshra.s32 s8, $0x2  }
0x36: {  	[tilespmem:s3+$0xBE00] =	vst v0  }
0x37: {  	[tilespmem:s3+$0xBE10] =	vst v0;
	s2 =	simm.s32 $0xBE00  }
0x38: {  	[spmem:s10] =	stream.linear.scatter [tilespmem:s2], [sflag:$0x2], $0x1400, $0x38;
	[tilespmem:$0x19A00] =	vst v63  }
0x39: {  	_ =	swait.ge [sflag:s22], $0x1400  }
0x3a: {  	[sflag:s22] =	ssyncset.done $0x0  }
0x3b: {  	s0 =	rddreg [dreg:$0xb];
	[sflag:s22] =	ssyncadd.s32 $0xFFFFEC00  }
0x3c: {  	[spmem:s0] =	stream.linear.scatter [tilespmem:s2], [sflag:$0x2], $0x1400, $0x38;
	[tilespmem:$0x19A00] =	vst v63  }
0x3d: {  	_ =	swait.ge [sflag:s22], $0x1400  }
0x3e: {  	[sflag:s22] =	ssyncset.done $0x0  }
0x3f: {  	s8 =	rddreg [dreg:$0xc];
	[sflag:s22] =	ssyncadd.s32 $0xFFFFEC00  }
0x40: {  	[spmem:s8] =	stream.linear.scatter [tilespmem:s2], [sflag:$0x2], $0x1400, $0x38;
	[tilespmem:$0x19A00] =	vst v63  }
0x41: {  	_ =	swait.ge [sflag:s22], $0x1400  }
0x42: {  	[sflag:s22] =	ssyncset.done $0x0  }
0x43: {  	s10 =	rddreg [dreg:$0xd];
	[sflag:s22] =	ssyncadd.s32 $0xFFFFEC00  }
0x44: {  	[spmem:s10] =	stream.linear.scatter [tilespmem:s2], [sflag:$0x2], $0x1400, $0x38;
	[tilespmem:$0x19A00] =	vst v63  }
0x45: {  	_ =	swait.ge [sflag:s22], $0x1400  }
0x46: {  	[sflag:s22] =	ssyncset.done $0x0  }
0x47: {  	s12 =	rddreg [dreg:$0xe];
	[sflag:s22] =	ssyncadd.s32 $0xFFFFEC00  }
0x48: {  	[spmem:s12] =	stream.linear.scatter [tilespmem:s2], [sflag:$0x2], $0x1400, $0x38;
	[tilespmem:$0x19A00] =	vst v63  }
0x49: {  	_ =	swait.ge [sflag:s22], $0x1400  }
0x4a: {  	[sflag:s22] =	ssyncset.done $0x0  }
0x4b: {  	s14 =	rddreg [dreg:$0xf];
	[sflag:s22] =	ssyncadd.s32 $0xFFFFEC00  }
0x4c: {  	[spmem:s14] =	stream.linear.scatter [tilespmem:s2], [sflag:$0x2], $0x1400, $0x38;
	[tilespmem:$0x19A00] =	vst v63  }
0x4d: {  	_ =	swait.ge [sflag:s22], $0x1400  }
0x4e: {  	[sflag:s22] =	ssyncset.done $0x0  }
0x4f: {  	s15 =	rddreg [dreg:$0x10];
	[sflag:s22] =	ssyncadd.s32 $0xFFFFEC00  }
0x50: {  	[spmem:s15] =	stream.linear.scatter [tilespmem:s2], [sflag:$0x2], $0x1400, $0x38;
	[tilespmem:$0x19A00] =	vst v63  }
0x51: {  	_ =	swait.ge [sflag:s22], $0x1400  }
0x52: {  	[sflag:s22] =	ssyncset.done $0x0  }
0x53: {  	s16 =	rddreg [dreg:$0x11];
	[sflag:s22] =	ssyncadd.s32 $0xFFFFEC00  }
0x54: {  	[spmem:s16] =	stream.linear.scatter [tilespmem:s2], [sflag:$0x2], $0x1400, $0x38;
	[tilespmem:$0x19A00] =	vst v63  }
0x55: {  	_ =	swait.ge [sflag:s22], $0x1400  }
0x56: {  	[sflag:s22] =	ssyncset.done $0x0  }
0x57: {  	s17 =	rddreg [dreg:$0x12];
	[sflag:s22] =	ssyncadd.s32 $0xFFFFEC00  }
0x58: {  	[spmem:s17] =	stream.linear.scatter [tilespmem:s2], [sflag:$0x2], $0x1400, $0x38;
	[tilespmem:$0x19A00] =	vst v63  }
0x59: {  	_ =	swait.ge [sflag:s22], $0x1400  }
0x5a: {  	s19 =	simm.s32 $0x0;
	s3 =	simm.s32 $0x1;
	[sflag:s22] =	ssyncset.done $0x0  }
0x5b: {  	s0 =	smul.u32 $0xA, s19;
	s18 =	rddreg [dreg:$0x13];
	[sflag:s22] =	ssyncadd.s32 $0xFFFFEC00  }
0x5c: {  	[spmem:s18] =	stream.linear.scatter [tilespmem:s2], [sflag:$0x2], $0x1400, $0x38;
	[tilespmem:$0x19A00] =	vst v63  }
0x5d: {  	s1 =	simm.s32 $0x1;
	s12 =	sadd.s32 $0x2, s0;
	_ =	swait.ge [sflag:s22], $0x1400  }
0x5e: {  	p1 =	por $0x0, $0x0;
	s15 =	sand.u32 $0xFE, s12;
	[sflag:s22] =	ssyncset.done $0x0  }
0x5f: {  	s8 =	sand.u32 $0xFE, s0;
	s15 =	smul.u32 $0x29, s15;
	[sflag:s22] =	ssyncadd.s32 $0xFFFFEC00  }
0x60: {  	s8 =	smul.u32 $0x29, s8;
	s14 =	sor.u32 $0x1, s0;
	_ =	swait.ge [sflag:s13], $0x5000  }
0x61: {  	s15 =	sshrl.u32 s15, $0xB;
	s16 =	sand.u32 $0xFF, s14;
	[sflag:s1] =	ssyncset.done $0x0  }
0x62: {  	s15 =	smul.u32 $0x32, s15;
	s2 =	rddreg [dreg:$0x17];
	[sflag:s1] =	ssyncadd.s32 $0xFFFFB000  }
0x63: {  	[tilespmem:s20], [sflag:$0x2] =	stream.linear.gather [hbm4b:s2+s7], $0x280, $0x38;
	[tilespmem:$0x19A00] =	vst v63  }
0x64: {  	s8 =	sshrl.u32 s8, $0xB;
	s16 =	smul.u32 $0x29, s16;
	_ =	swait.ge [sflag:s22], $0x280  }
0x65: {  	s8 =	smul.u32 $0x32, s8;
	s12 =	ssub.s32 s12, s15;
	[sflag:s22] =	ssyncset.done $0x0  }
0x66: {  	s15 =	simm.s32 $0x3;
	s16 =	sshrl.u32 s16, $0xB;
	[sflag:s22] =	ssyncadd.s32 $0xFFFFFD80  }
0x67: {  	[tilespmem:s21], [sflag:$0x1] =	stream.indirect.gather [hbm4b:s4+s24], $0x20, s20, s24, $0xb8;
	[tilespmem:$0x19A00] =	vst v63  }
0x68: {  	s12 =	sand.u32 $0xFE, s12;
	s17 =	sadd.s32 $0x4, s0;
	s19 =	rddreg [dreg:$0x4]  }
0x69: {  	[tilespmem:s28], [sflag:$0x1] =	stream.indirect.gather [hbm4b:s4+s24], $0x20, s19, s24, $0xb8;
	[tilespmem:$0x19A00] =	vst v63  }
0x6a: {  	s16 =	smul.u32 $0x32, s16;
	s12 =	sshll.u32 s12, $0x7;
	s10 =	rddreg [dreg:$0x5]  }
0x6b: {  	[tilespmem:s29], [sflag:$0x1] =	stream.indirect.gather [hbm4b:s4+s24], $0x20, s10, s24, $0xb8;
	[tilespmem:$0x19A00] =	vst v63  }
0x6c: {  	s18 =	sadd.s32 $0x3, s0;
	s0 =	ssub.s32 s0, s8;
	s20 =	rddreg [dreg:$0x6]  }
0x6d: {  	[tilespmem:s30], [sflag:$0x1] =	stream.indirect.gather [hbm4b:s4+s24], $0x20, s20, s24, $0xb8;
	[tilespmem:$0x19A00] =	vst v63  }
0x6e: {  	s0 =	sand.u32 $0xFE, s0;
	s21 =	sand.u32 $0xFF, s18;
	s10 =	rddreg [dreg:$0x7]  }
0x6f: {  	[tilespmem:s31], [sflag:$0x1] =	stream.indirect.gather [hbm4b:s4+s24], $0x20, s10, s24, $0xb8;
	[tilespmem:$0x19A00] =	vst v63  }
0x70: {  	s14 =	ssub.s32 s14, s16;
	s0 =	sshll.u32 s0, $0x7;
	s8 =	smul.u32 $0x29, s21  }
0x71: {  	[spmem:s26] =	stream.indirect.scatter.add.f32 [tilespmem:s11], [sflag:$0x2], $0x20, s0, s24, $0xb8;
	[tilespmem:$0x19A00] =	vst v63  }
0x72: {  	s14 =	sand.u32 $0xFF, s14;
	s8 =	sshrl.u32 s8, $0xB;
	_ =	swait.ge [sflag:s22], $0x1000  }
0x73: {  	s21 =	sand.u32 $0xFE, s17;
	s8 =	smul.u32 $0x32, s8;
	[sflag:s22] =	ssyncset.done $0x0  }
0x74: {  	s14 =	sshll.u32 s14, $0x7;
	s10 =	smul.u32 $0x29, s21;
	[sflag:s22] =	ssyncadd.s32 $0xFFFFF000  }
0x75: {  	[spmem:s26] =	stream.indirect.scatter.add.f32 [tilespmem:s5], [sflag:$0x2], $0x20, s14, s24, $0xb8;
	[tilespmem:$0x19A00] =	vst v63  }
0x76: {  	s13 =	simm.s32 $0x1;
	s8 =	ssub.s32 s18, s8;
	_ =	swait.ge [sflag:s22], $0x1000  }
0x77: {  	s20 =	simm.s32 @!p1 $0x3E00;
	s0 =	sshrl.u32 s10, $0xB;
	[sflag:s22] =	ssyncset.done $0x0  }
0x78: {  	s8 =	sand.u32 $0xFF, s8;
	s0 =	smul.u32 $0x32, s0;
	[sflag:s22] =	ssyncadd.s32 $0xFFFFF000  }
0x79: {  	[spmem:s26] =	stream.indirect.scatter.add.f32 [tilespmem:s6], [sflag:$0x2], $0x20, s12, s24, $0xb8;
	[tilespmem:$0x19A00] =	vst v63  }
0x7a: {  	s18 =	simm.s32 @!p1 $0x2;
	s8 =	sshll.u32 s8, $0x7;
	_ =	swait.ge [sflag:s22], $0x1000  }
0x7b: {  	s21 =	simm.s32 @!p1 $0x2E00;
	s0 =	ssub.s32 s17, s0;
	[sflag:s22] =	ssyncset.done $0x0  }
0x7c: {  	s31 =	simm.s32 @!p1 $0x1980;
	s0 =	sand.u32 $0xFE, s0;
	[sflag:s22] =	ssyncadd.s32 $0xFFFFF000  }
0x7d: {  	[spmem:s26] =	stream.indirect.scatter.add.f32 [tilespmem:s23], [sflag:$0x2], $0x20, s8, s24, $0xb8;
	[tilespmem:$0x19A00] =	vst v63  }
0x7e: {  	s14 =	sadd.s32 $0xA0, s2;
	s2 =	rddreg [dreg:$0x16];
	_ =	swait.ge [sflag:s22], $0x1000  }
0x7f: {  	s5 =	simm.s32 @!p1 $0x1900;
	s0 =	sshll.u32 s0, $0x7;
	[sflag:s22] =	ssyncset.done $0x0  }
0x80: {  	s6 =	simm.s32 @!p1 $0x1E00;
	s12 =	simm.s32 @!p1 $0x0;
	[sflag:s22] =	ssyncadd.s32 $0xFFFFF000  }
0x81: {  	[spmem:s26] =	stream.indirect.scatter.add.f32 [tilespmem:s25], [sflag:$0x2], $0x20, s0, s24, $0xb8;
	[tilespmem:$0x19A00] =	vst v63  }
0x82: {  	s16 =	sadd.s32 $0x500, s2;
	s25 =	smul.u32 $0x5, s3;
	_ =	swait.ge [sflag:s22], $0x1000  }
0x83: {  	s8 =	simm.s32 @!p1 $0x1A00;
	s23 =	simm.s32 @!p1 $0x1B00;
	[sflag:s22] =	ssyncset.done $0x0  }
0x84: {  	s19 =	sand.u32 $0xFF, s25;
	s17 =	sadd.s32 $0x1, s25;
	[sflag:s22] =	ssyncadd.s32 $0xFFFFF000  }
0x85: {  	s28 =	smul.u32 $0x29, s19;
	s29 =	sand.u32 $0xFF, s17;
	_ =	swait.ge [sflag:s1], $0x5000  }
0x86: {  	s3 =	sshrl.u32 @!p1 s2, $0x3;
	s0 =	smul.u32 $0x29, s29;
	[sflag:s1] =	ssyncset.done $0x0  }
0x87: {  	s3 =	sadd.s32 @!p1 s9, s3;
	s28 =	sshrl.u32 s28, $0xB;
	[sflag:s1] =	ssyncadd.s32 $0xFFFFB000  }
0x88: {  	s1 =	smul.u32 $0x32, s28;
	s28 =	simm.s32 @!p1 $0x4E00;
	s19 =	sshrl.u32 s0, $0xB  }
0x89: {  	[tilespmem:s5], [sflag:$0x2] =	stream.linear.gather @!p1 [hbm4b:s3+s12], $0x280, $0x38;
	[tilespmem:$0x19A00] =	vst v63  }
0x8a: {  	s3 =	sadd.s32 $0x2, s25;
	s12 =	sadd.s32 $0x3, s25;
	_ =	swait.ge @!p1 [sflag:s18], $0x280  }
0x8b: {  	s19 =	smul.u32 $0x32, s19;
	s30 =	sand.u32 $0xFF, s3;
	[sflag:s18] =	ssyncset.done @!p1 $0x0  }
0x8c: {  	s2 =	smul.u32 $0x29, s30;
	s30 =	simm.s32 @!p1 $0x80;
	[sflag:s18] =	ssyncadd.s32 @!p1 $0xFFFFFD80  }
0x8d: {  	[tilespmem:s6], [sflag:$0x1] =	stream.indirect.gather @!p1 [hbm4b:s4+s30], $0x20, s5, s30, $0xb8;
	[tilespmem:$0x19A00] =	vst v63  }
0x8e: {  	s29 =	ssub.s32 s25, s1;
	s25 =	sadd.s32 $0x4, s25;
	s10 =	sshrl.u32 s2, $0xB  }
0x8f: {  	s29 =	sand.u32 $0xFF, s29;
	s18 =	sand.u32 $0xFF, s12;
	s0 =	smul.u32 $0x32, s10  }
.LBB2_4:
0x90: {  	s5 =	ssub.s32 s17, s19  }
0x91: {  	s2 =	smul.u32 $0x29, s18;
	s6 =	sand.u32 $0xFF, s25;
	s19 =	smov.u32 s13  }
0x92: {  	[tilespmem:s21], [sflag:$0x1] =	stream.indirect.gather @!p1 [hbm4b:s4+s30], $0x20, s31, s30, $0xb8;
	[tilespmem:$0x19A00] =	vst v63  }
0x93: {  	s18 =	smov.u32 s15;
	s17 =	smov.u32 s16;
	s21 =	sshll.u32 s29, $0x7  }
0x94: {  	s10 =	simm.s32 $0x6E00;
	s29 =	simm.s32 $0x8E00;
	s15 =	sadd.s32 $0x2, s15  }
0x95: {  	s16 =	sadd.s32 $0x500, s16;
	s5 =	sand.u32 $0xFF, s5;
	s6 =	smul.u32 $0x29, s6  }
0x96: {  	[tilespmem:s20], [sflag:$0x1] =	stream.indirect.gather @!p1 [hbm4b:s4+s30], $0x20, s8, s30, $0xb8;
	[tilespmem:$0x19A00] =	vst v63  }
0x97: {  	s0 =	ssub.s32 s3, s0;
	s2 =	sshrl.u32 s2, $0xB;
	s8 =	simm.s32 @!p1 $0x1A80  }
0x98: {  	[tilespmem:s28], [sflag:$0x1] =	stream.indirect.gather @!p1 [hbm4b:s4+s30], $0x20, s8, s30, $0xb8;
	[tilespmem:$0x19A00] =	vst v63  }
0x99: {  	s0 =	sand.u32 $0xFF, s0;
	s5 =	sshll.u32 s5, $0x7;
	s8 =	simm.s32 @!p1 $0x5E00  }
0x9a: {  	[tilespmem:s8], [sflag:$0x1] =	stream.indirect.gather @!p1 [hbm4b:s4+s30], $0x20, s23, s30, $0xb8;
	[tilespmem:$0x19A00] =	vst v63  }
0x9b: {  	s2 =	smul.u32 $0x32, s2;
	s6 =	sshrl.u32 s6, $0xB;
	s0 =	sshll.u32 s0, $0x7  }
0x9c: {  	[spmem:s26] =	stream.indirect.scatter.add.f32 [tilespmem:s10], [sflag:$0x2], $0x20, s21, s24, $0xb8;
	[tilespmem:$0x19A00] =	vst v63  }
0x9d: {  	s6 =	smul.u32 $0x32, s6;
	s28 =	simm.s32 $0x9E00;
	_ =	swait.ge [sflag:s22], $0x1000  }
0x9e: {  	s2 =	ssub.s32 s12, s2;
	s12 =	smul.u32 $0xA, s13;
	[sflag:s22] =	ssyncset.done $0x0  }
0x9f: {  	s13 =	sadd.s32 $0x1, s13;
	s30 =	simm.s32 $0x7E00;
	[sflag:s22] =	ssyncadd.s32 $0xFFFFF000  }
0xa0: {  	[spmem:s26] =	stream.indirect.scatter.add.f32 [tilespmem:s30], [sflag:$0x2], $0x20, s5, s24, $0xb8;
	[tilespmem:$0x19A00] =	vst v63  }
0xa1: {  	s6 =	ssub.s32 s25, s6;
	s2 =	sand.u32 $0xFF, s2;
	_ =	swait.ge [sflag:s22], $0x1000  }
0xa2: {  	s23 =	sand.u32 $0xFE, s12;
	s20 =	sadd.s32 $0x2, s12;
	[sflag:s22] =	ssyncset.done $0x0  }
0xa3: {  	s3 =	sor.u32 $0x1, s12;
	s25 =	smul.u32 $0x29, s23;
	[sflag:s22] =	ssyncadd.s32 $0xFFFFF000  }
0xa4: {  	[spmem:s26] =	stream.indirect.scatter.add.f32 [tilespmem:s29], [sflag:$0x2], $0x20, s0, s24, $0xb8;
	[tilespmem:$0x19A00] =	vst v63  }
0xa5: {  	s6 =	sand.u32 $0xFF, s6;
	s2 =	sshll.u32 s2, $0x7;
	_ =	swait.ge [sflag:s22], $0x1000  }
0xa6: {  	s1 =	sand.u32 $0xFE, s20;
	s8 =	sshrl.u32 s25, $0xB;
	[sflag:s22] =	ssyncset.done $0x0  }
0xa7: {  	s21 =	sand.u32 $0xFF, s3;
	s8 =	smul.u32 $0x32, s8;
	[sflag:s22] =	ssyncadd.s32 $0xFFFFF000  }
0xa8: {  	[spmem:s26] =	stream.indirect.scatter.add.f32 [tilespmem:s28], [sflag:$0x2], $0x20, s2, s24, $0xb8;
	[tilespmem:$0x19A00] =	vst v63  }
0xa9: {  	s6 =	sshll.u32 s6, $0x7;
	s25 =	simm.s32 $0xAE00;
	_ =	swait.ge [sflag:s22], $0x1000  }
0xaa: {  	s5 =	smul.u32 $0x29, s1;
	s0 =	ssub.s32 s12, s8;
	[sflag:s22] =	ssyncset.done $0x0  }
0xab: {  	s8 =	sand.u32 $0xFE, s0;
	s0 =	sadd.s32 $0x3, s12;
	[sflag:s22] =	ssyncadd.s32 $0xFFFFF000  }
0xac: {  	[spmem:s26] =	stream.indirect.scatter.add.f32 [tilespmem:s25], [sflag:$0x2], $0x20, s6, s24, $0xb8;
	[tilespmem:$0x19A00] =	vst v63  }
0xad: {  	s23 =	sadd.s32 $0x4, s12;
	s1 =	sand.u32 $0xFF, s0;
	_ =	swait.ge [sflag:s22], $0x1000  }
0xae: {  	s12 =	sshrl.u32 s5, $0xB;
	s5 =	smul.u32 $0x29, s1;
	[sflag:s22] =	ssyncset.done $0x0  }
0xaf: {  	s1 =	simm.s32 $0x1;
	s2 =	smul.u32 $0x32, s12;
	[sflag:s22] =	ssyncadd.s32 $0xFFFFF000  }
0xb0: {  	p1 =	seq.s32 s19, $0x18;
	s21 =	smul.u32 $0x29, s21;
	_ =	swait.ge [sflag:s1], $0x5000  }
0xb1: {  	s19 =	smul.u32 $0x5, s18;
	s2 =	ssub.s32 s20, s2;
	[sflag:s1] =	ssyncset.done $0x0  }
0xb2: {  	s20 =	sshrl.u32 s21, $0xB;
	s21 =	simm.s32 $0x1B80;
	[sflag:s1] =	ssyncadd.s32 $0xFFFFB000  }
0xb3: {  	[tilespmem:s21], [sflag:$0x2] =	stream.linear.gather [hbm4b:s14+s7], $0x280, $0x38;
	[tilespmem:$0x19A00] =	vst v63  }
0xb4: {  	p0 =	sne.s32 s13, $0x19;
	s31 =	simm.s32 @!p1 $0x1980;
	_ =	swait.ge [sflag:s22], $0x280  }
0xb5: {  	s18 =	sand.u32 $0xFF, s19;
	s5 =	sshrl.u32 s5, $0xB;
	[sflag:s22] =	ssyncset.done $0x0  }
0xb6: {  	s12 =	sand.u32 $0xFE, s23;
	s5 =	smul.u32 $0x32, s5;
	[sflag:s22] =	ssyncadd.s32 $0xFFFFFD80  }
0xb7: {  	[tilespmem:s10], [sflag:$0x1] =	stream.indirect.gather [hbm4b:s4+s24], $0x20, s21, s24, $0xb8;
	[tilespmem:$0x19A00] =	vst v63  }
0xb8: {  	s6 =	smul.u32 $0x29, s12;
	s0 =	ssub.s32 s0, s5;
	s7 =	rddreg [dreg:$0x4]  }
0xb9: {  	[tilespmem:s30], [sflag:$0x1] =	stream.indirect.gather [hbm4b:s4+s24], $0x20, s7, s24, $0xb8;
	[tilespmem:$0x19A00] =	vst v63  }
0xba: {  	s5 =	smul.u32 $0x32, s20;
	s6 =	sshrl.u32 s6, $0xB;
	s20 =	rddreg [dreg:$0x5]  }
0xbb: {  	[tilespmem:s29], [sflag:$0x1] =	stream.indirect.gather [hbm4b:s4+s24], $0x20, s20, s24, $0xb8;
	[tilespmem:$0x19A00] =	vst v63  }
0xbc: {  	s2 =	sand.u32 $0xFE, s2;
	s6 =	smul.u32 $0x32, s6;
	s21 =	rddreg [dreg:$0x6]  }
0xbd: {  	[tilespmem:s28], [sflag:$0x1] =	stream.indirect.gather [hbm4b:s4+s24], $0x20, s21, s24, $0xb8;
	[tilespmem:$0x19A00] =	vst v63  }
0xbe: {  	s2 =	sshll.u32 s2, $0x7;
	s6 =	ssub.s32 s23, s6;
	s23 =	rddreg [dreg:$0x7]  }
0xbf: {  	[tilespmem:s25], [sflag:$0x1] =	stream.indirect.gather [hbm4b:s4+s24], $0x20, s23, s24, $0xb8;
	[tilespmem:$0x19A00] =	vst v63  }
0xc0: {  	s12 =	simm.s32 $0x4E00;
	s0 =	sand.u32 $0xFF, s0;
	s7 =	sshll.u32 s8, $0x7  }
0xc1: {  	[spmem:s26] =	stream.indirect.scatter.add.f32 [tilespmem:s11], [sflag:$0x2], $0x20, s7, s24, $0xb8;
	[tilespmem:$0x19A00] =	vst v63  }
0xc2: {  	s3 =	ssub.s32 s3, s5;
	s0 =	sshll.u32 s0, $0x7;
	_ =	swait.ge [sflag:s22], $0x1000  }
0xc3: {  	s5 =	simm.s32 @!p1 $0x1900;
	s3 =	sand.u32 $0xFF, s3;
	[sflag:s22] =	ssyncset.done $0x0  }
0xc4: {  	s3 =	sshll.u32 s3, $0x7;
	s8 =	simm.s32 $0x2E00;
	[sflag:s22] =	ssyncadd.s32 $0xFFFFF000  }
0xc5: {  	[spmem:s26] =	stream.indirect.scatter.add.f32 [tilespmem:s8], [sflag:$0x2], $0x20, s3, s24, $0xb8;
	[tilespmem:$0x19A00] =	vst v63  }
0xc6: {  	s6 =	sand.u32 $0xFE, s6;
	s14 =	sadd.s32 $0xA0, s14;
	_ =	swait.ge [sflag:s22], $0x1000  }
0xc7: {  	s10 =	simm.s32 $0x3E00;
	s20 =	simm.s32 @!p1 $0x3E00;
	[sflag:s22] =	ssyncset.done $0x0  }
0xc8: {  	s29 =	simm.s32 @!p1 $0x0;
	s21 =	simm.s32 @!p1 $0x2E00;
	[sflag:s22] =	ssyncadd.s32 $0xFFFFF000  }
0xc9: {  	[spmem:s26] =	stream.indirect.scatter.add.f32 [tilespmem:s10], [sflag:$0x2], $0x20, s2, s24, $0xb8;
	[tilespmem:$0x19A00] =	vst v63  }
0xca: {  	s28 =	simm.s32 @!p1 $0x4E00;
	s25 =	smul.u32 $0x29, s18;
	_ =	swait.ge [sflag:s22], $0x1000  }
0xcb: {  	s23 =	simm.s32 @!p1 $0x1B00;
	s11 =	sshll.u32 s6, $0x7;
	[sflag:s22] =	ssyncset.done $0x0  }
0xcc: {  	s6 =	simm.s32 @!p1 $0x1E00;
	s18 =	sshrl.u32 s25, $0xB;
	[sflag:s22] =	ssyncadd.s32 $0xFFFFF000  }
0xcd: {  	[spmem:s26] =	stream.indirect.scatter.add.f32 [tilespmem:s12], [sflag:$0x2], $0x20, s0, s24, $0xb8;
	[tilespmem:$0x19A00] =	vst v63  }
0xce: {  	s8 =	simm.s32 @!p1 $0x1A00;
	s3 =	sshrl.u32 @!p1 s17, $0x3;
	_ =	swait.ge [sflag:s22], $0x1000  }
0xcf: {  	s2 =	sadd.s32 @!p1 s9, s3;
	s3 =	sadd.s32 $0x2, s19;
	[sflag:s22] =	ssyncset.done $0x0  }
0xd0: {  	s17 =	simm.s32 $0x5E00;
	s30 =	sand.u32 $0xFF, s3;
	[sflag:s22] =	ssyncadd.s32 $0xFFFFF000  }
0xd1: {  	[spmem:s26] =	stream.indirect.scatter.add.f32 [tilespmem:s17], [sflag:$0x2], $0x20, s11, s24, $0xb8;
	[tilespmem:$0x19A00] =	vst v63  }
0xd2: {  	s0 =	simm.s32 @!p1 $0x2;
	s12 =	sadd.s32 $0x3, s19;
	_ =	swait.ge [sflag:s22], $0x1000  }
0xd3: {  	s17 =	sadd.s32 $0x1, s19;
	s11 =	smov.u32 s9;
	[sflag:s22] =	ssyncset.done $0x0  }
0xd4: {  	s7 =	sand.u32 $0xFF, s17;
	s9 =	smov.u32 s11;
	[sflag:s22] =	ssyncadd.s32 $0xFFFFF000  }
0xd5: {  	s11 =	simm.s32 $0x1E00;
	s25 =	smul.u32 $0x29, s7;
	_ =	swait.ge [sflag:s1], $0x5000  }
0xd6: {  	s7 =	smul.u32 $0x32, s18;
	s18 =	sand.u32 $0xFF, s12;
	[sflag:s1] =	ssyncset.done $0x0  }
0xd7: {  	s10 =	sshrl.u32 s25, $0xB;
	[sflag:s1] =	ssyncadd.s32 $0xFFFFB000;
	s1 =	smul.u32 $0x29, s30  }
0xd8: {  	[tilespmem:s5], [sflag:$0x2] =	stream.linear.gather @!p1 [hbm4b:s2+s29], $0x280, $0x38;
	[tilespmem:$0x19A00] =	vst v63  }
.Ltmp1:
0xd9: {  	s25 =	sadd.s32 $0x4, s19;
	s7 =	ssub.s32 s19, s7;
	(pc) =	sbr.rel @p0 .LBB2_4-.Ltmp1, $4  }
0xda: {  	s19 =	smul.u32 $0x32, s10;
	s30 =	simm.s32 @!p1 $0x80;
	_ =	swait.ge @!p1 [sflag:s0], $0x280  }
0xdb: {  	s29 =	sand.u32 $0xFF, s7;
	s10 =	sshrl.u32 s1, $0xB;
	[sflag:s0] =	ssyncset.done @!p1 $0x0  }
0xdc: {  	s7 =	simm.s32 $0x0;
	[sflag:s0] =	ssyncadd.s32 @!p1 $0xFFFFFD80;
	s0 =	smul.u32 $0x32, s10  }
0xdd: {  	[tilespmem:s6], [sflag:$0x1] =	stream.indirect.gather @!p1 [hbm4b:s4+s30], $0x20, s5, s30, $0xb8;
	[tilespmem:$0x19A00] =	vst v63  }
0xde: {  	[tilespmem:s21], [sflag:$0x1] =	stream.indirect.gather @!p1 [hbm4b:s4+s30], $0x20, s31, s30, $0xb8;
	[tilespmem:$0x19A00] =	vst v63  }
0xdf: {  	_ = 	snop  }
0xe0: {  	[tilespmem:s20], [sflag:$0x1] =	stream.indirect.gather @!p1 [hbm4b:s4+s30], $0x20, s8, s30, $0xb8;
	[tilespmem:$0x19A00] =	vst v63  }
0xe1: {  	s2 =	simm.s32 @!p1 $0x1A80  }
0xe2: {  	[tilespmem:s28], [sflag:$0x1] =	stream.indirect.gather @!p1 [hbm4b:s4+s30], $0x20, s2, s30, $0xb8;
	[tilespmem:$0x19A00] =	vst v63  }
0xe3: {  	s2 =	simm.s32 @!p1 $0x5E00  }
0xe4: {  	[tilespmem:s2], [sflag:$0x1] =	stream.indirect.gather @!p1 [hbm4b:s4+s30], $0x20, s23, s30, $0xb8;
	[tilespmem:$0x19A00] =	vst v63  }
0xe5: {  	s1 =	simm.s32 $0x6E00;
	s8 =	sshll.u32 s29, $0x7  }
0xe6: {  	[spmem:s26] =	stream.indirect.scatter.add.f32 [tilespmem:s1], [sflag:$0x2], $0x20, s8, s24, $0xb8;
	[tilespmem:$0x19A00] =	vst v63  }
0xe7: {  	s10 =	ssub.s32 s17, s19;
	s13 =	simm.s32 $0x7E00;
	_ =	swait.ge [sflag:s22], $0x1000  }
0xe8: {  	s0 =	ssub.s32 s3, s0;
	s2 =	sand.u32 $0xFF, s10;
	[sflag:s22] =	ssyncset.done $0x0  }
0xe9: {  	s14 =	smul.u32 $0x29, s18;
	s2 =	sshll.u32 s2, $0x7;
	[sflag:s22] =	ssyncadd.s32 $0xFFFFF000  }
0xea: {  	[spmem:s26] =	stream.indirect.scatter.add.f32 [tilespmem:s13], [sflag:$0x2], $0x20, s2, s24, $0xb8;
	[tilespmem:$0x19A00] =	vst v63  }
0xeb: {  	s15 =	simm.s32 $0x8E00;
	s16 =	sand.u32 $0xFF, s25;
	_ =	swait.ge [sflag:s22], $0x1000  }
0xec: {  	s0 =	sand.u32 $0xFF, s0;
	s2 =	sshrl.u32 s14, $0xB;
	[sflag:s22] =	ssyncset.done $0x0  }
0xed: {  	s0 =	sshll.u32 s0, $0x7;
	s2 =	smul.u32 $0x32, s2;
	[sflag:s22] =	ssyncadd.s32 $0xFFFFF000  }
0xee: {  	[spmem:s26] =	stream.indirect.scatter.add.f32 [tilespmem:s15], [sflag:$0x2], $0x20, s0, s24, $0xb8;
	[tilespmem:$0x19A00] =	vst v63  }
0xef: {  	s0 =	smul.u32 $0x29, s16  }
0xf0: {  	s17 =	simm.s32 $0x9E00;
	s2 =	ssub.s32 s12, s2;
	_ =	swait.ge [sflag:s22], $0x1000  }
0xf1: {  	s2 =	sand.u32 $0xFF, s2;
	s0 =	sshrl.u32 s0, $0xB;
	[sflag:s22] =	ssyncset.done $0x0  }
0xf2: {  	s2 =	sshll.u32 s2, $0x7;
	s0 =	smul.u32 $0x32, s0;
	[sflag:s22] =	ssyncadd.s32 $0xFFFFF000  }
0xf3: {  	[spmem:s26] =	stream.indirect.scatter.add.f32 [tilespmem:s17], [sflag:$0x2], $0x20, s2, s24, $0xb8;
	[tilespmem:$0x19A00] =	vst v63  }
0xf4: {  	s0 =	ssub.s32 s25, s0;
	_ =	swait.ge [sflag:s22], $0x1000  }
0xf5: {  	s18 =	simm.s32 $0xAE00;
	s0 =	sand.u32 $0xFF, s0;
	[sflag:s22] =	ssyncset.done $0x0  }
0xf6: {  	s19 =	stileid.u32;
	[sflag:s22] =	ssyncadd.s32 $0xFFFFF000;
	s0 =	sshll.u32 s0, $0x7  }
0xf7: {  	[spmem:s26] =	stream.indirect.scatter.add.f32 [tilespmem:s18], [sflag:$0x2], $0x20, s0, s24, $0xb8;
	[tilespmem:$0x19A00] =	vst v63  }
0xf8: {  	s0 =	sshll.u32 s19, $0x6;
	_ =	swait.ge [sflag:s22], $0x1000  }
0xf9: {  	s0 =	sor.u32 $0x1C02, s0;
	[sflag:s22] =	ssyncset.done $0x0;
	s10 =	rddreg [dreg:$0xa]  }
0xfa: {  	s21 =	rddreg [dreg:$0x14];
	[sflag:s22] =	ssyncadd.s32 $0xFFFFF000;
	s20 =	sshrl.u32 s10, $0x3  }
0xfb: {  	[hbm:s21], [sflag:s0] =	dma.local [spmem:s20], $0x1900  }
0xfc: {  	_ =	swait.ge [sflag:s22], $0x1900  }
0xfd: {  	s23 =	rddreg [dreg:$0x18]  }
0xfe: {  	s25 =	rddreg [dreg:$0x15];
	s2 =	sadd.s32 $0x1, s23  }
0xff: {  	p0 =	sne.s32 s2, s25  }
.Ltmp2:
0x100: {  	s5 =	simm.s32 $0x2E00;
	(pc) =	sbr.rel @p0 .LBB2_1-.Ltmp2, $4  }
0x101: {  	s6 =	simm.s32 $0x3E00;
	s31 =	simm.s32 $0xAE00;
	s29 =	simm.s32 $0x8E00  }
0x102: {  	s28 =	simm.s32 $0x7E00;
	s30 =	simm.s32 $0x9E00;
	s13 =	simm.s32 $0x1  }
0x103: {  	s20 =	simm.s32 $0x1B80;
	s21 =	simm.s32 $0x6E00;
	[sflag:s22] =	ssyncset.done $0x0  }
0x104: {  	[sflag:s22] =	ssyncadd.s32 $0xFFFFE700;
	s23 =	simm.s32 $0x4E00;
	s25 =	simm.s32 $0x5E00  }
0x105: {  	_ =	sfence.sel $0x180000  }
0x106: {  	[bflag:$0x0] =	sbarrier.arrive $0xFFFF  }
0x107: {  	_ =	strace $0x9000004D  }
0x108: {  	s0 =	stileid.u32;
	[bflag:$0x2] =	sbarrier.arrive $0xFFFF  }
0x109: {  	p0 =	sne.s32 s0, $0x0;
	s0 =	rddreg [dreg:$0x3]  }
0x10a: {  	s0 =	sadd.s32 @!p0 $0x100000, s0  }
0x10b: {  	[sflag:s0] =	ssyncadd.tile.s32 @!p0 $0x1;
	_ =	shalt  }
.Lfunc_end2:
_tile_overlayer_lowered:
.L_overlay_start_2:
0x10c: {  	(tag) =	ssettag $0x2  }
0x10d: {  	s0 =	rddreg [dreg:$0x0];
	s2 =	stileid.u32  }
0x10e: {  	s1 =	rddreg [dreg:$0x1];
	p0 =	sne.s32 s2, $0x0  }
0x10f: {  	s3 =	rddreg [dreg:$0x2];
	[bflag:$0x3] =	sbarrier.arrive $0xFFFF;
	s2 =	simm.s32 @!p0 $0x1C02  }
0x110: {  	[timem:s3], [sflag:s2] =	dma.local @!p0 [hbm:s0], s1  }
0x111: {  	s0 =	simm.s32 @!p0 $0x2  }
0x112: {  	_ =	swait.ge @!p0 [sflag:s0], s1  }
0x113: {  	s1 =	ssub.s32 @!p0 $0x0, s1;
	[sflag:s0] =	ssyncset.done @!p0 $0x0  }
0x114: {  	[sflag:s0] =	ssyncadd.s32 @!p0 s1  }
0x115: {  	[bflag:$0x3] =	sbarrier.arrive $0xFFFF  }
0x116: {  	_ =	shalt  }

// kernel: kernel.9.cloned.1.call-start
scs
__scs_entry_jumppad:
0x0: {  	(pc) =	sbr.rel $0x88, $3  }
0x1: {  	(tag) =	ssettag $0x0;
	lr =	simm.s32 $0x1  }
0x2: {  	[smem:$0x3F9E] =	sst lr;
	_ =	strace $0xD0000000  }
0x3: {  	_ = 	snop  }
0x4: {  	_ = 	snop  }
0x5: {  	_ = 	snop  }
0x6: {  	_ = 	snop  }
0x7: {  	_ = 	snop  }
__scs_overlays_trampoline_lowered:
0x8: {  	[smem:$0x3FAD] =	sst s0  }
0x9: {  	[smem:$0x3FAE] =	sst s1  }
0xa: {  	[smem:$0x3FAF] =	sst s2  }
0xb: {  	[smem:$0x3FB0] =	sst s3  }
0xc: {  	[smem:$0x3FB1] =	sst s4  }
0xd: {  	[smem:$0x3FB2] =	sst s5  }
0xe: {  	[smem:$0x3FB3] =	sst s6  }
0xf: {  	[smem:$0x3FB4] =	sst s7  }
0x10: {  	[smem:$0x3FB5] =	sst s8  }
0x11: {  	[smem:$0x3FB6] =	sst s9;
	s0 =	simm.s32 @!p0 $0x0  }
0x12: {  	s1 =	sld [smem:$0x3F9C];
	s0 =	simm.s32 @p0 $0x1  }
0x13: {  	[smem:$0x3FB7] =	sst s0;
	s0 =	simm.s32 @!p1 $0x0  }
0x14: {  	s2 =	sld [smem:$0x3F9B];
	s0 =	simm.s32 @p1 $0x1  }
0x15: {  	[smem:$0x3FB8] =	sst s0;
	s0 =	simm.s32 @!p2 $0x0  }
0x16: {  	s3 =	sld [smem:$0x3FDB];
	s0 =	simm.s32 @p2 $0x1  }
0x17: {  	s4 =	simm.s32 $0x1BF5;
	[smem:$0x3FBA] =	sst s0  }
0x18: {  	s0 =	sld [smem:$0x3F9D];
	_ =	swait.ge [sflag:s4], $0x0  }
0x19: {  	s7 =	sld [smem:$0x3F9E]  }
0x1a: {  	s8 =	sadd.s32 $0xFFFFE003, lr  }
0x1b: {  	s9 =	sadd.s32 $0xFFFFFEF7, lr;
	s5 =	simm.s32 $0xFFFFFFFF;
	p2 =	slt.u32 s8, $0xFFFFF086  }
0x1c: {  	p1 =	slt.u32 s9, $0xF7A;
	s5 =	simm.s32 @!p2 $0x0  }
0x1d: {  	s5 =	simm.s32 @p1 $0x1;
	p0 =	seq.s32 s7, s2  }
0x1e: {  	s7 =	smul.u32 @!p0 $0xF7A, s2;
	p2 =	seq.s32 @!p0 s5, $0x0  }
0x1f: {  	s9 =	smul.u32 $0xF7A, s1;
	s8 =	simm.s32 @!p0 $0x1BF5;
	p2 =	por !p2, p0  }
0x20: {  	[sflag:s8] =	ssyncset.s32 @!p0 $0xFFFFF086;
	s6 =	sadd.s32 @!p0 s3, s7;
	s7 =	simm.s32 @!p0 $0x108  }
0x21: {  	s3 =	sadd.s32 s3, s9;
	s6 =	sadd.s32 @!p0 $0x88, s6;
	s7 =	simm.s32 @p2 $0x1082  }
0x22: {  	[simem:s7], [sflag:s8] =	dma.local @!p0 [hbm:s6], $0xF7A  }
0x23: {  	s9 =	sor.u32 $0xD0000000, s2;
	s6 =	simm.s32 $0x108;
	_ =	swait.ge @!p0 [sflag:s8], $0x0  }
0x24: {  	s3 =	sadd.s32 $0x88, s3;
	s6 =	simm.s32 @!p1 $0x1082;
	[sflag:s4] =	ssyncset.s32 $0xFFFFF086  }
0x25: {  	[simem:s6], [sflag:s4] =	dma.local [hbm:s3], $0xF7A  }
0x26: {  	[smem:$0x3F9E] =	sst s1;
	(tag) =	ssettag s2;
	_ =	strace s9  }
0x27: {  	s1 =	sld [smem:$0x3FAE]  }
0x28: {  	s2 =	sld [smem:$0x3FAF]  }
0x29: {  	s4 =	sld [smem:$0x3FB1]  }
0x2a: {  	p0 =	seq.s32 s5, $0x0;
	s5 =	sld [smem:$0x3FB2]  }
0x2b: {  	s6 =	sld [smem:$0x3FB3]  }
0x2c: {  	s7 =	sld [smem:$0x3FB4]  }
0x2d: {  	s3 =	simm.s32 $0x108;
	s8 =	sld [smem:$0x3FB5]  }
0x2e: {  	s3 =	simm.s32 @!p0 $0x1082;
	s9 =	sld [smem:$0x3FB6]  }
0x2f: {  	lr =	sadd.s32 s0, s3;
	s0 =	sld [smem:$0x3FAD]  }
0x30: {  	s3 =	sld [smem:$0x3FB0]  }
0x31: {  	[smem:$0x3FB9] =	sst s10  }
0x32: {  	s10 =	sld [smem:$0x3FB7];
	_ =	sdelay $0x3  }
0x33: {  	p0 =	seq.s32 s10, $0x1;
	s10 =	sld [smem:$0x3FB9];
	_ =	sdelay $0x3  }
0x34: {  	[smem:$0x3FB9] =	sst s10  }
0x35: {  	s10 =	sld [smem:$0x3FB8];
	_ =	sdelay $0x3  }
0x36: {  	p1 =	seq.s32 s10, $0x1;
	s10 =	sld [smem:$0x3FB9];
	_ =	sdelay $0x3  }
0x37: {  	[smem:$0x3FB9] =	sst s10  }
0x38: {  	s10 =	sld [smem:$0x3FBA]  }
0x39: {  	_ = 	snop;
	(pc) =	sbr.ind lr, $3  }
0x3a: {  	_ = 	snop  }
0x3b: {  	_ = 	snop  }
0x3c: {  	p2 =	seq.s32 s10, $0x1;
	s10 =	sld [smem:$0x3FB9]  }
0x3d: {  	_ =	shalt  }
0x3e: {  	_ =	shalt  }
0x3f: {  	_ =	shalt  }
0x40: {  	_ =	shalt  }
0x41: {  	_ =	shalt  }
0x42: {  	_ =	shalt  }
0x43: {  	_ =	shalt  }
0x44: {  	_ =	shalt  }
0x45: {  	_ =	shalt  }
0x46: {  	_ =	shalt  }
0x47: {  	_ =	shalt  }
0x48: {  	_ =	shalt  }
0x49: {  	_ =	shalt  }
0x4a: {  	_ =	shalt  }
0x4b: {  	_ =	shalt  }
0x4c: {  	_ =	shalt  }
0x4d: {  	_ =	shalt  }
0x4e: {  	_ =	shalt  }
0x4f: {  	_ =	shalt  }
0x50: {  	_ =	shalt  }
0x51: {  	_ =	shalt  }
0x52: {  	_ =	shalt  }
0x53: {  	_ =	shalt  }
0x54: {  	_ =	shalt  }
0x55: {  	_ =	shalt  }
0x56: {  	_ =	shalt  }
0x57: {  	_ =	shalt  }
0x58: {  	_ =	shalt  }
0x59: {  	_ =	shalt  }
0x5a: {  	_ =	shalt  }
0x5b: {  	_ =	shalt  }
0x5c: {  	_ =	shalt  }
0x5d: {  	_ =	shalt  }
0x5e: {  	_ =	shalt  }
0x5f: {  	_ =	shalt  }
0x60: {  	_ =	shalt  }
0x61: {  	_ =	shalt  }
0x62: {  	_ =	shalt  }
0x63: {  	_ =	shalt  }
0x64: {  	_ =	shalt  }
0x65: {  	_ =	shalt  }
0x66: {  	_ =	shalt  }
0x67: {  	_ =	shalt  }
0x68: {  	_ =	shalt  }
0x69: {  	_ =	shalt  }
0x6a: {  	_ =	shalt  }
0x6b: {  	_ =	shalt  }
0x6c: {  	_ =	shalt  }
0x6d: {  	_ =	shalt  }
0x6e: {  	_ =	shalt  }
0x6f: {  	_ =	shalt  }
0x70: {  	_ =	shalt  }
0x71: {  	_ =	shalt  }
0x72: {  	_ =	shalt  }
0x73: {  	_ =	shalt  }
0x74: {  	_ =	shalt  }
0x75: {  	_ =	shalt  }
0x76: {  	_ =	shalt  }
0x77: {  	_ =	shalt  }
0x78: {  	_ =	shalt  }
0x79: {  	_ =	shalt  }
0x7a: {  	_ =	shalt  }
0x7b: {  	_ =	shalt  }
0x7c: {  	_ =	shalt  }
0x7d: {  	_ =	shalt  }
0x7e: {  	_ =	shalt  }
0x7f: {  	_ =	shalt  }
0x80: {  	_ =	shalt  }
0x81: {  	_ =	shalt  }
0x82: {  	_ =	shalt  }
0x83: {  	_ =	shalt  }
0x84: {  	_ =	shalt  }
0x85: {  	_ =	shalt  }
0x86: {  	_ =	shalt  }
0x87: {  	_ =	shalt  }
.Lfunc_end0:
.L_simem_size_0:
called_computation.1_lowered:
.L_overlay_start_0:
0x88: {  	s2 =	sld [smem:$0x3FD9]  }
0x89: {  	s3 =	sld [smem:$0x3FFE];
	_ =	sdelay $0x1  }
0x8a: {  	s1 =	srdreg.scid  }
0x8b: {  	s0 =	sand.u32 $0x1, s1  }
0x8c: {  	s17 =	sshll.u32 s0, $0xA;
	s2 =	sadd.s32 s3, s2  }
0x8d: {  	s2 =	sadd.s32 s2, s17  }
0x8e: {  	[smem:$0x3FC5] =	sst s2  }
0x8f: {  	_ = 	snop  }
0x90: {  	(tm) =	ssettm $0x1  }
0x91: {  	s18 =	sld [smem:$0x3FFB];
	_ =	sdelay $0x3  }
0x92: {  	_ =	strace s18  }
0x93: {  	s2 =	sld [smem:$0x3FFC];
	_ =	sdelay $0x3  }
0x94: {  	_ =	strace s2  }
0x95: {  	s2 =	sld [smem:$0x3FFD];
	_ =	sdelay $0x3  }
0x96: {  	_ =	strace s2  }
0x97: {  	_ =	strace $0x8FFFFFFF  }
0x98: {  	s19 =	sld [smem:$0x3FDB];
	_ =	sdelay $0x1  }
0x99: {  	s20 =	simm.s32 $_scs_section_size  }
0x9a: {  	s4 =	simm.s32 $_size__tile_overlayer_lowered;
	s5 =	simm.s32 $_tile_overlayer_lowered  }
0x9b: {  	s6 =	simm.s32 $0x1BFF;
	s21 =	sshll.u32 s5, $0x1;
	s3 =	sadd.s32 s20, s19  }
0x9c: {  	s22 =	simm.s32 $0x0;
	s4 =	sshll.u32 s4, $0x1;
	s5 =	sadd.s32 s21, s3  }
0x9d: {  	[timem:s22], [sflag:s6] =	dma.local [hbm:s5], s4  }
0x9e: {  	_ =	swait.ge [sflag:s6], s4  }
0x9f: {  	s4 =	ssub.s32 $0x0, s4;
	[sflag:s6] =	ssyncset.done $0x0  }
0xa0: {  	[sflag:s6] =	ssyncadd.s32 s4;
	_ =	sdelay $0x1  }
0xa1: {  	s23 =	simm.s32 $0x1B8B  }
0xa2: {  	_ =	swait.ge [sflag:s23], $0x1  }
0xa3: {  	[sflag:s23] =	ssyncset.done $0x0  }
0xa4: {  	[sflag:s23] =	ssyncadd.s32 $0xFFFFFFFF  }
0xa5: {  	s4 =	sld [smem:$0x0]  }
0xa6: {  	s5 =	sand.u32 $0xFFFFFFFE, s1  }
0xa7: {  	p0 =	sne.s32 s1, s5  }
0xa8: {  	s5 =	sshll.u32 @p0 s5, $0xE  }
0xa9: {  	s5 =	sadd.s32 @p0 $0x11B8D, s5;
	s6 =	sshll.u32 @p0 s4, $0x11  }
0xaa: {  	s5 =	sor.u32 @p0 s6, s5  }
0xab: {  	[sflag:s5] =	ssyncadd.remote.s32 @p0 $0x1;
	_ =	sdelay $0x1  }
0xac: {  	s5 =	simm.s32 @p0 $0x1B8D  }
0xad: {  	_ =	swait.eq @p0 [sflag:s5], $0x1  }
0xae: {  	[sflag:s5] =	ssyncadd.s32 @p0 $0xFFFFFFFF  }
0xaf: {  	s6 =	sshll.u32 @!p0 s1, $0xE  }
0xb0: {  	s6 =	sor.u32 @!p0 $0x4000, s6;
	s5 =	simm.s32 @!p0 $0x1B8D  }
0xb1: {  	s4 =	sshll.u32 @!p0 s4, $0x11;
	s6 =	sadd.s32 @!p0 $0x11B8D, s6;
	_ =	swait.eq @!p0 [sflag:s5], $0x1  }
0xb2: {  	s4 =	sor.u32 @!p0 s4, s6;
	[sflag:s5] =	ssyncadd.s32 @!p0 $0xFFFFFFFF  }
0xb3: {  	s25 =	simm.s32 $0x1B8E;
	s24 =	sld [smem:$0x3FFE];
	[sflag:s4] =	ssyncadd.remote.s32 @!p0 $0x1  }
0xb4: {  	s26 =	simm.s32 $execute0_lowered;
	[smem:$0x3FD2] =	sst s25  }
0xb5: {  	s5 =	sshll.u32 s26, $0x1;
	_ =	strace $0x80000049;
	[dreg:$0x1] =	wrdreg $0xFFFFFFFF  }
0xb6: {  	s28 =	simm.s32 $_size_execute0_lowered;
	s3 =	sadd.s32 s3, s5;
	[dreg:$0x0] =	wrdreg $0x0  }
0xb7: {  	s5 =	sshll.u32 s28, $0x1;
	[dreg:$0x2] =	wrdreg s3  }
0xb8: {  	[dreg:$0x3] =	wrdreg s5  }
0xb9: {  	[dreg:$0x4] =	wrdreg $0xC0  }
0xba: {  	_ =	task [dreg:s22], $0x5FFFF  }
0xbb: {  	[dreg:$0x1] =	wrdreg $0xFFFFFFFF  }
0xbc: {  	[dreg:$0x0] =	wrdreg $0x60  }
0xbd: {  	[dreg:$0x2] =	wrdreg s24  }
0xbe: {  	[dreg:$0x3] =	wrdreg $0xD2000  }
0xbf: {  	[dreg:$0x4] =	wrdreg $0xA  }
0xc0: {  	_ =	task.clear_ibuf [dreg:s22], $0x5FFFF;
	_ =	strace $0x90000049  }
0xc1: {  	s29 =	simm.s32 $0xA;
	_ =	strace $0x8000004B  }
0xc2: {  	_ =	swait.ge [sflag:s29], $0x1  }
0xc3: {  	[sflag:s29] =	ssyncadd.s32 $0xFFFFFFFF  }
0xc4: {  	_ =	strace $0x9000004B  }
0xc5: {  	_ =	sfence  }
0xc6: {  	s30 =	sld [smem:$0x0];
	_ =	sdelay $0x2  }
0xc7: {  	s31 =	sshll.u32 s1, $0xD;
	s1 =	sshrl.u32 s1, $0x2  }
0xc8: {  	s4 =	sand.u32 $0x4000, s31;
	s1 =	sadd.s32 s1, s30  }
0xc9: {  	s0 =	sor.u32 s4, s0;
	s1 =	sshll.u32 s1, $0x11  }
0xca: {  	s0 =	sor.u32 s1, s0  }
0xcb: {  	s0 =	sadd.s32 $0x8F2B, s0  }
0xcc: {  	[sflag:s0] =	ssyncadd.remote.s32 $0x1  }
0xcd: {  	_ =	sfence.sel $0xFFFF  }
0xce: {  	[dreg:$0x0] =	wrdreg $0xFFFFFFFF;
	(pc) =	sbr.abs _section_cstart, $3  }
0xcf: {  	[dreg:$0x1] =	wrdreg $0xFFFFFFFF  }
0xd0: {  	_ =	task.clear_ibuf [dreg:s22], $0x2FFFF;
	_ =	strace $0x9FFFFFFF  }
0xd1: {  	(tm) =	ssettm $0x7FFFFFFF  }
tec
execute0_lowered:
.L_overlay_start_1:
0x0: {  	(tag) =	ssettag $0x1  }
0x1: {  	s0 =	rddreg [dreg:$0x0]  }
0x2: {  	s26 =	rddreg [dreg:$0x1];
	s2 =	srdreg.scid;
	s4 =	simm.s32 $0x0  }
0x3: {  	s5 =	stileid.u32;
	s22 =	simm.s32 $0x1C00;
	s23 =	simm.s32 $0x1C80  }
0x4: {  	s28 =	simm.s32 $0x7E00;
	s29 =	simm.s32 $0x8E00;
	s30 =	simm.s32 $0x9E00  }
0x5: {  	s31 =	simm.s32 $0xAE00;
	s2 =	sand.u32 $0x1, s2;
	s6 =	smul.u32 $0x320, s5  }
0x6: {  	[smem:$0x7FF] =	sst s4;
	s4 =	sadd.s32 $0x56400, s0;
	s9 =	smul.u32 $0x32000, s5  }
0x7: {  	s11 =	sadd.s32 $0x5000, s0;
	s16 =	smul.u32 $0x7D00, s5;
	s3 =	sshll.u32 s2, $0x4  }
0x8: {  	_ =	strace $0x8000004A;
	s8 =	ssub.s32 $0x2, s2;
	[dreg:$0x3] =	wrdreg s22  }
0x9: {  	s2 =	smul.u32 $0x7D000, s2;
	[dreg:$0x4] =	wrdreg s23;
	s22 =	simm.s32 $0x2  }
0xa: {  	s23 =	simm.s32 $0x4E00;
	s6 =	sadd.s32 s6, s0;
	s10 =	sshrl.u32 s8, $0x1  }
0xb: {  	s3 =	sor.u32 s5, s3;
	s24 =	ssub.s32 s8, s10;
	s6 =	sadd.s32 $0x1E00, s6  }
0xc: {  	s21 =	sadd.s32 s16, s2;
	[dreg:$0x7] =	wrdreg s6;
	s20 =	smax.u32 s24, $0x1  }
0xd: {  	s25 =	sshrl.u32 s9, $0x2;
	s2 =	sadd.s32 $0x500, s21;
	[dreg:$0x14] =	wrdreg s20  }
0xe: {  	s9 =	smov.u32 s11;
	s24 =	simm.s32 $0x1D00;
	[dreg:$0x15] =	wrdreg s2  }
0xf: {  	s6 =	sadd.s32 s25, s26;
	s25 =	simm.s32 $0x1D80;
	[dreg:$0x5] =	wrdreg s24  }
0x10: {  	s5 =	simm.s32 $0x3E00;
	s7 =	smul.u32 $0x1900, s3;
	[dreg:$0x6] =	wrdreg s25  }
0x11: {  	s3 =	smul.u32 $0x7D00, s3;
	s1 =	sadd.s32 $0x1400, s6;
	[dreg:$0x8] =	wrdreg s6  }
0x12: {  	s8 =	simm.s32 $0x0;
	s10 =	sadd.s32 $0x2800, s6;
	[dreg:$0xa] =	wrdreg s1  }
0x13: {  	s0 =	sadd.s32 s7, s0;
	s12 =	sadd.s32 $0x3C00, s6;
	[dreg:$0xb] =	wrdreg s10  }
0x14: {  	s3 =	sshrl.u32 s3, $0x3;
	s13 =	sadd.s32 $0x5000, s6;
	[dreg:$0xc] =	wrdreg s12  }
0x15: {  	s14 =	sadd.s32 $0x6400, s6;
	s15 =	sadd.s32 $0x7800, s6;
	[dreg:$0xd] =	wrdreg s13  }
0x16: {  	s17 =	sadd.s32 $0x8C00, s6;
	s18 =	sadd.s32 $0xA000, s6;
	[dreg:$0xe] =	wrdreg s14  }
0x17: {  	s19 =	sadd.s32 $0xB400, s6;
	s24 =	simm.s32 $0x80;
	[dreg:$0xf] =	wrdreg s15  }
0x18: {  	s25 =	simm.s32 $0x5E00;
	s20 =	simm.s32 $0x1B80;
	[dreg:$0x10] =	wrdreg s17  }
0x19: {  	s2 =	simm.s32 $0x0;
	[dreg:$0x11] =	wrdreg s18;
	s0 =	sadd.s32 $0xB8000, s0  }
0x1a: {  	s3 =	sadd.s32 s11, s3;
	[dreg:$0x13] =	wrdreg s0;
	s0 =	sadd.s32 $0x280, s21  }
0x1b: {  	[dreg:$0x12] =	wrdreg s19;
	s10 =	simm.s32 $0x1E00;
	s0 =	sshrl.u32 s0, $0x3  }
0x1c: {  	s13 =	simm.s32 $0x1;
	[dreg:$0x9] =	wrdreg s3;
	s0 =	sadd.s32 s0, s11  }
0x1d: {  	v0 =	vimm.f32 $0.0e+00;
	s21 =	simm.s32 $0x6E00;
	s11 =	simm.s32 $0x2E00;
	[dreg:$0x16] =	wrdreg s0  }
.LBB2_1:
0x1e: {  	[dreg:$0x17] =	wrdreg s2  }
0x1f: {  	s0 =	rddreg [dreg:$0x7]  }
0x20: {  	[tilespmem:s8], [sflag:$0x2] =	stream.linear.gather [hbm4b:s0+s8], $0x1900, $0x38;
	[tilespmem:$0x19A00] =	vst v63  }
0x21: {  	_ =	swait.ge [sflag:s22], $0x1900  }
0x22: {  	[sflag:s22] =	ssyncset.done $0x0  }
0x23: {  	s15 =	simm.s32 $0x1900;
	s14 =	rddreg [dreg:$0x9];
	[sflag:s22] =	ssyncadd.s32 $0xFFFFE700  }
0x24: {  	[tilespmem:s15], [sflag:$0x2] =	stream.linear.gather [hbm4b:s14+s8], $0x280, $0x38;
	[tilespmem:$0x19A00] =	vst v63  }
0x25: {  	_ =	swait.ge [sflag:s22], $0x280  }
0x26: {  	[sflag:s22] =	ssyncset.done $0x0  }
0x27: {  	[sflag:s22] =	ssyncadd.s32 $0xFFFFFD80  }
0x28: {  	[tilespmem:s10], [sflag:$0x1] =	stream.indirect.gather [hbm4b:s4+s24], $0x20, s15, s24, $0xb8;
	[tilespmem:$0x19A00] =	vst v63  }
0x29: {  	s16 =	simm.s32 $0x1980  }
0x2a: {  	[tilespmem:s11], [sflag:$0x1] =	stream.indirect.gather [hbm4b:s4+s24], $0x20, s16, s24, $0xb8;
	[tilespmem:$0x19A00] =	vst v63  }
0x2b: {  	s17 =	simm.s32 $0x1A00  }
0x2c: {  	[tilespmem:s5], [sflag:$0x1] =	stream.indirect.gather [hbm4b:s4+s24], $0x20, s17, s24, $0xb8;
	[tilespmem:$0x19A00] =	vst v63  }
0x2d: {  	s18 =	simm.s32 $0x1A80  }
0x2e: {  	[tilespmem:s23], [sflag:$0x1] =	stream.indirect.gather [hbm4b:s4+s24], $0x20, s18, s24, $0xb8;
	[tilespmem:$0x19A00] =	vst v63  }
0x2f: {  	s19 =	simm.s32 $0x1B00;
	s3 =	simm.s32 $0x0;
	s0 =	simm.s32 $0x80  }
0x30: {  	[tilespmem:s25], [sflag:$0x1] =	stream.indirect.gather [hbm4b:s4+s24], $0x20, s19, s24, $0xb8;
	[tilespmem:$0x19A00] =	vst v63  }
.LBB2_2:
0x31: {  	p0 =	sne.s32 s0, $0x4F80;
	[tilespmem:s3+$0xBE00] =	vst v0;
	s7 =	smov.u32 s0;
	s0 =	sadd.s32 $0x80, s0  }
.Ltmp0:
0x32: {  	[tilespmem:s3+$0xBE10] =	vst v0;
	(pc) =	sbr.rel @p0 .LBB2_2-.Ltmp0, $2  }
0x33: {  	_ =	sdelay $0x2  }
0x34: {  	s3 =	sshra.s32 s7, $0x2  }
0x35: {  	[tilespmem:s3+$0xBE00] =	vst v0  }
0x36: {  	[tilespmem:s3+$0xBE10] =	vst v0;
	s2 =	simm.s32 $0xBE00  }
0x37: {  	[spmem:s6] =	stream.linear.scatter [tilespmem:s2], [sflag:$0x2], $0x1400, $0x38;
	[tilespmem:$0x19A00] =	vst v63  }
0x38: {  	_ =	swait.ge [sflag:s22], $0x1400  }
0x39: {  	[sflag:s22] =	ssyncset.done $0x0  }
0x3a: {  	s0 =	rddreg [dreg:$0xa];
	[sflag:s22] =	ssyncadd.s32 $0xFFFFEC00  }
0x3b: {  	[spmem:s0] =	stream.linear.scatter [tilespmem:s2], [sflag:$0x2], $0x1400, $0x38;
	[tilespmem:$0x19A00] =	vst v63  }
0x3c: {  	_ =	swait.ge [sflag:s22], $0x1400  }
0x3d: {  	[sflag:s22] =	ssyncset.done $0x0  }
0x3e: {  	s6 =	rddreg [dreg:$0xb];
	[sflag:s22] =	ssyncadd.s32 $0xFFFFEC00  }
0x3f: {  	[spmem:s6] =	stream.linear.scatter [tilespmem:s2], [sflag:$0x2], $0x1400, $0x38;
	[tilespmem:$0x19A00] =	vst v63  }
0x40: {  	_ =	swait.ge [sflag:s22], $0x1400  }
0x41: {  	[sflag:s22] =	ssyncset.done $0x0  }
0x42: {  	s7 =	rddreg [dreg:$0xc];
	[sflag:s22] =	ssyncadd.s32 $0xFFFFEC00  }
0x43: {  	[spmem:s7] =	stream.linear.scatter [tilespmem:s2], [sflag:$0x2], $0x1400, $0x38;
	[tilespmem:$0x19A00] =	vst v63  }
0x44: {  	_ =	swait.ge [sflag:s22], $0x1400  }
0x45: {  	[sflag:s22] =	ssyncset.done $0x0  }
0x46: {  	s12 =	rddreg [dreg:$0xd];
	[sflag:s22] =	ssyncadd.s32 $0xFFFFEC00  }
0x47: {  	[spmem:s12] =	stream.linear.scatter [tilespmem:s2], [sflag:$0x2], $0x1400, $0x38;
	[tilespmem:$0x19A00] =	vst v63  }
0x48: {  	_ =	swait.ge [sflag:s22], $0x1400  }
0x49: {  	[sflag:s22] =	ssyncset.done $0x0  }
0x4a: {  	s14 =	rddreg [dreg:$0xe];
	[sflag:s22] =	ssyncadd.s32 $0xFFFFEC00  }
0x4b: {  	[spmem:s14] =	stream.linear.scatter [tilespmem:s2], [sflag:$0x2], $0x1400, $0x38;
	[tilespmem:$0x19A00] =	vst v63  }
0x4c: {  	_ =	swait.ge [sflag:s22], $0x1400  }
0x4d: {  	[sflag:s22] =	ssyncset.done $0x0  }
0x4e: {  	s15 =	rddreg [dreg:$0xf];
	[sflag:s22] =	ssyncadd.s32 $0xFFFFEC00  }
0x4f: {  	[spmem:s15] =	stream.linear.scatter [tilespmem:s2], [sflag:$0x2], $0x1400, $0x38;
	[tilespmem:$0x19A00] =	vst v63  }
0x50: {  	_ =	swait.ge [sflag:s22], $0x1400  }
0x51: {  	[sflag:s22] =	ssyncset.done $0x0  }
0x52: {  	s16 =	rddreg [dreg:$0x10];
	[sflag:s22] =	ssyncadd.s32 $0xFFFFEC00  }
0x53: {  	[spmem:s16] =	stream.linear.scatter [tilespmem:s2], [sflag:$0x2], $0x1400, $0x38;
	[tilespmem:$0x19A00] =	vst v63  }
0x54: {  	_ =	swait.ge [sflag:s22], $0x1400  }
0x55: {  	[sflag:s22] =	ssyncset.done $0x0  }
0x56: {  	s17 =	rddreg [dreg:$0x11];
	[sflag:s22] =	ssyncadd.s32 $0xFFFFEC00  }
0x57: {  	[spmem:s17] =	stream.linear.scatter [tilespmem:s2], [sflag:$0x2], $0x1400, $0x38;
	[tilespmem:$0x19A00] =	vst v63  }
0x58: {  	_ =	swait.ge [sflag:s22], $0x1400  }
0x59: {  	s19 =	simm.s32 $0x0;
	s3 =	simm.s32 $0x1;
	[sflag:s22] =	ssyncset.done $0x0  }
0x5a: {  	s0 =	smul.u32 $0xA, s19;
	s18 =	rddreg [dreg:$0x12];
	[sflag:s22] =	ssyncadd.s32 $0xFFFFEC00  }
0x5b: {  	[spmem:s18] =	stream.linear.scatter [tilespmem:s2], [sflag:$0x2], $0x1400, $0x38;
	[tilespmem:$0x19A00] =	vst v63  }
0x5c: {  	s1 =	simm.s32 $0x1;
	s12 =	sadd.s32 $0x2, s0;
	_ =	swait.ge [sflag:s22], $0x1400  }
0x5d: {  	p1 =	por $0x0, $0x0;
	s15 =	sand.u32 $0xFE, s12;
	[sflag:s22] =	ssyncset.done $0x0  }
0x5e: {  	s7 =	sand.u32 $0xFE, s0;
	s15 =	smul.u32 $0x29, s15;
	[sflag:s22] =	ssyncadd.s32 $0xFFFFEC00  }
0x5f: {  	s7 =	smul.u32 $0x29, s7;
	s14 =	sor.u32 $0x1, s0;
	_ =	swait.ge [sflag:s13], $0x5000  }
0x60: {  	s15 =	sshrl.u32 s15, $0xB;
	s16 =	sand.u32 $0xFF, s14;
	[sflag:s1] =	ssyncset.done $0x0  }
0x61: {  	s15 =	smul.u32 $0x32, s15;
	s2 =	rddreg [dreg:$0x16];
	[sflag:s1] =	ssyncadd.s32 $0xFFFFB000  }
0x62: {  	[tilespmem:s20], [sflag:$0x2] =	stream.linear.gather [hbm4b:s2+s8], $0x280, $0x38;
	[tilespmem:$0x19A00] =	vst v63  }
0x63: {  	s7 =	sshrl.u32 s7, $0xB;
	s16 =	smul.u32 $0x29, s16;
	_ =	swait.ge [sflag:s22], $0x280  }
0x64: {  	s7 =	smul.u32 $0x32, s7;
	s12 =	ssub.s32 s12, s15;
	[sflag:s22] =	ssyncset.done $0x0  }
0x65: {  	s15 =	simm.s32 $0x3;
	s16 =	sshrl.u32 s16, $0xB;
	[sflag:s22] =	ssyncadd.s32 $0xFFFFFD80  }
0x66: {  	[tilespmem:s21], [sflag:$0x1] =	stream.indirect.gather [hbm4b:s4+s24], $0x20, s20, s24, $0xb8;
	[tilespmem:$0x19A00] =	vst v63  }
0x67: {  	s12 =	sand.u32 $0xFE, s12;
	s17 =	sadd.s32 $0x4, s0;
	s19 =	rddreg [dreg:$0x3]  }
0x68: {  	[tilespmem:s28], [sflag:$0x1] =	stream.indirect.gather [hbm4b:s4+s24], $0x20, s19, s24, $0xb8;
	[tilespmem:$0x19A00] =	vst v63  }
0x69: {  	s16 =	smul.u32 $0x32, s16;
	s12 =	sshll.u32 s12, $0x7;
	s6 =	rddreg [dreg:$0x4]  }
0x6a: {  	[tilespmem:s29], [sflag:$0x1] =	stream.indirect.gather [hbm4b:s4+s24], $0x20, s6, s24, $0xb8;
	[tilespmem:$0x19A00] =	vst v63  }
0x6b: {  	s18 =	sadd.s32 $0x3, s0;
	s0 =	ssub.s32 s0, s7;
	s20 =	rddreg [dreg:$0x5]  }
0x6c: {  	[tilespmem:s30], [sflag:$0x1] =	stream.indirect.gather [hbm4b:s4+s24], $0x20, s20, s24, $0xb8;
	[tilespmem:$0x19A00] =	vst v63  }
0x6d: {  	s0 =	sand.u32 $0xFE, s0;
	s21 =	sand.u32 $0xFF, s18;
	s6 =	rddreg [dreg:$0x6]  }
0x6e: {  	[tilespmem:s31], [sflag:$0x1] =	stream.indirect.gather [hbm4b:s4+s24], $0x20, s6, s24, $0xb8;
	[tilespmem:$0x19A00] =	vst v63  }
0x6f: {  	s14 =	ssub.s32 s14, s16;
	s0 =	sshll.u32 s0, $0x7;
	s7 =	smul.u32 $0x29, s21  }
0x70: {  	[spmem:s26] =	stream.indirect.scatter.add.f32 [tilespmem:s10], [sflag:$0x2], $0x20, s0, s24, $0xb8;
	[tilespmem:$0x19A00] =	vst v63  }
0x71: {  	s14 =	sand.u32 $0xFF, s14;
	s7 =	sshrl.u32 s7, $0xB;
	_ =	swait.ge [sflag:s22], $0x1000  }
0x72: {  	s21 =	sand.u32 $0xFE, s17;
	s7 =	smul.u32 $0x32, s7;
	[sflag:s22] =	ssyncset.done $0x0  }
0x73: {  	s14 =	sshll.u32 s14, $0x7;
	s6 =	smul.u32 $0x29, s21;
	[sflag:s22] =	ssyncadd.s32 $0xFFFFF000  }
0x74: {  	[spmem:s26] =	stream.indirect.scatter.add.f32 [tilespmem:s11], [sflag:$0x2], $0x20, s14, s24, $0xb8;
	[tilespmem:$0x19A00] =	vst v63  }
0x75: {  	s13 =	simm.s32 $0x1;
	s7 =	ssub.s32 s18, s7;
	_ =	swait.ge [sflag:s22], $0x1000  }
0x76: {  	s20 =	simm.s32 @!p1 $0x3E00;
	s0 =	sshrl.u32 s6, $0xB;
	[sflag:s22] =	ssyncset.done $0x0  }
0x77: {  	s7 =	sand.u32 $0xFF, s7;
	s0 =	smul.u32 $0x32, s0;
	[sflag:s22] =	ssyncadd.s32 $0xFFFFF000  }
0x78: {  	[spmem:s26] =	stream.indirect.scatter.add.f32 [tilespmem:s5], [sflag:$0x2], $0x20, s12, s24, $0xb8;
	[tilespmem:$0x19A00] =	vst v63  }
0x79: {  	s18 =	simm.s32 @!p1 $0x2;
	s7 =	sshll.u32 s7, $0x7;
	_ =	swait.ge [sflag:s22], $0x1000  }
0x7a: {  	s21 =	simm.s32 @!p1 $0x2E00;
	s0 =	ssub.s32 s17, s0;
	[sflag:s22] =	ssyncset.done $0x0  }
0x7b: {  	s31 =	simm.s32 @!p1 $0x1980;
	s0 =	sand.u32 $0xFE, s0;
	[sflag:s22] =	ssyncadd.s32 $0xFFFFF000  }
0x7c: {  	[spmem:s26] =	stream.indirect.scatter.add.f32 [tilespmem:s23], [sflag:$0x2], $0x20, s7, s24, $0xb8;
	[tilespmem:$0x19A00] =	vst v63  }
0x7d: {  	s14 =	sadd.s32 $0xA0, s2;
	s2 =	rddreg [dreg:$0x15];
	_ =	swait.ge [sflag:s22], $0x1000  }
0x7e: {  	s6 =	simm.s32 @!p1 $0x1E00;
	s0 =	sshll.u32 s0, $0x7;
	[sflag:s22] =	ssyncset.done $0x0  }
0x7f: {  	s5 =	simm.s32 @!p1 $0x1900;
	s12 =	simm.s32 @!p1 $0x0;
	[sflag:s22] =	ssyncadd.s32 $0xFFFFF000  }
0x80: {  	[spmem:s26] =	stream.indirect.scatter.add.f32 [tilespmem:s25], [sflag:$0x2], $0x20, s0, s24, $0xb8;
	[tilespmem:$0x19A00] =	vst v63  }
0x81: {  	s16 =	sadd.s32 $0x500, s2;
	s25 =	smul.u32 $0x5, s3;
	_ =	swait.ge [sflag:s22], $0x1000  }
0x82: {  	s7 =	simm.s32 @!p1 $0x1A00;
	s23 =	simm.s32 @!p1 $0x1B00;
	[sflag:s22] =	ssyncset.done $0x0  }
0x83: {  	s19 =	sand.u32 $0xFF, s25;
	s17 =	sadd.s32 $0x1, s25;
	[sflag:s22] =	ssyncadd.s32 $0xFFFFF000  }
0x84: {  	s28 =	smul.u32 $0x29, s19;
	s29 =	sand.u32 $0xFF, s17;
	_ =	swait.ge [sflag:s1], $0x5000  }
0x85: {  	s3 =	sshrl.u32 @!p1 s2, $0x3;
	s0 =	smul.u32 $0x29, s29;
	[sflag:s1] =	ssyncset.done $0x0  }
0x86: {  	s3 =	sadd.s32 @!p1 s9, s3;
	s28 =	sshrl.u32 s28, $0xB;
	[sflag:s1] =	ssyncadd.s32 $0xFFFFB000  }
0x87: {  	s1 =	smul.u32 $0x32, s28;
	s28 =	simm.s32 @!p1 $0x4E00;
	s19 =	sshrl.u32 s0, $0xB  }
0x88: {  	[tilespmem:s5], [sflag:$0x2] =	stream.linear.gather @!p1 [hbm4b:s3+s12], $0x280, $0x38;
	[tilespmem:$0x19A00] =	vst v63  }
0x89: {  	s3 =	sadd.s32 $0x2, s25;
	s12 =	sadd.s32 $0x3, s25;
	_ =	swait.ge @!p1 [sflag:s18], $0x280  }
0x8a: {  	s19 =	smul.u32 $0x32, s19;
	s30 =	sand.u32 $0xFF, s3;
	[sflag:s18] =	ssyncset.done @!p1 $0x0  }
0x8b: {  	s2 =	smul.u32 $0x29, s30;
	s30 =	simm.s32 @!p1 $0x80;
	[sflag:s18] =	ssyncadd.s32 @!p1 $0xFFFFFD80  }
0x8c: {  	[tilespmem:s6], [sflag:$0x1] =	stream.indirect.gather @!p1 [hbm4b:s4+s30], $0x20, s5, s30, $0xb8;
	[tilespmem:$0x19A00] =	vst v63  }
0x8d: {  	s29 =	ssub.s32 s25, s1;
	s25 =	sadd.s32 $0x4, s25;
	s6 =	sshrl.u32 s2, $0xB  }
0x8e: {  	s29 =	sand.u32 $0xFF, s29;
	s18 =	sand.u32 $0xFF, s12;
	s0 =	smul.u32 $0x32, s6  }
.LBB2_4:
0x8f: {  	s2 =	smul.u32 $0x29, s18  }
0x90: {  	[tilespmem:s21], [sflag:$0x1] =	stream.indirect.gather @!p1 [hbm4b:s4+s30], $0x20, s31, s30, $0xb8;
	[tilespmem:$0x19A00] =	vst v63  }
0x91: {  	s6 =	sand.u32 $0xFF, s25;
	s18 =	smov.u32 s15;
	s31 =	simm.s32 $0x7E00  }
0x92: {  	s15 =	sadd.s32 $0x2, s15;
	s5 =	ssub.s32 s17, s19;
	s19 =	smov.u32 s13  }
0x93: {  	s6 =	smul.u32 $0x29, s6;
	s0 =	ssub.s32 s3, s0;
	s5 =	sand.u32 $0xFF, s5  }
0x94: {  	[tilespmem:s20], [sflag:$0x1] =	stream.indirect.gather @!p1 [hbm4b:s4+s30], $0x20, s7, s30, $0xb8;
	[tilespmem:$0x19A00] =	vst v63  }
0x95: {  	s2 =	sshrl.u32 s2, $0xB;
	s7 =	simm.s32 @!p1 $0x1A80;
	s6 =	sshrl.u32 s6, $0xB  }
0x96: {  	[tilespmem:s28], [sflag:$0x1] =	stream.indirect.gather @!p1 [hbm4b:s4+s30], $0x20, s7, s30, $0xb8;
	[tilespmem:$0x19A00] =	vst v63  }
0x97: {  	s20 =	sshll.u32 s29, $0x7;
	s7 =	simm.s32 @!p1 $0x5E00;
	s6 =	smul.u32 $0x32, s6  }
0x98: {  	[tilespmem:s7], [sflag:$0x1] =	stream.indirect.gather @!p1 [hbm4b:s4+s30], $0x20, s23, s30, $0xb8;
	[tilespmem:$0x19A00] =	vst v63  }
0x99: {  	s0 =	sand.u32 $0xFF, s0;
	s6 =	ssub.s32 s25, s6;
	s25 =	simm.s32 $0x6E00  }
0x9a: {  	[spmem:s26] =	stream.indirect.scatter.add.f32 [tilespmem:s25], [sflag:$0x2], $0x20, s20, s24, $0xb8;
	[tilespmem:$0x19A00] =	vst v63  }
0x9b: {  	s29 =	simm.s32 $0x9E00;
	s2 =	smul.u32 $0x32, s2;
	_ =	swait.ge [sflag:s22], $0x1000  }
0x9c: {  	s5 =	sshll.u32 s5, $0x7;
	s0 =	sshll.u32 s0, $0x7;
	[sflag:s22] =	ssyncset.done $0x0  }
0x9d: {  	s2 =	ssub.s32 s12, s2;
	s12 =	smul.u32 $0xA, s13;
	[sflag:s22] =	ssyncadd.s32 $0xFFFFF000  }
0x9e: {  	[spmem:s26] =	stream.indirect.scatter.add.f32 [tilespmem:s31], [sflag:$0x2], $0x20, s5, s24, $0xb8;
	[tilespmem:$0x19A00] =	vst v63  }
0x9f: {  	s28 =	simm.s32 $0xAE00;
	s2 =	sand.u32 $0xFF, s2;
	_ =	swait.ge [sflag:s22], $0x1000  }
0xa0: {  	s30 =	simm.s32 $0x8E00;
	s21 =	sand.u32 $0xFE, s12;
	[sflag:s22] =	ssyncset.done $0x0  }
0xa1: {  	s3 =	sor.u32 $0x1, s12;
	s23 =	smul.u32 $0x29, s21;
	[sflag:s22] =	ssyncadd.s32 $0xFFFFF000  }
0xa2: {  	[spmem:s26] =	stream.indirect.scatter.add.f32 [tilespmem:s30], [sflag:$0x2], $0x20, s0, s24, $0xb8;
	[tilespmem:$0x19A00] =	vst v63  }
0xa3: {  	s6 =	sand.u32 $0xFF, s6;
	s2 =	sshll.u32 s2, $0x7;
	_ =	swait.ge [sflag:s22], $0x1000  }
0xa4: {  	s20 =	sadd.s32 $0x2, s12;
	s7 =	sshrl.u32 s23, $0xB;
	[sflag:s22] =	ssyncset.done $0x0  }
0xa5: {  	s21 =	sand.u32 $0xFF, s3;
	s7 =	smul.u32 $0x32, s7;
	[sflag:s22] =	ssyncadd.s32 $0xFFFFF000  }
0xa6: {  	[spmem:s26] =	stream.indirect.scatter.add.f32 [tilespmem:s29], [sflag:$0x2], $0x20, s2, s24, $0xb8;
	[tilespmem:$0x19A00] =	vst v63  }
0xa7: {  	s6 =	sshll.u32 s6, $0x7;
	s1 =	sand.u32 $0xFE, s20;
	_ =	swait.ge [sflag:s22], $0x1000  }
0xa8: {  	s5 =	smul.u32 $0x29, s1;
	s0 =	ssub.s32 s12, s7;
	[sflag:s22] =	ssyncset.done $0x0  }
0xa9: {  	s7 =	sand.u32 $0xFE, s0;
	s0 =	sadd.s32 $0x3, s12;
	[sflag:s22] =	ssyncadd.s32 $0xFFFFF000  }
0xaa: {  	[spmem:s26] =	stream.indirect.scatter.add.f32 [tilespmem:s28], [sflag:$0x2], $0x20, s6, s24, $0xb8;
	[tilespmem:$0x19A00] =	vst v63  }
0xab: {  	s23 =	sadd.s32 $0x4, s12;
	s1 =	sand.u32 $0xFF, s0;
	_ =	swait.ge [sflag:s22], $0x1000  }
0xac: {  	s12 =	sshrl.u32 s5, $0xB;
	s5 =	smul.u32 $0x29, s1;
	[sflag:s22] =	ssyncset.done $0x0  }
0xad: {  	s1 =	simm.s32 $0x1;
	s2 =	smul.u32 $0x32, s12;
	[sflag:s22] =	ssyncadd.s32 $0xFFFFF000  }
0xae: {  	s17 =	smov.u32 s16;
	s21 =	smul.u32 $0x29, s21;
	_ =	swait.ge [sflag:s1], $0x5000  }
0xaf: {  	s16 =	sadd.s32 $0x500, s16;
	s2 =	ssub.s32 s20, s2;
	[sflag:s1] =	ssyncset.done $0x0  }
0xb0: {  	s20 =	sshrl.u32 s21, $0xB;
	s21 =	simm.s32 $0x1B80;
	[sflag:s1] =	ssyncadd.s32 $0xFFFFB000  }
0xb1: {  	[tilespmem:s21], [sflag:$0x2] =	stream.linear.gather [hbm4b:s14+s8], $0x280, $0x38;
	[tilespmem:$0x19A00] =	vst v63  }
0xb2: {  	s13 =	sadd.s32 $0x1, s13;
	p1 =	seq.s32 s19, $0x18;
	_ =	swait.ge [sflag:s22], $0x280  }
0xb3: {  	s19 =	smul.u32 $0x5, s18;
	s12 =	sand.u32 $0xFE, s23;
	[sflag:s22] =	ssyncset.done $0x0  }
0xb4: {  	p0 =	sne.s32 s13, $0x19;
	s6 =	smul.u32 $0x29, s12;
	[sflag:s22] =	ssyncadd.s32 $0xFFFFFD80  }
0xb5: {  	[tilespmem:s25], [sflag:$0x1] =	stream.indirect.gather [hbm4b:s4+s24], $0x20, s21, s24, $0xb8;
	[tilespmem:$0x19A00] =	vst v63  }
0xb6: {  	s18 =	sand.u32 $0xFF, s19;
	s6 =	sshrl.u32 s6, $0xB;
	s8 =	rddreg [dreg:$0x3]  }
0xb7: {  	[tilespmem:s31], [sflag:$0x1] =	stream.indirect.gather [hbm4b:s4+s24], $0x20, s8, s24, $0xb8;
	[tilespmem:$0x19A00] =	vst v63  }
0xb8: {  	s5 =	sshrl.u32 s5, $0xB;
	s6 =	smul.u32 $0x32, s6;
	s21 =	rddreg [dreg:$0x4]  }
0xb9: {  	[tilespmem:s30], [sflag:$0x1] =	stream.indirect.gather [hbm4b:s4+s24], $0x20, s21, s24, $0xb8;
	[tilespmem:$0x19A00] =	vst v63  }
0xba: {  	s5 =	smul.u32 $0x32, s5;
	s6 =	ssub.s32 s23, s6;
	s23 =	rddreg [dreg:$0x5]  }
0xbb: {  	[tilespmem:s29], [sflag:$0x1] =	stream.indirect.gather [hbm4b:s4+s24], $0x20, s23, s24, $0xb8;
	[tilespmem:$0x19A00] =	vst v63  }
0xbc: {  	s2 =	sand.u32 $0xFE, s2;
	s0 =	ssub.s32 s0, s5;
	s25 =	rddreg [dreg:$0x6]  }
0xbd: {  	[tilespmem:s28], [sflag:$0x1] =	stream.indirect.gather [hbm4b:s4+s24], $0x20, s25, s24, $0xb8;
	[tilespmem:$0x19A00] =	vst v63  }
0xbe: {  	s5 =	smul.u32 $0x32, s20;
	s2 =	sshll.u32 s2, $0x7;
	s8 =	sshll.u32 s7, $0x7  }
0xbf: {  	[spmem:s26] =	stream.indirect.scatter.add.f32 [tilespmem:s10], [sflag:$0x2], $0x20, s8, s24, $0xb8;
	[tilespmem:$0x19A00] =	vst v63  }
0xc0: {  	s20 =	simm.s32 @!p1 $0x3E00;
	s3 =	ssub.s32 s3, s5;
	_ =	swait.ge [sflag:s22], $0x1000  }
0xc1: {  	s12 =	simm.s32 $0x4E00;
	s3 =	sand.u32 $0xFF, s3;
	[sflag:s22] =	ssyncset.done $0x0  }
0xc2: {  	s0 =	sand.u32 $0xFF, s0;
	s3 =	sshll.u32 s3, $0x7;
	[sflag:s22] =	ssyncadd.s32 $0xFFFFF000  }
0xc3: {  	[spmem:s26] =	stream.indirect.scatter.add.f32 [tilespmem:s11], [sflag:$0x2], $0x20, s3, s24, $0xb8;
	[tilespmem:$0x19A00] =	vst v63  }
0xc4: {  	s0 =	sshll.u32 s0, $0x7;
	s5 =	simm.s32 @!p1 $0x1900;
	_ =	swait.ge [sflag:s22], $0x1000  }
0xc5: {  	s6 =	sand.u32 $0xFE, s6;
	s14 =	sadd.s32 $0xA0, s14;
	[sflag:s22] =	ssyncset.done $0x0  }
0xc6: {  	s7 =	simm.s32 @!p1 $0x1A00;
	s10 =	simm.s32 $0x3E00;
	[sflag:s22] =	ssyncadd.s32 $0xFFFFF000  }
0xc7: {  	[spmem:s26] =	stream.indirect.scatter.add.f32 [tilespmem:s10], [sflag:$0x2], $0x20, s2, s24, $0xb8;
	[tilespmem:$0x19A00] =	vst v63  }
0xc8: {  	s31 =	simm.s32 @!p1 $0x1980;
	s21 =	simm.s32 @!p1 $0x2E00;
	_ =	swait.ge [sflag:s22], $0x1000  }
0xc9: {  	s23 =	simm.s32 @!p1 $0x1B00;
	s29 =	simm.s32 @!p1 $0x0;
	[sflag:s22] =	ssyncset.done $0x0  }
0xca: {  	s28 =	simm.s32 @!p1 $0x4E00;
	s25 =	smul.u32 $0x29, s18;
	[sflag:s22] =	ssyncadd.s32 $0xFFFFF000  }
0xcb: {  	[spmem:s26] =	stream.indirect.scatter.add.f32 [tilespmem:s12], [sflag:$0x2], $0x20, s0, s24, $0xb8;
	[tilespmem:$0x19A00] =	vst v63  }
0xcc: {  	s18 =	sshrl.u32 s25, $0xB;
	s11 =	sshll.u32 s6, $0x7;
	_ =	swait.ge [sflag:s22], $0x1000  }
0xcd: {  	s3 =	sshrl.u32 @!p1 s17, $0x3;
	s17 =	simm.s32 $0x5E00;
	[sflag:s22] =	ssyncset.done $0x0  }
0xce: {  	s2 =	sadd.s32 @!p1 s9, s3;
	s3 =	sadd.s32 $0x2, s19;
	[sflag:s22] =	ssyncadd.s32 $0xFFFFF000  }
0xcf: {  	[spmem:s26] =	stream.indirect.scatter.add.f32 [tilespmem:s17], [sflag:$0x2], $0x20, s11, s24, $0xb8;
	[tilespmem:$0x19A00] =	vst v63  }
0xd0: {  	s6 =	simm.s32 @!p1 $0x1E00;
	s30 =	sand.u32 $0xFF, s3;
	s17 =	sadd.s32 $0x1, s19  }
0xd1: {  	s0 =	simm.s32 @!p1 $0x2;
	_ =	swait.ge [sflag:s22], $0x1000;
	s8 =	sand.u32 $0xFF, s17  }
0xd2: {  	s12 =	sadd.s32 $0x3, s19;
	[sflag:s22] =	ssyncset.done $0x0;
	s25 =	smul.u32 $0x29, s8  }
0xd3: {  	s11 =	smov.u32 s9;
	s8 =	smul.u32 $0x32, s18;
	[sflag:s22] =	ssyncadd.s32 $0xFFFFF000  }
0xd4: {  	_ =	swait.ge [sflag:s1], $0x5000;
	s10 =	sshrl.u32 s25, $0xB;
	s25 =	sadd.s32 $0x4, s19  }
0xd5: {  	s8 =	ssub.s32 s19, s8;
	[sflag:s1] =	ssyncset.done $0x0;
	s19 =	smul.u32 $0x32, s10  }
0xd6: {  	s9 =	smov.u32 s11;
	[sflag:s1] =	ssyncadd.s32 $0xFFFFB000;
	s1 =	smul.u32 $0x29, s30  }
0xd7: {  	[tilespmem:s5], [sflag:$0x2] =	stream.linear.gather @!p1 [hbm4b:s2+s29], $0x280, $0x38;
	[tilespmem:$0x19A00] =	vst v63  }
.Ltmp1:
0xd8: {  	s11 =	simm.s32 $0x2E00;
	s18 =	sand.u32 $0xFF, s12;
	(pc) =	sbr.rel @p0 .LBB2_4-.Ltmp1, $4  }
0xd9: {  	s10 =	simm.s32 $0x1E00;
	s30 =	simm.s32 @!p1 $0x80;
	_ =	swait.ge @!p1 [sflag:s0], $0x280  }
0xda: {  	s29 =	sand.u32 $0xFF, s8;
	s1 =	sshrl.u32 s1, $0xB;
	[sflag:s0] =	ssyncset.done @!p1 $0x0  }
0xdb: {  	s8 =	simm.s32 $0x0;
	[sflag:s0] =	ssyncadd.s32 @!p1 $0xFFFFFD80;
	s0 =	smul.u32 $0x32, s1  }
0xdc: {  	[tilespmem:s6], [sflag:$0x1] =	stream.indirect.gather @!p1 [hbm4b:s4+s30], $0x20, s5, s30, $0xb8;
	[tilespmem:$0x19A00] =	vst v63  }
0xdd: {  	[tilespmem:s21], [sflag:$0x1] =	stream.indirect.gather @!p1 [hbm4b:s4+s30], $0x20, s31, s30, $0xb8;
	[tilespmem:$0x19A00] =	vst v63  }
0xde: {  	_ = 	snop  }
0xdf: {  	[tilespmem:s20], [sflag:$0x1] =	stream.indirect.gather @!p1 [hbm4b:s4+s30], $0x20, s7, s30, $0xb8;
	[tilespmem:$0x19A00] =	vst v63  }
0xe0: {  	s2 =	simm.s32 @!p1 $0x1A80  }
0xe1: {  	[tilespmem:s28], [sflag:$0x1] =	stream.indirect.gather @!p1 [hbm4b:s4+s30], $0x20, s2, s30, $0xb8;
	[tilespmem:$0x19A00] =	vst v63  }
0xe2: {  	s2 =	simm.s32 @!p1 $0x5E00  }
0xe3: {  	[tilespmem:s2], [sflag:$0x1] =	stream.indirect.gather @!p1 [hbm4b:s4+s30], $0x20, s23, s30, $0xb8;
	[tilespmem:$0x19A00] =	vst v63  }
0xe4: {  	s6 =	sshll.u32 s29, $0x7;
	s1 =	simm.s32 $0x6E00  }
0xe5: {  	[spmem:s26] =	stream.indirect.scatter.add.f32 [tilespmem:s1], [sflag:$0x2], $0x20, s6, s24, $0xb8;
	[tilespmem:$0x19A00] =	vst v63  }
0xe6: {  	s13 =	simm.s32 $0x7E00;
	s7 =	ssub.s32 s17, s19;
	_ =	swait.ge [sflag:s22], $0x1000  }
0xe7: {  	s0 =	ssub.s32 s3, s0;
	s2 =	sand.u32 $0xFF, s7;
	[sflag:s22] =	ssyncset.done $0x0  }
0xe8: {  	s14 =	smul.u32 $0x29, s18;
	s2 =	sshll.u32 s2, $0x7;
	[sflag:s22] =	ssyncadd.s32 $0xFFFFF000  }
0xe9: {  	[spmem:s26] =	stream.indirect.scatter.add.f32 [tilespmem:s13], [sflag:$0x2], $0x20, s2, s24, $0xb8;
	[tilespmem:$0x19A00] =	vst v63  }
0xea: {  	s15 =	simm.s32 $0x8E00;
	s16 =	sand.u32 $0xFF, s25;
	_ =	swait.ge [sflag:s22], $0x1000  }
0xeb: {  	s0 =	sand.u32 $0xFF, s0;
	s2 =	sshrl.u32 s14, $0xB;
	[sflag:s22] =	ssyncset.done $0x0  }
0xec: {  	s0 =	sshll.u32 s0, $0x7;
	s2 =	smul.u32 $0x32, s2;
	[sflag:s22] =	ssyncadd.s32 $0xFFFFF000  }
0xed: {  	[spmem:s26] =	stream.indirect.scatter.add.f32 [tilespmem:s15], [sflag:$0x2], $0x20, s0, s24, $0xb8;
	[tilespmem:$0x19A00] =	vst v63  }
0xee: {  	s0 =	smul.u32 $0x29, s16  }
0xef: {  	s17 =	simm.s32 $0x9E00;
	s2 =	ssub.s32 s12, s2;
	_ =	swait.ge [sflag:s22], $0x1000  }
0xf0: {  	s2 =	sand.u32 $0xFF, s2;
	s0 =	sshrl.u32 s0, $0xB;
	[sflag:s22] =	ssyncset.done $0x0  }
0xf1: {  	s2 =	sshll.u32 s2, $0x7;
	s0 =	smul.u32 $0x32, s0;
	[sflag:s22] =	ssyncadd.s32 $0xFFFFF000  }
0xf2: {  	[spmem:s26] =	stream.indirect.scatter.add.f32 [tilespmem:s17], [sflag:$0x2], $0x20, s2, s24, $0xb8;
	[tilespmem:$0x19A00] =	vst v63  }
0xf3: {  	s0 =	ssub.s32 s25, s0;
	_ =	swait.ge [sflag:s22], $0x1000  }
0xf4: {  	s18 =	simm.s32 $0xAE00;
	s0 =	sand.u32 $0xFF, s0;
	[sflag:s22] =	ssyncset.done $0x0  }
0xf5: {  	s19 =	stileid.u32;
	[sflag:s22] =	ssyncadd.s32 $0xFFFFF000;
	s0 =	sshll.u32 s0, $0x7  }
0xf6: {  	[spmem:s26] =	stream.indirect.scatter.add.f32 [tilespmem:s18], [sflag:$0x2], $0x20, s0, s24, $0xb8;
	[tilespmem:$0x19A00] =	vst v63  }
0xf7: {  	s0 =	sshll.u32 s19, $0x6;
	_ =	swait.ge [sflag:s22], $0x1000  }
0xf8: {  	s0 =	sor.u32 $0x1C02, s0;
	[sflag:s22] =	ssyncset.done $0x0;
	s6 =	rddreg [dreg:$0x8]  }
0xf9: {  	s21 =	rddreg [dreg:$0x13];
	[sflag:s22] =	ssyncadd.s32 $0xFFFFF000;
	s20 =	sshrl.u32 s6, $0x3  }
0xfa: {  	[hbm:s21], [sflag:s0] =	dma.local [spmem:s20], $0x1900  }
0xfb: {  	_ =	swait.ge [sflag:s22], $0x1900  }
0xfc: {  	s23 =	rddreg [dreg:$0x17]  }
0xfd: {  	s25 =	rddreg [dreg:$0x14];
	s2 =	sadd.s32 $0x1, s23  }
0xfe: {  	p0 =	sne.s32 s2, s25  }
.Ltmp2:
0xff: {  	_ = 	snop;
	(pc) =	sbr.rel @p0 .LBB2_1-.Ltmp2, $4  }
0x100: {  	s5 =	simm.s32 $0x3E00;
	s29 =	simm.s32 $0x8E00;
	s31 =	simm.s32 $0xAE00  }
0x101: {  	s28 =	simm.s32 $0x7E00;
	s30 =	simm.s32 $0x9E00;
	s13 =	simm.s32 $0x1  }
0x102: {  	s20 =	simm.s32 $0x1B80;
	s21 =	simm.s32 $0x6E00;
	[sflag:s22] =	ssyncset.done $0x0  }
0x103: {  	[sflag:s22] =	ssyncadd.s32 $0xFFFFE700;
	s23 =	simm.s32 $0x4E00;
	s25 =	simm.s32 $0x5E00  }
0x104: {  	_ =	sfence.sel $0x180000  }
0x105: {  	[bflag:$0x0] =	sbarrier.arrive $0xFFFF  }
0x106: {  	_ =	strace $0x9000004A  }
0x107: {  	s0 =	stileid.u32;
	[bflag:$0x2] =	sbarrier.arrive $0xFFFF  }
0x108: {  	p0 =	sne.s32 s0, $0x0;
	s0 =	rddreg [dreg:$0x2]  }
0x109: {  	s0 =	sadd.s32 @!p0 $0x100000, s0  }
0x10a: {  	[sflag:s0] =	ssyncadd.tile.s32 @!p0 $0x1;
	_ =	shalt  }
.Lfunc_end2:
_tile_overlayer_lowered:
.L_overlay_start_2:
0x10b: {  	(tag) =	ssettag $0x2  }
0x10c: {  	s0 =	rddreg [dreg:$0x0];
	s2 =	stileid.u32  }
0x10d: {  	s1 =	rddreg [dreg:$0x1];
	p0 =	sne.s32 s2, $0x0  }
0x10e: {  	s3 =	rddreg [dreg:$0x2];
	[bflag:$0x3] =	sbarrier.arrive $0xFFFF;
	s2 =	simm.s32 @!p0 $0x1C02  }
0x10f: {  	[timem:s3], [sflag:s2] =	dma.local @!p0 [hbm:s0], s1  }
0x110: {  	s0 =	simm.s32 @!p0 $0x2  }
0x111: {  	_ =	swait.ge @!p0 [sflag:s0], s1  }
0x112: {  	s1 =	ssub.s32 @!p0 $0x0, s1;
	[sflag:s0] =	ssyncset.done @!p0 $0x0  }
0x113: {  	[sflag:s0] =	ssyncadd.s32 @!p0 s1  }
0x114: {  	[bflag:$0x3] =	sbarrier.arrive $0xFFFF  }
0x115: {  	_ =	shalt  }

</sc_bundles>
